<compile_context>
chip_gen: v7x
topology: tpu7x:2x2x1
jax: 0.10.2.dev20260603
libtpu: 0.0.44.dev20260713+nightly
codegen_flags: <defaults>
</compile_context>

<pallas_src>
import functools

import jax
import jax.numpy as jnp
from jax import lax
from jax.experimental import pallas as pl
from jax.experimental.pallas import tpu as pltpu
from jax.experimental.pallas import tpu_sc as plsc

_N = 10000
_D = 128
_E = 320000
_EPS = 1e-5

_NC = 2
_NS = 16
_NT = _NC * _NS
_CH = 128
_CPT = -(-_E // (_NT * _CH))
_EPT = _CPT * _CH
_EPAD = _NT * _EPT
_NROW = 10240
_RPT = _NROW // _NS
_ZR = 128
_NPAD = 10240
_DWPT = _NPAD // _NS



def _edge_weights(edge_attr, w0, b0, w1, b1):
    bE = 10000

    def kern(ea_ref, w0_ref, b0_ref, w1_ref, b1_ref, out_ref):
        ea = ea_ref[...]
        z0 = jnp.dot(ea, w0_ref[...], preferred_element_type=jnp.float32) + b0_ref[...]
        z1 = jnp.dot(ea, w1_ref[...], preferred_element_type=jnp.float32) + b1_ref[...]
        z = jnp.concatenate([z0, z1], axis=1)
        out_ref[...] = jnp.maximum(z, 0.0) + jnp.log1p(jnp.exp(-jnp.abs(z)))

    return pl.pallas_call(
        kern,
        grid=(_E // bE,),
        in_specs=[
            pl.BlockSpec((bE, 16), lambda i: (i, 0)),
            pl.BlockSpec((16, 1), lambda i: (0, 0)),
            pl.BlockSpec((1, 1), lambda i: (0, 0)),
            pl.BlockSpec((16, 1), lambda i: (0, 0)),
            pl.BlockSpec((1, 1), lambda i: (0, 0)),
        ],
        out_specs=pl.BlockSpec((bE, 2), lambda i: (i, 0)),
        out_shape=jax.ShapeDtypeStruct((_E, 2), jnp.float32),
    )(edge_attr, w0, b0.reshape(1, 1), w1, b1.reshape(1, 1))



def _sc_scatter(x, src_t, dst_t, w_t):
    mesh = plsc.VectorSubcoreMesh(core_axis_name="c", subcore_axis_name="s")

    @functools.partial(
        pl.kernel,
        mesh=mesh,
        out_type=(
            jax.ShapeDtypeStruct((_NC, _NROW, _D), jnp.float32),
            jax.ShapeDtypeStruct((_NC * _NPAD,), jnp.float32),
        ),
        scratch_types=[
            pltpu.VMEM((_CPT, _CH), jnp.int32),
            pltpu.VMEM((_CPT, _CH), jnp.int32),
            pltpu.VMEM((_CPT, _CH), jnp.float32),
            pltpu.VMEM((_CH, _D), jnp.float32),
            pltpu.VMEM((_DWPT,), jnp.float32),
            pltpu.VMEM_SHARED((_NROW, _D), jnp.float32),
            pltpu.VMEM_SHARED((_NPAD,), jnp.float32),
            pltpu.SemaphoreType.DMA,
            pltpu.SemaphoreType.DMA,
        ],
    )
    def k(x_hbm, src_hbm, dst_hbm, w_hbm, out_hbm, dw_hbm,
          src_v, dst_v, w_v, rows_v, zdw_v, acc_s, dw_s, sem, dwsem):
        cid = lax.axis_index("c")
        sid = lax.axis_index("s")
        wid = cid * _NS + sid

        zero16 = jnp.zeros((16,), jnp.float32)

        def zrow(r, c):
            for j in range(_D // 16):
                rows_v[r, pl.ds(j * 16, 16)] = zero16
            return c
        lax.fori_loop(0, _ZR, zrow, 0)

        def zdw(i, c):
            zdw_v[pl.ds(i * 16, 16)] = zero16
            return c
        lax.fori_loop(0, _DWPT // 16, zdw, 0)

        for t in range(_RPT // _ZR):
            pltpu.async_copy(rows_v,
                             acc_s.at[pl.ds(sid * _RPT + t * _ZR, _ZR)], sem)
        pltpu.async_copy(zdw_v, dw_s.at[pl.ds(sid * _DWPT, _DWPT)], sem)
        pltpu.async_copy(src_hbm.at[wid], src_v, dwsem)
        pltpu.async_copy(dst_hbm.at[wid], dst_v, dwsem)
        pltpu.async_copy(w_hbm.at[wid], w_v, dwsem)
        for t in range(_RPT // _ZR):
            pltpu.make_async_copy(
                rows_v, acc_s.at[pl.ds(sid * _RPT, _ZR)], sem).wait()
        pltpu.make_async_copy(
            zdw_v, dw_s.at[pl.ds(sid * _DWPT, _DWPT)], sem).wait()
        pltpu.make_async_copy(src_hbm.at[wid], src_v, dwsem).wait()
        pltpu.make_async_copy(dst_hbm.at[wid], dst_v, dwsem).wait()
        pltpu.make_async_copy(w_hbm.at[wid], w_v, dwsem).wait()
        plsc.subcore_barrier()

        def chunk(i, c):
            pltpu.async_copy(x_hbm.at[src_v.at[i]], rows_v, sem).wait()
            pltpu.async_copy(w_v.at[i], dw_s.at[dst_v.at[i]], dwsem, add=True)

            def grp(g, c2):
                wv = w_v[i, pl.ds(g * 16, 16)]
                for kk in range(16):
                    ws = wv[kk]
                    e = g * 16 + kk
                    for j in range(_D // 16):
                        sl = pl.ds(j * 16, 16)
                        rows_v[e, sl] = rows_v[e, sl] * ws
                return c2
            lax.fori_loop(0, _CH // 16, grp, 0)

            pltpu.sync_copy(rows_v, acc_s.at[dst_v.at[i]], add=True)
            return c
        lax.fori_loop(0, _CPT, chunk, 0)

        def dwdrain(i, c):
            pltpu.make_async_copy(
                w_v.at[i], dw_s.at[dst_v.at[i]], dwsem).wait()
            return c
        lax.fori_loop(0, _CPT, dwdrain, 0)

        plsc.subcore_barrier()
        pltpu.sync_copy(acc_s.at[pl.ds(sid * _RPT, _RPT)],
                        out_hbm.at[cid, pl.ds(sid * _RPT, _RPT)])
        pltpu.sync_copy(dw_s.at[pl.ds(sid * _DWPT, _DWPT)],
                        dw_hbm.at[pl.ds(cid * _NPAD + sid * _DWPT, _DWPT)])

    return k(x, src_t, dst_t, w_t)



def _combine(p0, p1, dw0, dw1, xin, lin_W, lin_b, ln_g, ln_bt,
             fc_W=None, fc_b=None):
    bN = 1000
    final = fc_W is not None

    def kern(*refs):
        if final:
            (p0_ref, p1_ref, dw0_ref, dw1_ref, x_ref, w_ref, b_ref,
             g_ref, bt_ref, fw_ref, fb_ref, out_ref) = refs
        else:
            (p0_ref, p1_ref, dw0_ref, dw1_ref, x_ref, w_ref, b_ref,
             g_ref, bt_ref, out_ref) = refs
        dw = dw0_ref[...] + dw1_ref[...]
        aggr = p0_ref[...] + p1_ref[...] - dw * x_ref[...]
        h = lax.dot_general(aggr, w_ref[...], (((1,), (1,)), ((), ())),
                            preferred_element_type=jnp.float32) + b_ref[...]
        h = jnp.maximum(h, 0.0)
        mu = jnp.mean(h, axis=1, keepdims=True)
        hc = h - mu
        var = jnp.mean(hc * hc, axis=1, keepdims=True)
        hn = hc * lax.rsqrt(var + _EPS) * g_ref[...] + bt_ref[...]
        if final:
            hn = lax.dot_general(hn, fw_ref[...], (((1,), (1,)), ((), ())),
                                 preferred_element_type=jnp.float32) + fb_ref[...]
        out_ref[...] = hn

    row = pl.BlockSpec((bN, _D), lambda i: (i, 0))
    col = pl.BlockSpec((bN, 1), lambda i: (i, 0))
    full = pl.BlockSpec((_D, _D), lambda i: (0, 0))
    vec = pl.BlockSpec((1, _D), lambda i: (0, 0))
    in_specs = [row, row, col, col, row, full, vec, vec, vec]
    args = [p0, p1, dw0, dw1, xin, lin_W, lin_b.reshape(1, _D),
            ln_g.reshape(1, _D), ln_bt.reshape(1, _D)]
    if final:
        in_specs += [full, vec]
        args += [fc_W, fc_b.reshape(1, _D)]

    return pl.pallas_call(
        kern,
        grid=(_N // bN,),
        in_specs=in_specs,
        out_specs=row,
        out_shape=jax.ShapeDtypeStruct((_N, _D), jnp.float32),
    )(*args)



def kernel(x, edge_index, edge_attr, lin0_W, lin0_b, emlp0_W, emlp0_b,
           ln0_g, ln0_bt, lin1_W, lin1_b, emlp1_W, emlp1_b, ln1_g, ln1_bt,
           fc_W, fc_b):
    src = edge_index[0]
    dst = edge_index[1]

    w01 = _edge_weights(edge_attr, emlp0_W, emlp0_b, emlp1_W, emlp1_b)

    pad = _EPAD - _E
    src_t = jnp.pad(src, (0, pad)).reshape(_NT, _CPT, _CH)
    dst_t = jnp.pad(dst, (0, pad)).reshape(_NT, _CPT, _CH)
    w0_t = jnp.pad(w01[:, 0], (0, pad)).reshape(_NT, _CPT, _CH)
    w1_t = jnp.pad(w01[:, 1], (0, pad)).reshape(_NT, _CPT, _CH)

    p, dwp = _sc_scatter(x, src_t, dst_t, w0_t)
    dwp = dwp.reshape(_NC, _NPAD)
    dw0 = dwp[0, :_N].reshape(_N, 1)
    dw1 = dwp[1, :_N].reshape(_N, 1)
    h = _combine(p[0, :_N], p[1, :_N], dw0, dw1, x,
                 lin0_W, lin0_b, ln0_g, ln0_bt)

    p, dwp = _sc_scatter(h, src_t, dst_t, w1_t)
    dwp = dwp.reshape(_NC, _NPAD)
    dw0 = dwp[0, :_N].reshape(_N, 1)
    dw1 = dwp[1, :_N].reshape(_N, 1)
    return _combine(p[0, :_N], p[1, :_N], dw0, dw1, h,
                    lin1_W, lin1_b, ln1_g, ln1_bt, fc_W, fc_b)

# --- scband reference (transcript-rebuilt; emitter-appended) ---
"""Pipeline reference for scband-enhanced-gnnencoder-22969485099217 (READ-ONLY COPY).

The authoritative reference and input builder live on the scoring server;
editing this copy changes nothing except your own understanding.
"""

import jax, jax.numpy as jnp
import numpy as np

N = 10000
D = 128
E = 320000
E_DIM = 16
EPS = 1e-5


def setup_inputs(seed: int = 0) -> dict:
    key = jax.random.key(seed)
    ks = jax.random.split(key, 20)
    s = 0.05
    inp = {
        "x": jax.random.normal(ks[0], (N, D), dtype=jnp.float32),
        "edge_index": jax.random.randint(ks[1], (2, E), 0, N, dtype=jnp.int32),
        "edge_attr": jax.random.normal(ks[2], (E, E_DIM), dtype=jnp.float32),
        # HydroConv layer 0 params (num_node_types=1, num_edge_types=1)
        "lin0_W": jax.random.normal(ks[3], (D, D), dtype=jnp.float32) * s,
        "lin0_b": jnp.zeros((D,), dtype=jnp.float32),
        "emlp0_W": jax.random.normal(ks[4], (E_DIM, 1), dtype=jnp.float32) * s,
        "emlp0_b": jnp.zeros((1,), dtype=jnp.float32),
        "ln0_g": jnp.ones((D,), dtype=jnp.float32),
        "ln0_bt": jnp.zeros((D,), dtype=jnp.float32),
        # HydroConv layer 1 params
        "lin1_W": jax.random.normal(ks[5], (D, D), dtype=jnp.float32) * s,
        "lin1_b": jnp.zeros((D,), dtype=jnp.float32),
        "emlp1_W": jax.random.normal(ks[6], (E_DIM, 1), dtype=jnp.float32) * s,
        "emlp1_b": jnp.zeros((1,), dtype=jnp.float32),
        "ln1_g": jnp.ones((D,), dtype=jnp.float32),
        "ln1_bt": jnp.zeros((D,), dtype=jnp.float32),
        # output projection
        "fc_W": jax.random.normal(ks[7], (D, D), dtype=jnp.float32) * s,
        "fc_b": jnp.zeros((D,), dtype=jnp.float32),
    }
    return inp


def _layer_norm(h, g, b):
    mu = jnp.mean(h, axis=-1, keepdims=True)
    var = jnp.mean((h - mu) ** 2, axis=-1, keepdims=True)
    return (h - mu) / jnp.sqrt(var + EPS) * g + b


def _hydro_conv(x, edge_index, edge_attr, lin_W, lin_b, emlp_W, emlp_b):
    src = edge_index[0]  # j (source)
    dst = edge_index[1]  # i (target), aggregation index
    # message: softplus(edge_mlp(edge_attr)) * (x_j - x_i)
    weight = jax.nn.softplus(edge_attr @ emlp_W + emlp_b)  # [E, 1]
    msg = weight * (x[src] - x[dst])  # [E, D]
    aggr = jax.ops.segment_sum(msg, dst, num_segments=x.shape[0])  # [N, D]
    # single node type -> single linear applied to all nodes
    return aggr @ lin_W.T + lin_b


def reference(x, edge_index, edge_attr,
              lin0_W, lin0_b, emlp0_W, emlp0_b, ln0_g, ln0_bt,
              lin1_W, lin1_b, emlp1_W, emlp1_b, ln1_g, ln1_bt,
              fc_W, fc_b):
    # layer 0
    h = _hydro_conv(x, edge_index, edge_attr, lin0_W, lin0_b, emlp0_W, emlp0_b)
    h = jax.nn.relu(h)
    h = _layer_norm(h, ln0_g, ln0_bt)
    # layer 1
    h = _hydro_conv(h, edge_index, edge_attr, lin1_W, lin1_b, emlp1_W, emlp1_b)
    h = jax.nn.relu(h)
    h = _layer_norm(h, ln1_g, ln1_bt)
    # output head
    return h @ fc_W.T + fc_b

if __name__ == "__main__":
    import jax
    _d = setup_inputs()
    print(jax.jit(kernel)(*tuple(_d.values())))

</pallas_src>

<mosaic_0001>
#map = affine_map<(d0, d1) -> (0, 0)>
#map1 = affine_map<(d0, d1) -> (0, 0, 0)>
#map2 = affine_map<(d0, d1) -> (0)>
module attributes {stable_mosaic.version = 14 : i64} {
  func.func @k(%arg0: i32, %arg1: i32, %arg2: memref<10000x128xf32, #tpu.memory_space<hbm>>, %arg3: memref<32x79x128xi32, #tpu.memory_space<hbm>>, %arg4: memref<32x79x128xi32, #tpu.memory_space<hbm>>, %arg5: memref<32x79x128xf32, #tpu.memory_space<hbm>>, %arg6: memref<2x10240x128xf32, #tpu.memory_space<hbm>>, %arg7: memref<20480xf32, #tpu.memory_space<hbm>>, %arg8: memref<79x128xi32, #tpu.memory_space<vmem>>, %arg9: memref<79x128xi32, #tpu.memory_space<vmem>>, %arg10: memref<79x128xf32, #tpu.memory_space<vmem>>, %arg11: memref<128x128xf32, #tpu.memory_space<vmem>>, %arg12: memref<640xf32, #tpu.memory_space<vmem>>, %arg13: memref<10240x128xf32, #tpu.memory_space<vmem_shared>>, %arg14: memref<10240xf32, #tpu.memory_space<vmem_shared>>, %arg15: memref<!tpu.dma_semaphore, #tpu.memory_space<semaphore_mem>>, %arg16: memref<!tpu.dma_semaphore, #tpu.memory_space<semaphore_mem>>) attributes {dimension_semantics = [#tpu.dimension_semantics<core_parallel>, #tpu.dimension_semantics<subcore_parallel>], iteration_bounds = array<i64: 2, 16>, scalar_prefetch = 0 : i64, scratch_operands = 9 : i64, tpu.core_type = #tpu.core_type<sc_vector_subcore>, window_params = [{transform_indices = #map}, {transform_indices = #map1}, {transform_indices = #map1}, {transform_indices = #map1}, {transform_indices = #map1}, {transform_indices = #map2}]} {
    %mul3A = arith.constant 16 : i32
    %mul3A_0 = arith.muli %arg0, %mul3A : i32
    %add3A = arith.addi %mul3A_0, %arg1 : i32
    %broadcast_in_dim3A = arith.constant 0.000000e+00 : f32
    %broadcast_in_dim3A_1 = vector.broadcast %broadcast_in_dim3A : f32 to vector<16xf32>
    %scan3A = arith.constant 0 : i32
    %scan3A_2 = arith.constant 0 : i32
    %scan3A_3 = arith.constant 128 : i32
    %scan3A_4 = arith.addi %scan3A_2, %scan3A_3 : i32
    %scan3A_5 = arith.constant 1 : i32
    scf.for %scan3A_161 = %scan3A_2 to %scan3A_4 step %scan3A_5  : i32 {
      %swap3A = arith.index_cast %scan3A_161 : i32 to index
      %swap3A_162 = arith.constant 0 : index
      %swap3A_163 = tpu.vector_load %arg11[%swap3A, %swap3A_162] {strides = array<i32>} : memref<128x128xf32, #tpu.memory_space<vmem>>, vector<1x16xf32>,
      %swap3A_164 = vector.shape_cast %swap3A_163 : vector<1x16xf32> to vector<16xf32>
      %swap3A_165 = vector.shape_cast %broadcast_in_dim3A_1 : vector<16xf32> to vector<1x16xf32>
      tpu.vector_store %arg11[%swap3A, %swap3A_162], %swap3A_165 {strides = array<i32>} : memref<128x128xf32, #tpu.memory_space<vmem>>, vector<1x16xf32>,
      %swap3A_166 = arith.index_cast %scan3A_161 : i32 to index
      %swap3A_167 = arith.constant 16 : index
      %swap3A_168 = tpu.vector_load %arg11[%swap3A_166, %swap3A_167] {strides = array<i32>} : memref<128x128xf32, #tpu.memory_space<vmem>>, vector<1x16xf32>,
      %swap3A_169 = vector.shape_cast %swap3A_168 : vector<1x16xf32> to vector<16xf32>
      %swap3A_170 = vector.shape_cast %broadcast_in_dim3A_1 : vector<16xf32> to vector<1x16xf32>
      tpu.vector_store %arg11[%swap3A_166, %swap3A_167], %swap3A_170 {strides = array<i32>} : memref<128x128xf32, #tpu.memory_space<vmem>>, vector<1x16xf32>,
      %swap3A_171 = arith.index_cast %scan3A_161 : i32 to index
      %swap3A_172 = arith.constant 32 : index
      %swap3A_173 = tpu.vector_load %arg11[%swap3A_171, %swap3A_172] {strides = array<i32>} : memref<128x128xf32, #tpu.memory_space<vmem>>, vector<1x16xf32>,
      %swap3A_174 = vector.shape_cast %swap3A_173 : vector<1x16xf32> to vector<16xf32>
      %swap3A_175 = vector.shape_cast %broadcast_in_dim3A_1 : vector<16xf32> to vector<1x16xf32>
      tpu.vector_store %arg11[%swap3A_171, %swap3A_172], %swap3A_175 {strides = array<i32>} : memref<128x128xf32, #tpu.memory_space<vmem>>, vector<1x16xf32>,
      %swap3A_176 = arith.index_cast %scan3A_161 : i32 to index
      %swap3A_177 = arith.constant 48 : index
      %swap3A_178 = tpu.vector_load %arg11[%swap3A_176, %swap3A_177] {strides = array<i32>} : memref<128x128xf32, #tpu.memory_space<vmem>>, vector<1x16xf32>,
      %swap3A_179 = vector.shape_cast %swap3A_178 : vector<1x16xf32> to vector<16xf32>
      %swap3A_180 = vector.shape_cast %broadcast_in_dim3A_1 : vector<16xf32> to vector<1x16xf32>
      tpu.vector_store %arg11[%swap3A_176, %swap3A_177], %swap3A_180 {strides = array<i32>} : memref<128x128xf32, #tpu.memory_space<vmem>>, vector<1x16xf32>,
      %swap3A_181 = arith.index_cast %scan3A_161 : i32 to index
      %swap3A_182 = arith.constant 64 : index
      %swap3A_183 = tpu.vector_load %arg11[%swap3A_181, %swap3A_182] {strides = array<i32>} : memref<128x128xf32, #tpu.memory_space<vmem>>, vector<1x16xf32>,
      %swap3A_184 = vector.shape_cast %swap3A_183 : vector<1x16xf32> to vector<16xf32>
      %swap3A_185 = vector.shape_cast %broadcast_in_dim3A_1 : vector<16xf32> to vector<1x16xf32>
      tpu.vector_store %arg11[%swap3A_181, %swap3A_182], %swap3A_185 {strides = array<i32>} : memref<128x128xf32, #tpu.memory_space<vmem>>, vector<1x16xf32>,
      %swap3A_186 = arith.index_cast %scan3A_161 : i32 to index
      %swap3A_187 = arith.constant 80 : index
      %swap3A_188 = tpu.vector_load %arg11[%swap3A_186, %swap3A_187] {strides = array<i32>} : memref<128x128xf32, #tpu.memory_space<vmem>>, vector<1x16xf32>,
      %swap3A_189 = vector.shape_cast %swap3A_188 : vector<1x16xf32> to vector<16xf32>
      %swap3A_190 = vector.shape_cast %broadcast_in_dim3A_1 : vector<16xf32> to vector<1x16xf32>
      tpu.vector_store %arg11[%swap3A_186, %swap3A_187], %swap3A_190 {strides = array<i32>} : memref<128x128xf32, #tpu.memory_space<vmem>>, vector<1x16xf32>,
      %swap3A_191 = arith.index_cast %scan3A_161 : i32 to index
      %swap3A_192 = arith.constant 96 : index
      %swap3A_193 = tpu.vector_load %arg11[%swap3A_191, %swap3A_192] {strides = array<i32>} : memref<128x128xf32, #tpu.memory_space<vmem>>, vector<1x16xf32>,
      %swap3A_194 = vector.shape_cast %swap3A_193 : vector<1x16xf32> to vector<16xf32>
      %swap3A_195 = vector.shape_cast %broadcast_in_dim3A_1 : vector<16xf32> to vector<1x16xf32>
      tpu.vector_store %arg11[%swap3A_191, %swap3A_192], %swap3A_195 {strides = array<i32>} : memref<128x128xf32, #tpu.memory_space<vmem>>, vector<1x16xf32>,
      %swap3A_196 = arith.index_cast %scan3A_161 : i32 to index
      %swap3A_197 = arith.constant 112 : index
      %swap3A_198 = tpu.vector_load %arg11[%swap3A_196, %swap3A_197] {strides = array<i32>} : memref<128x128xf32, #tpu.memory_space<vmem>>, vector<1x16xf32>,
      %swap3A_199 = vector.shape_cast %swap3A_198 : vector<1x16xf32> to vector<16xf32>
      %swap3A_200 = vector.shape_cast %broadcast_in_dim3A_1 : vector<16xf32> to vector<1x16xf32>
      tpu.vector_store %arg11[%swap3A_196, %swap3A_197], %swap3A_200 {strides = array<i32>} : memref<128x128xf32, #tpu.memory_space<vmem>>, vector<1x16xf32>,
    }
    %scan3A_6 = arith.constant 128 : i32
    %scan3A_7 = arith.constant 0 : i32
    %scan3A_8 = arith.constant 0 : i32
    %scan3A_9 = arith.constant 40 : i32
    %scan3A_10 = arith.addi %scan3A_8, %scan3A_9 : i32
    %scan3A_11 = arith.constant 1 : i32
    scf.for %scan3A_161 = %scan3A_8 to %scan3A_10 step %scan3A_11  : i32 {
      %mul3A_162 = arith.constant 16 : i32
      %mul3A_163 = arith.muli %scan3A_161, %mul3A_162 : i32
      %swap3A = arith.index_cast %mul3A_163 : i32 to index
      %swap3A_164 = tpu.vector_load %arg12[%swap3A] {strides = array<i32>} : memref<640xf32, #tpu.memory_space<vmem>>, vector<16xf32>,
      %swap3A_165 = vector.shape_cast %swap3A_164 : vector<16xf32> to vector<16xf32>
      %swap3A_166 = vector.shape_cast %broadcast_in_dim3A_1 : vector<16xf32> to vector<16xf32>
      tpu.vector_store %arg12[%swap3A], %swap3A_166 {strides = array<i32>} : memref<640xf32, #tpu.memory_space<vmem>>, vector<16xf32>,
    }
    %scan3A_12 = arith.constant 40 : i32
    %mul3A_13 = arith.constant 640 : i32
    %mul3A_14 = arith.muli %arg1, %mul3A_13 : i32
    %add3A_15 = arith.constant 0 : i32
    %add3A_16 = arith.addi %mul3A_14, %add3A_15 : i32
    %dma_start3A = arith.constant 0 : i32
    %dma_start3A_17 = tpu.memref_slice %arg13[%add3A_16, %dma_start3A] : memref<10240x128xf32, #tpu.memory_space<vmem_shared>> -> memref<128x128xf32, #tpu.memory_space<vmem_shared>>
    %dma_start3A_18 = arith.constant 0 : i32
    %dma_start3A_19 = tpu.memref_slice %arg13[%add3A_16, %dma_start3A_18] : memref<10240x128xf32, #tpu.memory_space<vmem_shared>> -> memref<128x128xf32, #tpu.memory_space<vmem_shared>>
    tpu.enqueue_dma source(%arg11 : memref<128x128xf32, #tpu.memory_space<vmem>>) target(%dma_start3A_19 : memref<128x128xf32, #tpu.memory_space<vmem_shared>>) target_semaphore(%arg15 : memref<!tpu.dma_semaphore, #tpu.memory_space<semaphore_mem>>)
    %mul3A_20 = arith.constant 640 : i32
    %mul3A_21 = arith.muli %arg1, %mul3A_20 : i32
    %add3A_22 = arith.constant 128 : i32
    %add3A_23 = arith.addi %mul3A_21, %add3A_22 : i32
    %dma_start3A_24 = arith.constant 0 : i32
    %dma_start3A_25 = tpu.memref_slice %arg13[%add3A_23, %dma_start3A_24] : memref<10240x128xf32, #tpu.memory_space<vmem_shared>> -> memref<128x128xf32, #tpu.memory_space<vmem_shared>>
    %dma_start3A_26 = arith.constant 0 : i32
    %dma_start3A_27 = tpu.memref_slice %arg13[%add3A_23, %dma_start3A_26] : memref<10240x128xf32, #tpu.memory_space<vmem_shared>> -> memref<128x128xf32, #tpu.memory_space<vmem_shared>>
    tpu.enqueue_dma source(%arg11 : memref<128x128xf32, #tpu.memory_space<vmem>>) target(%dma_start3A_27 : memref<128x128xf32, #tpu.memory_space<vmem_shared>>) target_semaphore(%arg15 : memref<!tpu.dma_semaphore, #tpu.memory_space<semaphore_mem>>)
    %mul3A_28 = arith.constant 640 : i32
    %mul3A_29 = arith.muli %arg1, %mul3A_28 : i32
    %add3A_30 = arith.constant 256 : i32
    %add3A_31 = arith.addi %mul3A_29, %add3A_30 : i32
    %dma_start3A_32 = arith.constant 0 : i32
    %dma_start3A_33 = tpu.memref_slice %arg13[%add3A_31, %dma_start3A_32] : memref<10240x128xf32, #tpu.memory_space<vmem_shared>> -> memref<128x128xf32, #tpu.memory_space<vmem_shared>>
    %dma_start3A_34 = arith.constant 0 : i32
    %dma_start3A_35 = tpu.memref_slice %arg13[%add3A_31, %dma_start3A_34] : memref<10240x128xf32, #tpu.memory_space<vmem_shared>> -> memref<128x128xf32, #tpu.memory_space<vmem_shared>>
    tpu.enqueue_dma source(%arg11 : memref<128x128xf32, #tpu.memory_space<vmem>>) target(%dma_start3A_35 : memref<128x128xf32, #tpu.memory_space<vmem_shared>>) target_semaphore(%arg15 : memref<!tpu.dma_semaphore, #tpu.memory_space<semaphore_mem>>)
    %mul3A_36 = arith.constant 640 : i32
    %mul3A_37 = arith.muli %arg1, %mul3A_36 : i32
    %add3A_38 = arith.constant 384 : i32
    %add3A_39 = arith.addi %mul3A_37, %add3A_38 : i32
    %dma_start3A_40 = arith.constant 0 : i32
    %dma_start3A_41 = tpu.memref_slice %arg13[%add3A_39, %dma_start3A_40] : memref<10240x128xf32, #tpu.memory_space<vmem_shared>> -> memref<128x128xf32, #tpu.memory_space<vmem_shared>>
    %dma_start3A_42 = arith.constant 0 : i32
    %dma_start3A_43 = tpu.memref_slice %arg13[%add3A_39, %dma_start3A_42] : memref<10240x128xf32, #tpu.memory_space<vmem_shared>> -> memref<128x128xf32, #tpu.memory_space<vmem_shared>>
    tpu.enqueue_dma source(%arg11 : memref<128x128xf32, #tpu.memory_space<vmem>>) target(%dma_start3A_43 : memref<128x128xf32, #tpu.memory_space<vmem_shared>>) target_semaphore(%arg15 : memref<!tpu.dma_semaphore, #tpu.memory_space<semaphore_mem>>)
    %mul3A_44 = arith.constant 640 : i32
    %mul3A_45 = arith.muli %arg1, %mul3A_44 : i32
    %add3A_46 = arith.constant 512 : i32
    %add3A_47 = arith.addi %mul3A_45, %add3A_46 : i32
    %dma_start3A_48 = arith.constant 0 : i32
    %dma_start3A_49 = tpu.memref_slice %arg13[%add3A_47, %dma_start3A_48] : memref<10240x128xf32, #tpu.memory_space<vmem_shared>> -> memref<128x128xf32, #tpu.memory_space<vmem_shared>>
    %dma_start3A_50 = arith.constant 0 : i32
    %dma_start3A_51 = tpu.memref_slice %arg13[%add3A_47, %dma_start3A_50] : memref<10240x128xf32, #tpu.memory_space<vmem_shared>> -> memref<128x128xf32, #tpu.memory_space<vmem_shared>>
    tpu.enqueue_dma source(%arg11 : memref<128x128xf32, #tpu.memory_space<vmem>>) target(%dma_start3A_51 : memref<128x128xf32, #tpu.memory_space<vmem_shared>>) target_semaphore(%arg15 : memref<!tpu.dma_semaphore, #tpu.memory_space<semaphore_mem>>)
    %mul3A_52 = arith.constant 640 : i32
    %mul3A_53 = arith.muli %arg1, %mul3A_52 : i32
    %dma_start3A_54 = tpu.memref_slice %arg14[%mul3A_53] : memref<10240xf32, #tpu.memory_space<vmem_shared>> -> memref<640xf32, #tpu.memory_space<vmem_shared>>
    %dma_start3A_55 = tpu.memref_slice %arg14[%mul3A_53] : memref<10240xf32, #tpu.memory_space<vmem_shared>> -> memref<640xf32, #tpu.memory_space<vmem_shared>>
    tpu.enqueue_dma source(%arg12 : memref<640xf32, #tpu.memory_space<vmem>>) target(%dma_start3A_55 : memref<640xf32, #tpu.memory_space<vmem_shared>>) target_semaphore(%arg15 : memref<!tpu.dma_semaphore, #tpu.memory_space<semaphore_mem>>)
    %dma_start3A_56 = arith.constant 0 : i32
    %dma_start3A_57 = arith.constant 0 : i32
    %dma_start3A_58 = tpu.memref_slice %arg3[%add3A, %dma_start3A_56, %dma_start3A_57] : memref<32x79x128xi32, #tpu.memory_space<hbm>> -> memref<1x79x128xi32, #tpu.memory_space<hbm>>
    %dma_start3A_59 = tpu.memref_squeeze %dma_start3A_58 : memref<1x79x128xi32, #tpu.memory_space<hbm>> -> memref<79x128xi32, #tpu.memory_space<hbm>>
    %dma_start3A_60 = arith.constant 0 : i32
    %dma_start3A_61 = arith.constant 0 : i32
    %dma_start3A_62 = tpu.memref_slice %arg3[%add3A, %dma_start3A_60, %dma_start3A_61] : memref<32x79x128xi32, #tpu.memory_space<hbm>> -> memref<1x79x128xi32, #tpu.memory_space<hbm>>
    %dma_start3A_63 = tpu.memref_squeeze %dma_start3A_62 : memref<1x79x128xi32, #tpu.memory_space<hbm>> -> memref<79x128xi32, #tpu.memory_space<hbm>>
    tpu.enqueue_dma source(%dma_start3A_63 : memref<79x128xi32, #tpu.memory_space<hbm>>) target(%arg8 : memref<79x128xi32, #tpu.memory_space<vmem>>) target_semaphore(%arg16 : memref<!tpu.dma_semaphore, #tpu.memory_space<semaphore_mem>>)
    %dma_start3A_64 = arith.constant 0 : i32
    %dma_start3A_65 = arith.constant 0 : i32
    %dma_start3A_66 = tpu.memref_slice %arg4[%add3A, %dma_start3A_64, %dma_start3A_65] : memref<32x79x128xi32, #tpu.memory_space<hbm>> -> memref<1x79x128xi32, #tpu.memory_space<hbm>>
    %dma_start3A_67 = tpu.memref_squeeze %dma_start3A_66 : memref<1x79x128xi32, #tpu.memory_space<hbm>> -> memref<79x128xi32, #tpu.memory_space<hbm>>
    %dma_start3A_68 = arith.constant 0 : i32
    %dma_start3A_69 = arith.constant 0 : i32
    %dma_start3A_70 = tpu.memref_slice %arg4[%add3A, %dma_start3A_68, %dma_start3A_69] : memref<32x79x128xi32, #tpu.memory_space<hbm>> -> memref<1x79x128xi32, #tpu.memory_space<hbm>>
    %dma_start3A_71 = tpu.memref_squeeze %dma_start3A_70 : memref<1x79x128xi32, #tpu.memory_space<hbm>> -> memref<79x128xi32, #tpu.memory_space<hbm>>
    tpu.enqueue_dma source(%dma_start3A_71 : memref<79x128xi32, #tpu.memory_space<hbm>>) target(%arg9 : memref<79x128xi32, #tpu.memory_space<vmem>>) target_semaphore(%arg16 : memref<!tpu.dma_semaphore, #tpu.memory_space<semaphore_mem>>)
    %dma_start3A_72 = arith.constant 0 : i32
    %dma_start3A_73 = arith.constant 0 : i32
    %dma_start3A_74 = tpu.memref_slice %arg5[%add3A, %dma_start3A_72, %dma_start3A_73] : memref<32x79x128xf32, #tpu.memory_space<hbm>> -> memref<1x79x128xf32, #tpu.memory_space<hbm>>
    %dma_start3A_75 = tpu.memref_squeeze %dma_start3A_74 : memref<1x79x128xf32, #tpu.memory_space<hbm>> -> memref<79x128xf32, #tpu.memory_space<hbm>>
    %dma_start3A_76 = arith.constant 0 : i32
    %dma_start3A_77 = arith.constant 0 : i32
    %dma_start3A_78 = tpu.memref_slice %arg5[%add3A, %dma_start3A_76, %dma_start3A_77] : memref<32x79x128xf32, #tpu.memory_space<hbm>> -> memref<1x79x128xf32, #tpu.memory_space<hbm>>
    %dma_start3A_79 = tpu.memref_squeeze %dma_start3A_78 : memref<1x79x128xf32, #tpu.memory_space<hbm>> -> memref<79x128xf32, #tpu.memory_space<hbm>>
    tpu.enqueue_dma source(%dma_start3A_79 : memref<79x128xf32, #tpu.memory_space<hbm>>) target(%arg10 : memref<79x128xf32, #tpu.memory_space<vmem>>) target_semaphore(%arg16 : memref<!tpu.dma_semaphore, #tpu.memory_space<semaphore_mem>>)
    %mul3A_80 = arith.constant 640 : i32
    %mul3A_81 = arith.muli %arg1, %mul3A_80 : i32
    %dma_wait3A = arith.constant 0 : i32
    %dma_wait3A_82 = tpu.memref_slice %arg13[%mul3A_81, %dma_wait3A] : memref<10240x128xf32, #tpu.memory_space<vmem_shared>> -> memref<128x128xf32, #tpu.memory_space<vmem_shared>>
    %dma_wait3A_83 = arith.constant 0 : i32
    %dma_wait3A_84 = tpu.memref_slice %arg13[%mul3A_81, %dma_wait3A_83] : memref<10240x128xf32, #tpu.memory_space<vmem_shared>> -> memref<128x128xf32, #tpu.memory_space<vmem_shared>>
    tpu.wait_dma2 semaphore(%arg15 : memref<!tpu.dma_semaphore, #tpu.memory_space<semaphore_mem>>) src(%arg11 : memref<128x128xf32, #tpu.memory_space<vmem>>) dst(%dma_wait3A_84 : memref<128x128xf32, #tpu.memory_space<vmem_shared>>)
    %mul3A_85 = arith.constant 640 : i32
    %mul3A_86 = arith.muli %arg1, %mul3A_85 : i32
    %dma_wait3A_87 = arith.constant 0 : i32
    %dma_wait3A_88 = tpu.memref_slice %arg13[%mul3A_86, %dma_wait3A_87] : memref<10240x128xf32, #tpu.memory_space<vmem_shared>> -> memref<128x128xf32, #tpu.memory_space<vmem_shared>>
    %dma_wait3A_89 = arith.constant 0 : i32
    %dma_wait3A_90 = tpu.memref_slice %arg13[%mul3A_86, %dma_wait3A_89] : memref<10240x128xf32, #tpu.memory_space<vmem_shared>> -> memref<128x128xf32, #tpu.memory_space<vmem_shared>>
    tpu.wait_dma2 semaphore(%arg15 : memref<!tpu.dma_semaphore, #tpu.memory_space<semaphore_mem>>) src(%arg11 : memref<128x128xf32, #tpu.memory_space<vmem>>) dst(%dma_wait3A_90 : memref<128x128xf32, #tpu.memory_space<vmem_shared>>)
    %mul3A_91 = arith.constant 640 : i32
    %mul3A_92 = arith.muli %arg1, %mul3A_91 : i32
    %dma_wait3A_93 = arith.constant 0 : i32
    %dma_wait3A_94 = tpu.memref_slice %arg13[%mul3A_92, %dma_wait3A_93] : memref<10240x128xf32, #tpu.memory_space<vmem_shared>> -> memref<128x128xf32, #tpu.memory_space<vmem_shared>>
    %dma_wait3A_95 = arith.constant 0 : i32
    %dma_wait3A_96 = tpu.memref_slice %arg13[%mul3A_92, %dma_wait3A_95] : memref<10240x128xf32, #tpu.memory_space<vmem_shared>> -> memref<128x128xf32, #tpu.memory_space<vmem_shared>>
    tpu.wait_dma2 semaphore(%arg15 : memref<!tpu.dma_semaphore, #tpu.memory_space<semaphore_mem>>) src(%arg11 : memref<128x128xf32, #tpu.memory_space<vmem>>) dst(%dma_wait3A_96 : memref<128x128xf32, #tpu.memory_space<vmem_shared>>)
    %mul3A_97 = arith.constant 640 : i32
    %mul3A_98 = arith.muli %arg1, %mul3A_97 : i32
    %dma_wait3A_99 = arith.constant 0 : i32
    %dma_wait3A_100 = tpu.memref_slice %arg13[%mul3A_98, %dma_wait3A_99] : memref<10240x128xf32, #tpu.memory_space<vmem_shared>> -> memref<128x128xf32, #tpu.memory_space<vmem_shared>>
    %dma_wait3A_101 = arith.constant 0 : i32
    %dma_wait3A_102 = tpu.memref_slice %arg13[%mul3A_98, %dma_wait3A_101] : memref<10240x128xf32, #tpu.memory_space<vmem_shared>> -> memref<128x128xf32, #tpu.memory_space<vmem_shared>>
    tpu.wait_dma2 semaphore(%arg15 : memref<!tpu.dma_semaphore, #tpu.memory_space<semaphore_mem>>) src(%arg11 : memref<128x128xf32, #tpu.memory_space<vmem>>) dst(%dma_wait3A_102 : memref<128x128xf32, #tpu.memory_space<vmem_shared>>)
    %mul3A_103 = arith.constant 640 : i32
    %mul3A_104 = arith.muli %arg1, %mul3A_103 : i32
    %dma_wait3A_105 = arith.constant 0 : i32
    %dma_wait3A_106 = tpu.memref_slice %arg13[%mul3A_104, %dma_wait3A_105] : memref<10240x128xf32, #tpu.memory_space<vmem_shared>> -> memref<128x128xf32, #tpu.memory_space<vmem_shared>>
    %dma_wait3A_107 = arith.constant 0 : i32
    %dma_wait3A_108 = tpu.memref_slice %arg13[%mul3A_104, %dma_wait3A_107] : memref<10240x128xf32, #tpu.memory_space<vmem_shared>> -> memref<128x128xf32, #tpu.memory_space<vmem_shared>>
    tpu.wait_dma2 semaphore(%arg15 : memref<!tpu.dma_semaphore, #tpu.memory_space<semaphore_mem>>) src(%arg11 : memref<128x128xf32, #tpu.memory_space<vmem>>) dst(%dma_wait3A_108 : memref<128x128xf32, #tpu.memory_space<vmem_shared>>)
    %mul3A_109 = arith.constant 640 : i32
    %mul3A_110 = arith.muli %arg1, %mul3A_109 : i32
    %dma_wait3A_111 = tpu.memref_slice %arg14[%mul3A_110] : memref<10240xf32, #tpu.memory_space<vmem_shared>> -> memref<640xf32, #tpu.memory_space<vmem_shared>>
    %dma_wait3A_112 = tpu.memref_slice %arg14[%mul3A_110] : memref<10240xf32, #tpu.memory_space<vmem_shared>> -> memref<640xf32, #tpu.memory_space<vmem_shared>>
    tpu.wait_dma2 semaphore(%arg15 : memref<!tpu.dma_semaphore, #tpu.memory_space<semaphore_mem>>) src(%arg12 : memref<640xf32, #tpu.memory_space<vmem>>) dst(%dma_wait3A_112 : memref<640xf32, #tpu.memory_space<vmem_shared>>)
    %dma_wait3A_113 = arith.constant 0 : i32
    %dma_wait3A_114 = arith.constant 0 : i32
    %dma_wait3A_115 = tpu.memref_slice %arg3[%add3A, %dma_wait3A_113, %dma_wait3A_114] : memref<32x79x128xi32, #tpu.memory_space<hbm>> -> memref<1x79x128xi32, #tpu.memory_space<hbm>>
    %dma_wait3A_116 = tpu.memref_squeeze %dma_wait3A_115 : memref<1x79x128xi32, #tpu.memory_space<hbm>> -> memref<79x128xi32, #tpu.memory_space<hbm>>
    %dma_wait3A_117 = arith.constant 0 : i32
    %dma_wait3A_118 = arith.constant 0 : i32
    %dma_wait3A_119 = tpu.memref_slice %arg3[%add3A, %dma_wait3A_117, %dma_wait3A_118] : memref<32x79x128xi32, #tpu.memory_space<hbm>> -> memref<1x79x128xi32, #tpu.memory_space<hbm>>
    %dma_wait3A_120 = tpu.memref_squeeze %dma_wait3A_119 : memref<1x79x128xi32, #tpu.memory_space<hbm>> -> memref<79x128xi32, #tpu.memory_space<hbm>>
    tpu.wait_dma2 semaphore(%arg16 : memref<!tpu.dma_semaphore, #tpu.memory_space<semaphore_mem>>) src(%dma_wait3A_120 : memref<79x128xi32, #tpu.memory_space<hbm>>) dst(%arg8 : memref<79x128xi32, #tpu.memory_space<vmem>>)
    %dma_wait3A_121 = arith.constant 0 : i32
    %dma_wait3A_122 = arith.constant 0 : i32
    %dma_wait3A_123 = tpu.memref_slice %arg4[%add3A, %dma_wait3A_121, %dma_wait3A_122] : memref<32x79x128xi32, #tpu.memory_space<hbm>> -> memref<1x79x128xi32, #tpu.memory_space<hbm>>
    %dma_wait3A_124 = tpu.memref_squeeze %dma_wait3A_123 : memref<1x79x128xi32, #tpu.memory_space<hbm>> -> memref<79x128xi32, #tpu.memory_space<hbm>>
    %dma_wait3A_125 = arith.constant 0 : i32
    %dma_wait3A_126 = arith.constant 0 : i32
    %dma_wait3A_127 = tpu.memref_slice %arg4[%add3A, %dma_wait3A_125, %dma_wait3A_126] : memref<32x79x128xi32, #tpu.memory_space<hbm>> -> memref<1x79x128xi32, #tpu.memory_space<hbm>>
    %dma_wait3A_128 = tpu.memref_squeeze %dma_wait3A_127 : memref<1x79x128xi32, #tpu.memory_space<hbm>> -> memref<79x128xi32, #tpu.memory_space<hbm>>
    tpu.wait_dma2 semaphore(%arg16 : memref<!tpu.dma_semaphore, #tpu.memory_space<semaphore_mem>>) src(%dma_wait3A_128 : memref<79x128xi32, #tpu.memory_space<hbm>>) dst(%arg9 : memref<79x128xi32, #tpu.memory_space<vmem>>)
    %dma_wait3A_129 = arith.constant 0 : i32
    %dma_wait3A_130 = arith.constant 0 : i32
    %dma_wait3A_131 = tpu.memref_slice %arg5[%add3A, %dma_wait3A_129, %dma_wait3A_130] : memref<32x79x128xf32, #tpu.memory_space<hbm>> -> memref<1x79x128xf32, #tpu.memory_space<hbm>>
    %dma_wait3A_132 = tpu.memref_squeeze %dma_wait3A_131 : memref<1x79x128xf32, #tpu.memory_space<hbm>> -> memref<79x128xf32, #tpu.memory_space<hbm>>
    %dma_wait3A_133 = arith.constant 0 : i32
    %dma_wait3A_134 = arith.constant 0 : i32
    %dma_wait3A_135 = tpu.memref_slice %arg5[%add3A, %dma_wait3A_133, %dma_wait3A_134] : memref<32x79x128xf32, #tpu.memory_space<hbm>> -> memref<1x79x128xf32, #tpu.memory_space<hbm>>
    %dma_wait3A_136 = tpu.memref_squeeze %dma_wait3A_135 : memref<1x79x128xf32, #tpu.memory_space<hbm>> -> memref<79x128xf32, #tpu.memory_space<hbm>>
    tpu.wait_dma2 semaphore(%arg16 : memref<!tpu.dma_semaphore, #tpu.memory_space<semaphore_mem>>) src(%dma_wait3A_136 : memref<79x128xf32, #tpu.memory_space<hbm>>) dst(%arg10 : memref<79x128xf32, #tpu.memory_space<vmem>>)
    %barrier3A = arith.constant 0 : index
    tpu.barrier barrier_id(%barrier3A)
    %scan3A_137 = arith.constant 0 : i32
    %scan3A_138 = arith.constant 0 : i32
    %scan3A_139 = arith.constant 79 : i32
    %scan3A_140 = arith.addi %scan3A_138, %scan3A_139 : i32
    %scan3A_141 = arith.constant 1 : i32
    scf.for %scan3A_161 = %scan3A_138 to %scan3A_140 step %scan3A_141  : i32 {
      %dma_start3A_162 = arith.constant 0 : i32
      %dma_start3A_163 = tpu.memref_slice %arg8[%scan3A_161, %dma_start3A_162] : memref<79x128xi32, #tpu.memory_space<vmem>> -> memref<1x128xi32, #tpu.memory_space<vmem>>
      %dma_start3A_164 = tpu.memref_squeeze %dma_start3A_163 : memref<1x128xi32, #tpu.memory_space<vmem>> -> memref<128xi32, #tpu.memory_space<vmem>>
      %dma_start3A_165 = arith.constant 0 : i32
      %dma_start3A_166 = arith.constant 0 : i32
      %dma_start3A_167 = tpu.memref_slice %arg2[%dma_start3A_165, %dma_start3A_166] : memref<10000x128xf32, #tpu.memory_space<hbm>> -> memref<10000x128xf32, #tpu.memory_space<hbm>>
      tpu.enqueue_indirect_dma source(%dma_start3A_167 : memref<10000x128xf32, #tpu.memory_space<hbm>>) target(%arg11 : memref<128x128xf32, #tpu.memory_space<vmem>>) offsets(%dma_start3A_164 : memref<128xi32, #tpu.memory_space<vmem>>) semaphore(%arg15 : memref<!tpu.dma_semaphore, #tpu.memory_space<semaphore_mem>>)
      %dma_wait3A_168 = arith.constant 0 : i32
      %dma_wait3A_169 = tpu.memref_slice %arg8[%scan3A_161, %dma_wait3A_168] : memref<79x128xi32, #tpu.memory_space<vmem>> -> memref<1x128xi32, #tpu.memory_space<vmem>>
      %dma_wait3A_170 = tpu.memref_squeeze %dma_wait3A_169 : memref<1x128xi32, #tpu.memory_space<vmem>> -> memref<128xi32, #tpu.memory_space<vmem>>
      %dma_wait3A_171 = arith.constant 0 : i32
      %dma_wait3A_172 = arith.constant 0 : i32
      %dma_wait3A_173 = tpu.memref_slice %arg2[%dma_wait3A_171, %dma_wait3A_172] : memref<10000x128xf32, #tpu.memory_space<hbm>> -> memref<10000x128xf32, #tpu.memory_space<hbm>>
      tpu.wait_indirect_dma semaphore(%arg15 : memref<!tpu.dma_semaphore, #tpu.memory_space<semaphore_mem>>) src(%dma_wait3A_173 : memref<10000x128xf32, #tpu.memory_space<hbm>>) dst(%arg11 : memref<128x128xf32, #tpu.memory_space<vmem>>)
      %dma_start3A_174 = arith.constant 0 : i32
      %dma_start3A_175 = tpu.memref_slice %arg10[%scan3A_161, %dma_start3A_174] : memref<79x128xf32, #tpu.memory_space<vmem>> -> memref<1x128xf32, #tpu.memory_space<vmem>>
      %dma_start3A_176 = tpu.memref_squeeze %dma_start3A_175 : memref<1x128xf32, #tpu.memory_space<vmem>> -> memref<128xf32, #tpu.memory_space<vmem>>
      %dma_start3A_177 = arith.constant 0 : i32
      %dma_start3A_178 = tpu.memref_slice %arg9[%scan3A_161, %dma_start3A_177] : memref<79x128xi32, #tpu.memory_space<vmem>> -> memref<1x128xi32, #tpu.memory_space<vmem>>
      %dma_start3A_179 = tpu.memref_squeeze %dma_start3A_178 : memref<1x128xi32, #tpu.memory_space<vmem>> -> memref<128xi32, #tpu.memory_space<vmem>>
      %dma_start3A_180 = arith.constant 0 : i32
      %dma_start3A_181 = tpu.memref_slice %arg14[%dma_start3A_180] : memref<10240xf32, #tpu.memory_space<vmem_shared>> -> memref<10240xf32, #tpu.memory_space<vmem_shared>>
      tpu.enqueue_indirect_dma source(%dma_start3A_176 : memref<128xf32, #tpu.memory_space<vmem>>) target(%dma_start3A_181 : memref<10240xf32, #tpu.memory_space<vmem_shared>>) offsets(%dma_start3A_179 : memref<128xi32, #tpu.memory_space<vmem>>) semaphore(%arg16 : memref<!tpu.dma_semaphore, #tpu.memory_space<semaphore_mem>>) {add = true}
      %scan3A_182 = arith.constant 0 : i32
      %scan3A_183 = arith.constant 0 : i32
      %scan3A_184 = arith.constant 8 : i32
      %scan3A_185 = arith.addi %scan3A_183, %scan3A_184 : i32
      %scan3A_186 = arith.constant 1 : i32
      scf.for %scan3A_188 = %scan3A_183 to %scan3A_185 step %scan3A_186  : i32 {
        %mul3A_189 = arith.constant 16 : i32
        %mul3A_190 = arith.muli %scan3A_188, %mul3A_189 : i32
        %get3A = arith.index_cast %scan3A_161 : i32 to index
        %get3A_191 = arith.index_cast %mul3A_190 : i32 to index
        %get3A_192 = tpu.vector_load %arg10[%get3A, %get3A_191] {strides = array<i32>} : memref<79x128xf32, #tpu.memory_space<vmem>>, vector<1x16xf32>,
        %get3A_193 = vector.shape_cast %get3A_192 : vector<1x16xf32> to vector<16xf32>
        %slice3A = vector.extract_strided_slice %get3A_193 {offsets = [0], sizes = [1], strides = [1]} : vector<16xf32> to vector<1xf32>
        %squeeze3A = vector.extract %slice3A[0] : f32 from vector<1xf32>
        %mul3A_194 = arith.constant 16 : i32
        %mul3A_195 = arith.muli %scan3A_188, %mul3A_194 : i32
        %add3A_196 = arith.constant 0 : i32
        %add3A_197 = arith.addi %mul3A_195, %add3A_196 : i32
        %get3A_198 = arith.index_cast %add3A_197 : i32 to index
        %get3A_199 = arith.constant 0 : index
        %get3A_200 = tpu.vector_load %arg11[%get3A_198, %get3A_199] {strides = array<i32>} : memref<128x128xf32, #tpu.memory_space<vmem>>, vector<1x16xf32>,
        %get3A_201 = vector.shape_cast %get3A_200 : vector<1x16xf32> to vector<16xf32>
        %mul3A_202 = vector.broadcast %squeeze3A : f32 to vector<16xf32>
        %mul3A_203 = arith.mulf %get3A_201, %mul3A_202 : vector<16xf32>
        %swap3A = arith.index_cast %add3A_197 : i32 to index
        %swap3A_204 = arith.constant 0 : index
        %swap3A_205 = tpu.vector_load %arg11[%swap3A, %swap3A_204] {strides = array<i32>} : memref<128x128xf32, #tpu.memory_space<vmem>>, vector<1x16xf32>,
        %swap3A_206 = vector.shape_cast %swap3A_205 : vector<1x16xf32> to vector<16xf32>
        %swap3A_207 = vector.shape_cast %mul3A_203 : vector<16xf32> to vector<1x16xf32>
        tpu.vector_store %arg11[%swap3A, %swap3A_204], %swap3A_207 {strides = array<i32>} : memref<128x128xf32, #tpu.memory_space<vmem>>, vector<1x16xf32>,
        %get3A_208 = arith.index_cast %add3A_197 : i32 to index
        %get3A_209 = arith.constant 16 : index
        %get3A_210 = tpu.vector_load %arg11[%get3A_208, %get3A_209] {strides = array<i32>} : memref<128x128xf32, #tpu.memory_space<vmem>>, vector<1x16xf32>,
        %get3A_211 = vector.shape_cast %get3A_210 : vector<1x16xf32> to vector<16xf32>
        %mul3A_212 = vector.broadcast %squeeze3A : f32 to vector<16xf32>
        %mul3A_213 = arith.mulf %get3A_211, %mul3A_212 : vector<16xf32>
        %swap3A_214 = arith.index_cast %add3A_197 : i32 to index
        %swap3A_215 = arith.constant 16 : index
        %swap3A_216 = tpu.vector_load %arg11[%swap3A_214, %swap3A_215] {strides = array<i32>} : memref<128x128xf32, #tpu.memory_space<vmem>>, vector<1x16xf32>,
        %swap3A_217 = vector.shape_cast %swap3A_216 : vector<1x16xf32> to vector<16xf32>
        %swap3A_218 = vector.shape_cast %mul3A_213 : vector<16xf32> to vector<1x16xf32>
        tpu.vector_store %arg11[%swap3A_214, %swap3A_215], %swap3A_218 {strides = array<i32>} : memref<128x128xf32, #tpu.memory_space<vmem>>, vector<1x16xf32>,
        %get3A_219 = arith.index_cast %add3A_197 : i32 to index
        %get3A_220 = arith.constant 32 : index
        %get3A_221 = tpu.vector_load %arg11[%get3A_219, %get3A_220] {strides = array<i32>} : memref<128x128xf32, #tpu.memory_space<vmem>>, vector<1x16xf32>,
        %get3A_222 = vector.shape_cast %get3A_221 : vector<1x16xf32> to vector<16xf32>
        %mul3A_223 = vector.broadcast %squeeze3A : f32 to vector<16xf32>
        %mul3A_224 = arith.mulf %get3A_222, %mul3A_223 : vector<16xf32>
        %swap3A_225 = arith.index_cast %add3A_197 : i32 to index
        %swap3A_226 = arith.constant 32 : index
        %swap3A_227 = tpu.vector_load %arg11[%swap3A_225, %swap3A_226] {strides = array<i32>} : memref<128x128xf32, #tpu.memory_space<vmem>>, vector<1x16xf32>,
        %swap3A_228 = vector.shape_cast %swap3A_227 : vector<1x16xf32> to vector<16xf32>
        %swap3A_229 = vector.shape_cast %mul3A_224 : vector<16xf32> to vector<1x16xf32>
        tpu.vector_store %arg11[%swap3A_225, %swap3A_226], %swap3A_229 {strides = array<i32>} : memref<128x128xf32, #tpu.memory_space<vmem>>, vector<1x16xf32>,
        %get3A_230 = arith.index_cast %add3A_197 : i32 to index
        %get3A_231 = arith.constant 48 : index
        %get3A_232 = tpu.vector_load %arg11[%get3A_230, %get3A_231] {strides = array<i32>} : memref<128x128xf32, #tpu.memory_space<vmem>>, vector<1x16xf32>,
        %get3A_233 = vector.shape_cast %get3A_232 : vector<1x16xf32> to vector<16xf32>
        %mul3A_234 = vector.broadcast %squeeze3A : f32 to vector<16xf32>
        %mul3A_235 = arith.mulf %get3A_233, %mul3A_234 : vector<16xf32>
        %swap3A_236 = arith.index_cast %add3A_197 : i32 to index
        %swap3A_237 = arith.constant 48 : index
        %swap3A_238 = tpu.vector_load %arg11[%swap3A_236, %swap3A_237] {strides = array<i32>} : memref<128x128xf32, #tpu.memory_space<vmem>>, vector<1x16xf32>,
        %swap3A_239 = vector.shape_cast %swap3A_238 : vector<1x16xf32> to vector<16xf32>
        %swap3A_240 = vector.shape_cast %mul3A_235 : vector<16xf32> to vector<1x16xf32>
        tpu.vector_store %arg11[%swap3A_236, %swap3A_237], %swap3A_240 {strides = array<i32>} : memref<128x128xf32, #tpu.memory_space<vmem>>, vector<1x16xf32>,
        %get3A_241 = arith.index_cast %add3A_197 : i32 to index
        %get3A_242 = arith.constant 64 : index
        %get3A_243 = tpu.vector_load %arg11[%get3A_241, %get3A_242] {strides = array<i32>} : memref<128x128xf32, #tpu.memory_space<vmem>>, vector<1x16xf32>,
        %get3A_244 = vector.shape_cast %get3A_243 : vector<1x16xf32> to vector<16xf32>
        %mul3A_245 = vector.broadcast %squeeze3A : f32 to vector<16xf32>
        %mul3A_246 = arith.mulf %get3A_244, %mul3A_245 : vector<16xf32>
        %swap3A_247 = arith.index_cast %add3A_197 : i32 to index
        %swap3A_248 = arith.constant 64 : index
        %swap3A_249 = tpu.vector_load %arg11[%swap3A_247, %swap3A_248] {strides = array<i32>} : memref<128x128xf32, #tpu.memory_space<vmem>>, vector<1x16xf32>,
        %swap3A_250 = vector.shape_cast %swap3A_249 : vector<1x16xf32> to vector<16xf32>
        %swap3A_251 = vector.shape_cast %mul3A_246 : vector<16xf32> to vector<1x16xf32>
        tpu.vector_store %arg11[%swap3A_247, %swap3A_248], %swap3A_251 {strides = array<i32>} : memref<128x128xf32, #tpu.memory_space<vmem>>, vector<1x16xf32>,
        %get3A_252 = arith.index_cast %add3A_197 : i32 to index
        %get3A_253 = arith.constant 80 : index
        %get3A_254 = tpu.vector_load %arg11[%get3A_252, %get3A_253] {strides = array<i32>} : memref<128x128xf32, #tpu.memory_space<vmem>>, vector<1x16xf32>,
        %get3A_255 = vector.shape_cast %get3A_254 : vector<1x16xf32> to vector<16xf32>
        %mul3A_256 = vector.broadcast %squeeze3A : f32 to vector<16xf32>
        %mul3A_257 = arith.mulf %get3A_255, %mul3A_256 : vector<16xf32>
        %swap3A_258 = arith.index_cast %add3A_197 : i32 to index
        %swap3A_259 = arith.constant 80 : index
        %swap3A_260 = tpu.vector_load %arg11[%swap3A_258, %swap3A_259] {strides = array<i32>} : memref<128x128xf32, #tpu.memory_space<vmem>>, vector<1x16xf32>,
        %swap3A_261 = vector.shape_cast %swap3A_260 : vector<1x16xf32> to vector<16xf32>
        %swap3A_262 = vector.shape_cast %mul3A_257 : vector<16xf32> to vector<1x16xf32>
        tpu.vector_store %arg11[%swap3A_258, %swap3A_259], %swap3A_262 {strides = array<i32>} : memref<128x128xf32, #tpu.memory_space<vmem>>, vector<1x16xf32>,
        %get3A_263 = arith.index_cast %add3A_197 : i32 to index
        %get3A_264 = arith.constant 96 : index
        %get3A_265 = tpu.vector_load %arg11[%get3A_263, %get3A_264] {strides = array<i32>} : memref<128x128xf32, #tpu.memory_space<vmem>>, vector<1x16xf32>,
        %get3A_266 = vector.shape_cast %get3A_265 : vector<1x16xf32> to vector<16xf32>
        %mul3A_267 = vector.broadcast %squeeze3A : f32 to vector<16xf32>
        %mul3A_268 = arith.mulf %get3A_266, %mul3A_267 : vector<16xf32>
        %swap3A_269 = arith.index_cast %add3A_197 : i32 to index
        %swap3A_270 = arith.constant 96 : index
        %swap3A_271 = tpu.vector_load %arg11[%swap3A_269, %swap3A_270] {strides = array<i32>} : memref<128x128xf32, #tpu.memory_space<vmem>>, vector<1x16xf32>,
        %swap3A_272 = vector.shape_cast %swap3A_271 : vector<1x16xf32> to vector<16xf32>
        %swap3A_273 = vector.shape_cast %mul3A_268 : vector<16xf32> to vector<1x16xf32>
        tpu.vector_store %arg11[%swap3A_269, %swap3A_270], %swap3A_273 {strides = array<i32>} : memref<128x128xf32, #tpu.memory_space<vmem>>, vector<1x16xf32>,
        %get3A_274 = arith.index_cast %add3A_197 : i32 to index
        %get3A_275 = arith.constant 112 : index
        %get3A_276 = tpu.vector_load %arg11[%get3A_274, %get3A_275] {strides = array<i32>} : memref<128x128xf32, #tpu.memory_space<vmem>>, vector<1x16xf32>,
        %get3A_277 = vector.shape_cast %get3A_276 : vector<1x16xf32> to vector<16xf32>
        %mul3A_278 = vector.broadcast %squeeze3A : f32 to vector<16xf32>
        %mul3A_279 = arith.mulf %get3A_277, %mul3A_278 : vector<16xf32>
        %swap3A_280 = arith.index_cast %add3A_197 : i32 to index
        %swap3A_281 = arith.constant 112 : index
        %swap3A_282 = tpu.vector_load %arg11[%swap3A_280, %swap3A_281] {strides = array<i32>} : memref<128x128xf32, #tpu.memory_space<vmem>>, vector<1x16xf32>,
        %swap3A_283 = vector.shape_cast %swap3A_282 : vector<1x16xf32> to vector<16xf32>
        %swap3A_284 = vector.shape_cast %mul3A_279 : vector<16xf32> to vector<1x16xf32>
        tpu.vector_store %arg11[%swap3A_280, %swap3A_281], %swap3A_284 {strides = array<i32>} : memref<128x128xf32, #tpu.memory_space<vmem>>, vector<1x16xf32>,
        %slice3A_285 = vector.extract_strided_slice %get3A_193 {offsets = [1], sizes = [1], strides = [1]} : vector<16xf32> to vector<1xf32>
        %squeeze3A_286 = vector.extract %slice3A_285[0] : f32 from vector<1xf32>
        %mul3A_287 = arith.constant 16 : i32
        %mul3A_288 = arith.muli %scan3A_188, %mul3A_287 : i32
        %add3A_289 = arith.constant 1 : i32
        %add3A_290 = arith.addi %mul3A_288, %add3A_289 : i32
        %get3A_291 = arith.index_cast %add3A_290 : i32 to index
        %get3A_292 = arith.constant 0 : index
        %get3A_293 = tpu.vector_load %arg11[%get3A_291, %get3A_292] {strides = array<i32>} : memref<128x128xf32, #tpu.memory_space<vmem>>, vector<1x16xf32>,
        %get3A_294 = vector.shape_cast %get3A_293 : vector<1x16xf32> to vector<16xf32>
        %mul3A_295 = vector.broadcast %squeeze3A_286 : f32 to vector<16xf32>
        %mul3A_296 = arith.mulf %get3A_294, %mul3A_295 : vector<16xf32>
        %swap3A_297 = arith.index_cast %add3A_290 : i32 to index
        %swap3A_298 = arith.constant 0 : index
        %swap3A_299 = tpu.vector_load %arg11[%swap3A_297, %swap3A_298] {strides = array<i32>} : memref<128x128xf32, #tpu.memory_space<vmem>>, vector<1x16xf32>,
        %swap3A_300 = vector.shape_cast %swap3A_299 : vector<1x16xf32> to vector<16xf32>
        %swap3A_301 = vector.shape_cast %mul3A_296 : vector<16xf32> to vector<1x16xf32>
        tpu.vector_store %arg11[%swap3A_297, %swap3A_298], %swap3A_301 {strides = array<i32>} : memref<128x128xf32, #tpu.memory_space<vmem>>, vector<1x16xf32>,
        %get3A_302 = arith.index_cast %add3A_290 : i32 to index
        %get3A_303 = arith.constant 16 : index
        %get3A_304 = tpu.vector_load %arg11[%get3A_302, %get3A_303] {strides = array<i32>} : memref<128x128xf32, #tpu.memory_space<vmem>>, vector<1x16xf32>,
        %get3A_305 = vector.shape_cast %get3A_304 : vector<1x16xf32> to vector<16xf32>
        %mul3A_306 = vector.broadcast %squeeze3A_286 : f32 to vector<16xf32>
        %mul3A_307 = arith.mulf %get3A_305, %mul3A_306 : vector<16xf32>
        %swap3A_308 = arith.index_cast %add3A_290 : i32 to index
        %swap3A_309 = arith.constant 16 : index
        %swap3A_310 = tpu.vector_load %arg11[%swap3A_308, %swap3A_309] {strides = array<i32>} : memref<128x128xf32, #tpu.memory_space<vmem>>, vector<1x16xf32>,
        %swap3A_311 = vector.shape_cast %swap3A_310 : vector<1x16xf32> to vector<16xf32>
        %swap3A_312 = vector.shape_cast %mul3A_307 : vector<16xf32> to vector<1x16xf32>
        tpu.vector_store %arg11[%swap3A_308, %swap3A_309], %swap3A_312 {strides = array<i32>} : memref<128x128xf32, #tpu.memory_space<vmem>>, vector<1x16xf32>,
        %get3A_313 = arith.index_cast %add3A_290 : i32 to index
        %get3A_314 = arith.constant 32 : index
        %get3A_315 = tpu.vector_load %arg11[%get3A_313, %get3A_314] {strides = array<i32>} : memref<128x128xf32, #tpu.memory_space<vmem>>, vector<1x16xf32>,
        %get3A_316 = vector.shape_cast %get3A_315 : vector<1x16xf32> to vector<16xf32>
        %mul3A_317 = vector.broadcast %squeeze3A_286 : f32 to vector<16xf32>
        %mul3A_318 = arith.mulf %get3A_316, %mul3A_317 : vector<16xf32>
        %swap3A_319 = arith.index_cast %add3A_290 : i32 to index
        %swap3A_320 = arith.constant 32 : index
        %swap3A_321 = tpu.vector_load %arg11[%swap3A_319, %swap3A_320] {strides = array<i32>} : memref<128x128xf32, #tpu.memory_space<vmem>>, vector<1x16xf32>,
        %swap3A_322 = vector.shape_cast %swap3A_321 : vector<1x16xf32> to vector<16xf32>
        %swap3A_323 = vector.shape_cast %mul3A_318 : vector<16xf32> to vector<1x16xf32>
        tpu.vector_store %arg11[%swap3A_319, %swap3A_320], %swap3A_323 {strides = array<i32>} : memref<128x128xf32, #tpu.memory_space<vmem>>, vector<1x16xf32>,
        %get3A_324 = arith.index_cast %add3A_290 : i32 to index
        %get3A_325 = arith.constant 48 : index
        %get3A_326 = tpu.vector_load %arg11[%get3A_324, %get3A_325] {strides = array<i32>} : memref<128x128xf32, #tpu.memory_space<vmem>>, vector<1x16xf32>,
        %get3A_327 = vector.shape_cast %get3A_326 : vector<1x16xf32> to vector<16xf32>
        %mul3A_328 = vector.broadcast %squeeze3A_286 : f32 to vector<16xf32>
        %mul3A_329 = arith.mulf %get3A_327, %mul3A_328 : vector<16xf32>
        %swap3A_330 = arith.index_cast %add3A_290 : i32 to index
        %swap3A_331 = arith.constant 48 : index
        %swap3A_332 = tpu.vector_load %arg11[%swap3A_330, %swap3A_331] {strides = array<i32>} : memref<128x128xf32, #tpu.memory_space<vmem>>, vector<1x16xf32>,
        %swap3A_333 = vector.shape_cast %swap3A_332 : vector<1x16xf32> to vector<16xf32>
        %swap3A_334 = vector.shape_cast %mul3A_329 : vector<16xf32> to vector<1x16xf32>
        tpu.vector_store %arg11[%swap3A_330, %swap3A_331], %swap3A_334 {strides = array<i32>} : memref<128x128xf32, #tpu.memory_space<vmem>>, vector<1x16xf32>,
        %get3A_335 = arith.index_cast %add3A_290 : i32 to index
        %get3A_336 = arith.constant 64 : index
        %get3A_337 = tpu.vector_load %arg11[%get3A_335, %get3A_336] {strides = array<i32>} : memref<128x128xf32, #tpu.memory_space<vmem>>, vector<1x16xf32>,
        %get3A_338 = vector.shape_cast %get3A_337 : vector<1x16xf32> to vector<16xf32>
        %mul3A_339 = vector.broadcast %squeeze3A_286 : f32 to vector<16xf32>
        %mul3A_340 = arith.mulf %get3A_338, %mul3A_339 : vector<16xf32>
        %swap3A_341 = arith.index_cast %add3A_290 : i32 to index
        %swap3A_342 = arith.constant 64 : index
        %swap3A_343 = tpu.vector_load %arg11[%swap3A_341, %swap3A_342] {strides = array<i32>} : memref<128x128xf32, #tpu.memory_space<vmem>>, vector<1x16xf32>,
        %swap3A_344 = vector.shape_cast %swap3A_343 : vector<1x16xf32> to vector<16xf32>
        %swap3A_345 = vector.shape_cast %mul3A_340 : vector<16xf32> to vector<1x16xf32>
        tpu.vector_store %arg11[%swap3A_341, %swap3A_342], %swap3A_345 {strides = array<i32>} : memref<128x128xf32, #tpu.memory_space<vmem>>, vector<1x16xf32>,
        %get3A_346 = arith.index_cast %add3A_290 : i32 to index
        %get3A_347 = arith.constant 80 : index
        %get3A_348 = tpu.vector_load %arg11[%get3A_346, %get3A_347] {strides = array<i32>} : memref<128x128xf32, #tpu.memory_space<vmem>>, vector<1x16xf32>,
        %get3A_349 = vector.shape_cast %get3A_348 : vector<1x16xf32> to vector<16xf32>
        %mul3A_350 = vector.broadcast %squeeze3A_286 : f32 to vector<16xf32>
        %mul3A_351 = arith.mulf %get3A_349, %mul3A_350 : vector<16xf32>
        %swap3A_352 = arith.index_cast %add3A_290 : i32 to index
        %swap3A_353 = arith.constant 80 : index
        %swap3A_354 = tpu.vector_load %arg11[%swap3A_352, %swap3A_353] {strides = array<i32>} : memref<128x128xf32, #tpu.memory_space<vmem>>, vector<1x16xf32>,
        %swap3A_355 = vector.shape_cast %swap3A_354 : vector<1x16xf32> to vector<16xf32>
        %swap3A_356 = vector.shape_cast %mul3A_351 : vector<16xf32> to vector<1x16xf32>
        tpu.vector_store %arg11[%swap3A_352, %swap3A_353], %swap3A_356 {strides = array<i32>} : memref<128x128xf32, #tpu.memory_space<vmem>>, vector<1x16xf32>,
        %get3A_357 = arith.index_cast %add3A_290 : i32 to index
        %get3A_358 = arith.constant 96 : index
        %get3A_359 = tpu.vector_load %arg11[%get3A_357, %get3A_358] {strides = array<i32>} : memref<128x128xf32, #tpu.memory_space<vmem>>, vector<1x16xf32>,
        %get3A_360 = vector.shape_cast %get3A_359 : vector<1x16xf32> to vector<16xf32>
        %mul3A_361 = vector.broadcast %squeeze3A_286 : f32 to vector<16xf32>
        %mul3A_362 = arith.mulf %get3A_360, %mul3A_361 : vector<16xf32>
        %swap3A_363 = arith.index_cast %add3A_290 : i32 to index
        %swap3A_364 = arith.constant 96 : index
        %swap3A_365 = tpu.vector_load %arg11[%swap3A_363, %swap3A_364] {strides = array<i32>} : memref<128x128xf32, #tpu.memory_space<vmem>>, vector<1x16xf32>,
        %swap3A_366 = vector.shape_cast %swap3A_365 : vector<1x16xf32> to vector<16xf32>
        %swap3A_367 = vector.shape_cast %mul3A_362 : vector<16xf32> to vector<1x16xf32>
        tpu.vector_store %arg11[%swap3A_363, %swap3A_364], %swap3A_367 {strides = array<i32>} : memref<128x128xf32, #tpu.memory_space<vmem>>, vector<1x16xf32>,
        %get3A_368 = arith.index_cast %add3A_290 : i32 to index
        %get3A_369 = arith.constant 112 : index
        %get3A_370 = tpu.vector_load %arg11[%get3A_368, %get3A_369] {strides = array<i32>} : memref<128x128xf32, #tpu.memory_space<vmem>>, vector<1x16xf32>,
        %get3A_371 = vector.shape_cast %get3A_370 : vector<1x16xf32> to vector<16xf32>
        %mul3A_372 = vector.broadcast %squeeze3A_286 : f32 to vector<16xf32>
        %mul3A_373 = arith.mulf %get3A_371, %mul3A_372 : vector<16xf32>
        %swap3A_374 = arith.index_cast %add3A_290 : i32 to index
        %swap3A_375 = arith.constant 112 : index
        %swap3A_376 = tpu.vector_load %arg11[%swap3A_374, %swap3A_375] {strides = array<i32>} : memref<128x128xf32, #tpu.memory_space<vmem>>, vector<1x16xf32>,
        %swap3A_377 = vector.shape_cast %swap3A_376 : vector<1x16xf32> to vector<16xf32>
        %swap3A_378 = vector.shape_cast %mul3A_373 : vector<16xf32> to vector<1x16xf32>
        tpu.vector_store %arg11[%swap3A_374, %swap3A_375], %swap3A_378 {strides = array<i32>} : memref<128x128xf32, #tpu.memory_space<vmem>>, vector<1x16xf32>,
        %slice3A_379 = vector.extract_strided_slice %get3A_193 {offsets = [2], sizes = [1], strides = [1]} : vector<16xf32> to vector<1xf32>
        %squeeze3A_380 = vector.extract %slice3A_379[0] : f32 from vector<1xf32>
        %mul3A_381 = arith.constant 16 : i32
        %mul3A_382 = arith.muli %scan3A_188, %mul3A_381 : i32
        %add3A_383 = arith.constant 2 : i32
        %add3A_384 = arith.addi %mul3A_382, %add3A_383 : i32
        %get3A_385 = arith.index_cast %add3A_384 : i32 to index
        %get3A_386 = arith.constant 0 : index
        %get3A_387 = tpu.vector_load %arg11[%get3A_385, %get3A_386] {strides = array<i32>} : memref<128x128xf32, #tpu.memory_space<vmem>>, vector<1x16xf32>,
        %get3A_388 = vector.shape_cast %get3A_387 : vector<1x16xf32> to vector<16xf32>
        %mul3A_389 = vector.broadcast %squeeze3A_380 : f32 to vector<16xf32>
        %mul3A_390 = arith.mulf %get3A_388, %mul3A_389 : vector<16xf32>
        %swap3A_391 = arith.index_cast %add3A_384 : i32 to index
        %swap3A_392 = arith.constant 0 : index
        %swap3A_393 = tpu.vector_load %arg11[%swap3A_391, %swap3A_392] {strides = array<i32>} : memref<128x128xf32, #tpu.memory_space<vmem>>, vector<1x16xf32>,
        %swap3A_394 = vector.shape_cast %swap3A_393 : vector<1x16xf32> to vector<16xf32>
        %swap3A_395 = vector.shape_cast %mul3A_390 : vector<16xf32> to vector<1x16xf32>
        tpu.vector_store %arg11[%swap3A_391, %swap3A_392], %swap3A_395 {strides = array<i32>} : memref<128x128xf32, #tpu.memory_space<vmem>>, vector<1x16xf32>,
        %get3A_396 = arith.index_cast %add3A_384 : i32 to index
        %get3A_397 = arith.constant 16 : index
        %get3A_398 = tpu.vector_load %arg11[%get3A_396, %get3A_397] {strides = array<i32>} : memref<128x128xf32, #tpu.memory_space<vmem>>, vector<1x16xf32>,
        %get3A_399 = vector.shape_cast %get3A_398 : vector<1x16xf32> to vector<16xf32>
        %mul3A_400 = vector.broadcast %squeeze3A_380 : f32 to vector<16xf32>
        %mul3A_401 = arith.mulf %get3A_399, %mul3A_400 : vector<16xf32>
        %swap3A_402 = arith.index_cast %add3A_384 : i32 to index
        %swap3A_403 = arith.constant 16 : index
        %swap3A_404 = tpu.vector_load %arg11[%swap3A_402, %swap3A_403] {strides = array<i32>} : memref<128x128xf32, #tpu.memory_space<vmem>>, vector<1x16xf32>,
        %swap3A_405 = vector.shape_cast %swap3A_404 : vector<1x16xf32> to vector<16xf32>
        %swap3A_406 = vector.shape_cast %mul3A_401 : vector<16xf32> to vector<1x16xf32>
        tpu.vector_store %arg11[%swap3A_402, %swap3A_403], %swap3A_406 {strides = array<i32>} : memref<128x128xf32, #tpu.memory_space<vmem>>, vector<1x16xf32>,
        %get3A_407 = arith.index_cast %add3A_384 : i32 to index
        %get3A_408 = arith.constant 32 : index
        %get3A_409 = tpu.vector_load %arg11[%get3A_407, %get3A_408] {strides = array<i32>} : memref<128x128xf32, #tpu.memory_space<vmem>>, vector<1x16xf32>,
        %get3A_410 = vector.shape_cast %get3A_409 : vector<1x16xf32> to vector<16xf32>
        %mul3A_411 = vector.broadcast %squeeze3A_380 : f32 to vector<16xf32>
        %mul3A_412 = arith.mulf %get3A_410, %mul3A_411 : vector<16xf32>
        %swap3A_413 = arith.index_cast %add3A_384 : i32 to index
        %swap3A_414 = arith.constant 32 : index
        %swap3A_415 = tpu.vector_load %arg11[%swap3A_413, %swap3A_414] {strides = array<i32>} : memref<128x128xf32, #tpu.memory_space<vmem>>, vector<1x16xf32>,
        %swap3A_416 = vector.shape_cast %swap3A_415 : vector<1x16xf32> to vector<16xf32>
        %swap3A_417 = vector.shape_cast %mul3A_412 : vector<16xf32> to vector<1x16xf32>
        tpu.vector_store %arg11[%swap3A_413, %swap3A_414], %swap3A_417 {strides = array<i32>} : memref<128x128xf32, #tpu.memory_space<vmem>>, vector<1x16xf32>,
        %get3A_418 = arith.index_cast %add3A_384 : i32 to index
        %get3A_419 = arith.constant 48 : index
        %get3A_420 = tpu.vector_load %arg11[%get3A_418, %get3A_419] {strides = array<i32>} : memref<128x128xf32, #tpu.memory_space<vmem>>, vector<1x16xf32>,
        %get3A_421 = vector.shape_cast %get3A_420 : vector<1x16xf32> to vector<16xf32>
        %mul3A_422 = vector.broadcast %squeeze3A_380 : f32 to vector<16xf32>
        %mul3A_423 = arith.mulf %get3A_421, %mul3A_422 : vector<16xf32>
        %swap3A_424 = arith.index_cast %add3A_384 : i32 to index
        %swap3A_425 = arith.constant 48 : index
        %swap3A_426 = tpu.vector_load %arg11[%swap3A_424, %swap3A_425] {strides = array<i32>} : memref<128x128xf32, #tpu.memory_space<vmem>>, vector<1x16xf32>,
        %swap3A_427 = vector.shape_cast %swap3A_426 : vector<1x16xf32> to vector<16xf32>
        %swap3A_428 = vector.shape_cast %mul3A_423 : vector<16xf32> to vector<1x16xf32>
        tpu.vector_store %arg11[%swap3A_424, %swap3A_425], %swap3A_428 {strides = array<i32>} : memref<128x128xf32, #tpu.memory_space<vmem>>, vector<1x16xf32>,
        %get3A_429 = arith.index_cast %add3A_384 : i32 to index
        %get3A_430 = arith.constant 64 : index
        %get3A_431 = tpu.vector_load %arg11[%get3A_429, %get3A_430] {strides = array<i32>} : memref<128x128xf32, #tpu.memory_space<vmem>>, vector<1x16xf32>,
        %get3A_432 = vector.shape_cast %get3A_431 : vector<1x16xf32> to vector<16xf32>
        %mul3A_433 = vector.broadcast %squeeze3A_380 : f32 to vector<16xf32>
        %mul3A_434 = arith.mulf %get3A_432, %mul3A_433 : vector<16xf32>
        %swap3A_435 = arith.index_cast %add3A_384 : i32 to index
        %swap3A_436 = arith.constant 64 : index
        %swap3A_437 = tpu.vector_load %arg11[%swap3A_435, %swap3A_436] {strides = array<i32>} : memref<128x128xf32, #tpu.memory_space<vmem>>, vector<1x16xf32>,
        %swap3A_438 = vector.shape_cast %swap3A_437 : vector<1x16xf32> to vector<16xf32>
        %swap3A_439 = vector.shape_cast %mul3A_434 : vector<16xf32> to vector<1x16xf32>
        tpu.vector_store %arg11[%swap3A_435, %swap3A_436], %swap3A_439 {strides = array<i32>} : memref<128x128xf32, #tpu.memory_space<vmem>>, vector<1x16xf32>,
        %get3A_440 = arith.index_cast %add3A_384 : i32 to index
        %get3A_441 = arith.constant 80 : index
        %get3A_442 = tpu.vector_load %arg11[%get3A_440, %get3A_441] {strides = array<i32>} : memref<128x128xf32, #tpu.memory_space<vmem>>, vector<1x16xf32>,
        %get3A_443 = vector.shape_cast %get3A_442 : vector<1x16xf32> to vector<16xf32>
        %mul3A_444 = vector.broadcast %squeeze3A_380 : f32 to vector<16xf32>
        %mul3A_445 = arith.mulf %get3A_443, %mul3A_444 : vector<16xf32>
        %swap3A_446 = arith.index_cast %add3A_384 : i32 to index
        %swap3A_447 = arith.constant 80 : index
        %swap3A_448 = tpu.vector_load %arg11[%swap3A_446, %swap3A_447] {strides = array<i32>} : memref<128x128xf32, #tpu.memory_space<vmem>>, vector<1x16xf32>,
        %swap3A_449 = vector.shape_cast %swap3A_448 : vector<1x16xf32> to vector<16xf32>
        %swap3A_450 = vector.shape_cast %mul3A_445 : vector<16xf32> to vector<1x16xf32>
        tpu.vector_store %arg11[%swap3A_446, %swap3A_447], %swap3A_450 {strides = array<i32>} : memref<128x128xf32, #tpu.memory_space<vmem>>, vector<1x16xf32>,
        %get3A_451 = arith.index_cast %add3A_384 : i32 to index
        %get3A_452 = arith.constant 96 : index
        %get3A_453 = tpu.vector_load %arg11[%get3A_451, %get3A_452] {strides = array<i32>} : memref<128x128xf32, #tpu.memory_space<vmem>>, vector<1x16xf32>,
        %get3A_454 = vector.shape_cast %get3A_453 : vector<1x16xf32> to vector<16xf32>
        %mul3A_455 = vector.broadcast %squeeze3A_380 : f32 to vector<16xf32>
        %mul3A_456 = arith.mulf %get3A_454, %mul3A_455 : vector<16xf32>
        %swap3A_457 = arith.index_cast %add3A_384 : i32 to index
        %swap3A_458 = arith.constant 96 : index
        %swap3A_459 = tpu.vector_load %arg11[%swap3A_457, %swap3A_458] {strides = array<i32>} : memref<128x128xf32, #tpu.memory_space<vmem>>, vector<1x16xf32>,
        %swap3A_460 = vector.shape_cast %swap3A_459 : vector<1x16xf32> to vector<16xf32>
        %swap3A_461 = vector.shape_cast %mul3A_456 : vector<16xf32> to vector<1x16xf32>
        tpu.vector_store %arg11[%swap3A_457, %swap3A_458], %swap3A_461 {strides = array<i32>} : memref<128x128xf32, #tpu.memory_space<vmem>>, vector<1x16xf32>,
        %get3A_462 = arith.index_cast %add3A_384 : i32 to index
        %get3A_463 = arith.constant 112 : index
        %get3A_464 = tpu.vector_load %arg11[%get3A_462, %get3A_463] {strides = array<i32>} : memref<128x128xf32, #tpu.memory_space<vmem>>, vector<1x16xf32>,
        %get3A_465 = vector.shape_cast %get3A_464 : vector<1x16xf32> to vector<16xf32>
        %mul3A_466 = vector.broadcast %squeeze3A_380 : f32 to vector<16xf32>
        %mul3A_467 = arith.mulf %get3A_465, %mul3A_466 : vector<16xf32>
        %swap3A_468 = arith.index_cast %add3A_384 : i32 to index
        %swap3A_469 = arith.constant 112 : index
        %swap3A_470 = tpu.vector_load %arg11[%swap3A_468, %swap3A_469] {strides = array<i32>} : memref<128x128xf32, #tpu.memory_space<vmem>>, vector<1x16xf32>,
        %swap3A_471 = vector.shape_cast %swap3A_470 : vector<1x16xf32> to vector<16xf32>
        %swap3A_472 = vector.shape_cast %mul3A_467 : vector<16xf32> to vector<1x16xf32>
        tpu.vector_store %arg11[%swap3A_468, %swap3A_469], %swap3A_472 {strides = array<i32>} : memref<128x128xf32, #tpu.memory_space<vmem>>, vector<1x16xf32>,
        %slice3A_473 = vector.extract_strided_slice %get3A_193 {offsets = [3], sizes = [1], strides = [1]} : vector<16xf32> to vector<1xf32>
        %squeeze3A_474 = vector.extract %slice3A_473[0] : f32 from vector<1xf32>
        %mul3A_475 = arith.constant 16 : i32
        %mul3A_476 = arith.muli %scan3A_188, %mul3A_475 : i32
        %add3A_477 = arith.constant 3 : i32
        %add3A_478 = arith.addi %mul3A_476, %add3A_477 : i32
        %get3A_479 = arith.index_cast %add3A_478 : i32 to index
        %get3A_480 = arith.constant 0 : index
        %get3A_481 = tpu.vector_load %arg11[%get3A_479, %get3A_480] {strides = array<i32>} : memref<128x128xf32, #tpu.memory_space<vmem>>, vector<1x16xf32>,
        %get3A_482 = vector.shape_cast %get3A_481 : vector<1x16xf32> to vector<16xf32>
        %mul3A_483 = vector.broadcast %squeeze3A_474 : f32 to vector<16xf32>
        %mul3A_484 = arith.mulf %get3A_482, %mul3A_483 : vector<16xf32>
        %swap3A_485 = arith.index_cast %add3A_478 : i32 to index
        %swap3A_486 = arith.constant 0 : index
        %swap3A_487 = tpu.vector_load %arg11[%swap3A_485, %swap3A_486] {strides = array<i32>} : memref<128x128xf32, #tpu.memory_space<vmem>>, vector<1x16xf32>,
        %swap3A_488 = vector.shape_cast %swap3A_487 : vector<1x16xf32> to vector<16xf32>
        %swap3A_489 = vector.shape_cast %mul3A_484 : vector<16xf32> to vector<1x16xf32>
        tpu.vector_store %arg11[%swap3A_485, %swap3A_486], %swap3A_489 {strides = array<i32>} : memref<128x128xf32, #tpu.memory_space<vmem>>, vector<1x16xf32>,
        %get3A_490 = arith.index_cast %add3A_478 : i32 to index
        %get3A_491 = arith.constant 16 : index
        %get3A_492 = tpu.vector_load %arg11[%get3A_490, %get3A_491] {strides = array<i32>} : memref<128x128xf32, #tpu.memory_space<vmem>>, vector<1x16xf32>,
        %get3A_493 = vector.shape_cast %get3A_492 : vector<1x16xf32> to vector<16xf32>
        %mul3A_494 = vector.broadcast %squeeze3A_474 : f32 to vector<16xf32>
        %mul3A_495 = arith.mulf %get3A_493, %mul3A_494 : vector<16xf32>
        %swap3A_496 = arith.index_cast %add3A_478 : i32 to index
        %swap3A_497 = arith.constant 16 : index
        %swap3A_498 = tpu.vector_load %arg11[%swap3A_496, %swap3A_497] {strides = array<i32>} : memref<128x128xf32, #tpu.memory_space<vmem>>, vector<1x16xf32>,
        %swap3A_499 = vector.shape_cast %swap3A_498 : vector<1x16xf32> to vector<16xf32>
        %swap3A_500 = vector.shape_cast %mul3A_495 : vector<16xf32> to vector<1x16xf32>
        tpu.vector_store %arg11[%swap3A_496, %swap3A_497], %swap3A_500 {strides = array<i32>} : memref<128x128xf32, #tpu.memory_space<vmem>>, vector<1x16xf32>,
        %get3A_501 = arith.index_cast %add3A_478 : i32 to index
        %get3A_502 = arith.constant 32 : index
        %get3A_503 = tpu.vector_load %arg11[%get3A_501, %get3A_502] {strides = array<i32>} : memref<128x128xf32, #tpu.memory_space<vmem>>, vector<1x16xf32>,
        %get3A_504 = vector.shape_cast %get3A_503 : vector<1x16xf32> to vector<16xf32>
        %mul3A_505 = vector.broadcast %squeeze3A_474 : f32 to vector<16xf32>
        %mul3A_506 = arith.mulf %get3A_504, %mul3A_505 : vector<16xf32>
        %swap3A_507 = arith.index_cast %add3A_478 : i32 to index
        %swap3A_508 = arith.constant 32 : index
        %swap3A_509 = tpu.vector_load %arg11[%swap3A_507, %swap3A_508] {strides = array<i32>} : memref<128x128xf32, #tpu.memory_space<vmem>>, vector<1x16xf32>,
        %swap3A_510 = vector.shape_cast %swap3A_509 : vector<1x16xf32> to vector<16xf32>
        %swap3A_511 = vector.shape_cast %mul3A_506 : vector<16xf32> to vector<1x16xf32>
        tpu.vector_store %arg11[%swap3A_507, %swap3A_508], %swap3A_511 {strides = array<i32>} : memref<128x128xf32, #tpu.memory_space<vmem>>, vector<1x16xf32>,
        %get3A_512 = arith.index_cast %add3A_478 : i32 to index
        %get3A_513 = arith.constant 48 : index
        %get3A_514 = tpu.vector_load %arg11[%get3A_512, %get3A_513] {strides = array<i32>} : memref<128x128xf32, #tpu.memory_space<vmem>>, vector<1x16xf32>,
        %get3A_515 = vector.shape_cast %get3A_514 : vector<1x16xf32> to vector<16xf32>
        %mul3A_516 = vector.broadcast %squeeze3A_474 : f32 to vector<16xf32>
        %mul3A_517 = arith.mulf %get3A_515, %mul3A_516 : vector<16xf32>
        %swap3A_518 = arith.index_cast %add3A_478 : i32 to index
        %swap3A_519 = arith.constant 48 : index
        %swap3A_520 = tpu.vector_load %arg11[%swap3A_518, %swap3A_519] {strides = array<i32>} : memref<128x128xf32, #tpu.memory_space<vmem>>, vector<1x16xf32>,
        %swap3A_521 = vector.shape_cast %swap3A_520 : vector<1x16xf32> to vector<16xf32>
        %swap3A_522 = vector.shape_cast %mul3A_517 : vector<16xf32> to vector<1x16xf32>
        tpu.vector_store %arg11[%swap3A_518, %swap3A_519], %swap3A_522 {strides = array<i32>} : memref<128x128xf32, #tpu.memory_space<vmem>>, vector<1x16xf32>,
        %get3A_523 = arith.index_cast %add3A_478 : i32 to index
        %get3A_524 = arith.constant 64 : index
        %get3A_525 = tpu.vector_load %arg11[%get3A_523, %get3A_524] {strides = array<i32>} : memref<128x128xf32, #tpu.memory_space<vmem>>, vector<1x16xf32>,
        %get3A_526 = vector.shape_cast %get3A_525 : vector<1x16xf32> to vector<16xf32>
        %mul3A_527 = vector.broadcast %squeeze3A_474 : f32 to vector<16xf32>
        %mul3A_528 = arith.mulf %get3A_526, %mul3A_527 : vector<16xf32>
        %swap3A_529 = arith.index_cast %add3A_478 : i32 to index
        %swap3A_530 = arith.constant 64 : index
        %swap3A_531 = tpu.vector_load %arg11[%swap3A_529, %swap3A_530] {strides = array<i32>} : memref<128x128xf32, #tpu.memory_space<vmem>>, vector<1x16xf32>,
        %swap3A_532 = vector.shape_cast %swap3A_531 : vector<1x16xf32> to vector<16xf32>
        %swap3A_533 = vector.shape_cast %mul3A_528 : vector<16xf32> to vector<1x16xf32>
        tpu.vector_store %arg11[%swap3A_529, %swap3A_530], %swap3A_533 {strides = array<i32>} : memref<128x128xf32, #tpu.memory_space<vmem>>, vector<1x16xf32>,
        %get3A_534 = arith.index_cast %add3A_478 : i32 to index
        %get3A_535 = arith.constant 80 : index
        %get3A_536 = tpu.vector_load %arg11[%get3A_534, %get3A_535] {strides = array<i32>} : memref<128x128xf32, #tpu.memory_space<vmem>>, vector<1x16xf32>,
        %get3A_537 = vector.shape_cast %get3A_536 : vector<1x16xf32> to vector<16xf32>
        %mul3A_538 = vector.broadcast %squeeze3A_474 : f32 to vector<16xf32>
        %mul3A_539 = arith.mulf %get3A_537, %mul3A_538 : vector<16xf32>
        %swap3A_540 = arith.index_cast %add3A_478 : i32 to index
        %swap3A_541 = arith.constant 80 : index
        %swap3A_542 = tpu.vector_load %arg11[%swap3A_540, %swap3A_541] {strides = array<i32>} : memref<128x128xf32, #tpu.memory_space<vmem>>, vector<1x16xf32>,
        %swap3A_543 = vector.shape_cast %swap3A_542 : vector<1x16xf32> to vector<16xf32>
        %swap3A_544 = vector.shape_cast %mul3A_539 : vector<16xf32> to vector<1x16xf32>
        tpu.vector_store %arg11[%swap3A_540, %swap3A_541], %swap3A_544 {strides = array<i32>} : memref<128x128xf32, #tpu.memory_space<vmem>>, vector<1x16xf32>,
        %get3A_545 = arith.index_cast %add3A_478 : i32 to index
        %get3A_546 = arith.constant 96 : index
        %get3A_547 = tpu.vector_load %arg11[%get3A_545, %get3A_546] {strides = array<i32>} : memref<128x128xf32, #tpu.memory_space<vmem>>, vector<1x16xf32>,
        %get3A_548 = vector.shape_cast %get3A_547 : vector<1x16xf32> to vector<16xf32>
        %mul3A_549 = vector.broadcast %squeeze3A_474 : f32 to vector<16xf32>
        %mul3A_550 = arith.mulf %get3A_548, %mul3A_549 : vector<16xf32>
        %swap3A_551 = arith.index_cast %add3A_478 : i32 to index
        %swap3A_552 = arith.constant 96 : index
        %swap3A_553 = tpu.vector_load %arg11[%swap3A_551, %swap3A_552] {strides = array<i32>} : memref<128x128xf32, #tpu.memory_space<vmem>>, vector<1x16xf32>,
        %swap3A_554 = vector.shape_cast %swap3A_553 : vector<1x16xf32> to vector<16xf32>
        %swap3A_555 = vector.shape_cast %mul3A_550 : vector<16xf32> to vector<1x16xf32>
        tpu.vector_store %arg11[%swap3A_551, %swap3A_552], %swap3A_555 {strides = array<i32>} : memref<128x128xf32, #tpu.memory_space<vmem>>, vector<1x16xf32>,
        %get3A_556 = arith.index_cast %add3A_478 : i32 to index
        %get3A_557 = arith.constant 112 : index
        %get3A_558 = tpu.vector_load %arg11[%get3A_556, %get3A_557] {strides = array<i32>} : memref<128x128xf32, #tpu.memory_space<vmem>>, vector<1x16xf32>,
        %get3A_559 = vector.shape_cast %get3A_558 : vector<1x16xf32> to vector<16xf32>
        %mul3A_560 = vector.broadcast %squeeze3A_474 : f32 to vector<16xf32>
        %mul3A_561 = arith.mulf %get3A_559, %mul3A_560 : vector<16xf32>
        %swap3A_562 = arith.index_cast %add3A_478 : i32 to index
        %swap3A_563 = arith.constant 112 : index
        %swap3A_564 = tpu.vector_load %arg11[%swap3A_562, %swap3A_563] {strides = array<i32>} : memref<128x128xf32, #tpu.memory_space<vmem>>, vector<1x16xf32>,
        %swap3A_565 = vector.shape_cast %swap3A_564 : vector<1x16xf32> to vector<16xf32>
        %swap3A_566 = vector.shape_cast %mul3A_561 : vector<16xf32> to vector<1x16xf32>
        tpu.vector_store %arg11[%swap3A_562, %swap3A_563], %swap3A_566 {strides = array<i32>} : memref<128x128xf32, #tpu.memory_space<vmem>>, vector<1x16xf32>,
        %slice3A_567 = vector.extract_strided_slice %get3A_193 {offsets = [4], sizes = [1], strides = [1]} : vector<16xf32> to vector<1xf32>
        %squeeze3A_568 = vector.extract %slice3A_567[0] : f32 from vector<1xf32>
        %mul3A_569 = arith.constant 16 : i32
        %mul3A_570 = arith.muli %scan3A_188, %mul3A_569 : i32
        %add3A_571 = arith.constant 4 : i32
        %add3A_572 = arith.addi %mul3A_570, %add3A_571 : i32
        %get3A_573 = arith.index_cast %add3A_572 : i32 to index
        %get3A_574 = arith.constant 0 : index
        %get3A_575 = tpu.vector_load %arg11[%get3A_573, %get3A_574] {strides = array<i32>} : memref<128x128xf32, #tpu.memory_space<vmem>>, vector<1x16xf32>,
        %get3A_576 = vector.shape_cast %get3A_575 : vector<1x16xf32> to vector<16xf32>
        %mul3A_577 = vector.broadcast %squeeze3A_568 : f32 to vector<16xf32>
        %mul3A_578 = arith.mulf %get3A_576, %mul3A_577 : vector<16xf32>
        %swap3A_579 = arith.index_cast %add3A_572 : i32 to index
        %swap3A_580 = arith.constant 0 : index
        %swap3A_581 = tpu.vector_load %arg11[%swap3A_579, %swap3A_580] {strides = array<i32>} : memref<128x128xf32, #tpu.memory_space<vmem>>, vector<1x16xf32>,
        %swap3A_582 = vector.shape_cast %swap3A_581 : vector<1x16xf32> to vector<16xf32>
        %swap3A_583 = vector.shape_cast %mul3A_578 : vector<16xf32> to vector<1x16xf32>
        tpu.vector_store %arg11[%swap3A_579, %swap3A_580], %swap3A_583 {strides = array<i32>} : memref<128x128xf32, #tpu.memory_space<vmem>>, vector<1x16xf32>,
        %get3A_584 = arith.index_cast %add3A_572 : i32 to index
        %get3A_585 = arith.constant 16 : index
        %get3A_586 = tpu.vector_load %arg11[%get3A_584, %get3A_585] {strides = array<i32>} : memref<128x128xf32, #tpu.memory_space<vmem>>, vector<1x16xf32>,
        %get3A_587 = vector.shape_cast %get3A_586 : vector<1x16xf32> to vector<16xf32>
        %mul3A_588 = vector.broadcast %squeeze3A_568 : f32 to vector<16xf32>
        %mul3A_589 = arith.mulf %get3A_587, %mul3A_588 : vector<16xf32>
        %swap3A_590 = arith.index_cast %add3A_572 : i32 to index
        %swap3A_591 = arith.constant 16 : index
        %swap3A_592 = tpu.vector_load %arg11[%swap3A_590, %swap3A_591] {strides = array<i32>} : memref<128x128xf32, #tpu.memory_space<vmem>>, vector<1x16xf32>,
        %swap3A_593 = vector.shape_cast %swap3A_592 : vector<1x16xf32> to vector<16xf32>
        %swap3A_594 = vector.shape_cast %mul3A_589 : vector<16xf32> to vector<1x16xf32>
        tpu.vector_store %arg11[%swap3A_590, %swap3A_591], %swap3A_594 {strides = array<i32>} : memref<128x128xf32, #tpu.memory_space<vmem>>, vector<1x16xf32>,
        %get3A_595 = arith.index_cast %add3A_572 : i32 to index
        %get3A_596 = arith.constant 32 : index
        %get3A_597 = tpu.vector_load %arg11[%get3A_595, %get3A_596] {strides = array<i32>} : memref<128x128xf32, #tpu.memory_space<vmem>>, vector<1x16xf32>,
        %get3A_598 = vector.shape_cast %get3A_597 : vector<1x16xf32> to vector<16xf32>
        %mul3A_599 = vector.broadcast %squeeze3A_568 : f32 to vector<16xf32>
        %mul3A_600 = arith.mulf %get3A_598, %mul3A_599 : vector<16xf32>
        %swap3A_601 = arith.index_cast %add3A_572 : i32 to index
        %swap3A_602 = arith.constant 32 : index
        %swap3A_603 = tpu.vector_load %arg11[%swap3A_601, %swap3A_602] {strides = array<i32>} : memref<128x128xf32, #tpu.memory_space<vmem>>, vector<1x16xf32>,
        %swap3A_604 = vector.shape_cast %swap3A_603 : vector<1x16xf32> to vector<16xf32>
        %swap3A_605 = vector.shape_cast %mul3A_600 : vector<16xf32> to vector<1x16xf32>
        tpu.vector_store %arg11[%swap3A_601, %swap3A_602], %swap3A_605 {strides = array<i32>} : memref<128x128xf32, #tpu.memory_space<vmem>>, vector<1x16xf32>,
        %get3A_606 = arith.index_cast %add3A_572 : i32 to index
        %get3A_607 = arith.constant 48 : index
        %get3A_608 = tpu.vector_load %arg11[%get3A_606, %get3A_607] {strides = array<i32>} : memref<128x128xf32, #tpu.memory_space<vmem>>, vector<1x16xf32>,
        %get3A_609 = vector.shape_cast %get3A_608 : vector<1x16xf32> to vector<16xf32>
        %mul3A_610 = vector.broadcast %squeeze3A_568 : f32 to vector<16xf32>
        %mul3A_611 = arith.mulf %get3A_609, %mul3A_610 : vector<16xf32>
        %swap3A_612 = arith.index_cast %add3A_572 : i32 to index
        %swap3A_613 = arith.constant 48 : index
        %swap3A_614 = tpu.vector_load %arg11[%swap3A_612, %swap3A_613] {strides = array<i32>} : memref<128x128xf32, #tpu.memory_space<vmem>>, vector<1x16xf32>,
        %swap3A_615 = vector.shape_cast %swap3A_614 : vector<1x16xf32> to vector<16xf32>
        %swap3A_616 = vector.shape_cast %mul3A_611 : vector<16xf32> to vector<1x16xf32>
        tpu.vector_store %arg11[%swap3A_612, %swap3A_613], %swap3A_616 {strides = array<i32>} : memref<128x128xf32, #tpu.memory_space<vmem>>, vector<1x16xf32>,
        %get3A_617 = arith.index_cast %add3A_572 : i32 to index
        %get3A_618 = arith.constant 64 : index
        %get3A_619 = tpu.vector_load %arg11[%get3A_617, %get3A_618] {strides = array<i32>} : memref<128x128xf32, #tpu.memory_space<vmem>>, vector<1x16xf32>,
        %get3A_620 = vector.shape_cast %get3A_619 : vector<1x16xf32> to vector<16xf32>
        %mul3A_621 = vector.broadcast %squeeze3A_568 : f32 to vector<16xf32>
        %mul3A_622 = arith.mulf %get3A_620, %mul3A_621 : vector<16xf32>
        %swap3A_623 = arith.index_cast %add3A_572 : i32 to index
        %swap3A_624 = arith.constant 64 : index
        %swap3A_625 = tpu.vector_load %arg11[%swap3A_623, %swap3A_624] {strides = array<i32>} : memref<128x128xf32, #tpu.memory_space<vmem>>, vector<1x16xf32>,
        %swap3A_626 = vector.shape_cast %swap3A_625 : vector<1x16xf32> to vector<16xf32>
        %swap3A_627 = vector.shape_cast %mul3A_622 : vector<16xf32> to vector<1x16xf32>
        tpu.vector_store %arg11[%swap3A_623, %swap3A_624], %swap3A_627 {strides = array<i32>} : memref<128x128xf32, #tpu.memory_space<vmem>>, vector<1x16xf32>,
        %get3A_628 = arith.index_cast %add3A_572 : i32 to index
        %get3A_629 = arith.constant 80 : index
        %get3A_630 = tpu.vector_load %arg11[%get3A_628, %get3A_629] {strides = array<i32>} : memref<128x128xf32, #tpu.memory_space<vmem>>, vector<1x16xf32>,
        %get3A_631 = vector.shape_cast %get3A_630 : vector<1x16xf32> to vector<16xf32>
        %mul3A_632 = vector.broadcast %squeeze3A_568 : f32 to vector<16xf32>
        %mul3A_633 = arith.mulf %get3A_631, %mul3A_632 : vector<16xf32>
        %swap3A_634 = arith.index_cast %add3A_572 : i32 to index
        %swap3A_635 = arith.constant 80 : index
        %swap3A_636 = tpu.vector_load %arg11[%swap3A_634, %swap3A_635] {strides = array<i32>} : memref<128x128xf32, #tpu.memory_space<vmem>>, vector<1x16xf32>,
        %swap3A_637 = vector.shape_cast %swap3A_636 : vector<1x16xf32> to vector<16xf32>
        %swap3A_638 = vector.shape_cast %mul3A_633 : vector<16xf32> to vector<1x16xf32>
        tpu.vector_store %arg11[%swap3A_634, %swap3A_635], %swap3A_638 {strides = array<i32>} : memref<128x128xf32, #tpu.memory_space<vmem>>, vector<1x16xf32>,
        %get3A_639 = arith.index_cast %add3A_572 : i32 to index
        %get3A_640 = arith.constant 96 : index
        %get3A_641 = tpu.vector_load %arg11[%get3A_639, %get3A_640] {strides = array<i32>} : memref<128x128xf32, #tpu.memory_space<vmem>>, vector<1x16xf32>,
        %get3A_642 = vector.shape_cast %get3A_641 : vector<1x16xf32> to vector<16xf32>
        %mul3A_643 = vector.broadcast %squeeze3A_568 : f32 to vector<16xf32>
        %mul3A_644 = arith.mulf %get3A_642, %mul3A_643 : vector<16xf32>
        %swap3A_645 = arith.index_cast %add3A_572 : i32 to index
        %swap3A_646 = arith.constant 96 : index
        %swap3A_647 = tpu.vector_load %arg11[%swap3A_645, %swap3A_646] {strides = array<i32>} : memref<128x128xf32, #tpu.memory_space<vmem>>, vector<1x16xf32>,
        %swap3A_648 = vector.shape_cast %swap3A_647 : vector<1x16xf32> to vector<16xf32>
        %swap3A_649 = vector.shape_cast %mul3A_644 : vector<16xf32> to vector<1x16xf32>
        tpu.vector_store %arg11[%swap3A_645, %swap3A_646], %swap3A_649 {strides = array<i32>} : memref<128x128xf32, #tpu.memory_space<vmem>>, vector<1x16xf32>,
        %get3A_650 = arith.index_cast %add3A_572 : i32 to index
        %get3A_651 = arith.constant 112 : index
        %get3A_652 = tpu.vector_load %arg11[%get3A_650, %get3A_651] {strides = array<i32>} : memref<128x128xf32, #tpu.memory_space<vmem>>, vector<1x16xf32>,
        %get3A_653 = vector.shape_cast %get3A_652 : vector<1x16xf32> to vector<16xf32>
        %mul3A_654 = vector.broadcast %squeeze3A_568 : f32 to vector<16xf32>
        %mul3A_655 = arith.mulf %get3A_653, %mul3A_654 : vector<16xf32>
        %swap3A_656 = arith.index_cast %add3A_572 : i32 to index
        %swap3A_657 = arith.constant 112 : index
        %swap3A_658 = tpu.vector_load %arg11[%swap3A_656, %swap3A_657] {strides = array<i32>} : memref<128x128xf32, #tpu.memory_space<vmem>>, vector<1x16xf32>,
        %swap3A_659 = vector.shape_cast %swap3A_658 : vector<1x16xf32> to vector<16xf32>
        %swap3A_660 = vector.shape_cast %mul3A_655 : vector<16xf32> to vector<1x16xf32>
        tpu.vector_store %arg11[%swap3A_656, %swap3A_657], %swap3A_660 {strides = array<i32>} : memref<128x128xf32, #tpu.memory_space<vmem>>, vector<1x16xf32>,
        %slice3A_661 = vector.extract_strided_slice %get3A_193 {offsets = [5], sizes = [1], strides = [1]} : vector<16xf32> to vector<1xf32>
        %squeeze3A_662 = vector.extract %slice3A_661[0] : f32 from vector<1xf32>
        %mul3A_663 = arith.constant 16 : i32
        %mul3A_664 = arith.muli %scan3A_188, %mul3A_663 : i32
        %add3A_665 = arith.constant 5 : i32
        %add3A_666 = arith.addi %mul3A_664, %add3A_665 : i32
        %get3A_667 = arith.index_cast %add3A_666 : i32 to index
        %get3A_668 = arith.constant 0 : index
        %get3A_669 = tpu.vector_load %arg11[%get3A_667, %get3A_668] {strides = array<i32>} : memref<128x128xf32, #tpu.memory_space<vmem>>, vector<1x16xf32>,
        %get3A_670 = vector.shape_cast %get3A_669 : vector<1x16xf32> to vector<16xf32>
        %mul3A_671 = vector.broadcast %squeeze3A_662 : f32 to vector<16xf32>
        %mul3A_672 = arith.mulf %get3A_670, %mul3A_671 : vector<16xf32>
        %swap3A_673 = arith.index_cast %add3A_666 : i32 to index
        %swap3A_674 = arith.constant 0 : index
        %swap3A_675 = tpu.vector_load %arg11[%swap3A_673, %swap3A_674] {strides = array<i32>} : memref<128x128xf32, #tpu.memory_space<vmem>>, vector<1x16xf32>,
        %swap3A_676 = vector.shape_cast %swap3A_675 : vector<1x16xf32> to vector<16xf32>
        %swap3A_677 = vector.shape_cast %mul3A_672 : vector<16xf32> to vector<1x16xf32>
        tpu.vector_store %arg11[%swap3A_673, %swap3A_674], %swap3A_677 {strides = array<i32>} : memref<128x128xf32, #tpu.memory_space<vmem>>, vector<1x16xf32>,
        %get3A_678 = arith.index_cast %add3A_666 : i32 to index
        %get3A_679 = arith.constant 16 : index
        %get3A_680 = tpu.vector_load %arg11[%get3A_678, %get3A_679] {strides = array<i32>} : memref<128x128xf32, #tpu.memory_space<vmem>>, vector<1x16xf32>,
        %get3A_681 = vector.shape_cast %get3A_680 : vector<1x16xf32> to vector<16xf32>
        %mul3A_682 = vector.broadcast %squeeze3A_662 : f32 to vector<16xf32>
        %mul3A_683 = arith.mulf %get3A_681, %mul3A_682 : vector<16xf32>
        %swap3A_684 = arith.index_cast %add3A_666 : i32 to index
        %swap3A_685 = arith.constant 16 : index
        %swap3A_686 = tpu.vector_load %arg11[%swap3A_684, %swap3A_685] {strides = array<i32>} : memref<128x128xf32, #tpu.memory_space<vmem>>, vector<1x16xf32>,
        %swap3A_687 = vector.shape_cast %swap3A_686 : vector<1x16xf32> to vector<16xf32>
        %swap3A_688 = vector.shape_cast %mul3A_683 : vector<16xf32> to vector<1x16xf32>
        tpu.vector_store %arg11[%swap3A_684, %swap3A_685], %swap3A_688 {strides = array<i32>} : memref<128x128xf32, #tpu.memory_space<vmem>>, vector<1x16xf32>,
        %get3A_689 = arith.index_cast %add3A_666 : i32 to index
        %get3A_690 = arith.constant 32 : index
        %get3A_691 = tpu.vector_load %arg11[%get3A_689, %get3A_690] {strides = array<i32>} : memref<128x128xf32, #tpu.memory_space<vmem>>, vector<1x16xf32>,
        %get3A_692 = vector.shape_cast %get3A_691 : vector<1x16xf32> to vector<16xf32>
        %mul3A_693 = vector.broadcast %squeeze3A_662 : f32 to vector<16xf32>
        %mul3A_694 = arith.mulf %get3A_692, %mul3A_693 : vector<16xf32>
        %swap3A_695 = arith.index_cast %add3A_666 : i32 to index
        %swap3A_696 = arith.constant 32 : index
        %swap3A_697 = tpu.vector_load %arg11[%swap3A_695, %swap3A_696] {strides = array<i32>} : memref<128x128xf32, #tpu.memory_space<vmem>>, vector<1x16xf32>,
        %swap3A_698 = vector.shape_cast %swap3A_697 : vector<1x16xf32> to vector<16xf32>
        %swap3A_699 = vector.shape_cast %mul3A_694 : vector<16xf32> to vector<1x16xf32>
        tpu.vector_store %arg11[%swap3A_695, %swap3A_696], %swap3A_699 {strides = array<i32>} : memref<128x128xf32, #tpu.memory_space<vmem>>, vector<1x16xf32>,
        %get3A_700 = arith.index_cast %add3A_666 : i32 to index
        %get3A_701 = arith.constant 48 : index
        %get3A_702 = tpu.vector_load %arg11[%get3A_700, %get3A_701] {strides = array<i32>} : memref<128x128xf32, #tpu.memory_space<vmem>>, vector<1x16xf32>,
        %get3A_703 = vector.shape_cast %get3A_702 : vector<1x16xf32> to vector<16xf32>
        %mul3A_704 = vector.broadcast %squeeze3A_662 : f32 to vector<16xf32>
        %mul3A_705 = arith.mulf %get3A_703, %mul3A_704 : vector<16xf32>
        %swap3A_706 = arith.index_cast %add3A_666 : i32 to index
        %swap3A_707 = arith.constant 48 : index
        %swap3A_708 = tpu.vector_load %arg11[%swap3A_706, %swap3A_707] {strides = array<i32>} : memref<128x128xf32, #tpu.memory_space<vmem>>, vector<1x16xf32>,
        %swap3A_709 = vector.shape_cast %swap3A_708 : vector<1x16xf32> to vector<16xf32>
        %swap3A_710 = vector.shape_cast %mul3A_705 : vector<16xf32> to vector<1x16xf32>
        tpu.vector_store %arg11[%swap3A_706, %swap3A_707], %swap3A_710 {strides = array<i32>} : memref<128x128xf32, #tpu.memory_space<vmem>>, vector<1x16xf32>,
        %get3A_711 = arith.index_cast %add3A_666 : i32 to index
        %get3A_712 = arith.constant 64 : index
        %get3A_713 = tpu.vector_load %arg11[%get3A_711, %get3A_712] {strides = array<i32>} : memref<128x128xf32, #tpu.memory_space<vmem>>, vector<1x16xf32>,
        %get3A_714 = vector.shape_cast %get3A_713 : vector<1x16xf32> to vector<16xf32>
        %mul3A_715 = vector.broadcast %squeeze3A_662 : f32 to vector<16xf32>
        %mul3A_716 = arith.mulf %get3A_714, %mul3A_715 : vector<16xf32>
        %swap3A_717 = arith.index_cast %add3A_666 : i32 to index
        %swap3A_718 = arith.constant 64 : index
        %swap3A_719 = tpu.vector_load %arg11[%swap3A_717, %swap3A_718] {strides = array<i32>} : memref<128x128xf32, #tpu.memory_space<vmem>>, vector<1x16xf32>,
        %swap3A_720 = vector.shape_cast %swap3A_719 : vector<1x16xf32> to vector<16xf32>
        %swap3A_721 = vector.shape_cast %mul3A_716 : vector<16xf32> to vector<1x16xf32>
        tpu.vector_store %arg11[%swap3A_717, %swap3A_718], %swap3A_721 {strides = array<i32>} : memref<128x128xf32, #tpu.memory_space<vmem>>, vector<1x16xf32>,
        %get3A_722 = arith.index_cast %add3A_666 : i32 to index
        %get3A_723 = arith.constant 80 : index
        %get3A_724 = tpu.vector_load %arg11[%get3A_722, %get3A_723] {strides = array<i32>} : memref<128x128xf32, #tpu.memory_space<vmem>>, vector<1x16xf32>,
        %get3A_725 = vector.shape_cast %get3A_724 : vector<1x16xf32> to vector<16xf32>
        %mul3A_726 = vector.broadcast %squeeze3A_662 : f32 to vector<16xf32>
        %mul3A_727 = arith.mulf %get3A_725, %mul3A_726 : vector<16xf32>
        %swap3A_728 = arith.index_cast %add3A_666 : i32 to index
        %swap3A_729 = arith.constant 80 : index
        %swap3A_730 = tpu.vector_load %arg11[%swap3A_728, %swap3A_729] {strides = array<i32>} : memref<128x128xf32, #tpu.memory_space<vmem>>, vector<1x16xf32>,
        %swap3A_731 = vector.shape_cast %swap3A_730 : vector<1x16xf32> to vector<16xf32>
        %swap3A_732 = vector.shape_cast %mul3A_727 : vector<16xf32> to vector<1x16xf32>
        tpu.vector_store %arg11[%swap3A_728, %swap3A_729], %swap3A_732 {strides = array<i32>} : memref<128x128xf32, #tpu.memory_space<vmem>>, vector<1x16xf32>,
        %get3A_733 = arith.index_cast %add3A_666 : i32 to index
        %get3A_734 = arith.constant 96 : index
        %get3A_735 = tpu.vector_load %arg11[%get3A_733, %get3A_734] {strides = array<i32>} : memref<128x128xf32, #tpu.memory_space<vmem>>, vector<1x16xf32>,
        %get3A_736 = vector.shape_cast %get3A_735 : vector<1x16xf32> to vector<16xf32>
        %mul3A_737 = vector.broadcast %squeeze3A_662 : f32 to vector<16xf32>
        %mul3A_738 = arith.mulf %get3A_736, %mul3A_737 : vector<16xf32>
        %swap3A_739 = arith.index_cast %add3A_666 : i32 to index
        %swap3A_740 = arith.constant 96 : index
        %swap3A_741 = tpu.vector_load %arg11[%swap3A_739, %swap3A_740] {strides = array<i32>} : memref<128x128xf32, #tpu.memory_space<vmem>>, vector<1x16xf32>,
        %swap3A_742 = vector.shape_cast %swap3A_741 : vector<1x16xf32> to vector<16xf32>
        %swap3A_743 = vector.shape_cast %mul3A_738 : vector<16xf32> to vector<1x16xf32>
        tpu.vector_store %arg11[%swap3A_739, %swap3A_740], %swap3A_743 {strides = array<i32>} : memref<128x128xf32, #tpu.memory_space<vmem>>, vector<1x16xf32>,
        %get3A_744 = arith.index_cast %add3A_666 : i32 to index
        %get3A_745 = arith.constant 112 : index
        %get3A_746 = tpu.vector_load %arg11[%get3A_744, %get3A_745] {strides = array<i32>} : memref<128x128xf32, #tpu.memory_space<vmem>>, vector<1x16xf32>,
        %get3A_747 = vector.shape_cast %get3A_746 : vector<1x16xf32> to vector<16xf32>
        %mul3A_748 = vector.broadcast %squeeze3A_662 : f32 to vector<16xf32>
        %mul3A_749 = arith.mulf %get3A_747, %mul3A_748 : vector<16xf32>
        %swap3A_750 = arith.index_cast %add3A_666 : i32 to index
        %swap3A_751 = arith.constant 112 : index
        %swap3A_752 = tpu.vector_load %arg11[%swap3A_750, %swap3A_751] {strides = array<i32>} : memref<128x128xf32, #tpu.memory_space<vmem>>, vector<1x16xf32>,
        %swap3A_753 = vector.shape_cast %swap3A_752 : vector<1x16xf32> to vector<16xf32>
        %swap3A_754 = vector.shape_cast %mul3A_749 : vector<16xf32> to vector<1x16xf32>
        tpu.vector_store %arg11[%swap3A_750, %swap3A_751], %swap3A_754 {strides = array<i32>} : memref<128x128xf32, #tpu.memory_space<vmem>>, vector<1x16xf32>,
        %slice3A_755 = vector.extract_strided_slice %get3A_193 {offsets = [6], sizes = [1], strides = [1]} : vector<16xf32> to vector<1xf32>
        %squeeze3A_756 = vector.extract %slice3A_755[0] : f32 from vector<1xf32>
        %mul3A_757 = arith.constant 16 : i32
        %mul3A_758 = arith.muli %scan3A_188, %mul3A_757 : i32
        %add3A_759 = arith.constant 6 : i32
        %add3A_760 = arith.addi %mul3A_758, %add3A_759 : i32
        %get3A_761 = arith.index_cast %add3A_760 : i32 to index
        %get3A_762 = arith.constant 0 : index
        %get3A_763 = tpu.vector_load %arg11[%get3A_761, %get3A_762] {strides = array<i32>} : memref<128x128xf32, #tpu.memory_space<vmem>>, vector<1x16xf32>,
        %get3A_764 = vector.shape_cast %get3A_763 : vector<1x16xf32> to vector<16xf32>
        %mul3A_765 = vector.broadcast %squeeze3A_756 : f32 to vector<16xf32>
        %mul3A_766 = arith.mulf %get3A_764, %mul3A_765 : vector<16xf32>
        %swap3A_767 = arith.index_cast %add3A_760 : i32 to index
        %swap3A_768 = arith.constant 0 : index
        %swap3A_769 = tpu.vector_load %arg11[%swap3A_767, %swap3A_768] {strides = array<i32>} : memref<128x128xf32, #tpu.memory_space<vmem>>, vector<1x16xf32>,
        %swap3A_770 = vector.shape_cast %swap3A_769 : vector<1x16xf32> to vector<16xf32>
        %swap3A_771 = vector.shape_cast %mul3A_766 : vector<16xf32> to vector<1x16xf32>
        tpu.vector_store %arg11[%swap3A_767, %swap3A_768], %swap3A_771 {strides = array<i32>} : memref<128x128xf32, #tpu.memory_space<vmem>>, vector<1x16xf32>,
        %get3A_772 = arith.index_cast %add3A_760 : i32 to index
        %get3A_773 = arith.constant 16 : index
        %get3A_774 = tpu.vector_load %arg11[%get3A_772, %get3A_773] {strides = array<i32>} : memref<128x128xf32, #tpu.memory_space<vmem>>, vector<1x16xf32>,
        %get3A_775 = vector.shape_cast %get3A_774 : vector<1x16xf32> to vector<16xf32>
        %mul3A_776 = vector.broadcast %squeeze3A_756 : f32 to vector<16xf32>
        %mul3A_777 = arith.mulf %get3A_775, %mul3A_776 : vector<16xf32>
        %swap3A_778 = arith.index_cast %add3A_760 : i32 to index
        %swap3A_779 = arith.constant 16 : index
        %swap3A_780 = tpu.vector_load %arg11[%swap3A_778, %swap3A_779] {strides = array<i32>} : memref<128x128xf32, #tpu.memory_space<vmem>>, vector<1x16xf32>,
        %swap3A_781 = vector.shape_cast %swap3A_780 : vector<1x16xf32> to vector<16xf32>
        %swap3A_782 = vector.shape_cast %mul3A_777 : vector<16xf32> to vector<1x16xf32>
        tpu.vector_store %arg11[%swap3A_778, %swap3A_779], %swap3A_782 {strides = array<i32>} : memref<128x128xf32, #tpu.memory_space<vmem>>, vector<1x16xf32>,
        %get3A_783 = arith.index_cast %add3A_760 : i32 to index
        %get3A_784 = arith.constant 32 : index
        %get3A_785 = tpu.vector_load %arg11[%get3A_783, %get3A_784] {strides = array<i32>} : memref<128x128xf32, #tpu.memory_space<vmem>>, vector<1x16xf32>,
        %get3A_786 = vector.shape_cast %get3A_785 : vector<1x16xf32> to vector<16xf32>
        %mul3A_787 = vector.broadcast %squeeze3A_756 : f32 to vector<16xf32>
        %mul3A_788 = arith.mulf %get3A_786, %mul3A_787 : vector<16xf32>
        %swap3A_789 = arith.index_cast %add3A_760 : i32 to index
        %swap3A_790 = arith.constant 32 : index
        %swap3A_791 = tpu.vector_load %arg11[%swap3A_789, %swap3A_790] {strides = array<i32>} : memref<128x128xf32, #tpu.memory_space<vmem>>, vector<1x16xf32>,
        %swap3A_792 = vector.shape_cast %swap3A_791 : vector<1x16xf32> to vector<16xf32>
        %swap3A_793 = vector.shape_cast %mul3A_788 : vector<16xf32> to vector<1x16xf32>
        tpu.vector_store %arg11[%swap3A_789, %swap3A_790], %swap3A_793 {strides = array<i32>} : memref<128x128xf32, #tpu.memory_space<vmem>>, vector<1x16xf32>,
        %get3A_794 = arith.index_cast %add3A_760 : i32 to index
        %get3A_795 = arith.constant 48 : index
        %get3A_796 = tpu.vector_load %arg11[%get3A_794, %get3A_795] {strides = array<i32>} : memref<128x128xf32, #tpu.memory_space<vmem>>, vector<1x16xf32>,
        %get3A_797 = vector.shape_cast %get3A_796 : vector<1x16xf32> to vector<16xf32>
        %mul3A_798 = vector.broadcast %squeeze3A_756 : f32 to vector<16xf32>
        %mul3A_799 = arith.mulf %get3A_797, %mul3A_798 : vector<16xf32>
        %swap3A_800 = arith.index_cast %add3A_760 : i32 to index
        %swap3A_801 = arith.constant 48 : index
        %swap3A_802 = tpu.vector_load %arg11[%swap3A_800, %swap3A_801] {strides = array<i32>} : memref<128x128xf32, #tpu.memory_space<vmem>>, vector<1x16xf32>,
        %swap3A_803 = vector.shape_cast %swap3A_802 : vector<1x16xf32> to vector<16xf32>
        %swap3A_804 = vector.shape_cast %mul3A_799 : vector<16xf32> to vector<1x16xf32>
        tpu.vector_store %arg11[%swap3A_800, %swap3A_801], %swap3A_804 {strides = array<i32>} : memref<128x128xf32, #tpu.memory_space<vmem>>, vector<1x16xf32>,
        %get3A_805 = arith.index_cast %add3A_760 : i32 to index
        %get3A_806 = arith.constant 64 : index
        %get3A_807 = tpu.vector_load %arg11[%get3A_805, %get3A_806] {strides = array<i32>} : memref<128x128xf32, #tpu.memory_space<vmem>>, vector<1x16xf32>,
        %get3A_808 = vector.shape_cast %get3A_807 : vector<1x16xf32> to vector<16xf32>
        %mul3A_809 = vector.broadcast %squeeze3A_756 : f32 to vector<16xf32>
        %mul3A_810 = arith.mulf %get3A_808, %mul3A_809 : vector<16xf32>
        %swap3A_811 = arith.index_cast %add3A_760 : i32 to index
        %swap3A_812 = arith.constant 64 : index
        %swap3A_813 = tpu.vector_load %arg11[%swap3A_811, %swap3A_812] {strides = array<i32>} : memref<128x128xf32, #tpu.memory_space<vmem>>, vector<1x16xf32>,
        %swap3A_814 = vector.shape_cast %swap3A_813 : vector<1x16xf32> to vector<16xf32>
        %swap3A_815 = vector.shape_cast %mul3A_810 : vector<16xf32> to vector<1x16xf32>
        tpu.vector_store %arg11[%swap3A_811, %swap3A_812], %swap3A_815 {strides = array<i32>} : memref<128x128xf32, #tpu.memory_space<vmem>>, vector<1x16xf32>,
        %get3A_816 = arith.index_cast %add3A_760 : i32 to index
        %get3A_817 = arith.constant 80 : index
        %get3A_818 = tpu.vector_load %arg11[%get3A_816, %get3A_817] {strides = array<i32>} : memref<128x128xf32, #tpu.memory_space<vmem>>, vector<1x16xf32>,
        %get3A_819 = vector.shape_cast %get3A_818 : vector<1x16xf32> to vector<16xf32>
        %mul3A_820 = vector.broadcast %squeeze3A_756 : f32 to vector<16xf32>
        %mul3A_821 = arith.mulf %get3A_819, %mul3A_820 : vector<16xf32>
        %swap3A_822 = arith.index_cast %add3A_760 : i32 to index
        %swap3A_823 = arith.constant 80 : index
        %swap3A_824 = tpu.vector_load %arg11[%swap3A_822, %swap3A_823] {strides = array<i32>} : memref<128x128xf32, #tpu.memory_space<vmem>>, vector<1x16xf32>,
        %swap3A_825 = vector.shape_cast %swap3A_824 : vector<1x16xf32> to vector<16xf32>
        %swap3A_826 = vector.shape_cast %mul3A_821 : vector<16xf32> to vector<1x16xf32>
        tpu.vector_store %arg11[%swap3A_822, %swap3A_823], %swap3A_826 {strides = array<i32>} : memref<128x128xf32, #tpu.memory_space<vmem>>, vector<1x16xf32>,
        %get3A_827 = arith.index_cast %add3A_760 : i32 to index
        %get3A_828 = arith.constant 96 : index
        %get3A_829 = tpu.vector_load %arg11[%get3A_827, %get3A_828] {strides = array<i32>} : memref<128x128xf32, #tpu.memory_space<vmem>>, vector<1x16xf32>,
        %get3A_830 = vector.shape_cast %get3A_829 : vector<1x16xf32> to vector<16xf32>
        %mul3A_831 = vector.broadcast %squeeze3A_756 : f32 to vector<16xf32>
        %mul3A_832 = arith.mulf %get3A_830, %mul3A_831 : vector<16xf32>
        %swap3A_833 = arith.index_cast %add3A_760 : i32 to index
        %swap3A_834 = arith.constant 96 : index
        %swap3A_835 = tpu.vector_load %arg11[%swap3A_833, %swap3A_834] {strides = array<i32>} : memref<128x128xf32, #tpu.memory_space<vmem>>, vector<1x16xf32>,
        %swap3A_836 = vector.shape_cast %swap3A_835 : vector<1x16xf32> to vector<16xf32>
        %swap3A_837 = vector.shape_cast %mul3A_832 : vector<16xf32> to vector<1x16xf32>
        tpu.vector_store %arg11[%swap3A_833, %swap3A_834], %swap3A_837 {strides = array<i32>} : memref<128x128xf32, #tpu.memory_space<vmem>>, vector<1x16xf32>,
        %get3A_838 = arith.index_cast %add3A_760 : i32 to index
        %get3A_839 = arith.constant 112 : index
        %get3A_840 = tpu.vector_load %arg11[%get3A_838, %get3A_839] {strides = array<i32>} : memref<128x128xf32, #tpu.memory_space<vmem>>, vector<1x16xf32>,
        %get3A_841 = vector.shape_cast %get3A_840 : vector<1x16xf32> to vector<16xf32>
        %mul3A_842 = vector.broadcast %squeeze3A_756 : f32 to vector<16xf32>
        %mul3A_843 = arith.mulf %get3A_841, %mul3A_842 : vector<16xf32>
        %swap3A_844 = arith.index_cast %add3A_760 : i32 to index
        %swap3A_845 = arith.constant 112 : index
        %swap3A_846 = tpu.vector_load %arg11[%swap3A_844, %swap3A_845] {strides = array<i32>} : memref<128x128xf32, #tpu.memory_space<vmem>>, vector<1x16xf32>,
        %swap3A_847 = vector.shape_cast %swap3A_846 : vector<1x16xf32> to vector<16xf32>
        %swap3A_848 = vector.shape_cast %mul3A_843 : vector<16xf32> to vector<1x16xf32>
        tpu.vector_store %arg11[%swap3A_844, %swap3A_845], %swap3A_848 {strides = array<i32>} : memref<128x128xf32, #tpu.memory_space<vmem>>, vector<1x16xf32>,
        %slice3A_849 = vector.extract_strided_slice %get3A_193 {offsets = [7], sizes = [1], strides = [1]} : vector<16xf32> to vector<1xf32>
        %squeeze3A_850 = vector.extract %slice3A_849[0] : f32 from vector<1xf32>
        %mul3A_851 = arith.constant 16 : i32
        %mul3A_852 = arith.muli %scan3A_188, %mul3A_851 : i32
        %add3A_853 = arith.constant 7 : i32
        %add3A_854 = arith.addi %mul3A_852, %add3A_853 : i32
        %get3A_855 = arith.index_cast %add3A_854 : i32 to index
        %get3A_856 = arith.constant 0 : index
        %get3A_857 = tpu.vector_load %arg11[%get3A_855, %get3A_856] {strides = array<i32>} : memref<128x128xf32, #tpu.memory_space<vmem>>, vector<1x16xf32>,
        %get3A_858 = vector.shape_cast %get3A_857 : vector<1x16xf32> to vector<16xf32>
        %mul3A_859 = vector.broadcast %squeeze3A_850 : f32 to vector<16xf32>
        %mul3A_860 = arith.mulf %get3A_858, %mul3A_859 : vector<16xf32>
        %swap3A_861 = arith.index_cast %add3A_854 : i32 to index
        %swap3A_862 = arith.constant 0 : index
        %swap3A_863 = tpu.vector_load %arg11[%swap3A_861, %swap3A_862] {strides = array<i32>} : memref<128x128xf32, #tpu.memory_space<vmem>>, vector<1x16xf32>,
        %swap3A_864 = vector.shape_cast %swap3A_863 : vector<1x16xf32> to vector<16xf32>
        %swap3A_865 = vector.shape_cast %mul3A_860 : vector<16xf32> to vector<1x16xf32>
        tpu.vector_store %arg11[%swap3A_861, %swap3A_862], %swap3A_865 {strides = array<i32>} : memref<128x128xf32, #tpu.memory_space<vmem>>, vector<1x16xf32>,
        %get3A_866 = arith.index_cast %add3A_854 : i32 to index
        %get3A_867 = arith.constant 16 : index
        %get3A_868 = tpu.vector_load %arg11[%get3A_866, %get3A_867] {strides = array<i32>} : memref<128x128xf32, #tpu.memory_space<vmem>>, vector<1x16xf32>,
        %get3A_869 = vector.shape_cast %get3A_868 : vector<1x16xf32> to vector<16xf32>
        %mul3A_870 = vector.broadcast %squeeze3A_850 : f32 to vector<16xf32>
        %mul3A_871 = arith.mulf %get3A_869, %mul3A_870 : vector<16xf32>
        %swap3A_872 = arith.index_cast %add3A_854 : i32 to index
        %swap3A_873 = arith.constant 16 : index
        %swap3A_874 = tpu.vector_load %arg11[%swap3A_872, %swap3A_873] {strides = array<i32>} : memref<128x128xf32, #tpu.memory_space<vmem>>, vector<1x16xf32>,
        %swap3A_875 = vector.shape_cast %swap3A_874 : vector<1x16xf32> to vector<16xf32>
        %swap3A_876 = vector.shape_cast %mul3A_871 : vector<16xf32> to vector<1x16xf32>
        tpu.vector_store %arg11[%swap3A_872, %swap3A_873], %swap3A_876 {strides = array<i32>} : memref<128x128xf32, #tpu.memory_space<vmem>>, vector<1x16xf32>,
        %get3A_877 = arith.index_cast %add3A_854 : i32 to index
        %get3A_878 = arith.constant 32 : index
        %get3A_879 = tpu.vector_load %arg11[%get3A_877, %get3A_878] {strides = array<i32>} : memref<128x128xf32, #tpu.memory_space<vmem>>, vector<1x16xf32>,
        %get3A_880 = vector.shape_cast %get3A_879 : vector<1x16xf32> to vector<16xf32>
        %mul3A_881 = vector.broadcast %squeeze3A_850 : f32 to vector<16xf32>
        %mul3A_882 = arith.mulf %get3A_880, %mul3A_881 : vector<16xf32>
        %swap3A_883 = arith.index_cast %add3A_854 : i32 to index
        %swap3A_884 = arith.constant 32 : index
        %swap3A_885 = tpu.vector_load %arg11[%swap3A_883, %swap3A_884] {strides = array<i32>} : memref<128x128xf32, #tpu.memory_space<vmem>>, vector<1x16xf32>,
        %swap3A_886 = vector.shape_cast %swap3A_885 : vector<1x16xf32> to vector<16xf32>
        %swap3A_887 = vector.shape_cast %mul3A_882 : vector<16xf32> to vector<1x16xf32>
        tpu.vector_store %arg11[%swap3A_883, %swap3A_884], %swap3A_887 {strides = array<i32>} : memref<128x128xf32, #tpu.memory_space<vmem>>, vector<1x16xf32>,
        %get3A_888 = arith.index_cast %add3A_854 : i32 to index
        %get3A_889 = arith.constant 48 : index
        %get3A_890 = tpu.vector_load %arg11[%get3A_888, %get3A_889] {strides = array<i32>} : memref<128x128xf32, #tpu.memory_space<vmem>>, vector<1x16xf32>,
        %get3A_891 = vector.shape_cast %get3A_890 : vector<1x16xf32> to vector<16xf32>
        %mul3A_892 = vector.broadcast %squeeze3A_850 : f32 to vector<16xf32>
        %mul3A_893 = arith.mulf %get3A_891, %mul3A_892 : vector<16xf32>
        %swap3A_894 = arith.index_cast %add3A_854 : i32 to index
        %swap3A_895 = arith.constant 48 : index
        %swap3A_896 = tpu.vector_load %arg11[%swap3A_894, %swap3A_895] {strides = array<i32>} : memref<128x128xf32, #tpu.memory_space<vmem>>, vector<1x16xf32>,
        %swap3A_897 = vector.shape_cast %swap3A_896 : vector<1x16xf32> to vector<16xf32>
        %swap3A_898 = vector.shape_cast %mul3A_893 : vector<16xf32> to vector<1x16xf32>
        tpu.vector_store %arg11[%swap3A_894, %swap3A_895], %swap3A_898 {strides = array<i32>} : memref<128x128xf32, #tpu.memory_space<vmem>>, vector<1x16xf32>,
        %get3A_899 = arith.index_cast %add3A_854 : i32 to index
        %get3A_900 = arith.constant 64 : index
        %get3A_901 = tpu.vector_load %arg11[%get3A_899, %get3A_900] {strides = array<i32>} : memref<128x128xf32, #tpu.memory_space<vmem>>, vector<1x16xf32>,
        %get3A_902 = vector.shape_cast %get3A_901 : vector<1x16xf32> to vector<16xf32>
        %mul3A_903 = vector.broadcast %squeeze3A_850 : f32 to vector<16xf32>
        %mul3A_904 = arith.mulf %get3A_902, %mul3A_903 : vector<16xf32>
        %swap3A_905 = arith.index_cast %add3A_854 : i32 to index
        %swap3A_906 = arith.constant 64 : index
        %swap3A_907 = tpu.vector_load %arg11[%swap3A_905, %swap3A_906] {strides = array<i32>} : memref<128x128xf32, #tpu.memory_space<vmem>>, vector<1x16xf32>,
        %swap3A_908 = vector.shape_cast %swap3A_907 : vector<1x16xf32> to vector<16xf32>
        %swap3A_909 = vector.shape_cast %mul3A_904 : vector<16xf32> to vector<1x16xf32>
        tpu.vector_store %arg11[%swap3A_905, %swap3A_906], %swap3A_909 {strides = array<i32>} : memref<128x128xf32, #tpu.memory_space<vmem>>, vector<1x16xf32>,
        %get3A_910 = arith.index_cast %add3A_854 : i32 to index
        %get3A_911 = arith.constant 80 : index
        %get3A_912 = tpu.vector_load %arg11[%get3A_910, %get3A_911] {strides = array<i32>} : memref<128x128xf32, #tpu.memory_space<vmem>>, vector<1x16xf32>,
        %get3A_913 = vector.shape_cast %get3A_912 : vector<1x16xf32> to vector<16xf32>
        %mul3A_914 = vector.broadcast %squeeze3A_850 : f32 to vector<16xf32>
        %mul3A_915 = arith.mulf %get3A_913, %mul3A_914 : vector<16xf32>
        %swap3A_916 = arith.index_cast %add3A_854 : i32 to index
        %swap3A_917 = arith.constant 80 : index
        %swap3A_918 = tpu.vector_load %arg11[%swap3A_916, %swap3A_917] {strides = array<i32>} : memref<128x128xf32, #tpu.memory_space<vmem>>, vector<1x16xf32>,
        %swap3A_919 = vector.shape_cast %swap3A_918 : vector<1x16xf32> to vector<16xf32>
        %swap3A_920 = vector.shape_cast %mul3A_915 : vector<16xf32> to vector<1x16xf32>
        tpu.vector_store %arg11[%swap3A_916, %swap3A_917], %swap3A_920 {strides = array<i32>} : memref<128x128xf32, #tpu.memory_space<vmem>>, vector<1x16xf32>,
        %get3A_921 = arith.index_cast %add3A_854 : i32 to index
        %get3A_922 = arith.constant 96 : index
        %get3A_923 = tpu.vector_load %arg11[%get3A_921, %get3A_922] {strides = array<i32>} : memref<128x128xf32, #tpu.memory_space<vmem>>, vector<1x16xf32>,
        %get3A_924 = vector.shape_cast %get3A_923 : vector<1x16xf32> to vector<16xf32>
        %mul3A_925 = vector.broadcast %squeeze3A_850 : f32 to vector<16xf32>
        %mul3A_926 = arith.mulf %get3A_924, %mul3A_925 : vector<16xf32>
        %swap3A_927 = arith.index_cast %add3A_854 : i32 to index
        %swap3A_928 = arith.constant 96 : index
        %swap3A_929 = tpu.vector_load %arg11[%swap3A_927, %swap3A_928] {strides = array<i32>} : memref<128x128xf32, #tpu.memory_space<vmem>>, vector<1x16xf32>,
        %swap3A_930 = vector.shape_cast %swap3A_929 : vector<1x16xf32> to vector<16xf32>
        %swap3A_931 = vector.shape_cast %mul3A_926 : vector<16xf32> to vector<1x16xf32>
        tpu.vector_store %arg11[%swap3A_927, %swap3A_928], %swap3A_931 {strides = array<i32>} : memref<128x128xf32, #tpu.memory_space<vmem>>, vector<1x16xf32>,
        %get3A_932 = arith.index_cast %add3A_854 : i32 to index
        %get3A_933 = arith.constant 112 : index
        %get3A_934 = tpu.vector_load %arg11[%get3A_932, %get3A_933] {strides = array<i32>} : memref<128x128xf32, #tpu.memory_space<vmem>>, vector<1x16xf32>,
        %get3A_935 = vector.shape_cast %get3A_934 : vector<1x16xf32> to vector<16xf32>
        %mul3A_936 = vector.broadcast %squeeze3A_850 : f32 to vector<16xf32>
        %mul3A_937 = arith.mulf %get3A_935, %mul3A_936 : vector<16xf32>
        %swap3A_938 = arith.index_cast %add3A_854 : i32 to index
        %swap3A_939 = arith.constant 112 : index
        %swap3A_940 = tpu.vector_load %arg11[%swap3A_938, %swap3A_939] {strides = array<i32>} : memref<128x128xf32, #tpu.memory_space<vmem>>, vector<1x16xf32>,
        %swap3A_941 = vector.shape_cast %swap3A_940 : vector<1x16xf32> to vector<16xf32>
        %swap3A_942 = vector.shape_cast %mul3A_937 : vector<16xf32> to vector<1x16xf32>
        tpu.vector_store %arg11[%swap3A_938, %swap3A_939], %swap3A_942 {strides = array<i32>} : memref<128x128xf32, #tpu.memory_space<vmem>>, vector<1x16xf32>,
        %slice3A_943 = vector.extract_strided_slice %get3A_193 {offsets = [8], sizes = [1], strides = [1]} : vector<16xf32> to vector<1xf32>
        %squeeze3A_944 = vector.extract %slice3A_943[0] : f32 from vector<1xf32>
        %mul3A_945 = arith.constant 16 : i32
        %mul3A_946 = arith.muli %scan3A_188, %mul3A_945 : i32
        %add3A_947 = arith.constant 8 : i32
        %add3A_948 = arith.addi %mul3A_946, %add3A_947 : i32
        %get3A_949 = arith.index_cast %add3A_948 : i32 to index
        %get3A_950 = arith.constant 0 : index
        %get3A_951 = tpu.vector_load %arg11[%get3A_949, %get3A_950] {strides = array<i32>} : memref<128x128xf32, #tpu.memory_space<vmem>>, vector<1x16xf32>,
        %get3A_952 = vector.shape_cast %get3A_951 : vector<1x16xf32> to vector<16xf32>
        %mul3A_953 = vector.broadcast %squeeze3A_944 : f32 to vector<16xf32>
        %mul3A_954 = arith.mulf %get3A_952, %mul3A_953 : vector<16xf32>
        %swap3A_955 = arith.index_cast %add3A_948 : i32 to index
        %swap3A_956 = arith.constant 0 : index
        %swap3A_957 = tpu.vector_load %arg11[%swap3A_955, %swap3A_956] {strides = array<i32>} : memref<128x128xf32, #tpu.memory_space<vmem>>, vector<1x16xf32>,
        %swap3A_958 = vector.shape_cast %swap3A_957 : vector<1x16xf32> to vector<16xf32>
        %swap3A_959 = vector.shape_cast %mul3A_954 : vector<16xf32> to vector<1x16xf32>
        tpu.vector_store %arg11[%swap3A_955, %swap3A_956], %swap3A_959 {strides = array<i32>} : memref<128x128xf32, #tpu.memory_space<vmem>>, vector<1x16xf32>,
        %get3A_960 = arith.index_cast %add3A_948 : i32 to index
        %get3A_961 = arith.constant 16 : index
        %get3A_962 = tpu.vector_load %arg11[%get3A_960, %get3A_961] {strides = array<i32>} : memref<128x128xf32, #tpu.memory_space<vmem>>, vector<1x16xf32>,
        %get3A_963 = vector.shape_cast %get3A_962 : vector<1x16xf32> to vector<16xf32>
        %mul3A_964 = vector.broadcast %squeeze3A_944 : f32 to vector<16xf32>
        %mul3A_965 = arith.mulf %get3A_963, %mul3A_964 : vector<16xf32>
        %swap3A_966 = arith.index_cast %add3A_948 : i32 to index
        %swap3A_967 = arith.constant 16 : index
        %swap3A_968 = tpu.vector_load %arg11[%swap3A_966, %swap3A_967] {strides = array<i32>} : memref<128x128xf32, #tpu.memory_space<vmem>>, vector<1x16xf32>,
        %swap3A_969 = vector.shape_cast %swap3A_968 : vector<1x16xf32> to vector<16xf32>
        %swap3A_970 = vector.shape_cast %mul3A_965 : vector<16xf32> to vector<1x16xf32>
        tpu.vector_store %arg11[%swap3A_966, %swap3A_967], %swap3A_970 {strides = array<i32>} : memref<128x128xf32, #tpu.memory_space<vmem>>, vector<1x16xf32>,
        %get3A_971 = arith.index_cast %add3A_948 : i32 to index
        %get3A_972 = arith.constant 32 : index
        %get3A_973 = tpu.vector_load %arg11[%get3A_971, %get3A_972] {strides = array<i32>} : memref<128x128xf32, #tpu.memory_space<vmem>>, vector<1x16xf32>,
        %get3A_974 = vector.shape_cast %get3A_973 : vector<1x16xf32> to vector<16xf32>
        %mul3A_975 = vector.broadcast %squeeze3A_944 : f32 to vector<16xf32>
        %mul3A_976 = arith.mulf %get3A_974, %mul3A_975 : vector<16xf32>
        %swap3A_977 = arith.index_cast %add3A_948 : i32 to index
        %swap3A_978 = arith.constant 32 : index
        %swap3A_979 = tpu.vector_load %arg11[%swap3A_977, %swap3A_978] {strides = array<i32>} : memref<128x128xf32, #tpu.memory_space<vmem>>, vector<1x16xf32>,
        %swap3A_980 = vector.shape_cast %swap3A_979 : vector<1x16xf32> to vector<16xf32>
        %swap3A_981 = vector.shape_cast %mul3A_976 : vector<16xf32> to vector<1x16xf32>
        tpu.vector_store %arg11[%swap3A_977, %swap3A_978], %swap3A_981 {strides = array<i32>} : memref<128x128xf32, #tpu.memory_space<vmem>>, vector<1x16xf32>,
        %get3A_982 = arith.index_cast %add3A_948 : i32 to index
        %get3A_983 = arith.constant 48 : index
        %get3A_984 = tpu.vector_load %arg11[%get3A_982, %get3A_983] {strides = array<i32>} : memref<128x128xf32, #tpu.memory_space<vmem>>, vector<1x16xf32>,
        %get3A_985 = vector.shape_cast %get3A_984 : vector<1x16xf32> to vector<16xf32>
        %mul3A_986 = vector.broadcast %squeeze3A_944 : f32 to vector<16xf32>
        %mul3A_987 = arith.mulf %get3A_985, %mul3A_986 : vector<16xf32>
        %swap3A_988 = arith.index_cast %add3A_948 : i32 to index
        %swap3A_989 = arith.constant 48 : index
        %swap3A_990 = tpu.vector_load %arg11[%swap3A_988, %swap3A_989] {strides = array<i32>} : memref<128x128xf32, #tpu.memory_space<vmem>>, vector<1x16xf32>,
        %swap3A_991 = vector.shape_cast %swap3A_990 : vector<1x16xf32> to vector<16xf32>
        %swap3A_992 = vector.shape_cast %mul3A_987 : vector<16xf32> to vector<1x16xf32>
        tpu.vector_store %arg11[%swap3A_988, %swap3A_989], %swap3A_992 {strides = array<i32>} : memref<128x128xf32, #tpu.memory_space<vmem>>, vector<1x16xf32>,
        %get3A_993 = arith.index_cast %add3A_948 : i32 to index
        %get3A_994 = arith.constant 64 : index
        %get3A_995 = tpu.vector_load %arg11[%get3A_993, %get3A_994] {strides = array<i32>} : memref<128x128xf32, #tpu.memory_space<vmem>>, vector<1x16xf32>,
        %get3A_996 = vector.shape_cast %get3A_995 : vector<1x16xf32> to vector<16xf32>
        %mul3A_997 = vector.broadcast %squeeze3A_944 : f32 to vector<16xf32>
        %mul3A_998 = arith.mulf %get3A_996, %mul3A_997 : vector<16xf32>
        %swap3A_999 = arith.index_cast %add3A_948 : i32 to index
        %swap3A_1000 = arith.constant 64 : index
        %swap3A_1001 = tpu.vector_load %arg11[%swap3A_999, %swap3A_1000] {strides = array<i32>} : memref<128x128xf32, #tpu.memory_space<vmem>>, vector<1x16xf32>,
        %swap3A_1002 = vector.shape_cast %swap3A_1001 : vector<1x16xf32> to vector<16xf32>
        %swap3A_1003 = vector.shape_cast %mul3A_998 : vector<16xf32> to vector<1x16xf32>
        tpu.vector_store %arg11[%swap3A_999, %swap3A_1000], %swap3A_1003 {strides = array<i32>} : memref<128x128xf32, #tpu.memory_space<vmem>>, vector<1x16xf32>,
        %get3A_1004 = arith.index_cast %add3A_948 : i32 to index
        %get3A_1005 = arith.constant 80 : index
        %get3A_1006 = tpu.vector_load %arg11[%get3A_1004, %get3A_1005] {strides = array<i32>} : memref<128x128xf32, #tpu.memory_space<vmem>>, vector<1x16xf32>,
        %get3A_1007 = vector.shape_cast %get3A_1006 : vector<1x16xf32> to vector<16xf32>
        %mul3A_1008 = vector.broadcast %squeeze3A_944 : f32 to vector<16xf32>
        %mul3A_1009 = arith.mulf %get3A_1007, %mul3A_1008 : vector<16xf32>
        %swap3A_1010 = arith.index_cast %add3A_948 : i32 to index
        %swap3A_1011 = arith.constant 80 : index
        %swap3A_1012 = tpu.vector_load %arg11[%swap3A_1010, %swap3A_1011] {strides = array<i32>} : memref<128x128xf32, #tpu.memory_space<vmem>>, vector<1x16xf32>,
        %swap3A_1013 = vector.shape_cast %swap3A_1012 : vector<1x16xf32> to vector<16xf32>
        %swap3A_1014 = vector.shape_cast %mul3A_1009 : vector<16xf32> to vector<1x16xf32>
        tpu.vector_store %arg11[%swap3A_1010, %swap3A_1011], %swap3A_1014 {strides = array<i32>} : memref<128x128xf32, #tpu.memory_space<vmem>>, vector<1x16xf32>,
        %get3A_1015 = arith.index_cast %add3A_948 : i32 to index
        %get3A_1016 = arith.constant 96 : index
        %get3A_1017 = tpu.vector_load %arg11[%get3A_1015, %get3A_1016] {strides = array<i32>} : memref<128x128xf32, #tpu.memory_space<vmem>>, vector<1x16xf32>,
        %get3A_1018 = vector.shape_cast %get3A_1017 : vector<1x16xf32> to vector<16xf32>
        %mul3A_1019 = vector.broadcast %squeeze3A_944 : f32 to vector<16xf32>
        %mul3A_1020 = arith.mulf %get3A_1018, %mul3A_1019 : vector<16xf32>
        %swap3A_1021 = arith.index_cast %add3A_948 : i32 to index
        %swap3A_1022 = arith.constant 96 : index
        %swap3A_1023 = tpu.vector_load %arg11[%swap3A_1021, %swap3A_1022] {strides = array<i32>} : memref<128x128xf32, #tpu.memory_space<vmem>>, vector<1x16xf32>,
        %swap3A_1024 = vector.shape_cast %swap3A_1023 : vector<1x16xf32> to vector<16xf32>
        %swap3A_1025 = vector.shape_cast %mul3A_1020 : vector<16xf32> to vector<1x16xf32>
        tpu.vector_store %arg11[%swap3A_1021, %swap3A_1022], %swap3A_1025 {strides = array<i32>} : memref<128x128xf32, #tpu.memory_space<vmem>>, vector<1x16xf32>,
        %get3A_1026 = arith.index_cast %add3A_948 : i32 to index
        %get3A_1027 = arith.constant 112 : index
        %get3A_1028 = tpu.vector_load %arg11[%get3A_1026, %get3A_1027] {strides = array<i32>} : memref<128x128xf32, #tpu.memory_space<vmem>>, vector<1x16xf32>,
        %get3A_1029 = vector.shape_cast %get3A_1028 : vector<1x16xf32> to vector<16xf32>
        %mul3A_1030 = vector.broadcast %squeeze3A_944 : f32 to vector<16xf32>
        %mul3A_1031 = arith.mulf %get3A_1029, %mul3A_1030 : vector<16xf32>
        %swap3A_1032 = arith.index_cast %add3A_948 : i32 to index
        %swap3A_1033 = arith.constant 112 : index
        %swap3A_1034 = tpu.vector_load %arg11[%swap3A_1032, %swap3A_1033] {strides = array<i32>} : memref<128x128xf32, #tpu.memory_space<vmem>>, vector<1x16xf32>,
        %swap3A_1035 = vector.shape_cast %swap3A_1034 : vector<1x16xf32> to vector<16xf32>
        %swap3A_1036 = vector.shape_cast %mul3A_1031 : vector<16xf32> to vector<1x16xf32>
        tpu.vector_store %arg11[%swap3A_1032, %swap3A_1033], %swap3A_1036 {strides = array<i32>} : memref<128x128xf32, #tpu.memory_space<vmem>>, vector<1x16xf32>,
        %slice3A_1037 = vector.extract_strided_slice %get3A_193 {offsets = [9], sizes = [1], strides = [1]} : vector<16xf32> to vector<1xf32>
        %squeeze3A_1038 = vector.extract %slice3A_1037[0] : f32 from vector<1xf32>
        %mul3A_1039 = arith.constant 16 : i32
        %mul3A_1040 = arith.muli %scan3A_188, %mul3A_1039 : i32
        %add3A_1041 = arith.constant 9 : i32
        %add3A_1042 = arith.addi %mul3A_1040, %add3A_1041 : i32
        %get3A_1043 = arith.index_cast %add3A_1042 : i32 to index
        %get3A_1044 = arith.constant 0 : index
        %get3A_1045 = tpu.vector_load %arg11[%get3A_1043, %get3A_1044] {strides = array<i32>} : memref<128x128xf32, #tpu.memory_space<vmem>>, vector<1x16xf32>,
        %get3A_1046 = vector.shape_cast %get3A_1045 : vector<1x16xf32> to vector<16xf32>
        %mul3A_1047 = vector.broadcast %squeeze3A_1038 : f32 to vector<16xf32>
        %mul3A_1048 = arith.mulf %get3A_1046, %mul3A_1047 : vector<16xf32>
        %swap3A_1049 = arith.index_cast %add3A_1042 : i32 to index
        %swap3A_1050 = arith.constant 0 : index
        %swap3A_1051 = tpu.vector_load %arg11[%swap3A_1049, %swap3A_1050] {strides = array<i32>} : memref<128x128xf32, #tpu.memory_space<vmem>>, vector<1x16xf32>,
        %swap3A_1052 = vector.shape_cast %swap3A_1051 : vector<1x16xf32> to vector<16xf32>
        %swap3A_1053 = vector.shape_cast %mul3A_1048 : vector<16xf32> to vector<1x16xf32>
        tpu.vector_store %arg11[%swap3A_1049, %swap3A_1050], %swap3A_1053 {strides = array<i32>} : memref<128x128xf32, #tpu.memory_space<vmem>>, vector<1x16xf32>,
        %get3A_1054 = arith.index_cast %add3A_1042 : i32 to index
        %get3A_1055 = arith.constant 16 : index
        %get3A_1056 = tpu.vector_load %arg11[%get3A_1054, %get3A_1055] {strides = array<i32>} : memref<128x128xf32, #tpu.memory_space<vmem>>, vector<1x16xf32>,
        %get3A_1057 = vector.shape_cast %get3A_1056 : vector<1x16xf32> to vector<16xf32>
        %mul3A_1058 = vector.broadcast %squeeze3A_1038 : f32 to vector<16xf32>
        %mul3A_1059 = arith.mulf %get3A_1057, %mul3A_1058 : vector<16xf32>
        %swap3A_1060 = arith.index_cast %add3A_1042 : i32 to index
        %swap3A_1061 = arith.constant 16 : index
        %swap3A_1062 = tpu.vector_load %arg11[%swap3A_1060, %swap3A_1061] {strides = array<i32>} : memref<128x128xf32, #tpu.memory_space<vmem>>, vector<1x16xf32>,
        %swap3A_1063 = vector.shape_cast %swap3A_1062 : vector<1x16xf32> to vector<16xf32>
        %swap3A_1064 = vector.shape_cast %mul3A_1059 : vector<16xf32> to vector<1x16xf32>
        tpu.vector_store %arg11[%swap3A_1060, %swap3A_1061], %swap3A_1064 {strides = array<i32>} : memref<128x128xf32, #tpu.memory_space<vmem>>, vector<1x16xf32>,
        %get3A_1065 = arith.index_cast %add3A_1042 : i32 to index
        %get3A_1066 = arith.constant 32 : index
        %get3A_1067 = tpu.vector_load %arg11[%get3A_1065, %get3A_1066] {strides = array<i32>} : memref<128x128xf32, #tpu.memory_space<vmem>>, vector<1x16xf32>,
        %get3A_1068 = vector.shape_cast %get3A_1067 : vector<1x16xf32> to vector<16xf32>
        %mul3A_1069 = vector.broadcast %squeeze3A_1038 : f32 to vector<16xf32>
        %mul3A_1070 = arith.mulf %get3A_1068, %mul3A_1069 : vector<16xf32>
        %swap3A_1071 = arith.index_cast %add3A_1042 : i32 to index
        %swap3A_1072 = arith.constant 32 : index
        %swap3A_1073 = tpu.vector_load %arg11[%swap3A_1071, %swap3A_1072] {strides = array<i32>} : memref<128x128xf32, #tpu.memory_space<vmem>>, vector<1x16xf32>,
        %swap3A_1074 = vector.shape_cast %swap3A_1073 : vector<1x16xf32> to vector<16xf32>
        %swap3A_1075 = vector.shape_cast %mul3A_1070 : vector<16xf32> to vector<1x16xf32>
        tpu.vector_store %arg11[%swap3A_1071, %swap3A_1072], %swap3A_1075 {strides = array<i32>} : memref<128x128xf32, #tpu.memory_space<vmem>>, vector<1x16xf32>,
        %get3A_1076 = arith.index_cast %add3A_1042 : i32 to index
        %get3A_1077 = arith.constant 48 : index
        %get3A_1078 = tpu.vector_load %arg11[%get3A_1076, %get3A_1077] {strides = array<i32>} : memref<128x128xf32, #tpu.memory_space<vmem>>, vector<1x16xf32>,
        %get3A_1079 = vector.shape_cast %get3A_1078 : vector<1x16xf32> to vector<16xf32>
        %mul3A_1080 = vector.broadcast %squeeze3A_1038 : f32 to vector<16xf32>
        %mul3A_1081 = arith.mulf %get3A_1079, %mul3A_1080 : vector<16xf32>
        %swap3A_1082 = arith.index_cast %add3A_1042 : i32 to index
        %swap3A_1083 = arith.constant 48 : index
        %swap3A_1084 = tpu.vector_load %arg11[%swap3A_1082, %swap3A_1083] {strides = array<i32>} : memref<128x128xf32, #tpu.memory_space<vmem>>, vector<1x16xf32>,
        %swap3A_1085 = vector.shape_cast %swap3A_1084 : vector<1x16xf32> to vector<16xf32>
        %swap3A_1086 = vector.shape_cast %mul3A_1081 : vector<16xf32> to vector<1x16xf32>
        tpu.vector_store %arg11[%swap3A_1082, %swap3A_1083], %swap3A_1086 {strides = array<i32>} : memref<128x128xf32, #tpu.memory_space<vmem>>, vector<1x16xf32>,
        %get3A_1087 = arith.index_cast %add3A_1042 : i32 to index
        %get3A_1088 = arith.constant 64 : index
        %get3A_1089 = tpu.vector_load %arg11[%get3A_1087, %get3A_1088] {strides = array<i32>} : memref<128x128xf32, #tpu.memory_space<vmem>>, vector<1x16xf32>,
        %get3A_1090 = vector.shape_cast %get3A_1089 : vector<1x16xf32> to vector<16xf32>
        %mul3A_1091 = vector.broadcast %squeeze3A_1038 : f32 to vector<16xf32>
        %mul3A_1092 = arith.mulf %get3A_1090, %mul3A_1091 : vector<16xf32>
        %swap3A_1093 = arith.index_cast %add3A_1042 : i32 to index
        %swap3A_1094 = arith.constant 64 : index
        %swap3A_1095 = tpu.vector_load %arg11[%swap3A_1093, %swap3A_1094] {strides = array<i32>} : memref<128x128xf32, #tpu.memory_space<vmem>>, vector<1x16xf32>,
        %swap3A_1096 = vector.shape_cast %swap3A_1095 : vector<1x16xf32> to vector<16xf32>
        %swap3A_1097 = vector.shape_cast %mul3A_1092 : vector<16xf32> to vector<1x16xf32>
        tpu.vector_store %arg11[%swap3A_1093, %swap3A_1094], %swap3A_1097 {strides = array<i32>} : memref<128x128xf32, #tpu.memory_space<vmem>>, vector<1x16xf32>,
        %get3A_1098 = arith.index_cast %add3A_1042 : i32 to index
        %get3A_1099 = arith.constant 80 : index
        %get3A_1100 = tpu.vector_load %arg11[%get3A_1098, %get3A_1099] {strides = array<i32>} : memref<128x128xf32, #tpu.memory_space<vmem>>, vector<1x16xf32>,
        %get3A_1101 = vector.shape_cast %get3A_1100 : vector<1x16xf32> to vector<16xf32>
        %mul3A_1102 = vector.broadcast %squeeze3A_1038 : f32 to vector<16xf32>
        %mul3A_1103 = arith.mulf %get3A_1101, %mul3A_1102 : vector<16xf32>
        %swap3A_1104 = arith.index_cast %add3A_1042 : i32 to index
        %swap3A_1105 = arith.constant 80 : index
        %swap3A_1106 = tpu.vector_load %arg11[%swap3A_1104, %swap3A_1105] {strides = array<i32>} : memref<128x128xf32, #tpu.memory_space<vmem>>, vector<1x16xf32>,
        %swap3A_1107 = vector.shape_cast %swap3A_1106 : vector<1x16xf32> to vector<16xf32>
        %swap3A_1108 = vector.shape_cast %mul3A_1103 : vector<16xf32> to vector<1x16xf32>
        tpu.vector_store %arg11[%swap3A_1104, %swap3A_1105], %swap3A_1108 {strides = array<i32>} : memref<128x128xf32, #tpu.memory_space<vmem>>, vector<1x16xf32>,
        %get3A_1109 = arith.index_cast %add3A_1042 : i32 to index
        %get3A_1110 = arith.constant 96 : index
        %get3A_1111 = tpu.vector_load %arg11[%get3A_1109, %get3A_1110] {strides = array<i32>} : memref<128x128xf32, #tpu.memory_space<vmem>>, vector<1x16xf32>,
        %get3A_1112 = vector.shape_cast %get3A_1111 : vector<1x16xf32> to vector<16xf32>
        %mul3A_1113 = vector.broadcast %squeeze3A_1038 : f32 to vector<16xf32>
        %mul3A_1114 = arith.mulf %get3A_1112, %mul3A_1113 : vector<16xf32>
        %swap3A_1115 = arith.index_cast %add3A_1042 : i32 to index
        %swap3A_1116 = arith.constant 96 : index
        %swap3A_1117 = tpu.vector_load %arg11[%swap3A_1115, %swap3A_1116] {strides = array<i32>} : memref<128x128xf32, #tpu.memory_space<vmem>>, vector<1x16xf32>,
        %swap3A_1118 = vector.shape_cast %swap3A_1117 : vector<1x16xf32> to vector<16xf32>
        %swap3A_1119 = vector.shape_cast %mul3A_1114 : vector<16xf32> to vector<1x16xf32>
        tpu.vector_store %arg11[%swap3A_1115, %swap3A_1116], %swap3A_1119 {strides = array<i32>} : memref<128x128xf32, #tpu.memory_space<vmem>>, vector<1x16xf32>,
        %get3A_1120 = arith.index_cast %add3A_1042 : i32 to index
        %get3A_1121 = arith.constant 112 : index
        %get3A_1122 = tpu.vector_load %arg11[%get3A_1120, %get3A_1121] {strides = array<i32>} : memref<128x128xf32, #tpu.memory_space<vmem>>, vector<1x16xf32>,
        %get3A_1123 = vector.shape_cast %get3A_1122 : vector<1x16xf32> to vector<16xf32>
        %mul3A_1124 = vector.broadcast %squeeze3A_1038 : f32 to vector<16xf32>
        %mul3A_1125 = arith.mulf %get3A_1123, %mul3A_1124 : vector<16xf32>
        %swap3A_1126 = arith.index_cast %add3A_1042 : i32 to index
        %swap3A_1127 = arith.constant 112 : index
        %swap3A_1128 = tpu.vector_load %arg11[%swap3A_1126, %swap3A_1127] {strides = array<i32>} : memref<128x128xf32, #tpu.memory_space<vmem>>, vector<1x16xf32>,
        %swap3A_1129 = vector.shape_cast %swap3A_1128 : vector<1x16xf32> to vector<16xf32>
        %swap3A_1130 = vector.shape_cast %mul3A_1125 : vector<16xf32> to vector<1x16xf32>
        tpu.vector_store %arg11[%swap3A_1126, %swap3A_1127], %swap3A_1130 {strides = array<i32>} : memref<128x128xf32, #tpu.memory_space<vmem>>, vector<1x16xf32>,
        %slice3A_1131 = vector.extract_strided_slice %get3A_193 {offsets = [10], sizes = [1], strides = [1]} : vector<16xf32> to vector<1xf32>
        %squeeze3A_1132 = vector.extract %slice3A_1131[0] : f32 from vector<1xf32>
        %mul3A_1133 = arith.constant 16 : i32
        %mul3A_1134 = arith.muli %scan3A_188, %mul3A_1133 : i32
        %add3A_1135 = arith.constant 10 : i32
        %add3A_1136 = arith.addi %mul3A_1134, %add3A_1135 : i32
        %get3A_1137 = arith.index_cast %add3A_1136 : i32 to index
        %get3A_1138 = arith.constant 0 : index
        %get3A_1139 = tpu.vector_load %arg11[%get3A_1137, %get3A_1138] {strides = array<i32>} : memref<128x128xf32, #tpu.memory_space<vmem>>, vector<1x16xf32>,
        %get3A_1140 = vector.shape_cast %get3A_1139 : vector<1x16xf32> to vector<16xf32>
        %mul3A_1141 = vector.broadcast %squeeze3A_1132 : f32 to vector<16xf32>
        %mul3A_1142 = arith.mulf %get3A_1140, %mul3A_1141 : vector<16xf32>
        %swap3A_1143 = arith.index_cast %add3A_1136 : i32 to index
        %swap3A_1144 = arith.constant 0 : index
        %swap3A_1145 = tpu.vector_load %arg11[%swap3A_1143, %swap3A_1144] {strides = array<i32>} : memref<128x128xf32, #tpu.memory_space<vmem>>, vector<1x16xf32>,
        %swap3A_1146 = vector.shape_cast %swap3A_1145 : vector<1x16xf32> to vector<16xf32>
        %swap3A_1147 = vector.shape_cast %mul3A_1142 : vector<16xf32> to vector<1x16xf32>
        tpu.vector_store %arg11[%swap3A_1143, %swap3A_1144], %swap3A_1147 {strides = array<i32>} : memref<128x128xf32, #tpu.memory_space<vmem>>, vector<1x16xf32>,
        %get3A_1148 = arith.index_cast %add3A_1136 : i32 to index
        %get3A_1149 = arith.constant 16 : index
        %get3A_1150 = tpu.vector_load %arg11[%get3A_1148, %get3A_1149] {strides = array<i32>} : memref<128x128xf32, #tpu.memory_space<vmem>>, vector<1x16xf32>,
        %get3A_1151 = vector.shape_cast %get3A_1150 : vector<1x16xf32> to vector<16xf32>
        %mul3A_1152 = vector.broadcast %squeeze3A_1132 : f32 to vector<16xf32>
        %mul3A_1153 = arith.mulf %get3A_1151, %mul3A_1152 : vector<16xf32>
        %swap3A_1154 = arith.index_cast %add3A_1136 : i32 to index
        %swap3A_1155 = arith.constant 16 : index
        %swap3A_1156 = tpu.vector_load %arg11[%swap3A_1154, %swap3A_1155] {strides = array<i32>} : memref<128x128xf32, #tpu.memory_space<vmem>>, vector<1x16xf32>,
        %swap3A_1157 = vector.shape_cast %swap3A_1156 : vector<1x16xf32> to vector<16xf32>
        %swap3A_1158 = vector.shape_cast %mul3A_1153 : vector<16xf32> to vector<1x16xf32>
        tpu.vector_store %arg11[%swap3A_1154, %swap3A_1155], %swap3A_1158 {strides = array<i32>} : memref<128x128xf32, #tpu.memory_space<vmem>>, vector<1x16xf32>,
        %get3A_1159 = arith.index_cast %add3A_1136 : i32 to index
        %get3A_1160 = arith.constant 32 : index
        %get3A_1161 = tpu.vector_load %arg11[%get3A_1159, %get3A_1160] {strides = array<i32>} : memref<128x128xf32, #tpu.memory_space<vmem>>, vector<1x16xf32>,
        %get3A_1162 = vector.shape_cast %get3A_1161 : vector<1x16xf32> to vector<16xf32>
        %mul3A_1163 = vector.broadcast %squeeze3A_1132 : f32 to vector<16xf32>
        %mul3A_1164 = arith.mulf %get3A_1162, %mul3A_1163 : vector<16xf32>
        %swap3A_1165 = arith.index_cast %add3A_1136 : i32 to index
        %swap3A_1166 = arith.constant 32 : index
        %swap3A_1167 = tpu.vector_load %arg11[%swap3A_1165, %swap3A_1166] {strides = array<i32>} : memref<128x128xf32, #tpu.memory_space<vmem>>, vector<1x16xf32>,
        %swap3A_1168 = vector.shape_cast %swap3A_1167 : vector<1x16xf32> to vector<16xf32>
        %swap3A_1169 = vector.shape_cast %mul3A_1164 : vector<16xf32> to vector<1x16xf32>
        tpu.vector_store %arg11[%swap3A_1165, %swap3A_1166], %swap3A_1169 {strides = array<i32>} : memref<128x128xf32, #tpu.memory_space<vmem>>, vector<1x16xf32>,
        %get3A_1170 = arith.index_cast %add3A_1136 : i32 to index
        %get3A_1171 = arith.constant 48 : index
        %get3A_1172 = tpu.vector_load %arg11[%get3A_1170, %get3A_1171] {strides = array<i32>} : memref<128x128xf32, #tpu.memory_space<vmem>>, vector<1x16xf32>,
        %get3A_1173 = vector.shape_cast %get3A_1172 : vector<1x16xf32> to vector<16xf32>
        %mul3A_1174 = vector.broadcast %squeeze3A_1132 : f32 to vector<16xf32>
        %mul3A_1175 = arith.mulf %get3A_1173, %mul3A_1174 : vector<16xf32>
        %swap3A_1176 = arith.index_cast %add3A_1136 : i32 to index
        %swap3A_1177 = arith.constant 48 : index
        %swap3A_1178 = tpu.vector_load %arg11[%swap3A_1176, %swap3A_1177] {strides = array<i32>} : memref<128x128xf32, #tpu.memory_space<vmem>>, vector<1x16xf32>,
        %swap3A_1179 = vector.shape_cast %swap3A_1178 : vector<1x16xf32> to vector<16xf32>
        %swap3A_1180 = vector.shape_cast %mul3A_1175 : vector<16xf32> to vector<1x16xf32>
        tpu.vector_store %arg11[%swap3A_1176, %swap3A_1177], %swap3A_1180 {strides = array<i32>} : memref<128x128xf32, #tpu.memory_space<vmem>>, vector<1x16xf32>,
        %get3A_1181 = arith.index_cast %add3A_1136 : i32 to index
        %get3A_1182 = arith.constant 64 : index
        %get3A_1183 = tpu.vector_load %arg11[%get3A_1181, %get3A_1182] {strides = array<i32>} : memref<128x128xf32, #tpu.memory_space<vmem>>, vector<1x16xf32>,
        %get3A_1184 = vector.shape_cast %get3A_1183 : vector<1x16xf32> to vector<16xf32>
        %mul3A_1185 = vector.broadcast %squeeze3A_1132 : f32 to vector<16xf32>
        %mul3A_1186 = arith.mulf %get3A_1184, %mul3A_1185 : vector<16xf32>
        %swap3A_1187 = arith.index_cast %add3A_1136 : i32 to index
        %swap3A_1188 = arith.constant 64 : index
        %swap3A_1189 = tpu.vector_load %arg11[%swap3A_1187, %swap3A_1188] {strides = array<i32>} : memref<128x128xf32, #tpu.memory_space<vmem>>, vector<1x16xf32>,
        %swap3A_1190 = vector.shape_cast %swap3A_1189 : vector<1x16xf32> to vector<16xf32>
        %swap3A_1191 = vector.shape_cast %mul3A_1186 : vector<16xf32> to vector<1x16xf32>
        tpu.vector_store %arg11[%swap3A_1187, %swap3A_1188], %swap3A_1191 {strides = array<i32>} : memref<128x128xf32, #tpu.memory_space<vmem>>, vector<1x16xf32>,
        %get3A_1192 = arith.index_cast %add3A_1136 : i32 to index
        %get3A_1193 = arith.constant 80 : index
        %get3A_1194 = tpu.vector_load %arg11[%get3A_1192, %get3A_1193] {strides = array<i32>} : memref<128x128xf32, #tpu.memory_space<vmem>>, vector<1x16xf32>,
        %get3A_1195 = vector.shape_cast %get3A_1194 : vector<1x16xf32> to vector<16xf32>
        %mul3A_1196 = vector.broadcast %squeeze3A_1132 : f32 to vector<16xf32>
        %mul3A_1197 = arith.mulf %get3A_1195, %mul3A_1196 : vector<16xf32>
        %swap3A_1198 = arith.index_cast %add3A_1136 : i32 to index
        %swap3A_1199 = arith.constant 80 : index
        %swap3A_1200 = tpu.vector_load %arg11[%swap3A_1198, %swap3A_1199] {strides = array<i32>} : memref<128x128xf32, #tpu.memory_space<vmem>>, vector<1x16xf32>,
        %swap3A_1201 = vector.shape_cast %swap3A_1200 : vector<1x16xf32> to vector<16xf32>
        %swap3A_1202 = vector.shape_cast %mul3A_1197 : vector<16xf32> to vector<1x16xf32>
        tpu.vector_store %arg11[%swap3A_1198, %swap3A_1199], %swap3A_1202 {strides = array<i32>} : memref<128x128xf32, #tpu.memory_space<vmem>>, vector<1x16xf32>,
        %get3A_1203 = arith.index_cast %add3A_1136 : i32 to index
        %get3A_1204 = arith.constant 96 : index
        %get3A_1205 = tpu.vector_load %arg11[%get3A_1203, %get3A_1204] {strides = array<i32>} : memref<128x128xf32, #tpu.memory_space<vmem>>, vector<1x16xf32>,
        %get3A_1206 = vector.shape_cast %get3A_1205 : vector<1x16xf32> to vector<16xf32>
        %mul3A_1207 = vector.broadcast %squeeze3A_1132 : f32 to vector<16xf32>
        %mul3A_1208 = arith.mulf %get3A_1206, %mul3A_1207 : vector<16xf32>
        %swap3A_1209 = arith.index_cast %add3A_1136 : i32 to index
        %swap3A_1210 = arith.constant 96 : index
        %swap3A_1211 = tpu.vector_load %arg11[%swap3A_1209, %swap3A_1210] {strides = array<i32>} : memref<128x128xf32, #tpu.memory_space<vmem>>, vector<1x16xf32>,
        %swap3A_1212 = vector.shape_cast %swap3A_1211 : vector<1x16xf32> to vector<16xf32>
        %swap3A_1213 = vector.shape_cast %mul3A_1208 : vector<16xf32> to vector<1x16xf32>
        tpu.vector_store %arg11[%swap3A_1209, %swap3A_1210], %swap3A_1213 {strides = array<i32>} : memref<128x128xf32, #tpu.memory_space<vmem>>, vector<1x16xf32>,
        %get3A_1214 = arith.index_cast %add3A_1136 : i32 to index
        %get3A_1215 = arith.constant 112 : index
        %get3A_1216 = tpu.vector_load %arg11[%get3A_1214, %get3A_1215] {strides = array<i32>} : memref<128x128xf32, #tpu.memory_space<vmem>>, vector<1x16xf32>,
        %get3A_1217 = vector.shape_cast %get3A_1216 : vector<1x16xf32> to vector<16xf32>
        %mul3A_1218 = vector.broadcast %squeeze3A_1132 : f32 to vector<16xf32>
        %mul3A_1219 = arith.mulf %get3A_1217, %mul3A_1218 : vector<16xf32>
        %swap3A_1220 = arith.index_cast %add3A_1136 : i32 to index
        %swap3A_1221 = arith.constant 112 : index
        %swap3A_1222 = tpu.vector_load %arg11[%swap3A_1220, %swap3A_1221] {strides = array<i32>} : memref<128x128xf32, #tpu.memory_space<vmem>>, vector<1x16xf32>,
        %swap3A_1223 = vector.shape_cast %swap3A_1222 : vector<1x16xf32> to vector<16xf32>
        %swap3A_1224 = vector.shape_cast %mul3A_1219 : vector<16xf32> to vector<1x16xf32>
        tpu.vector_store %arg11[%swap3A_1220, %swap3A_1221], %swap3A_1224 {strides = array<i32>} : memref<128x128xf32, #tpu.memory_space<vmem>>, vector<1x16xf32>,
        %slice3A_1225 = vector.extract_strided_slice %get3A_193 {offsets = [11], sizes = [1], strides = [1]} : vector<16xf32> to vector<1xf32>
        %squeeze3A_1226 = vector.extract %slice3A_1225[0] : f32 from vector<1xf32>
        %mul3A_1227 = arith.constant 16 : i32
        %mul3A_1228 = arith.muli %scan3A_188, %mul3A_1227 : i32
        %add3A_1229 = arith.constant 11 : i32
        %add3A_1230 = arith.addi %mul3A_1228, %add3A_1229 : i32
        %get3A_1231 = arith.index_cast %add3A_1230 : i32 to index
        %get3A_1232 = arith.constant 0 : index
        %get3A_1233 = tpu.vector_load %arg11[%get3A_1231, %get3A_1232] {strides = array<i32>} : memref<128x128xf32, #tpu.memory_space<vmem>>, vector<1x16xf32>,
        %get3A_1234 = vector.shape_cast %get3A_1233 : vector<1x16xf32> to vector<16xf32>
        %mul3A_1235 = vector.broadcast %squeeze3A_1226 : f32 to vector<16xf32>
        %mul3A_1236 = arith.mulf %get3A_1234, %mul3A_1235 : vector<16xf32>
        %swap3A_1237 = arith.index_cast %add3A_1230 : i32 to index
        %swap3A_1238 = arith.constant 0 : index
        %swap3A_1239 = tpu.vector_load %arg11[%swap3A_1237, %swap3A_1238] {strides = array<i32>} : memref<128x128xf32, #tpu.memory_space<vmem>>, vector<1x16xf32>,
        %swap3A_1240 = vector.shape_cast %swap3A_1239 : vector<1x16xf32> to vector<16xf32>
        %swap3A_1241 = vector.shape_cast %mul3A_1236 : vector<16xf32> to vector<1x16xf32>
        tpu.vector_store %arg11[%swap3A_1237, %swap3A_1238], %swap3A_1241 {strides = array<i32>} : memref<128x128xf32, #tpu.memory_space<vmem>>, vector<1x16xf32>,
        %get3A_1242 = arith.index_cast %add3A_1230 : i32 to index
        %get3A_1243 = arith.constant 16 : index
        %get3A_1244 = tpu.vector_load %arg11[%get3A_1242, %get3A_1243] {strides = array<i32>} : memref<128x128xf32, #tpu.memory_space<vmem>>, vector<1x16xf32>,
        %get3A_1245 = vector.shape_cast %get3A_1244 : vector<1x16xf32> to vector<16xf32>
        %mul3A_1246 = vector.broadcast %squeeze3A_1226 : f32 to vector<16xf32>
        %mul3A_1247 = arith.mulf %get3A_1245, %mul3A_1246 : vector<16xf32>
        %swap3A_1248 = arith.index_cast %add3A_1230 : i32 to index
        %swap3A_1249 = arith.constant 16 : index
        %swap3A_1250 = tpu.vector_load %arg11[%swap3A_1248, %swap3A_1249] {strides = array<i32>} : memref<128x128xf32, #tpu.memory_space<vmem>>, vector<1x16xf32>,
        %swap3A_1251 = vector.shape_cast %swap3A_1250 : vector<1x16xf32> to vector<16xf32>
        %swap3A_1252 = vector.shape_cast %mul3A_1247 : vector<16xf32> to vector<1x16xf32>
        tpu.vector_store %arg11[%swap3A_1248, %swap3A_1249], %swap3A_1252 {strides = array<i32>} : memref<128x128xf32, #tpu.memory_space<vmem>>, vector<1x16xf32>,
        %get3A_1253 = arith.index_cast %add3A_1230 : i32 to index
        %get3A_1254 = arith.constant 32 : index
        %get3A_1255 = tpu.vector_load %arg11[%get3A_1253, %get3A_1254] {strides = array<i32>} : memref<128x128xf32, #tpu.memory_space<vmem>>, vector<1x16xf32>,
        %get3A_1256 = vector.shape_cast %get3A_1255 : vector<1x16xf32> to vector<16xf32>
        %mul3A_1257 = vector.broadcast %squeeze3A_1226 : f32 to vector<16xf32>
        %mul3A_1258 = arith.mulf %get3A_1256, %mul3A_1257 : vector<16xf32>
        %swap3A_1259 = arith.index_cast %add3A_1230 : i32 to index
        %swap3A_1260 = arith.constant 32 : index
        %swap3A_1261 = tpu.vector_load %arg11[%swap3A_1259, %swap3A_1260] {strides = array<i32>} : memref<128x128xf32, #tpu.memory_space<vmem>>, vector<1x16xf32>,
        %swap3A_1262 = vector.shape_cast %swap3A_1261 : vector<1x16xf32> to vector<16xf32>
        %swap3A_1263 = vector.shape_cast %mul3A_1258 : vector<16xf32> to vector<1x16xf32>
        tpu.vector_store %arg11[%swap3A_1259, %swap3A_1260], %swap3A_1263 {strides = array<i32>} : memref<128x128xf32, #tpu.memory_space<vmem>>, vector<1x16xf32>,
        %get3A_1264 = arith.index_cast %add3A_1230 : i32 to index
        %get3A_1265 = arith.constant 48 : index
        %get3A_1266 = tpu.vector_load %arg11[%get3A_1264, %get3A_1265] {strides = array<i32>} : memref<128x128xf32, #tpu.memory_space<vmem>>, vector<1x16xf32>,
        %get3A_1267 = vector.shape_cast %get3A_1266 : vector<1x16xf32> to vector<16xf32>
        %mul3A_1268 = vector.broadcast %squeeze3A_1226 : f32 to vector<16xf32>
        %mul3A_1269 = arith.mulf %get3A_1267, %mul3A_1268 : vector<16xf32>
        %swap3A_1270 = arith.index_cast %add3A_1230 : i32 to index
        %swap3A_1271 = arith.constant 48 : index
        %swap3A_1272 = tpu.vector_load %arg11[%swap3A_1270, %swap3A_1271] {strides = array<i32>} : memref<128x128xf32, #tpu.memory_space<vmem>>, vector<1x16xf32>,
        %swap3A_1273 = vector.shape_cast %swap3A_1272 : vector<1x16xf32> to vector<16xf32>
        %swap3A_1274 = vector.shape_cast %mul3A_1269 : vector<16xf32> to vector<1x16xf32>
        tpu.vector_store %arg11[%swap3A_1270, %swap3A_1271], %swap3A_1274 {strides = array<i32>} : memref<128x128xf32, #tpu.memory_space<vmem>>, vector<1x16xf32>,
        %get3A_1275 = arith.index_cast %add3A_1230 : i32 to index
        %get3A_1276 = arith.constant 64 : index
        %get3A_1277 = tpu.vector_load %arg11[%get3A_1275, %get3A_1276] {strides = array<i32>} : memref<128x128xf32, #tpu.memory_space<vmem>>, vector<1x16xf32>,
        %get3A_1278 = vector.shape_cast %get3A_1277 : vector<1x16xf32> to vector<16xf32>
        %mul3A_1279 = vector.broadcast %squeeze3A_1226 : f32 to vector<16xf32>
        %mul3A_1280 = arith.mulf %get3A_1278, %mul3A_1279 : vector<16xf32>
        %swap3A_1281 = arith.index_cast %add3A_1230 : i32 to index
        %swap3A_1282 = arith.constant 64 : index
        %swap3A_1283 = tpu.vector_load %arg11[%swap3A_1281, %swap3A_1282] {strides = array<i32>} : memref<128x128xf32, #tpu.memory_space<vmem>>, vector<1x16xf32>,
        %swap3A_1284 = vector.shape_cast %swap3A_1283 : vector<1x16xf32> to vector<16xf32>
        %swap3A_1285 = vector.shape_cast %mul3A_1280 : vector<16xf32> to vector<1x16xf32>
        tpu.vector_store %arg11[%swap3A_1281, %swap3A_1282], %swap3A_1285 {strides = array<i32>} : memref<128x128xf32, #tpu.memory_space<vmem>>, vector<1x16xf32>,
        %get3A_1286 = arith.index_cast %add3A_1230 : i32 to index
        %get3A_1287 = arith.constant 80 : index
        %get3A_1288 = tpu.vector_load %arg11[%get3A_1286, %get3A_1287] {strides = array<i32>} : memref<128x128xf32, #tpu.memory_space<vmem>>, vector<1x16xf32>,
        %get3A_1289 = vector.shape_cast %get3A_1288 : vector<1x16xf32> to vector<16xf32>
        %mul3A_1290 = vector.broadcast %squeeze3A_1226 : f32 to vector<16xf32>
        %mul3A_1291 = arith.mulf %get3A_1289, %mul3A_1290 : vector<16xf32>
        %swap3A_1292 = arith.index_cast %add3A_1230 : i32 to index
        %swap3A_1293 = arith.constant 80 : index
        %swap3A_1294 = tpu.vector_load %arg11[%swap3A_1292, %swap3A_1293] {strides = array<i32>} : memref<128x128xf32, #tpu.memory_space<vmem>>, vector<1x16xf32>,
        %swap3A_1295 = vector.shape_cast %swap3A_1294 : vector<1x16xf32> to vector<16xf32>
        %swap3A_1296 = vector.shape_cast %mul3A_1291 : vector<16xf32> to vector<1x16xf32>
        tpu.vector_store %arg11[%swap3A_1292, %swap3A_1293], %swap3A_1296 {strides = array<i32>} : memref<128x128xf32, #tpu.memory_space<vmem>>, vector<1x16xf32>,
        %get3A_1297 = arith.index_cast %add3A_1230 : i32 to index
        %get3A_1298 = arith.constant 96 : index
        %get3A_1299 = tpu.vector_load %arg11[%get3A_1297, %get3A_1298] {strides = array<i32>} : memref<128x128xf32, #tpu.memory_space<vmem>>, vector<1x16xf32>,
        %get3A_1300 = vector.shape_cast %get3A_1299 : vector<1x16xf32> to vector<16xf32>
        %mul3A_1301 = vector.broadcast %squeeze3A_1226 : f32 to vector<16xf32>
        %mul3A_1302 = arith.mulf %get3A_1300, %mul3A_1301 : vector<16xf32>
        %swap3A_1303 = arith.index_cast %add3A_1230 : i32 to index
        %swap3A_1304 = arith.constant 96 : index
        %swap3A_1305 = tpu.vector_load %arg11[%swap3A_1303, %swap3A_1304] {strides = array<i32>} : memref<128x128xf32, #tpu.memory_space<vmem>>, vector<1x16xf32>,
        %swap3A_1306 = vector.shape_cast %swap3A_1305 : vector<1x16xf32> to vector<16xf32>
        %swap3A_1307 = vector.shape_cast %mul3A_1302 : vector<16xf32> to vector<1x16xf32>
        tpu.vector_store %arg11[%swap3A_1303, %swap3A_1304], %swap3A_1307 {strides = array<i32>} : memref<128x128xf32, #tpu.memory_space<vmem>>, vector<1x16xf32>,
        %get3A_1308 = arith.index_cast %add3A_1230 : i32 to index
        %get3A_1309 = arith.constant 112 : index
        %get3A_1310 = tpu.vector_load %arg11[%get3A_1308, %get3A_1309] {strides = array<i32>} : memref<128x128xf32, #tpu.memory_space<vmem>>, vector<1x16xf32>,
        %get3A_1311 = vector.shape_cast %get3A_1310 : vector<1x16xf32> to vector<16xf32>
        %mul3A_1312 = vector.broadcast %squeeze3A_1226 : f32 to vector<16xf32>
        %mul3A_1313 = arith.mulf %get3A_1311, %mul3A_1312 : vector<16xf32>
        %swap3A_1314 = arith.index_cast %add3A_1230 : i32 to index
        %swap3A_1315 = arith.constant 112 : index
        %swap3A_1316 = tpu.vector_load %arg11[%swap3A_1314, %swap3A_1315] {strides = array<i32>} : memref<128x128xf32, #tpu.memory_space<vmem>>, vector<1x16xf32>,
        %swap3A_1317 = vector.shape_cast %swap3A_1316 : vector<1x16xf32> to vector<16xf32>
        %swap3A_1318 = vector.shape_cast %mul3A_1313 : vector<16xf32> to vector<1x16xf32>
        tpu.vector_store %arg11[%swap3A_1314, %swap3A_1315], %swap3A_1318 {strides = array<i32>} : memref<128x128xf32, #tpu.memory_space<vmem>>, vector<1x16xf32>,
        %slice3A_1319 = vector.extract_strided_slice %get3A_193 {offsets = [12], sizes = [1], strides = [1]} : vector<16xf32> to vector<1xf32>
        %squeeze3A_1320 = vector.extract %slice3A_1319[0] : f32 from vector<1xf32>
        %mul3A_1321 = arith.constant 16 : i32
        %mul3A_1322 = arith.muli %scan3A_188, %mul3A_1321 : i32
        %add3A_1323 = arith.constant 12 : i32
        %add3A_1324 = arith.addi %mul3A_1322, %add3A_1323 : i32
        %get3A_1325 = arith.index_cast %add3A_1324 : i32 to index
        %get3A_1326 = arith.constant 0 : index
        %get3A_1327 = tpu.vector_load %arg11[%get3A_1325, %get3A_1326] {strides = array<i32>} : memref<128x128xf32, #tpu.memory_space<vmem>>, vector<1x16xf32>,
        %get3A_1328 = vector.shape_cast %get3A_1327 : vector<1x16xf32> to vector<16xf32>
        %mul3A_1329 = vector.broadcast %squeeze3A_1320 : f32 to vector<16xf32>
        %mul3A_1330 = arith.mulf %get3A_1328, %mul3A_1329 : vector<16xf32>
        %swap3A_1331 = arith.index_cast %add3A_1324 : i32 to index
        %swap3A_1332 = arith.constant 0 : index
        %swap3A_1333 = tpu.vector_load %arg11[%swap3A_1331, %swap3A_1332] {strides = array<i32>} : memref<128x128xf32, #tpu.memory_space<vmem>>, vector<1x16xf32>,
        %swap3A_1334 = vector.shape_cast %swap3A_1333 : vector<1x16xf32> to vector<16xf32>
        %swap3A_1335 = vector.shape_cast %mul3A_1330 : vector<16xf32> to vector<1x16xf32>
        tpu.vector_store %arg11[%swap3A_1331, %swap3A_1332], %swap3A_1335 {strides = array<i32>} : memref<128x128xf32, #tpu.memory_space<vmem>>, vector<1x16xf32>,
        %get3A_1336 = arith.index_cast %add3A_1324 : i32 to index
        %get3A_1337 = arith.constant 16 : index
        %get3A_1338 = tpu.vector_load %arg11[%get3A_1336, %get3A_1337] {strides = array<i32>} : memref<128x128xf32, #tpu.memory_space<vmem>>, vector<1x16xf32>,
        %get3A_1339 = vector.shape_cast %get3A_1338 : vector<1x16xf32> to vector<16xf32>
        %mul3A_1340 = vector.broadcast %squeeze3A_1320 : f32 to vector<16xf32>
        %mul3A_1341 = arith.mulf %get3A_1339, %mul3A_1340 : vector<16xf32>
        %swap3A_1342 = arith.index_cast %add3A_1324 : i32 to index
        %swap3A_1343 = arith.constant 16 : index
        %swap3A_1344 = tpu.vector_load %arg11[%swap3A_1342, %swap3A_1343] {strides = array<i32>} : memref<128x128xf32, #tpu.memory_space<vmem>>, vector<1x16xf32>,
        %swap3A_1345 = vector.shape_cast %swap3A_1344 : vector<1x16xf32> to vector<16xf32>
        %swap3A_1346 = vector.shape_cast %mul3A_1341 : vector<16xf32> to vector<1x16xf32>
        tpu.vector_store %arg11[%swap3A_1342, %swap3A_1343], %swap3A_1346 {strides = array<i32>} : memref<128x128xf32, #tpu.memory_space<vmem>>, vector<1x16xf32>,
        %get3A_1347 = arith.index_cast %add3A_1324 : i32 to index
        %get3A_1348 = arith.constant 32 : index
        %get3A_1349 = tpu.vector_load %arg11[%get3A_1347, %get3A_1348] {strides = array<i32>} : memref<128x128xf32, #tpu.memory_space<vmem>>, vector<1x16xf32>,
        %get3A_1350 = vector.shape_cast %get3A_1349 : vector<1x16xf32> to vector<16xf32>
        %mul3A_1351 = vector.broadcast %squeeze3A_1320 : f32 to vector<16xf32>
        %mul3A_1352 = arith.mulf %get3A_1350, %mul3A_1351 : vector<16xf32>
        %swap3A_1353 = arith.index_cast %add3A_1324 : i32 to index
        %swap3A_1354 = arith.constant 32 : index
        %swap3A_1355 = tpu.vector_load %arg11[%swap3A_1353, %swap3A_1354] {strides = array<i32>} : memref<128x128xf32, #tpu.memory_space<vmem>>, vector<1x16xf32>,
        %swap3A_1356 = vector.shape_cast %swap3A_1355 : vector<1x16xf32> to vector<16xf32>
        %swap3A_1357 = vector.shape_cast %mul3A_1352 : vector<16xf32> to vector<1x16xf32>
        tpu.vector_store %arg11[%swap3A_1353, %swap3A_1354], %swap3A_1357 {strides = array<i32>} : memref<128x128xf32, #tpu.memory_space<vmem>>, vector<1x16xf32>,
        %get3A_1358 = arith.index_cast %add3A_1324 : i32 to index
        %get3A_1359 = arith.constant 48 : index
        %get3A_1360 = tpu.vector_load %arg11[%get3A_1358, %get3A_1359] {strides = array<i32>} : memref<128x128xf32, #tpu.memory_space<vmem>>, vector<1x16xf32>,
        %get3A_1361 = vector.shape_cast %get3A_1360 : vector<1x16xf32> to vector<16xf32>
        %mul3A_1362 = vector.broadcast %squeeze3A_1320 : f32 to vector<16xf32>
        %mul3A_1363 = arith.mulf %get3A_1361, %mul3A_1362 : vector<16xf32>
        %swap3A_1364 = arith.index_cast %add3A_1324 : i32 to index
        %swap3A_1365 = arith.constant 48 : index
        %swap3A_1366 = tpu.vector_load %arg11[%swap3A_1364, %swap3A_1365] {strides = array<i32>} : memref<128x128xf32, #tpu.memory_space<vmem>>, vector<1x16xf32>,
        %swap3A_1367 = vector.shape_cast %swap3A_1366 : vector<1x16xf32> to vector<16xf32>
        %swap3A_1368 = vector.shape_cast %mul3A_1363 : vector<16xf32> to vector<1x16xf32>
        tpu.vector_store %arg11[%swap3A_1364, %swap3A_1365], %swap3A_1368 {strides = array<i32>} : memref<128x128xf32, #tpu.memory_space<vmem>>, vector<1x16xf32>,
        %get3A_1369 = arith.index_cast %add3A_1324 : i32 to index
        %get3A_1370 = arith.constant 64 : index
        %get3A_1371 = tpu.vector_load %arg11[%get3A_1369, %get3A_1370] {strides = array<i32>} : memref<128x128xf32, #tpu.memory_space<vmem>>, vector<1x16xf32>,
        %get3A_1372 = vector.shape_cast %get3A_1371 : vector<1x16xf32> to vector<16xf32>
        %mul3A_1373 = vector.broadcast %squeeze3A_1320 : f32 to vector<16xf32>
        %mul3A_1374 = arith.mulf %get3A_1372, %mul3A_1373 : vector<16xf32>
        %swap3A_1375 = arith.index_cast %add3A_1324 : i32 to index
        %swap3A_1376 = arith.constant 64 : index
        %swap3A_1377 = tpu.vector_load %arg11[%swap3A_1375, %swap3A_1376] {strides = array<i32>} : memref<128x128xf32, #tpu.memory_space<vmem>>, vector<1x16xf32>,
        %swap3A_1378 = vector.shape_cast %swap3A_1377 : vector<1x16xf32> to vector<16xf32>
        %swap3A_1379 = vector.shape_cast %mul3A_1374 : vector<16xf32> to vector<1x16xf32>
        tpu.vector_store %arg11[%swap3A_1375, %swap3A_1376], %swap3A_1379 {strides = array<i32>} : memref<128x128xf32, #tpu.memory_space<vmem>>, vector<1x16xf32>,
        %get3A_1380 = arith.index_cast %add3A_1324 : i32 to index
        %get3A_1381 = arith.constant 80 : index
        %get3A_1382 = tpu.vector_load %arg11[%get3A_1380, %get3A_1381] {strides = array<i32>} : memref<128x128xf32, #tpu.memory_space<vmem>>, vector<1x16xf32>,
        %get3A_1383 = vector.shape_cast %get3A_1382 : vector<1x16xf32> to vector<16xf32>
        %mul3A_1384 = vector.broadcast %squeeze3A_1320 : f32 to vector<16xf32>
        %mul3A_1385 = arith.mulf %get3A_1383, %mul3A_1384 : vector<16xf32>
        %swap3A_1386 = arith.index_cast %add3A_1324 : i32 to index
        %swap3A_1387 = arith.constant 80 : index
        %swap3A_1388 = tpu.vector_load %arg11[%swap3A_1386, %swap3A_1387] {strides = array<i32>} : memref<128x128xf32, #tpu.memory_space<vmem>>, vector<1x16xf32>,
        %swap3A_1389 = vector.shape_cast %swap3A_1388 : vector<1x16xf32> to vector<16xf32>
        %swap3A_1390 = vector.shape_cast %mul3A_1385 : vector<16xf32> to vector<1x16xf32>
        tpu.vector_store %arg11[%swap3A_1386, %swap3A_1387], %swap3A_1390 {strides = array<i32>} : memref<128x128xf32, #tpu.memory_space<vmem>>, vector<1x16xf32>,
        %get3A_1391 = arith.index_cast %add3A_1324 : i32 to index
        %get3A_1392 = arith.constant 96 : index
        %get3A_1393 = tpu.vector_load %arg11[%get3A_1391, %get3A_1392] {strides = array<i32>} : memref<128x128xf32, #tpu.memory_space<vmem>>, vector<1x16xf32>,
        %get3A_1394 = vector.shape_cast %get3A_1393 : vector<1x16xf32> to vector<16xf32>
        %mul3A_1395 = vector.broadcast %squeeze3A_1320 : f32 to vector<16xf32>
        %mul3A_1396 = arith.mulf %get3A_1394, %mul3A_1395 : vector<16xf32>
        %swap3A_1397 = arith.index_cast %add3A_1324 : i32 to index
        %swap3A_1398 = arith.constant 96 : index
        %swap3A_1399 = tpu.vector_load %arg11[%swap3A_1397, %swap3A_1398] {strides = array<i32>} : memref<128x128xf32, #tpu.memory_space<vmem>>, vector<1x16xf32>,
        %swap3A_1400 = vector.shape_cast %swap3A_1399 : vector<1x16xf32> to vector<16xf32>
        %swap3A_1401 = vector.shape_cast %mul3A_1396 : vector<16xf32> to vector<1x16xf32>
        tpu.vector_store %arg11[%swap3A_1397, %swap3A_1398], %swap3A_1401 {strides = array<i32>} : memref<128x128xf32, #tpu.memory_space<vmem>>, vector<1x16xf32>,
        %get3A_1402 = arith.index_cast %add3A_1324 : i32 to index
        %get3A_1403 = arith.constant 112 : index
        %get3A_1404 = tpu.vector_load %arg11[%get3A_1402, %get3A_1403] {strides = array<i32>} : memref<128x128xf32, #tpu.memory_space<vmem>>, vector<1x16xf32>,
        %get3A_1405 = vector.shape_cast %get3A_1404 : vector<1x16xf32> to vector<16xf32>
        %mul3A_1406 = vector.broadcast %squeeze3A_1320 : f32 to vector<16xf32>
        %mul3A_1407 = arith.mulf %get3A_1405, %mul3A_1406 : vector<16xf32>
        %swap3A_1408 = arith.index_cast %add3A_1324 : i32 to index
        %swap3A_1409 = arith.constant 112 : index
        %swap3A_1410 = tpu.vector_load %arg11[%swap3A_1408, %swap3A_1409] {strides = array<i32>} : memref<128x128xf32, #tpu.memory_space<vmem>>, vector<1x16xf32>,
        %swap3A_1411 = vector.shape_cast %swap3A_1410 : vector<1x16xf32> to vector<16xf32>
        %swap3A_1412 = vector.shape_cast %mul3A_1407 : vector<16xf32> to vector<1x16xf32>
        tpu.vector_store %arg11[%swap3A_1408, %swap3A_1409], %swap3A_1412 {strides = array<i32>} : memref<128x128xf32, #tpu.memory_space<vmem>>, vector<1x16xf32>,
        %slice3A_1413 = vector.extract_strided_slice %get3A_193 {offsets = [13], sizes = [1], strides = [1]} : vector<16xf32> to vector<1xf32>
        %squeeze3A_1414 = vector.extract %slice3A_1413[0] : f32 from vector<1xf32>
        %mul3A_1415 = arith.constant 16 : i32
        %mul3A_1416 = arith.muli %scan3A_188, %mul3A_1415 : i32
        %add3A_1417 = arith.constant 13 : i32
        %add3A_1418 = arith.addi %mul3A_1416, %add3A_1417 : i32
        %get3A_1419 = arith.index_cast %add3A_1418 : i32 to index
        %get3A_1420 = arith.constant 0 : index
        %get3A_1421 = tpu.vector_load %arg11[%get3A_1419, %get3A_1420] {strides = array<i32>} : memref<128x128xf32, #tpu.memory_space<vmem>>, vector<1x16xf32>,
        %get3A_1422 = vector.shape_cast %get3A_1421 : vector<1x16xf32> to vector<16xf32>
        %mul3A_1423 = vector.broadcast %squeeze3A_1414 : f32 to vector<16xf32>
        %mul3A_1424 = arith.mulf %get3A_1422, %mul3A_1423 : vector<16xf32>
        %swap3A_1425 = arith.index_cast %add3A_1418 : i32 to index
        %swap3A_1426 = arith.constant 0 : index
        %swap3A_1427 = tpu.vector_load %arg11[%swap3A_1425, %swap3A_1426] {strides = array<i32>} : memref<128x128xf32, #tpu.memory_space<vmem>>, vector<1x16xf32>,
        %swap3A_1428 = vector.shape_cast %swap3A_1427 : vector<1x16xf32> to vector<16xf32>
        %swap3A_1429 = vector.shape_cast %mul3A_1424 : vector<16xf32> to vector<1x16xf32>
        tpu.vector_store %arg11[%swap3A_1425, %swap3A_1426], %swap3A_1429 {strides = array<i32>} : memref<128x128xf32, #tpu.memory_space<vmem>>, vector<1x16xf32>,
        %get3A_1430 = arith.index_cast %add3A_1418 : i32 to index
        %get3A_1431 = arith.constant 16 : index
        %get3A_1432 = tpu.vector_load %arg11[%get3A_1430, %get3A_1431] {strides = array<i32>} : memref<128x128xf32, #tpu.memory_space<vmem>>, vector<1x16xf32>,
        %get3A_1433 = vector.shape_cast %get3A_1432 : vector<1x16xf32> to vector<16xf32>
        %mul3A_1434 = vector.broadcast %squeeze3A_1414 : f32 to vector<16xf32>
        %mul3A_1435 = arith.mulf %get3A_1433, %mul3A_1434 : vector<16xf32>
        %swap3A_1436 = arith.index_cast %add3A_1418 : i32 to index
        %swap3A_1437 = arith.constant 16 : index
        %swap3A_1438 = tpu.vector_load %arg11[%swap3A_1436, %swap3A_1437] {strides = array<i32>} : memref<128x128xf32, #tpu.memory_space<vmem>>, vector<1x16xf32>,
        %swap3A_1439 = vector.shape_cast %swap3A_1438 : vector<1x16xf32> to vector<16xf32>
        %swap3A_1440 = vector.shape_cast %mul3A_1435 : vector<16xf32> to vector<1x16xf32>
        tpu.vector_store %arg11[%swap3A_1436, %swap3A_1437], %swap3A_1440 {strides = array<i32>} : memref<128x128xf32, #tpu.memory_space<vmem>>, vector<1x16xf32>,
        %get3A_1441 = arith.index_cast %add3A_1418 : i32 to index
        %get3A_1442 = arith.constant 32 : index
        %get3A_1443 = tpu.vector_load %arg11[%get3A_1441, %get3A_1442] {strides = array<i32>} : memref<128x128xf32, #tpu.memory_space<vmem>>, vector<1x16xf32>,
        %get3A_1444 = vector.shape_cast %get3A_1443 : vector<1x16xf32> to vector<16xf32>
        %mul3A_1445 = vector.broadcast %squeeze3A_1414 : f32 to vector<16xf32>
        %mul3A_1446 = arith.mulf %get3A_1444, %mul3A_1445 : vector<16xf32>
        %swap3A_1447 = arith.index_cast %add3A_1418 : i32 to index
        %swap3A_1448 = arith.constant 32 : index
        %swap3A_1449 = tpu.vector_load %arg11[%swap3A_1447, %swap3A_1448] {strides = array<i32>} : memref<128x128xf32, #tpu.memory_space<vmem>>, vector<1x16xf32>,
        %swap3A_1450 = vector.shape_cast %swap3A_1449 : vector<1x16xf32> to vector<16xf32>
        %swap3A_1451 = vector.shape_cast %mul3A_1446 : vector<16xf32> to vector<1x16xf32>
        tpu.vector_store %arg11[%swap3A_1447, %swap3A_1448], %swap3A_1451 {strides = array<i32>} : memref<128x128xf32, #tpu.memory_space<vmem>>, vector<1x16xf32>,
        %get3A_1452 = arith.index_cast %add3A_1418 : i32 to index
        %get3A_1453 = arith.constant 48 : index
        %get3A_1454 = tpu.vector_load %arg11[%get3A_1452, %get3A_1453] {strides = array<i32>} : memref<128x128xf32, #tpu.memory_space<vmem>>, vector<1x16xf32>,
        %get3A_1455 = vector.shape_cast %get3A_1454 : vector<1x16xf32> to vector<16xf32>
        %mul3A_1456 = vector.broadcast %squeeze3A_1414 : f32 to vector<16xf32>
        %mul3A_1457 = arith.mulf %get3A_1455, %mul3A_1456 : vector<16xf32>
        %swap3A_1458 = arith.index_cast %add3A_1418 : i32 to index
        %swap3A_1459 = arith.constant 48 : index
        %swap3A_1460 = tpu.vector_load %arg11[%swap3A_1458, %swap3A_1459] {strides = array<i32>} : memref<128x128xf32, #tpu.memory_space<vmem>>, vector<1x16xf32>,
        %swap3A_1461 = vector.shape_cast %swap3A_1460 : vector<1x16xf32> to vector<16xf32>
        %swap3A_1462 = vector.shape_cast %mul3A_1457 : vector<16xf32> to vector<1x16xf32>
        tpu.vector_store %arg11[%swap3A_1458, %swap3A_1459], %swap3A_1462 {strides = array<i32>} : memref<128x128xf32, #tpu.memory_space<vmem>>, vector<1x16xf32>,
        %get3A_1463 = arith.index_cast %add3A_1418 : i32 to index
        %get3A_1464 = arith.constant 64 : index
        %get3A_1465 = tpu.vector_load %arg11[%get3A_1463, %get3A_1464] {strides = array<i32>} : memref<128x128xf32, #tpu.memory_space<vmem>>, vector<1x16xf32>,
        %get3A_1466 = vector.shape_cast %get3A_1465 : vector<1x16xf32> to vector<16xf32>
        %mul3A_1467 = vector.broadcast %squeeze3A_1414 : f32 to vector<16xf32>
        %mul3A_1468 = arith.mulf %get3A_1466, %mul3A_1467 : vector<16xf32>
        %swap3A_1469 = arith.index_cast %add3A_1418 : i32 to index
        %swap3A_1470 = arith.constant 64 : index
        %swap3A_1471 = tpu.vector_load %arg11[%swap3A_1469, %swap3A_1470] {strides = array<i32>} : memref<128x128xf32, #tpu.memory_space<vmem>>, vector<1x16xf32>,
        %swap3A_1472 = vector.shape_cast %swap3A_1471 : vector<1x16xf32> to vector<16xf32>
        %swap3A_1473 = vector.shape_cast %mul3A_1468 : vector<16xf32> to vector<1x16xf32>
        tpu.vector_store %arg11[%swap3A_1469, %swap3A_1470], %swap3A_1473 {strides = array<i32>} : memref<128x128xf32, #tpu.memory_space<vmem>>, vector<1x16xf32>,
        %get3A_1474 = arith.index_cast %add3A_1418 : i32 to index
        %get3A_1475 = arith.constant 80 : index
        %get3A_1476 = tpu.vector_load %arg11[%get3A_1474, %get3A_1475] {strides = array<i32>} : memref<128x128xf32, #tpu.memory_space<vmem>>, vector<1x16xf32>,
        %get3A_1477 = vector.shape_cast %get3A_1476 : vector<1x16xf32> to vector<16xf32>
        %mul3A_1478 = vector.broadcast %squeeze3A_1414 : f32 to vector<16xf32>
        %mul3A_1479 = arith.mulf %get3A_1477, %mul3A_1478 : vector<16xf32>
        %swap3A_1480 = arith.index_cast %add3A_1418 : i32 to index
        %swap3A_1481 = arith.constant 80 : index
        %swap3A_1482 = tpu.vector_load %arg11[%swap3A_1480, %swap3A_1481] {strides = array<i32>} : memref<128x128xf32, #tpu.memory_space<vmem>>, vector<1x16xf32>,
        %swap3A_1483 = vector.shape_cast %swap3A_1482 : vector<1x16xf32> to vector<16xf32>
        %swap3A_1484 = vector.shape_cast %mul3A_1479 : vector<16xf32> to vector<1x16xf32>
        tpu.vector_store %arg11[%swap3A_1480, %swap3A_1481], %swap3A_1484 {strides = array<i32>} : memref<128x128xf32, #tpu.memory_space<vmem>>, vector<1x16xf32>,
        %get3A_1485 = arith.index_cast %add3A_1418 : i32 to index
        %get3A_1486 = arith.constant 96 : index
        %get3A_1487 = tpu.vector_load %arg11[%get3A_1485, %get3A_1486] {strides = array<i32>} : memref<128x128xf32, #tpu.memory_space<vmem>>, vector<1x16xf32>,
        %get3A_1488 = vector.shape_cast %get3A_1487 : vector<1x16xf32> to vector<16xf32>
        %mul3A_1489 = vector.broadcast %squeeze3A_1414 : f32 to vector<16xf32>
        %mul3A_1490 = arith.mulf %get3A_1488, %mul3A_1489 : vector<16xf32>
        %swap3A_1491 = arith.index_cast %add3A_1418 : i32 to index
        %swap3A_1492 = arith.constant 96 : index
        %swap3A_1493 = tpu.vector_load %arg11[%swap3A_1491, %swap3A_1492] {strides = array<i32>} : memref<128x128xf32, #tpu.memory_space<vmem>>, vector<1x16xf32>,
        %swap3A_1494 = vector.shape_cast %swap3A_1493 : vector<1x16xf32> to vector<16xf32>
        %swap3A_1495 = vector.shape_cast %mul3A_1490 : vector<16xf32> to vector<1x16xf32>
        tpu.vector_store %arg11[%swap3A_1491, %swap3A_1492], %swap3A_1495 {strides = array<i32>} : memref<128x128xf32, #tpu.memory_space<vmem>>, vector<1x16xf32>,
        %get3A_1496 = arith.index_cast %add3A_1418 : i32 to index
        %get3A_1497 = arith.constant 112 : index
        %get3A_1498 = tpu.vector_load %arg11[%get3A_1496, %get3A_1497] {strides = array<i32>} : memref<128x128xf32, #tpu.memory_space<vmem>>, vector<1x16xf32>,
        %get3A_1499 = vector.shape_cast %get3A_1498 : vector<1x16xf32> to vector<16xf32>
        %mul3A_1500 = vector.broadcast %squeeze3A_1414 : f32 to vector<16xf32>
        %mul3A_1501 = arith.mulf %get3A_1499, %mul3A_1500 : vector<16xf32>
        %swap3A_1502 = arith.index_cast %add3A_1418 : i32 to index
        %swap3A_1503 = arith.constant 112 : index
        %swap3A_1504 = tpu.vector_load %arg11[%swap3A_1502, %swap3A_1503] {strides = array<i32>} : memref<128x128xf32, #tpu.memory_space<vmem>>, vector<1x16xf32>,
        %swap3A_1505 = vector.shape_cast %swap3A_1504 : vector<1x16xf32> to vector<16xf32>
        %swap3A_1506 = vector.shape_cast %mul3A_1501 : vector<16xf32> to vector<1x16xf32>
        tpu.vector_store %arg11[%swap3A_1502, %swap3A_1503], %swap3A_1506 {strides = array<i32>} : memref<128x128xf32, #tpu.memory_space<vmem>>, vector<1x16xf32>,
        %slice3A_1507 = vector.extract_strided_slice %get3A_193 {offsets = [14], sizes = [1], strides = [1]} : vector<16xf32> to vector<1xf32>
        %squeeze3A_1508 = vector.extract %slice3A_1507[0] : f32 from vector<1xf32>
        %mul3A_1509 = arith.constant 16 : i32
        %mul3A_1510 = arith.muli %scan3A_188, %mul3A_1509 : i32
        %add3A_1511 = arith.constant 14 : i32
        %add3A_1512 = arith.addi %mul3A_1510, %add3A_1511 : i32
        %get3A_1513 = arith.index_cast %add3A_1512 : i32 to index
        %get3A_1514 = arith.constant 0 : index
        %get3A_1515 = tpu.vector_load %arg11[%get3A_1513, %get3A_1514] {strides = array<i32>} : memref<128x128xf32, #tpu.memory_space<vmem>>, vector<1x16xf32>,
        %get3A_1516 = vector.shape_cast %get3A_1515 : vector<1x16xf32> to vector<16xf32>
        %mul3A_1517 = vector.broadcast %squeeze3A_1508 : f32 to vector<16xf32>
        %mul3A_1518 = arith.mulf %get3A_1516, %mul3A_1517 : vector<16xf32>
        %swap3A_1519 = arith.index_cast %add3A_1512 : i32 to index
        %swap3A_1520 = arith.constant 0 : index
        %swap3A_1521 = tpu.vector_load %arg11[%swap3A_1519, %swap3A_1520] {strides = array<i32>} : memref<128x128xf32, #tpu.memory_space<vmem>>, vector<1x16xf32>,
        %swap3A_1522 = vector.shape_cast %swap3A_1521 : vector<1x16xf32> to vector<16xf32>
        %swap3A_1523 = vector.shape_cast %mul3A_1518 : vector<16xf32> to vector<1x16xf32>
        tpu.vector_store %arg11[%swap3A_1519, %swap3A_1520], %swap3A_1523 {strides = array<i32>} : memref<128x128xf32, #tpu.memory_space<vmem>>, vector<1x16xf32>,
        %get3A_1524 = arith.index_cast %add3A_1512 : i32 to index
        %get3A_1525 = arith.constant 16 : index
        %get3A_1526 = tpu.vector_load %arg11[%get3A_1524, %get3A_1525] {strides = array<i32>} : memref<128x128xf32, #tpu.memory_space<vmem>>, vector<1x16xf32>,
        %get3A_1527 = vector.shape_cast %get3A_1526 : vector<1x16xf32> to vector<16xf32>
        %mul3A_1528 = vector.broadcast %squeeze3A_1508 : f32 to vector<16xf32>
        %mul3A_1529 = arith.mulf %get3A_1527, %mul3A_1528 : vector<16xf32>
        %swap3A_1530 = arith.index_cast %add3A_1512 : i32 to index
        %swap3A_1531 = arith.constant 16 : index
        %swap3A_1532 = tpu.vector_load %arg11[%swap3A_1530, %swap3A_1531] {strides = array<i32>} : memref<128x128xf32, #tpu.memory_space<vmem>>, vector<1x16xf32>,
        %swap3A_1533 = vector.shape_cast %swap3A_1532 : vector<1x16xf32> to vector<16xf32>
        %swap3A_1534 = vector.shape_cast %mul3A_1529 : vector<16xf32> to vector<1x16xf32>
        tpu.vector_store %arg11[%swap3A_1530, %swap3A_1531], %swap3A_1534 {strides = array<i32>} : memref<128x128xf32, #tpu.memory_space<vmem>>, vector<1x16xf32>,
        %get3A_1535 = arith.index_cast %add3A_1512 : i32 to index
        %get3A_1536 = arith.constant 32 : index
        %get3A_1537 = tpu.vector_load %arg11[%get3A_1535, %get3A_1536] {strides = array<i32>} : memref<128x128xf32, #tpu.memory_space<vmem>>, vector<1x16xf32>,
        %get3A_1538 = vector.shape_cast %get3A_1537 : vector<1x16xf32> to vector<16xf32>
        %mul3A_1539 = vector.broadcast %squeeze3A_1508 : f32 to vector<16xf32>
        %mul3A_1540 = arith.mulf %get3A_1538, %mul3A_1539 : vector<16xf32>
        %swap3A_1541 = arith.index_cast %add3A_1512 : i32 to index
        %swap3A_1542 = arith.constant 32 : index
        %swap3A_1543 = tpu.vector_load %arg11[%swap3A_1541, %swap3A_1542] {strides = array<i32>} : memref<128x128xf32, #tpu.memory_space<vmem>>, vector<1x16xf32>,
        %swap3A_1544 = vector.shape_cast %swap3A_1543 : vector<1x16xf32> to vector<16xf32>
        %swap3A_1545 = vector.shape_cast %mul3A_1540 : vector<16xf32> to vector<1x16xf32>
        tpu.vector_store %arg11[%swap3A_1541, %swap3A_1542], %swap3A_1545 {strides = array<i32>} : memref<128x128xf32, #tpu.memory_space<vmem>>, vector<1x16xf32>,
        %get3A_1546 = arith.index_cast %add3A_1512 : i32 to index
        %get3A_1547 = arith.constant 48 : index
        %get3A_1548 = tpu.vector_load %arg11[%get3A_1546, %get3A_1547] {strides = array<i32>} : memref<128x128xf32, #tpu.memory_space<vmem>>, vector<1x16xf32>,
        %get3A_1549 = vector.shape_cast %get3A_1548 : vector<1x16xf32> to vector<16xf32>
        %mul3A_1550 = vector.broadcast %squeeze3A_1508 : f32 to vector<16xf32>
        %mul3A_1551 = arith.mulf %get3A_1549, %mul3A_1550 : vector<16xf32>
        %swap3A_1552 = arith.index_cast %add3A_1512 : i32 to index
        %swap3A_1553 = arith.constant 48 : index
        %swap3A_1554 = tpu.vector_load %arg11[%swap3A_1552, %swap3A_1553] {strides = array<i32>} : memref<128x128xf32, #tpu.memory_space<vmem>>, vector<1x16xf32>,
        %swap3A_1555 = vector.shape_cast %swap3A_1554 : vector<1x16xf32> to vector<16xf32>
        %swap3A_1556 = vector.shape_cast %mul3A_1551 : vector<16xf32> to vector<1x16xf32>
        tpu.vector_store %arg11[%swap3A_1552, %swap3A_1553], %swap3A_1556 {strides = array<i32>} : memref<128x128xf32, #tpu.memory_space<vmem>>, vector<1x16xf32>,
        %get3A_1557 = arith.index_cast %add3A_1512 : i32 to index
        %get3A_1558 = arith.constant 64 : index
        %get3A_1559 = tpu.vector_load %arg11[%get3A_1557, %get3A_1558] {strides = array<i32>} : memref<128x128xf32, #tpu.memory_space<vmem>>, vector<1x16xf32>,
        %get3A_1560 = vector.shape_cast %get3A_1559 : vector<1x16xf32> to vector<16xf32>
        %mul3A_1561 = vector.broadcast %squeeze3A_1508 : f32 to vector<16xf32>
        %mul3A_1562 = arith.mulf %get3A_1560, %mul3A_1561 : vector<16xf32>
        %swap3A_1563 = arith.index_cast %add3A_1512 : i32 to index
        %swap3A_1564 = arith.constant 64 : index
        %swap3A_1565 = tpu.vector_load %arg11[%swap3A_1563, %swap3A_1564] {strides = array<i32>} : memref<128x128xf32, #tpu.memory_space<vmem>>, vector<1x16xf32>,
        %swap3A_1566 = vector.shape_cast %swap3A_1565 : vector<1x16xf32> to vector<16xf32>
        %swap3A_1567 = vector.shape_cast %mul3A_1562 : vector<16xf32> to vector<1x16xf32>
        tpu.vector_store %arg11[%swap3A_1563, %swap3A_1564], %swap3A_1567 {strides = array<i32>} : memref<128x128xf32, #tpu.memory_space<vmem>>, vector<1x16xf32>,
        %get3A_1568 = arith.index_cast %add3A_1512 : i32 to index
        %get3A_1569 = arith.constant 80 : index
        %get3A_1570 = tpu.vector_load %arg11[%get3A_1568, %get3A_1569] {strides = array<i32>} : memref<128x128xf32, #tpu.memory_space<vmem>>, vector<1x16xf32>,
        %get3A_1571 = vector.shape_cast %get3A_1570 : vector<1x16xf32> to vector<16xf32>
        %mul3A_1572 = vector.broadcast %squeeze3A_1508 : f32 to vector<16xf32>
        %mul3A_1573 = arith.mulf %get3A_1571, %mul3A_1572 : vector<16xf32>
        %swap3A_1574 = arith.index_cast %add3A_1512 : i32 to index
        %swap3A_1575 = arith.constant 80 : index
        %swap3A_1576 = tpu.vector_load %arg11[%swap3A_1574, %swap3A_1575] {strides = array<i32>} : memref<128x128xf32, #tpu.memory_space<vmem>>, vector<1x16xf32>,
        %swap3A_1577 = vector.shape_cast %swap3A_1576 : vector<1x16xf32> to vector<16xf32>
        %swap3A_1578 = vector.shape_cast %mul3A_1573 : vector<16xf32> to vector<1x16xf32>
        tpu.vector_store %arg11[%swap3A_1574, %swap3A_1575], %swap3A_1578 {strides = array<i32>} : memref<128x128xf32, #tpu.memory_space<vmem>>, vector<1x16xf32>,
        %get3A_1579 = arith.index_cast %add3A_1512 : i32 to index
        %get3A_1580 = arith.constant 96 : index
        %get3A_1581 = tpu.vector_load %arg11[%get3A_1579, %get3A_1580] {strides = array<i32>} : memref<128x128xf32, #tpu.memory_space<vmem>>, vector<1x16xf32>,
        %get3A_1582 = vector.shape_cast %get3A_1581 : vector<1x16xf32> to vector<16xf32>
        %mul3A_1583 = vector.broadcast %squeeze3A_1508 : f32 to vector<16xf32>
        %mul3A_1584 = arith.mulf %get3A_1582, %mul3A_1583 : vector<16xf32>
        %swap3A_1585 = arith.index_cast %add3A_1512 : i32 to index
        %swap3A_1586 = arith.constant 96 : index
        %swap3A_1587 = tpu.vector_load %arg11[%swap3A_1585, %swap3A_1586] {strides = array<i32>} : memref<128x128xf32, #tpu.memory_space<vmem>>, vector<1x16xf32>,
        %swap3A_1588 = vector.shape_cast %swap3A_1587 : vector<1x16xf32> to vector<16xf32>
        %swap3A_1589 = vector.shape_cast %mul3A_1584 : vector<16xf32> to vector<1x16xf32>
        tpu.vector_store %arg11[%swap3A_1585, %swap3A_1586], %swap3A_1589 {strides = array<i32>} : memref<128x128xf32, #tpu.memory_space<vmem>>, vector<1x16xf32>,
        %get3A_1590 = arith.index_cast %add3A_1512 : i32 to index
        %get3A_1591 = arith.constant 112 : index
        %get3A_1592 = tpu.vector_load %arg11[%get3A_1590, %get3A_1591] {strides = array<i32>} : memref<128x128xf32, #tpu.memory_space<vmem>>, vector<1x16xf32>,
        %get3A_1593 = vector.shape_cast %get3A_1592 : vector<1x16xf32> to vector<16xf32>
        %mul3A_1594 = vector.broadcast %squeeze3A_1508 : f32 to vector<16xf32>
        %mul3A_1595 = arith.mulf %get3A_1593, %mul3A_1594 : vector<16xf32>
        %swap3A_1596 = arith.index_cast %add3A_1512 : i32 to index
        %swap3A_1597 = arith.constant 112 : index
        %swap3A_1598 = tpu.vector_load %arg11[%swap3A_1596, %swap3A_1597] {strides = array<i32>} : memref<128x128xf32, #tpu.memory_space<vmem>>, vector<1x16xf32>,
        %swap3A_1599 = vector.shape_cast %swap3A_1598 : vector<1x16xf32> to vector<16xf32>
        %swap3A_1600 = vector.shape_cast %mul3A_1595 : vector<16xf32> to vector<1x16xf32>
        tpu.vector_store %arg11[%swap3A_1596, %swap3A_1597], %swap3A_1600 {strides = array<i32>} : memref<128x128xf32, #tpu.memory_space<vmem>>, vector<1x16xf32>,
        %slice3A_1601 = vector.extract_strided_slice %get3A_193 {offsets = [15], sizes = [1], strides = [1]} : vector<16xf32> to vector<1xf32>
        %squeeze3A_1602 = vector.extract %slice3A_1601[0] : f32 from vector<1xf32>
        %mul3A_1603 = arith.constant 16 : i32
        %mul3A_1604 = arith.muli %scan3A_188, %mul3A_1603 : i32
        %add3A_1605 = arith.constant 15 : i32
        %add3A_1606 = arith.addi %mul3A_1604, %add3A_1605 : i32
        %get3A_1607 = arith.index_cast %add3A_1606 : i32 to index
        %get3A_1608 = arith.constant 0 : index
        %get3A_1609 = tpu.vector_load %arg11[%get3A_1607, %get3A_1608] {strides = array<i32>} : memref<128x128xf32, #tpu.memory_space<vmem>>, vector<1x16xf32>,
        %get3A_1610 = vector.shape_cast %get3A_1609 : vector<1x16xf32> to vector<16xf32>
        %mul3A_1611 = vector.broadcast %squeeze3A_1602 : f32 to vector<16xf32>
        %mul3A_1612 = arith.mulf %get3A_1610, %mul3A_1611 : vector<16xf32>
        %swap3A_1613 = arith.index_cast %add3A_1606 : i32 to index
        %swap3A_1614 = arith.constant 0 : index
        %swap3A_1615 = tpu.vector_load %arg11[%swap3A_1613, %swap3A_1614] {strides = array<i32>} : memref<128x128xf32, #tpu.memory_space<vmem>>, vector<1x16xf32>,
        %swap3A_1616 = vector.shape_cast %swap3A_1615 : vector<1x16xf32> to vector<16xf32>
        %swap3A_1617 = vector.shape_cast %mul3A_1612 : vector<16xf32> to vector<1x16xf32>
        tpu.vector_store %arg11[%swap3A_1613, %swap3A_1614], %swap3A_1617 {strides = array<i32>} : memref<128x128xf32, #tpu.memory_space<vmem>>, vector<1x16xf32>,
        %get3A_1618 = arith.index_cast %add3A_1606 : i32 to index
        %get3A_1619 = arith.constant 16 : index
        %get3A_1620 = tpu.vector_load %arg11[%get3A_1618, %get3A_1619] {strides = array<i32>} : memref<128x128xf32, #tpu.memory_space<vmem>>, vector<1x16xf32>,
        %get3A_1621 = vector.shape_cast %get3A_1620 : vector<1x16xf32> to vector<16xf32>
        %mul3A_1622 = vector.broadcast %squeeze3A_1602 : f32 to vector<16xf32>
        %mul3A_1623 = arith.mulf %get3A_1621, %mul3A_1622 : vector<16xf32>
        %swap3A_1624 = arith.index_cast %add3A_1606 : i32 to index
        %swap3A_1625 = arith.constant 16 : index
        %swap3A_1626 = tpu.vector_load %arg11[%swap3A_1624, %swap3A_1625] {strides = array<i32>} : memref<128x128xf32, #tpu.memory_space<vmem>>, vector<1x16xf32>,
        %swap3A_1627 = vector.shape_cast %swap3A_1626 : vector<1x16xf32> to vector<16xf32>
        %swap3A_1628 = vector.shape_cast %mul3A_1623 : vector<16xf32> to vector<1x16xf32>
        tpu.vector_store %arg11[%swap3A_1624, %swap3A_1625], %swap3A_1628 {strides = array<i32>} : memref<128x128xf32, #tpu.memory_space<vmem>>, vector<1x16xf32>,
        %get3A_1629 = arith.index_cast %add3A_1606 : i32 to index
        %get3A_1630 = arith.constant 32 : index
        %get3A_1631 = tpu.vector_load %arg11[%get3A_1629, %get3A_1630] {strides = array<i32>} : memref<128x128xf32, #tpu.memory_space<vmem>>, vector<1x16xf32>,
        %get3A_1632 = vector.shape_cast %get3A_1631 : vector<1x16xf32> to vector<16xf32>
        %mul3A_1633 = vector.broadcast %squeeze3A_1602 : f32 to vector<16xf32>
        %mul3A_1634 = arith.mulf %get3A_1632, %mul3A_1633 : vector<16xf32>
        %swap3A_1635 = arith.index_cast %add3A_1606 : i32 to index
        %swap3A_1636 = arith.constant 32 : index
        %swap3A_1637 = tpu.vector_load %arg11[%swap3A_1635, %swap3A_1636] {strides = array<i32>} : memref<128x128xf32, #tpu.memory_space<vmem>>, vector<1x16xf32>,
        %swap3A_1638 = vector.shape_cast %swap3A_1637 : vector<1x16xf32> to vector<16xf32>
        %swap3A_1639 = vector.shape_cast %mul3A_1634 : vector<16xf32> to vector<1x16xf32>
        tpu.vector_store %arg11[%swap3A_1635, %swap3A_1636], %swap3A_1639 {strides = array<i32>} : memref<128x128xf32, #tpu.memory_space<vmem>>, vector<1x16xf32>,
        %get3A_1640 = arith.index_cast %add3A_1606 : i32 to index
        %get3A_1641 = arith.constant 48 : index
        %get3A_1642 = tpu.vector_load %arg11[%get3A_1640, %get3A_1641] {strides = array<i32>} : memref<128x128xf32, #tpu.memory_space<vmem>>, vector<1x16xf32>,
        %get3A_1643 = vector.shape_cast %get3A_1642 : vector<1x16xf32> to vector<16xf32>
        %mul3A_1644 = vector.broadcast %squeeze3A_1602 : f32 to vector<16xf32>
        %mul3A_1645 = arith.mulf %get3A_1643, %mul3A_1644 : vector<16xf32>
        %swap3A_1646 = arith.index_cast %add3A_1606 : i32 to index
        %swap3A_1647 = arith.constant 48 : index
        %swap3A_1648 = tpu.vector_load %arg11[%swap3A_1646, %swap3A_1647] {strides = array<i32>} : memref<128x128xf32, #tpu.memory_space<vmem>>, vector<1x16xf32>,
        %swap3A_1649 = vector.shape_cast %swap3A_1648 : vector<1x16xf32> to vector<16xf32>
        %swap3A_1650 = vector.shape_cast %mul3A_1645 : vector<16xf32> to vector<1x16xf32>
        tpu.vector_store %arg11[%swap3A_1646, %swap3A_1647], %swap3A_1650 {strides = array<i32>} : memref<128x128xf32, #tpu.memory_space<vmem>>, vector<1x16xf32>,
        %get3A_1651 = arith.index_cast %add3A_1606 : i32 to index
        %get3A_1652 = arith.constant 64 : index
        %get3A_1653 = tpu.vector_load %arg11[%get3A_1651, %get3A_1652] {strides = array<i32>} : memref<128x128xf32, #tpu.memory_space<vmem>>, vector<1x16xf32>,
        %get3A_1654 = vector.shape_cast %get3A_1653 : vector<1x16xf32> to vector<16xf32>
        %mul3A_1655 = vector.broadcast %squeeze3A_1602 : f32 to vector<16xf32>
        %mul3A_1656 = arith.mulf %get3A_1654, %mul3A_1655 : vector<16xf32>
        %swap3A_1657 = arith.index_cast %add3A_1606 : i32 to index
        %swap3A_1658 = arith.constant 64 : index
        %swap3A_1659 = tpu.vector_load %arg11[%swap3A_1657, %swap3A_1658] {strides = array<i32>} : memref<128x128xf32, #tpu.memory_space<vmem>>, vector<1x16xf32>,
        %swap3A_1660 = vector.shape_cast %swap3A_1659 : vector<1x16xf32> to vector<16xf32>
        %swap3A_1661 = vector.shape_cast %mul3A_1656 : vector<16xf32> to vector<1x16xf32>
        tpu.vector_store %arg11[%swap3A_1657, %swap3A_1658], %swap3A_1661 {strides = array<i32>} : memref<128x128xf32, #tpu.memory_space<vmem>>, vector<1x16xf32>,
        %get3A_1662 = arith.index_cast %add3A_1606 : i32 to index
        %get3A_1663 = arith.constant 80 : index
        %get3A_1664 = tpu.vector_load %arg11[%get3A_1662, %get3A_1663] {strides = array<i32>} : memref<128x128xf32, #tpu.memory_space<vmem>>, vector<1x16xf32>,
        %get3A_1665 = vector.shape_cast %get3A_1664 : vector<1x16xf32> to vector<16xf32>
        %mul3A_1666 = vector.broadcast %squeeze3A_1602 : f32 to vector<16xf32>
        %mul3A_1667 = arith.mulf %get3A_1665, %mul3A_1666 : vector<16xf32>
        %swap3A_1668 = arith.index_cast %add3A_1606 : i32 to index
        %swap3A_1669 = arith.constant 80 : index
        %swap3A_1670 = tpu.vector_load %arg11[%swap3A_1668, %swap3A_1669] {strides = array<i32>} : memref<128x128xf32, #tpu.memory_space<vmem>>, vector<1x16xf32>,
        %swap3A_1671 = vector.shape_cast %swap3A_1670 : vector<1x16xf32> to vector<16xf32>
        %swap3A_1672 = vector.shape_cast %mul3A_1667 : vector<16xf32> to vector<1x16xf32>
        tpu.vector_store %arg11[%swap3A_1668, %swap3A_1669], %swap3A_1672 {strides = array<i32>} : memref<128x128xf32, #tpu.memory_space<vmem>>, vector<1x16xf32>,
        %get3A_1673 = arith.index_cast %add3A_1606 : i32 to index
        %get3A_1674 = arith.constant 96 : index
        %get3A_1675 = tpu.vector_load %arg11[%get3A_1673, %get3A_1674] {strides = array<i32>} : memref<128x128xf32, #tpu.memory_space<vmem>>, vector<1x16xf32>,
        %get3A_1676 = vector.shape_cast %get3A_1675 : vector<1x16xf32> to vector<16xf32>
        %mul3A_1677 = vector.broadcast %squeeze3A_1602 : f32 to vector<16xf32>
        %mul3A_1678 = arith.mulf %get3A_1676, %mul3A_1677 : vector<16xf32>
        %swap3A_1679 = arith.index_cast %add3A_1606 : i32 to index
        %swap3A_1680 = arith.constant 96 : index
        %swap3A_1681 = tpu.vector_load %arg11[%swap3A_1679, %swap3A_1680] {strides = array<i32>} : memref<128x128xf32, #tpu.memory_space<vmem>>, vector<1x16xf32>,
        %swap3A_1682 = vector.shape_cast %swap3A_1681 : vector<1x16xf32> to vector<16xf32>
        %swap3A_1683 = vector.shape_cast %mul3A_1678 : vector<16xf32> to vector<1x16xf32>
        tpu.vector_store %arg11[%swap3A_1679, %swap3A_1680], %swap3A_1683 {strides = array<i32>} : memref<128x128xf32, #tpu.memory_space<vmem>>, vector<1x16xf32>,
        %get3A_1684 = arith.index_cast %add3A_1606 : i32 to index
        %get3A_1685 = arith.constant 112 : index
        %get3A_1686 = tpu.vector_load %arg11[%get3A_1684, %get3A_1685] {strides = array<i32>} : memref<128x128xf32, #tpu.memory_space<vmem>>, vector<1x16xf32>,
        %get3A_1687 = vector.shape_cast %get3A_1686 : vector<1x16xf32> to vector<16xf32>
        %mul3A_1688 = vector.broadcast %squeeze3A_1602 : f32 to vector<16xf32>
        %mul3A_1689 = arith.mulf %get3A_1687, %mul3A_1688 : vector<16xf32>
        %swap3A_1690 = arith.index_cast %add3A_1606 : i32 to index
        %swap3A_1691 = arith.constant 112 : index
        %swap3A_1692 = tpu.vector_load %arg11[%swap3A_1690, %swap3A_1691] {strides = array<i32>} : memref<128x128xf32, #tpu.memory_space<vmem>>, vector<1x16xf32>,
        %swap3A_1693 = vector.shape_cast %swap3A_1692 : vector<1x16xf32> to vector<16xf32>
        %swap3A_1694 = vector.shape_cast %mul3A_1689 : vector<16xf32> to vector<1x16xf32>
        tpu.vector_store %arg11[%swap3A_1690, %swap3A_1691], %swap3A_1694 {strides = array<i32>} : memref<128x128xf32, #tpu.memory_space<vmem>>, vector<1x16xf32>,
      }
      %scan3A_187 = arith.constant 8 : i32
      "tpu.region"() ({
        %run_scoped3A = tpu.sem_alloc : memref<!tpu.dma_semaphore, #tpu.memory_space<semaphore_mem>>
        %dma_start3A_188 = arith.constant 0 : i32
        %dma_start3A_189 = tpu.memref_slice %arg9[%scan3A_161, %dma_start3A_188] : memref<79x128xi32, #tpu.memory_space<vmem>> -> memref<1x128xi32, #tpu.memory_space<vmem>>
        %dma_start3A_190 = tpu.memref_squeeze %dma_start3A_189 : memref<1x128xi32, #tpu.memory_space<vmem>> -> memref<128xi32, #tpu.memory_space<vmem>>
        %dma_start3A_191 = arith.constant 0 : i32
        %dma_start3A_192 = arith.constant 0 : i32
        %dma_start3A_193 = tpu.memref_slice %arg13[%dma_start3A_191, %dma_start3A_192] : memref<10240x128xf32, #tpu.memory_space<vmem_shared>> -> memref<10240x128xf32, #tpu.memory_space<vmem_shared>>
        tpu.enqueue_indirect_dma source(%arg11 : memref<128x128xf32, #tpu.memory_space<vmem>>) target(%dma_start3A_193 : memref<10240x128xf32, #tpu.memory_space<vmem_shared>>) offsets(%dma_start3A_190 : memref<128xi32, #tpu.memory_space<vmem>>) semaphore(%run_scoped3A : memref<!tpu.dma_semaphore, #tpu.memory_space<semaphore_mem>>) {add = true}
        %dma_wait3A_194 = arith.constant 0 : i32
        %dma_wait3A_195 = tpu.memref_slice %arg9[%scan3A_161, %dma_wait3A_194] : memref<79x128xi32, #tpu.memory_space<vmem>> -> memref<1x128xi32, #tpu.memory_space<vmem>>
        %dma_wait3A_196 = tpu.memref_squeeze %dma_wait3A_195 : memref<1x128xi32, #tpu.memory_space<vmem>> -> memref<128xi32, #tpu.memory_space<vmem>>
        %dma_wait3A_197 = arith.constant 0 : i32
        %dma_wait3A_198 = arith.constant 0 : i32
        %dma_wait3A_199 = tpu.memref_slice %arg13[%dma_wait3A_197, %dma_wait3A_198] : memref<10240x128xf32, #tpu.memory_space<vmem_shared>> -> memref<10240x128xf32, #tpu.memory_space<vmem_shared>>
        tpu.wait_indirect_dma semaphore(%run_scoped3A : memref<!tpu.dma_semaphore, #tpu.memory_space<semaphore_mem>>) src(%arg11 : memref<128x128xf32, #tpu.memory_space<vmem>>) dst(%dma_wait3A_199 : memref<10240x128xf32, #tpu.memory_space<vmem_shared>>)
        tpu.yield
      }) : () -> ()
    }
    %scan3A_142 = arith.constant 79 : i32
    %scan3A_143 = arith.constant 0 : i32
    %scan3A_144 = arith.constant 0 : i32
    %scan3A_145 = arith.constant 79 : i32
    %scan3A_146 = arith.addi %scan3A_144, %scan3A_145 : i32
    %scan3A_147 = arith.constant 1 : i32
    scf.for %scan3A_161 = %scan3A_144 to %scan3A_146 step %scan3A_147  : i32 {
      %dma_wait3A_162 = arith.constant 0 : i32
      %dma_wait3A_163 = tpu.memref_slice %arg10[%scan3A_161, %dma_wait3A_162] : memref<79x128xf32, #tpu.memory_space<vmem>> -> memref<1x128xf32, #tpu.memory_space<vmem>>
      %dma_wait3A_164 = tpu.memref_squeeze %dma_wait3A_163 : memref<1x128xf32, #tpu.memory_space<vmem>> -> memref<128xf32, #tpu.memory_space<vmem>>
      %dma_wait3A_165 = arith.constant 0 : i32
      %dma_wait3A_166 = tpu.memref_slice %arg9[%scan3A_161, %dma_wait3A_165] : memref<79x128xi32, #tpu.memory_space<vmem>> -> memref<1x128xi32, #tpu.memory_space<vmem>>
      %dma_wait3A_167 = tpu.memref_squeeze %dma_wait3A_166 : memref<1x128xi32, #tpu.memory_space<vmem>> -> memref<128xi32, #tpu.memory_space<vmem>>
      %dma_wait3A_168 = arith.constant 0 : i32
      %dma_wait3A_169 = tpu.memref_slice %arg14[%dma_wait3A_168] : memref<10240xf32, #tpu.memory_space<vmem_shared>> -> memref<10240xf32, #tpu.memory_space<vmem_shared>>
      tpu.wait_indirect_dma semaphore(%arg16 : memref<!tpu.dma_semaphore, #tpu.memory_space<semaphore_mem>>) src(%dma_wait3A_164 : memref<128xf32, #tpu.memory_space<vmem>>) dst(%dma_wait3A_169 : memref<10240xf32, #tpu.memory_space<vmem_shared>>)
    }
    %scan3A_148 = arith.constant 79 : i32
    %barrier3A_149 = arith.constant 0 : index
    tpu.barrier barrier_id(%barrier3A_149)
    %mul3A_150 = arith.constant 640 : i32
    %mul3A_151 = arith.muli %arg1, %mul3A_150 : i32
    %mul3A_152 = arith.constant 640 : i32
    %mul3A_153 = arith.muli %arg1, %mul3A_152 : i32
    "tpu.region"() ({
      %run_scoped3A = tpu.sem_alloc : memref<!tpu.dma_semaphore, #tpu.memory_space<semaphore_mem>>
      %dma_start3A_161 = arith.constant 0 : i32
      %dma_start3A_162 = tpu.memref_slice %arg6[%arg0, %mul3A_153, %dma_start3A_161] : memref<2x10240x128xf32, #tpu.memory_space<hbm>> -> memref<1x640x128xf32, #tpu.memory_space<hbm>>
      %dma_start3A_163 = tpu.memref_squeeze %dma_start3A_162 : memref<1x640x128xf32, #tpu.memory_space<hbm>> -> memref<640x128xf32, #tpu.memory_space<hbm>>
      %dma_start3A_164 = arith.constant 0 : i32
      %dma_start3A_165 = tpu.memref_slice %arg13[%mul3A_151, %dma_start3A_164] : memref<10240x128xf32, #tpu.memory_space<vmem_shared>> -> memref<640x128xf32, #tpu.memory_space<vmem_shared>>
      tpu.enqueue_dma source(%dma_start3A_165 : memref<640x128xf32, #tpu.memory_space<vmem_shared>>) target(%dma_start3A_163 : memref<640x128xf32, #tpu.memory_space<hbm>>) target_semaphore(%run_scoped3A : memref<!tpu.dma_semaphore, #tpu.memory_space<semaphore_mem>>)
      %dma_wait3A_166 = arith.constant 0 : i32
      %dma_wait3A_167 = tpu.memref_slice %arg6[%arg0, %mul3A_153, %dma_wait3A_166] : memref<2x10240x128xf32, #tpu.memory_space<hbm>> -> memref<1x640x128xf32, #tpu.memory_space<hbm>>
      %dma_wait3A_168 = tpu.memref_squeeze %dma_wait3A_167 : memref<1x640x128xf32, #tpu.memory_space<hbm>> -> memref<640x128xf32, #tpu.memory_space<hbm>>
      %dma_wait3A_169 = arith.constant 0 : i32
      %dma_wait3A_170 = tpu.memref_slice %arg13[%mul3A_151, %dma_wait3A_169] : memref<10240x128xf32, #tpu.memory_space<vmem_shared>> -> memref<640x128xf32, #tpu.memory_space<vmem_shared>>
      tpu.wait_dma2 semaphore(%run_scoped3A : memref<!tpu.dma_semaphore, #tpu.memory_space<semaphore_mem>>) src(%dma_wait3A_170 : memref<640x128xf32, #tpu.memory_space<vmem_shared>>) dst(%dma_wait3A_168 : memref<640x128xf32, #tpu.memory_space<hbm>>)
      tpu.yield
    }) : () -> ()
    %mul3A_154 = arith.constant 640 : i32
    %mul3A_155 = arith.muli %arg1, %mul3A_154 : i32
    %mul3A_156 = arith.constant 10240 : i32
    %mul3A_157 = arith.muli %arg0, %mul3A_156 : i32
    %mul3A_158 = arith.constant 640 : i32
    %mul3A_159 = arith.muli %arg1, %mul3A_158 : i32
    %add3A_160 = arith.addi %mul3A_157, %mul3A_159 : i32
    "tpu.region"() ({
      %run_scoped3A = tpu.sem_alloc : memref<!tpu.dma_semaphore, #tpu.memory_space<semaphore_mem>>
      %dma_start3A_161 = tpu.memref_slice %arg7[%add3A_160] : memref<20480xf32, #tpu.memory_space<hbm>> -> memref<640xf32, #tpu.memory_space<hbm>>
      %dma_start3A_162 = tpu.memref_slice %arg14[%mul3A_155] : memref<10240xf32, #tpu.memory_space<vmem_shared>> -> memref<640xf32, #tpu.memory_space<vmem_shared>>
      tpu.enqueue_dma source(%dma_start3A_162 : memref<640xf32, #tpu.memory_space<vmem_shared>>) target(%dma_start3A_161 : memref<640xf32, #tpu.memory_space<hbm>>) target_semaphore(%run_scoped3A : memref<!tpu.dma_semaphore, #tpu.memory_space<semaphore_mem>>)
      %dma_wait3A_163 = tpu.memref_slice %arg7[%add3A_160] : memref<20480xf32, #tpu.memory_space<hbm>> -> memref<640xf32, #tpu.memory_space<hbm>>
      %dma_wait3A_164 = tpu.memref_slice %arg14[%mul3A_155] : memref<10240xf32, #tpu.memory_space<vmem_shared>> -> memref<640xf32, #tpu.memory_space<vmem_shared>>
      tpu.wait_dma2 semaphore(%run_scoped3A : memref<!tpu.dma_semaphore, #tpu.memory_space<semaphore_mem>>) src(%dma_wait3A_164 : memref<640xf32, #tpu.memory_space<vmem_shared>>) dst(%dma_wait3A_163 : memref<640xf32, #tpu.memory_space<hbm>>)
      tpu.yield
    }) : () -> ()
    return
  }
}

#map = affine_map<(d0, d1) -> (0, 0)>
#map1 = affine_map<(d0, d1) -> (0, 0, 0)>
#map2 = affine_map<(d0, d1) -> (0)>
module attributes {stable_mosaic.version = 14 : i64} {
  func.func @k(%arg0: i32, %arg1: i32, %arg2: memref<10000x128xf32, #tpu.memory_space<hbm>>, %arg3: memref<32x79x128xi32, #tpu.memory_space<hbm>>, %arg4: memref<32x79x128xi32, #tpu.memory_space<hbm>>, %arg5: memref<32x79x128xf32, #tpu.memory_space<hbm>>, %arg6: memref<2x10240x128xf32, #tpu.memory_space<hbm>>, %arg7: memref<20480xf32, #tpu.memory_space<hbm>>, %arg8: memref<79x128xi32, #tpu.memory_space<vmem>>, %arg9: memref<79x128xi32, #tpu.memory_space<vmem>>, %arg10: memref<79x128xf32, #tpu.memory_space<vmem>>, %arg11: memref<128x128xf32, #tpu.memory_space<vmem>>, %arg12: memref<640xf32, #tpu.memory_space<vmem>>, %arg13: memref<10240x128xf32, #tpu.memory_space<vmem_shared>>, %arg14: memref<10240xf32, #tpu.memory_space<vmem_shared>>, %arg15: memref<!tpu.dma_semaphore, #tpu.memory_space<semaphore_mem>>, %arg16: memref<!tpu.dma_semaphore, #tpu.memory_space<semaphore_mem>>) attributes {dimension_semantics = [#tpu.dimension_semantics<core_parallel>, #tpu.dimension_semantics<subcore_parallel>], iteration_bounds = array<i64: 2, 16>, scalar_prefetch = 0 : i64, scratch_operands = 9 : i64, tpu.core_type = #tpu.core_type<sc_vector_subcore>, window_params = [{transform_indices = #map}, {transform_indices = #map1}, {transform_indices = #map1}, {transform_indices = #map1}, {transform_indices = #map1}, {transform_indices = #map2}]} {
    %mul3A = arith.constant 16 : i32
    %mul3A_0 = arith.muli %arg0, %mul3A : i32
    %add3A = arith.addi %mul3A_0, %arg1 : i32
    %broadcast_in_dim3A = arith.constant 0.000000e+00 : f32
    %broadcast_in_dim3A_1 = vector.broadcast %broadcast_in_dim3A : f32 to vector<16xf32>
    %scan3A = arith.constant 0 : i32
    %scan3A_2 = arith.constant 0 : i32
    %scan3A_3 = arith.constant 128 : i32
    %scan3A_4 = arith.addi %scan3A_2, %scan3A_3 : i32
    %scan3A_5 = arith.constant 1 : i32
    scf.for %scan3A_161 = %scan3A_2 to %scan3A_4 step %scan3A_5  : i32 {
      %swap3A = arith.index_cast %scan3A_161 : i32 to index
      %swap3A_162 = arith.constant 0 : index
      %swap3A_163 = tpu.vector_load %arg11[%swap3A, %swap3A_162] {strides = array<i32>} : memref<128x128xf32, #tpu.memory_space<vmem>>, vector<1x16xf32>,
      %swap3A_164 = vector.shape_cast %swap3A_163 : vector<1x16xf32> to vector<16xf32>
      %swap3A_165 = vector.shape_cast %broadcast_in_dim3A_1 : vector<16xf32> to vector<1x16xf32>
      tpu.vector_store %arg11[%swap3A, %swap3A_162], %swap3A_165 {strides = array<i32>} : memref<128x128xf32, #tpu.memory_space<vmem>>, vector<1x16xf32>,
      %swap3A_166 = arith.index_cast %scan3A_161 : i32 to index
      %swap3A_167 = arith.constant 16 : index
      %swap3A_168 = tpu.vector_load %arg11[%swap3A_166, %swap3A_167] {strides = array<i32>} : memref<128x128xf32, #tpu.memory_space<vmem>>, vector<1x16xf32>,
      %swap3A_169 = vector.shape_cast %swap3A_168 : vector<1x16xf32> to vector<16xf32>
      %swap3A_170 = vector.shape_cast %broadcast_in_dim3A_1 : vector<16xf32> to vector<1x16xf32>
      tpu.vector_store %arg11[%swap3A_166, %swap3A_167], %swap3A_170 {strides = array<i32>} : memref<128x128xf32, #tpu.memory_space<vmem>>, vector<1x16xf32>,
      %swap3A_171 = arith.index_cast %scan3A_161 : i32 to index
      %swap3A_172 = arith.constant 32 : index
      %swap3A_173 = tpu.vector_load %arg11[%swap3A_171, %swap3A_172] {strides = array<i32>} : memref<128x128xf32, #tpu.memory_space<vmem>>, vector<1x16xf32>,
      %swap3A_174 = vector.shape_cast %swap3A_173 : vector<1x16xf32> to vector<16xf32>
      %swap3A_175 = vector.shape_cast %broadcast_in_dim3A_1 : vector<16xf32> to vector<1x16xf32>
      tpu.vector_store %arg11[%swap3A_171, %swap3A_172], %swap3A_175 {strides = array<i32>} : memref<128x128xf32, #tpu.memory_space<vmem>>, vector<1x16xf32>,
      %swap3A_176 = arith.index_cast %scan3A_161 : i32 to index
      %swap3A_177 = arith.constant 48 : index
      %swap3A_178 = tpu.vector_load %arg11[%swap3A_176, %swap3A_177] {strides = array<i32>} : memref<128x128xf32, #tpu.memory_space<vmem>>, vector<1x16xf32>,
      %swap3A_179 = vector.shape_cast %swap3A_178 : vector<1x16xf32> to vector<16xf32>
      %swap3A_180 = vector.shape_cast %broadcast_in_dim3A_1 : vector<16xf32> to vector<1x16xf32>
      tpu.vector_store %arg11[%swap3A_176, %swap3A_177], %swap3A_180 {strides = array<i32>} : memref<128x128xf32, #tpu.memory_space<vmem>>, vector<1x16xf32>,
      %swap3A_181 = arith.index_cast %scan3A_161 : i32 to index
      %swap3A_182 = arith.constant 64 : index
      %swap3A_183 = tpu.vector_load %arg11[%swap3A_181, %swap3A_182] {strides = array<i32>} : memref<128x128xf32, #tpu.memory_space<vmem>>, vector<1x16xf32>,
      %swap3A_184 = vector.shape_cast %swap3A_183 : vector<1x16xf32> to vector<16xf32>
      %swap3A_185 = vector.shape_cast %broadcast_in_dim3A_1 : vector<16xf32> to vector<1x16xf32>
      tpu.vector_store %arg11[%swap3A_181, %swap3A_182], %swap3A_185 {strides = array<i32>} : memref<128x128xf32, #tpu.memory_space<vmem>>, vector<1x16xf32>,
      %swap3A_186 = arith.index_cast %scan3A_161 : i32 to index
      %swap3A_187 = arith.constant 80 : index
      %swap3A_188 = tpu.vector_load %arg11[%swap3A_186, %swap3A_187] {strides = array<i32>} : memref<128x128xf32, #tpu.memory_space<vmem>>, vector<1x16xf32>,
      %swap3A_189 = vector.shape_cast %swap3A_188 : vector<1x16xf32> to vector<16xf32>
      %swap3A_190 = vector.shape_cast %broadcast_in_dim3A_1 : vector<16xf32> to vector<1x16xf32>
      tpu.vector_store %arg11[%swap3A_186, %swap3A_187], %swap3A_190 {strides = array<i32>} : memref<128x128xf32, #tpu.memory_space<vmem>>, vector<1x16xf32>,
      %swap3A_191 = arith.index_cast %scan3A_161 : i32 to index
      %swap3A_192 = arith.constant 96 : index
      %swap3A_193 = tpu.vector_load %arg11[%swap3A_191, %swap3A_192] {strides = array<i32>} : memref<128x128xf32, #tpu.memory_space<vmem>>, vector<1x16xf32>,
      %swap3A_194 = vector.shape_cast %swap3A_193 : vector<1x16xf32> to vector<16xf32>
      %swap3A_195 = vector.shape_cast %broadcast_in_dim3A_1 : vector<16xf32> to vector<1x16xf32>
      tpu.vector_store %arg11[%swap3A_191, %swap3A_192], %swap3A_195 {strides = array<i32>} : memref<128x128xf32, #tpu.memory_space<vmem>>, vector<1x16xf32>,
      %swap3A_196 = arith.index_cast %scan3A_161 : i32 to index
      %swap3A_197 = arith.constant 112 : index
      %swap3A_198 = tpu.vector_load %arg11[%swap3A_196, %swap3A_197] {strides = array<i32>} : memref<128x128xf32, #tpu.memory_space<vmem>>, vector<1x16xf32>,
      %swap3A_199 = vector.shape_cast %swap3A_198 : vector<1x16xf32> to vector<16xf32>
      %swap3A_200 = vector.shape_cast %broadcast_in_dim3A_1 : vector<16xf32> to vector<1x16xf32>
      tpu.vector_store %arg11[%swap3A_196, %swap3A_197], %swap3A_200 {strides = array<i32>} : memref<128x128xf32, #tpu.memory_space<vmem>>, vector<1x16xf32>,
    }
    %scan3A_6 = arith.constant 128 : i32
    %scan3A_7 = arith.constant 0 : i32
    %scan3A_8 = arith.constant 0 : i32
    %scan3A_9 = arith.constant 40 : i32
    %scan3A_10 = arith.addi %scan3A_8, %scan3A_9 : i32
    %scan3A_11 = arith.constant 1 : i32
    scf.for %scan3A_161 = %scan3A_8 to %scan3A_10 step %scan3A_11  : i32 {
      %mul3A_162 = arith.constant 16 : i32
      %mul3A_163 = arith.muli %scan3A_161, %mul3A_162 : i32
      %swap3A = arith.index_cast %mul3A_163 : i32 to index
      %swap3A_164 = tpu.vector_load %arg12[%swap3A] {strides = array<i32>} : memref<640xf32, #tpu.memory_space<vmem>>, vector<16xf32>,
      %swap3A_165 = vector.shape_cast %swap3A_164 : vector<16xf32> to vector<16xf32>
      %swap3A_166 = vector.shape_cast %broadcast_in_dim3A_1 : vector<16xf32> to vector<16xf32>
      tpu.vector_store %arg12[%swap3A], %swap3A_166 {strides = array<i32>} : memref<640xf32, #tpu.memory_space<vmem>>, vector<16xf32>,
    }
    %scan3A_12 = arith.constant 40 : i32
    %mul3A_13 = arith.constant 640 : i32
    %mul3A_14 = arith.muli %arg1, %mul3A_13 : i32
    %add3A_15 = arith.constant 0 : i32
    %add3A_16 = arith.addi %mul3A_14, %add3A_15 : i32
    %dma_start3A = arith.constant 0 : i32
    %dma_start3A_17 = tpu.memref_slice %arg13[%add3A_16, %dma_start3A] : memref<10240x128xf32, #tpu.memory_space<vmem_shared>> -> memref<128x128xf32, #tpu.memory_space<vmem_shared>>
    %dma_start3A_18 = arith.constant 0 : i32
    %dma_start3A_19 = tpu.memref_slice %arg13[%add3A_16, %dma_start3A_18] : memref<10240x128xf32, #tpu.memory_space<vmem_shared>> -> memref<128x128xf32, #tpu.memory_space<vmem_shared>>
    tpu.enqueue_dma source(%arg11 : memref<128x128xf32, #tpu.memory_space<vmem>>) target(%dma_start3A_19 : memref<128x128xf32, #tpu.memory_space<vmem_shared>>) target_semaphore(%arg15 : memref<!tpu.dma_semaphore, #tpu.memory_space<semaphore_mem>>)
    %mul3A_20 = arith.constant 640 : i32
    %mul3A_21 = arith.muli %arg1, %mul3A_20 : i32
    %add3A_22 = arith.constant 128 : i32
    %add3A_23 = arith.addi %mul3A_21, %add3A_22 : i32
    %dma_start3A_24 = arith.constant 0 : i32
    %dma_start3A_25 = tpu.memref_slice %arg13[%add3A_23, %dma_start3A_24] : memref<10240x128xf32, #tpu.memory_space<vmem_shared>> -> memref<128x128xf32, #tpu.memory_space<vmem_shared>>
    %dma_start3A_26 = arith.constant 0 : i32
    %dma_start3A_27 = tpu.memref_slice %arg13[%add3A_23, %dma_start3A_26] : memref<10240x128xf32, #tpu.memory_space<vmem_shared>> -> memref<128x128xf32, #tpu.memory_space<vmem_shared>>
    tpu.enqueue_dma source(%arg11 : memref<128x128xf32, #tpu.memory_space<vmem>>) target(%dma_start3A_27 : memref<128x128xf32, #tpu.memory_space<vmem_shared>>) target_semaphore(%arg15 : memref<!tpu.dma_semaphore, #tpu.memory_space<semaphore_mem>>)
    %mul3A_28 = arith.constant 640 : i32
    %mul3A_29 = arith.muli %arg1, %mul3A_28 : i32
    %add3A_30 = arith.constant 256 : i32
    %add3A_31 = arith.addi %mul3A_29, %add3A_30 : i32
    %dma_start3A_32 = arith.constant 0 : i32
    %dma_start3A_33 = tpu.memref_slice %arg13[%add3A_31, %dma_start3A_32] : memref<10240x128xf32, #tpu.memory_space<vmem_shared>> -> memref<128x128xf32, #tpu.memory_space<vmem_shared>>
    %dma_start3A_34 = arith.constant 0 : i32
    %dma_start3A_35 = tpu.memref_slice %arg13[%add3A_31, %dma_start3A_34] : memref<10240x128xf32, #tpu.memory_space<vmem_shared>> -> memref<128x128xf32, #tpu.memory_space<vmem_shared>>
    tpu.enqueue_dma source(%arg11 : memref<128x128xf32, #tpu.memory_space<vmem>>) target(%dma_start3A_35 : memref<128x128xf32, #tpu.memory_space<vmem_shared>>) target_semaphore(%arg15 : memref<!tpu.dma_semaphore, #tpu.memory_space<semaphore_mem>>)
    %mul3A_36 = arith.constant 640 : i32
    %mul3A_37 = arith.muli %arg1, %mul3A_36 : i32
    %add3A_38 = arith.constant 384 : i32
    %add3A_39 = arith.addi %mul3A_37, %add3A_38 : i32
    %dma_start3A_40 = arith.constant 0 : i32
    %dma_start3A_41 = tpu.memref_slice %arg13[%add3A_39, %dma_start3A_40] : memref<10240x128xf32, #tpu.memory_space<vmem_shared>> -> memref<128x128xf32, #tpu.memory_space<vmem_shared>>
    %dma_start3A_42 = arith.constant 0 : i32
    %dma_start3A_43 = tpu.memref_slice %arg13[%add3A_39, %dma_start3A_42] : memref<10240x128xf32, #tpu.memory_space<vmem_shared>> -> memref<128x128xf32, #tpu.memory_space<vmem_shared>>
    tpu.enqueue_dma source(%arg11 : memref<128x128xf32, #tpu.memory_space<vmem>>) target(%dma_start3A_43 : memref<128x128xf32, #tpu.memory_space<vmem_shared>>) target_semaphore(%arg15 : memref<!tpu.dma_semaphore, #tpu.memory_space<semaphore_mem>>)
    %mul3A_44 = arith.constant 640 : i32
    %mul3A_45 = arith.muli %arg1, %mul3A_44 : i32
    %add3A_46 = arith.constant 512 : i32
    %add3A_47 = arith.addi %mul3A_45, %add3A_46 : i32
    %dma_start3A_48 = arith.constant 0 : i32
    %dma_start3A_49 = tpu.memref_slice %arg13[%add3A_47, %dma_start3A_48] : memref<10240x128xf32, #tpu.memory_space<vmem_shared>> -> memref<128x128xf32, #tpu.memory_space<vmem_shared>>
    %dma_start3A_50 = arith.constant 0 : i32
    %dma_start3A_51 = tpu.memref_slice %arg13[%add3A_47, %dma_start3A_50] : memref<10240x128xf32, #tpu.memory_space<vmem_shared>> -> memref<128x128xf32, #tpu.memory_space<vmem_shared>>
    tpu.enqueue_dma source(%arg11 : memref<128x128xf32, #tpu.memory_space<vmem>>) target(%dma_start3A_51 : memref<128x128xf32, #tpu.memory_space<vmem_shared>>) target_semaphore(%arg15 : memref<!tpu.dma_semaphore, #tpu.memory_space<semaphore_mem>>)
    %mul3A_52 = arith.constant 640 : i32
    %mul3A_53 = arith.muli %arg1, %mul3A_52 : i32
    %dma_start3A_54 = tpu.memref_slice %arg14[%mul3A_53] : memref<10240xf32, #tpu.memory_space<vmem_shared>> -> memref<640xf32, #tpu.memory_space<vmem_shared>>
    %dma_start3A_55 = tpu.memref_slice %arg14[%mul3A_53] : memref<10240xf32, #tpu.memory_space<vmem_shared>> -> memref<640xf32, #tpu.memory_space<vmem_shared>>
    tpu.enqueue_dma source(%arg12 : memref<640xf32, #tpu.memory_space<vmem>>) target(%dma_start3A_55 : memref<640xf32, #tpu.memory_space<vmem_shared>>) target_semaphore(%arg15 : memref<!tpu.dma_semaphore, #tpu.memory_space<semaphore_mem>>)
    %dma_start3A_56 = arith.constant 0 : i32
    %dma_start3A_57 = arith.constant 0 : i32
    %dma_start3A_58 = tpu.memref_slice %arg3[%add3A, %dma_start3A_56, %dma_start3A_57] : memref<32x79x128xi32, #tpu.memory_space<hbm>> -> memref<1x79x128xi32, #tpu.memory_space<hbm>>
    %dma_start3A_59 = tpu.memref_squeeze %dma_start3A_58 : memref<1x79x128xi32, #tpu.memory_space<hbm>> -> memref<79x128xi32, #tpu.memory_space<hbm>>
    %dma_start3A_60 = arith.constant 0 : i32
    %dma_start3A_61 = arith.constant 0 : i32
    %dma_start3A_62 = tpu.memref_slice %arg3[%add3A, %dma_start3A_60, %dma_start3A_61] : memref<32x79x128xi32, #tpu.memory_space<hbm>> -> memref<1x79x128xi32, #tpu.memory_space<hbm>>
    %dma_start3A_63 = tpu.memref_squeeze %dma_start3A_62 : memref<1x79x128xi32, #tpu.memory_space<hbm>> -> memref<79x128xi32, #tpu.memory_space<hbm>>
    tpu.enqueue_dma source(%dma_start3A_63 : memref<79x128xi32, #tpu.memory_space<hbm>>) target(%arg8 : memref<79x128xi32, #tpu.memory_space<vmem>>) target_semaphore(%arg16 : memref<!tpu.dma_semaphore, #tpu.memory_space<semaphore_mem>>)
    %dma_start3A_64 = arith.constant 0 : i32
    %dma_start3A_65 = arith.constant 0 : i32
    %dma_start3A_66 = tpu.memref_slice %arg4[%add3A, %dma_start3A_64, %dma_start3A_65] : memref<32x79x128xi32, #tpu.memory_space<hbm>> -> memref<1x79x128xi32, #tpu.memory_space<hbm>>
    %dma_start3A_67 = tpu.memref_squeeze %dma_start3A_66 : memref<1x79x128xi32, #tpu.memory_space<hbm>> -> memref<79x128xi32, #tpu.memory_space<hbm>>
    %dma_start3A_68 = arith.constant 0 : i32
    %dma_start3A_69 = arith.constant 0 : i32
    %dma_start3A_70 = tpu.memref_slice %arg4[%add3A, %dma_start3A_68, %dma_start3A_69] : memref<32x79x128xi32, #tpu.memory_space<hbm>> -> memref<1x79x128xi32, #tpu.memory_space<hbm>>
    %dma_start3A_71 = tpu.memref_squeeze %dma_start3A_70 : memref<1x79x128xi32, #tpu.memory_space<hbm>> -> memref<79x128xi32, #tpu.memory_space<hbm>>
    tpu.enqueue_dma source(%dma_start3A_71 : memref<79x128xi32, #tpu.memory_space<hbm>>) target(%arg9 : memref<79x128xi32, #tpu.memory_space<vmem>>) target_semaphore(%arg16 : memref<!tpu.dma_semaphore, #tpu.memory_space<semaphore_mem>>)
    %dma_start3A_72 = arith.constant 0 : i32
    %dma_start3A_73 = arith.constant 0 : i32
    %dma_start3A_74 = tpu.memref_slice %arg5[%add3A, %dma_start3A_72, %dma_start3A_73] : memref<32x79x128xf32, #tpu.memory_space<hbm>> -> memref<1x79x128xf32, #tpu.memory_space<hbm>>
    %dma_start3A_75 = tpu.memref_squeeze %dma_start3A_74 : memref<1x79x128xf32, #tpu.memory_space<hbm>> -> memref<79x128xf32, #tpu.memory_space<hbm>>
    %dma_start3A_76 = arith.constant 0 : i32
    %dma_start3A_77 = arith.constant 0 : i32
    %dma_start3A_78 = tpu.memref_slice %arg5[%add3A, %dma_start3A_76, %dma_start3A_77] : memref<32x79x128xf32, #tpu.memory_space<hbm>> -> memref<1x79x128xf32, #tpu.memory_space<hbm>>
    %dma_start3A_79 = tpu.memref_squeeze %dma_start3A_78 : memref<1x79x128xf32, #tpu.memory_space<hbm>> -> memref<79x128xf32, #tpu.memory_space<hbm>>
    tpu.enqueue_dma source(%dma_start3A_79 : memref<79x128xf32, #tpu.memory_space<hbm>>) target(%arg10 : memref<79x128xf32, #tpu.memory_space<vmem>>) target_semaphore(%arg16 : memref<!tpu.dma_semaphore, #tpu.memory_space<semaphore_mem>>)
    %mul3A_80 = arith.constant 640 : i32
    %mul3A_81 = arith.muli %arg1, %mul3A_80 : i32
    %dma_wait3A = arith.constant 0 : i32
    %dma_wait3A_82 = tpu.memref_slice %arg13[%mul3A_81, %dma_wait3A] : memref<10240x128xf32, #tpu.memory_space<vmem_shared>> -> memref<128x128xf32, #tpu.memory_space<vmem_shared>>
    %dma_wait3A_83 = arith.constant 0 : i32
    %dma_wait3A_84 = tpu.memref_slice %arg13[%mul3A_81, %dma_wait3A_83] : memref<10240x128xf32, #tpu.memory_space<vmem_shared>> -> memref<128x128xf32, #tpu.memory_space<vmem_shared>>
    tpu.wait_dma2 semaphore(%arg15 : memref<!tpu.dma_semaphore, #tpu.memory_space<semaphore_mem>>) src(%arg11 : memref<128x128xf32, #tpu.memory_space<vmem>>) dst(%dma_wait3A_84 : memref<128x128xf32, #tpu.memory_space<vmem_shared>>)
    %mul3A_85 = arith.constant 640 : i32
    %mul3A_86 = arith.muli %arg1, %mul3A_85 : i32
    %dma_wait3A_87 = arith.constant 0 : i32
    %dma_wait3A_88 = tpu.memref_slice %arg13[%mul3A_86, %dma_wait3A_87] : memref<10240x128xf32, #tpu.memory_space<vmem_shared>> -> memref<128x128xf32, #tpu.memory_space<vmem_shared>>
    %dma_wait3A_89 = arith.constant 0 : i32
    %dma_wait3A_90 = tpu.memref_slice %arg13[%mul3A_86, %dma_wait3A_89] : memref<10240x128xf32, #tpu.memory_space<vmem_shared>> -> memref<128x128xf32, #tpu.memory_space<vmem_shared>>
    tpu.wait_dma2 semaphore(%arg15 : memref<!tpu.dma_semaphore, #tpu.memory_space<semaphore_mem>>) src(%arg11 : memref<128x128xf32, #tpu.memory_space<vmem>>) dst(%dma_wait3A_90 : memref<128x128xf32, #tpu.memory_space<vmem_shared>>)
    %mul3A_91 = arith.constant 640 : i32
    %mul3A_92 = arith.muli %arg1, %mul3A_91 : i32
    %dma_wait3A_93 = arith.constant 0 : i32
    %dma_wait3A_94 = tpu.memref_slice %arg13[%mul3A_92, %dma_wait3A_93] : memref<10240x128xf32, #tpu.memory_space<vmem_shared>> -> memref<128x128xf32, #tpu.memory_space<vmem_shared>>
    %dma_wait3A_95 = arith.constant 0 : i32
    %dma_wait3A_96 = tpu.memref_slice %arg13[%mul3A_92, %dma_wait3A_95] : memref<10240x128xf32, #tpu.memory_space<vmem_shared>> -> memref<128x128xf32, #tpu.memory_space<vmem_shared>>
    tpu.wait_dma2 semaphore(%arg15 : memref<!tpu.dma_semaphore, #tpu.memory_space<semaphore_mem>>) src(%arg11 : memref<128x128xf32, #tpu.memory_space<vmem>>) dst(%dma_wait3A_96 : memref<128x128xf32, #tpu.memory_space<vmem_shared>>)
    %mul3A_97 = arith.constant 640 : i32
    %mul3A_98 = arith.muli %arg1, %mul3A_97 : i32
    %dma_wait3A_99 = arith.constant 0 : i32
    %dma_wait3A_100 = tpu.memref_slice %arg13[%mul3A_98, %dma_wait3A_99] : memref<10240x128xf32, #tpu.memory_space<vmem_shared>> -> memref<128x128xf32, #tpu.memory_space<vmem_shared>>
    %dma_wait3A_101 = arith.constant 0 : i32
    %dma_wait3A_102 = tpu.memref_slice %arg13[%mul3A_98, %dma_wait3A_101] : memref<10240x128xf32, #tpu.memory_space<vmem_shared>> -> memref<128x128xf32, #tpu.memory_space<vmem_shared>>
    tpu.wait_dma2 semaphore(%arg15 : memref<!tpu.dma_semaphore, #tpu.memory_space<semaphore_mem>>) src(%arg11 : memref<128x128xf32, #tpu.memory_space<vmem>>) dst(%dma_wait3A_102 : memref<128x128xf32, #tpu.memory_space<vmem_shared>>)
    %mul3A_103 = arith.constant 640 : i32
    %mul3A_104 = arith.muli %arg1, %mul3A_103 : i32
    %dma_wait3A_105 = arith.constant 0 : i32
    %dma_wait3A_106 = tpu.memref_slice %arg13[%mul3A_104, %dma_wait3A_105] : memref<10240x128xf32, #tpu.memory_space<vmem_shared>> -> memref<128x128xf32, #tpu.memory_space<vmem_shared>>
    %dma_wait3A_107 = arith.constant 0 : i32
    %dma_wait3A_108 = tpu.memref_slice %arg13[%mul3A_104, %dma_wait3A_107] : memref<10240x128xf32, #tpu.memory_space<vmem_shared>> -> memref<128x128xf32, #tpu.memory_space<vmem_shared>>
    tpu.wait_dma2 semaphore(%arg15 : memref<!tpu.dma_semaphore, #tpu.memory_space<semaphore_mem>>) src(%arg11 : memref<128x128xf32, #tpu.memory_space<vmem>>) dst(%dma_wait3A_108 : memref<128x128xf32, #tpu.memory_space<vmem_shared>>)
    %mul3A_109 = arith.constant 640 : i32
    %mul3A_110 = arith.muli %arg1, %mul3A_109 : i32
    %dma_wait3A_111 = tpu.memref_slice %arg14[%mul3A_110] : memref<10240xf32, #tpu.memory_space<vmem_shared>> -> memref<640xf32, #tpu.memory_space<vmem_shared>>
    %dma_wait3A_112 = tpu.memref_slice %arg14[%mul3A_110] : memref<10240xf32, #tpu.memory_space<vmem_shared>> -> memref<640xf32, #tpu.memory_space<vmem_shared>>
    tpu.wait_dma2 semaphore(%arg15 : memref<!tpu.dma_semaphore, #tpu.memory_space<semaphore_mem>>) src(%arg12 : memref<640xf32, #tpu.memory_space<vmem>>) dst(%dma_wait3A_112 : memref<640xf32, #tpu.memory_space<vmem_shared>>)
    %dma_wait3A_113 = arith.constant 0 : i32
    %dma_wait3A_114 = arith.constant 0 : i32
    %dma_wait3A_115 = tpu.memref_slice %arg3[%add3A, %dma_wait3A_113, %dma_wait3A_114] : memref<32x79x128xi32, #tpu.memory_space<hbm>> -> memref<1x79x128xi32, #tpu.memory_space<hbm>>
    %dma_wait3A_116 = tpu.memref_squeeze %dma_wait3A_115 : memref<1x79x128xi32, #tpu.memory_space<hbm>> -> memref<79x128xi32, #tpu.memory_space<hbm>>
    %dma_wait3A_117 = arith.constant 0 : i32
    %dma_wait3A_118 = arith.constant 0 : i32
    %dma_wait3A_119 = tpu.memref_slice %arg3[%add3A, %dma_wait3A_117, %dma_wait3A_118] : memref<32x79x128xi32, #tpu.memory_space<hbm>> -> memref<1x79x128xi32, #tpu.memory_space<hbm>>
    %dma_wait3A_120 = tpu.memref_squeeze %dma_wait3A_119 : memref<1x79x128xi32, #tpu.memory_space<hbm>> -> memref<79x128xi32, #tpu.memory_space<hbm>>
    tpu.wait_dma2 semaphore(%arg16 : memref<!tpu.dma_semaphore, #tpu.memory_space<semaphore_mem>>) src(%dma_wait3A_120 : memref<79x128xi32, #tpu.memory_space<hbm>>) dst(%arg8 : memref<79x128xi32, #tpu.memory_space<vmem>>)
    %dma_wait3A_121 = arith.constant 0 : i32
    %dma_wait3A_122 = arith.constant 0 : i32
    %dma_wait3A_123 = tpu.memref_slice %arg4[%add3A, %dma_wait3A_121, %dma_wait3A_122] : memref<32x79x128xi32, #tpu.memory_space<hbm>> -> memref<1x79x128xi32, #tpu.memory_space<hbm>>
    %dma_wait3A_124 = tpu.memref_squeeze %dma_wait3A_123 : memref<1x79x128xi32, #tpu.memory_space<hbm>> -> memref<79x128xi32, #tpu.memory_space<hbm>>
    %dma_wait3A_125 = arith.constant 0 : i32
    %dma_wait3A_126 = arith.constant 0 : i32
    %dma_wait3A_127 = tpu.memref_slice %arg4[%add3A, %dma_wait3A_125, %dma_wait3A_126] : memref<32x79x128xi32, #tpu.memory_space<hbm>> -> memref<1x79x128xi32, #tpu.memory_space<hbm>>
    %dma_wait3A_128 = tpu.memref_squeeze %dma_wait3A_127 : memref<1x79x128xi32, #tpu.memory_space<hbm>> -> memref<79x128xi32, #tpu.memory_space<hbm>>
    tpu.wait_dma2 semaphore(%arg16 : memref<!tpu.dma_semaphore, #tpu.memory_space<semaphore_mem>>) src(%dma_wait3A_128 : memref<79x128xi32, #tpu.memory_space<hbm>>) dst(%arg9 : memref<79x128xi32, #tpu.memory_space<vmem>>)
    %dma_wait3A_129 = arith.constant 0 : i32
    %dma_wait3A_130 = arith.constant 0 : i32
    %dma_wait3A_131 = tpu.memref_slice %arg5[%add3A, %dma_wait3A_129, %dma_wait3A_130] : memref<32x79x128xf32, #tpu.memory_space<hbm>> -> memref<1x79x128xf32, #tpu.memory_space<hbm>>
    %dma_wait3A_132 = tpu.memref_squeeze %dma_wait3A_131 : memref<1x79x128xf32, #tpu.memory_space<hbm>> -> memref<79x128xf32, #tpu.memory_space<hbm>>
    %dma_wait3A_133 = arith.constant 0 : i32
    %dma_wait3A_134 = arith.constant 0 : i32
    %dma_wait3A_135 = tpu.memref_slice %arg5[%add3A, %dma_wait3A_133, %dma_wait3A_134] : memref<32x79x128xf32, #tpu.memory_space<hbm>> -> memref<1x79x128xf32, #tpu.memory_space<hbm>>
    %dma_wait3A_136 = tpu.memref_squeeze %dma_wait3A_135 : memref<1x79x128xf32, #tpu.memory_space<hbm>> -> memref<79x128xf32, #tpu.memory_space<hbm>>
    tpu.wait_dma2 semaphore(%arg16 : memref<!tpu.dma_semaphore, #tpu.memory_space<semaphore_mem>>) src(%dma_wait3A_136 : memref<79x128xf32, #tpu.memory_space<hbm>>) dst(%arg10 : memref<79x128xf32, #tpu.memory_space<vmem>>)
    %barrier3A = arith.constant 0 : index
    tpu.barrier barrier_id(%barrier3A)
    %scan3A_137 = arith.constant 0 : i32
    %scan3A_138 = arith.constant 0 : i32
    %scan3A_139 = arith.constant 79 : i32
    %scan3A_140 = arith.addi %scan3A_138, %scan3A_139 : i32
    %scan3A_141 = arith.constant 1 : i32
    scf.for %scan3A_161 = %scan3A_138 to %scan3A_140 step %scan3A_141  : i32 {
      %dma_start3A_162 = arith.constant 0 : i32
      %dma_start3A_163 = tpu.memref_slice %arg8[%scan3A_161, %dma_start3A_162] : memref<79x128xi32, #tpu.memory_space<vmem>> -> memref<1x128xi32, #tpu.memory_space<vmem>>
      %dma_start3A_164 = tpu.memref_squeeze %dma_start3A_163 : memref<1x128xi32, #tpu.memory_space<vmem>> -> memref<128xi32, #tpu.memory_space<vmem>>
      %dma_start3A_165 = arith.constant 0 : i32
      %dma_start3A_166 = arith.constant 0 : i32
      %dma_start3A_167 = tpu.memref_slice %arg2[%dma_start3A_165, %dma_start3A_166] : memref<10000x128xf32, #tpu.memory_space<hbm>> -> memref<10000x128xf32, #tpu.memory_space<hbm>>
      tpu.enqueue_indirect_dma source(%dma_start3A_167 : memref<10000x128xf32, #tpu.memory_space<hbm>>) target(%arg11 : memref<128x128xf32, #tpu.memory_space<vmem>>) offsets(%dma_start3A_164 : memref<128xi32, #tpu.memory_space<vmem>>) semaphore(%arg15 : memref<!tpu.dma_semaphore, #tpu.memory_space<semaphore_mem>>)
      %dma_wait3A_168 = arith.constant 0 : i32
      %dma_wait3A_169 = tpu.memref_slice %arg8[%scan3A_161, %dma_wait3A_168] : memref<79x128xi32, #tpu.memory_space<vmem>> -> memref<1x128xi32, #tpu.memory_space<vmem>>
      %dma_wait3A_170 = tpu.memref_squeeze %dma_wait3A_169 : memref<1x128xi32, #tpu.memory_space<vmem>> -> memref<128xi32, #tpu.memory_space<vmem>>
      %dma_wait3A_171 = arith.constant 0 : i32
      %dma_wait3A_172 = arith.constant 0 : i32
      %dma_wait3A_173 = tpu.memref_slice %arg2[%dma_wait3A_171, %dma_wait3A_172] : memref<10000x128xf32, #tpu.memory_space<hbm>> -> memref<10000x128xf32, #tpu.memory_space<hbm>>
      tpu.wait_indirect_dma semaphore(%arg15 : memref<!tpu.dma_semaphore, #tpu.memory_space<semaphore_mem>>) src(%dma_wait3A_173 : memref<10000x128xf32, #tpu.memory_space<hbm>>) dst(%arg11 : memref<128x128xf32, #tpu.memory_space<vmem>>)
      %dma_start3A_174 = arith.constant 0 : i32
      %dma_start3A_175 = tpu.memref_slice %arg10[%scan3A_161, %dma_start3A_174] : memref<79x128xf32, #tpu.memory_space<vmem>> -> memref<1x128xf32, #tpu.memory_space<vmem>>
      %dma_start3A_176 = tpu.memref_squeeze %dma_start3A_175 : memref<1x128xf32, #tpu.memory_space<vmem>> -> memref<128xf32, #tpu.memory_space<vmem>>
      %dma_start3A_177 = arith.constant 0 : i32
      %dma_start3A_178 = tpu.memref_slice %arg9[%scan3A_161, %dma_start3A_177] : memref<79x128xi32, #tpu.memory_space<vmem>> -> memref<1x128xi32, #tpu.memory_space<vmem>>
      %dma_start3A_179 = tpu.memref_squeeze %dma_start3A_178 : memref<1x128xi32, #tpu.memory_space<vmem>> -> memref<128xi32, #tpu.memory_space<vmem>>
      %dma_start3A_180 = arith.constant 0 : i32
      %dma_start3A_181 = tpu.memref_slice %arg14[%dma_start3A_180] : memref<10240xf32, #tpu.memory_space<vmem_shared>> -> memref<10240xf32, #tpu.memory_space<vmem_shared>>
      tpu.enqueue_indirect_dma source(%dma_start3A_176 : memref<128xf32, #tpu.memory_space<vmem>>) target(%dma_start3A_181 : memref<10240xf32, #tpu.memory_space<vmem_shared>>) offsets(%dma_start3A_179 : memref<128xi32, #tpu.memory_space<vmem>>) semaphore(%arg16 : memref<!tpu.dma_semaphore, #tpu.memory_space<semaphore_mem>>) {add = true}
      %scan3A_182 = arith.constant 0 : i32
      %scan3A_183 = arith.constant 0 : i32
      %scan3A_184 = arith.constant 8 : i32
      %scan3A_185 = arith.addi %scan3A_183, %scan3A_184 : i32
      %scan3A_186 = arith.constant 1 : i32
      scf.for %scan3A_188 = %scan3A_183 to %scan3A_185 step %scan3A_186  : i32 {
        %mul3A_189 = arith.constant 16 : i32
        %mul3A_190 = arith.muli %scan3A_188, %mul3A_189 : i32
        %get3A = arith.index_cast %scan3A_161 : i32 to index
        %get3A_191 = arith.index_cast %mul3A_190 : i32 to index
        %get3A_192 = tpu.vector_load %arg10[%get3A, %get3A_191] {strides = array<i32>} : memref<79x128xf32, #tpu.memory_space<vmem>>, vector<1x16xf32>,
        %get3A_193 = vector.shape_cast %get3A_192 : vector<1x16xf32> to vector<16xf32>
        %slice3A = vector.extract_strided_slice %get3A_193 {offsets = [0], sizes = [1], strides = [1]} : vector<16xf32> to vector<1xf32>
        %squeeze3A = vector.extract %slice3A[0] : f32 from vector<1xf32>
        %mul3A_194 = arith.constant 16 : i32
        %mul3A_195 = arith.muli %scan3A_188, %mul3A_194 : i32
        %add3A_196 = arith.constant 0 : i32
        %add3A_197 = arith.addi %mul3A_195, %add3A_196 : i32
        %get3A_198 = arith.index_cast %add3A_197 : i32 to index
        %get3A_199 = arith.constant 0 : index
        %get3A_200 = tpu.vector_load %arg11[%get3A_198, %get3A_199] {strides = array<i32>} : memref<128x128xf32, #tpu.memory_space<vmem>>, vector<1x16xf32>,
        %get3A_201 = vector.shape_cast %get3A_200 : vector<1x16xf32> to vector<16xf32>
        %mul3A_202 = vector.broadcast %squeeze3A : f32 to vector<16xf32>
        %mul3A_203 = arith.mulf %get3A_201, %mul3A_202 : vector<16xf32>
        %swap3A = arith.index_cast %add3A_197 : i32 to index
        %swap3A_204 = arith.constant 0 : index
        %swap3A_205 = tpu.vector_load %arg11[%swap3A, %swap3A_204] {strides = array<i32>} : memref<128x128xf32, #tpu.memory_space<vmem>>, vector<1x16xf32>,
        %swap3A_206 = vector.shape_cast %swap3A_205 : vector<1x16xf32> to vector<16xf32>
        %swap3A_207 = vector.shape_cast %mul3A_203 : vector<16xf32> to vector<1x16xf32>
        tpu.vector_store %arg11[%swap3A, %swap3A_204], %swap3A_207 {strides = array<i32>} : memref<128x128xf32, #tpu.memory_space<vmem>>, vector<1x16xf32>,
        %get3A_208 = arith.index_cast %add3A_197 : i32 to index
        %get3A_209 = arith.constant 16 : index
        %get3A_210 = tpu.vector_load %arg11[%get3A_208, %get3A_209] {strides = array<i32>} : memref<128x128xf32, #tpu.memory_space<vmem>>, vector<1x16xf32>,
        %get3A_211 = vector.shape_cast %get3A_210 : vector<1x16xf32> to vector<16xf32>
        %mul3A_212 = vector.broadcast %squeeze3A : f32 to vector<16xf32>
        %mul3A_213 = arith.mulf %get3A_211, %mul3A_212 : vector<16xf32>
        %swap3A_214 = arith.index_cast %add3A_197 : i32 to index
        %swap3A_215 = arith.constant 16 : index
        %swap3A_216 = tpu.vector_load %arg11[%swap3A_214, %swap3A_215] {strides = array<i32>} : memref<128x128xf32, #tpu.memory_space<vmem>>, vector<1x16xf32>,
        %swap3A_217 = vector.shape_cast %swap3A_216 : vector<1x16xf32> to vector<16xf32>
        %swap3A_218 = vector.shape_cast %mul3A_213 : vector<16xf32> to vector<1x16xf32>
        tpu.vector_store %arg11[%swap3A_214, %swap3A_215], %swap3A_218 {strides = array<i32>} : memref<128x128xf32, #tpu.memory_space<vmem>>, vector<1x16xf32>,
        %get3A_219 = arith.index_cast %add3A_197 : i32 to index
        %get3A_220 = arith.constant 32 : index
        %get3A_221 = tpu.vector_load %arg11[%get3A_219, %get3A_220] {strides = array<i32>} : memref<128x128xf32, #tpu.memory_space<vmem>>, vector<1x16xf32>,
        %get3A_222 = vector.shape_cast %get3A_221 : vector<1x16xf32> to vector<16xf32>
        %mul3A_223 = vector.broadcast %squeeze3A : f32 to vector<16xf32>
        %mul3A_224 = arith.mulf %get3A_222, %mul3A_223 : vector<16xf32>
        %swap3A_225 = arith.index_cast %add3A_197 : i32 to index
        %swap3A_226 = arith.constant 32 : index
        %swap3A_227 = tpu.vector_load %arg11[%swap3A_225, %swap3A_226] {strides = array<i32>} : memref<128x128xf32, #tpu.memory_space<vmem>>, vector<1x16xf32>,
        %swap3A_228 = vector.shape_cast %swap3A_227 : vector<1x16xf32> to vector<16xf32>
        %swap3A_229 = vector.shape_cast %mul3A_224 : vector<16xf32> to vector<1x16xf32>
        tpu.vector_store %arg11[%swap3A_225, %swap3A_226], %swap3A_229 {strides = array<i32>} : memref<128x128xf32, #tpu.memory_space<vmem>>, vector<1x16xf32>,
        %get3A_230 = arith.index_cast %add3A_197 : i32 to index
        %get3A_231 = arith.constant 48 : index
        %get3A_232 = tpu.vector_load %arg11[%get3A_230, %get3A_231] {strides = array<i32>} : memref<128x128xf32, #tpu.memory_space<vmem>>, vector<1x16xf32>,
        %get3A_233 = vector.shape_cast %get3A_232 : vector<1x16xf32> to vector<16xf32>
        %mul3A_234 = vector.broadcast %squeeze3A : f32 to vector<16xf32>
        %mul3A_235 = arith.mulf %get3A_233, %mul3A_234 : vector<16xf32>
        %swap3A_236 = arith.index_cast %add3A_197 : i32 to index
        %swap3A_237 = arith.constant 48 : index
        %swap3A_238 = tpu.vector_load %arg11[%swap3A_236, %swap3A_237] {strides = array<i32>} : memref<128x128xf32, #tpu.memory_space<vmem>>, vector<1x16xf32>,
        %swap3A_239 = vector.shape_cast %swap3A_238 : vector<1x16xf32> to vector<16xf32>
        %swap3A_240 = vector.shape_cast %mul3A_235 : vector<16xf32> to vector<1x16xf32>
        tpu.vector_store %arg11[%swap3A_236, %swap3A_237], %swap3A_240 {strides = array<i32>} : memref<128x128xf32, #tpu.memory_space<vmem>>, vector<1x16xf32>,
        %get3A_241 = arith.index_cast %add3A_197 : i32 to index
        %get3A_242 = arith.constant 64 : index
        %get3A_243 = tpu.vector_load %arg11[%get3A_241, %get3A_242] {strides = array<i32>} : memref<128x128xf32, #tpu.memory_space<vmem>>, vector<1x16xf32>,
        %get3A_244 = vector.shape_cast %get3A_243 : vector<1x16xf32> to vector<16xf32>
        %mul3A_245 = vector.broadcast %squeeze3A : f32 to vector<16xf32>
        %mul3A_246 = arith.mulf %get3A_244, %mul3A_245 : vector<16xf32>
        %swap3A_247 = arith.index_cast %add3A_197 : i32 to index
        %swap3A_248 = arith.constant 64 : index
        %swap3A_249 = tpu.vector_load %arg11[%swap3A_247, %swap3A_248] {strides = array<i32>} : memref<128x128xf32, #tpu.memory_space<vmem>>, vector<1x16xf32>,
        %swap3A_250 = vector.shape_cast %swap3A_249 : vector<1x16xf32> to vector<16xf32>
        %swap3A_251 = vector.shape_cast %mul3A_246 : vector<16xf32> to vector<1x16xf32>
        tpu.vector_store %arg11[%swap3A_247, %swap3A_248], %swap3A_251 {strides = array<i32>} : memref<128x128xf32, #tpu.memory_space<vmem>>, vector<1x16xf32>,
        %get3A_252 = arith.index_cast %add3A_197 : i32 to index
        %get3A_253 = arith.constant 80 : index
        %get3A_254 = tpu.vector_load %arg11[%get3A_252, %get3A_253] {strides = array<i32>} : memref<128x128xf32, #tpu.memory_space<vmem>>, vector<1x16xf32>,
        %get3A_255 = vector.shape_cast %get3A_254 : vector<1x16xf32> to vector<16xf32>
        %mul3A_256 = vector.broadcast %squeeze3A : f32 to vector<16xf32>
        %mul3A_257 = arith.mulf %get3A_255, %mul3A_256 : vector<16xf32>
        %swap3A_258 = arith.index_cast %add3A_197 : i32 to index
        %swap3A_259 = arith.constant 80 : index
        %swap3A_260 = tpu.vector_load %arg11[%swap3A_258, %swap3A_259] {strides = array<i32>} : memref<128x128xf32, #tpu.memory_space<vmem>>, vector<1x16xf32>,
        %swap3A_261 = vector.shape_cast %swap3A_260 : vector<1x16xf32> to vector<16xf32>
        %swap3A_262 = vector.shape_cast %mul3A_257 : vector<16xf32> to vector<1x16xf32>
        tpu.vector_store %arg11[%swap3A_258, %swap3A_259], %swap3A_262 {strides = array<i32>} : memref<128x128xf32, #tpu.memory_space<vmem>>, vector<1x16xf32>,
        %get3A_263 = arith.index_cast %add3A_197 : i32 to index
        %get3A_264 = arith.constant 96 : index
        %get3A_265 = tpu.vector_load %arg11[%get3A_263, %get3A_264] {strides = array<i32>} : memref<128x128xf32, #tpu.memory_space<vmem>>, vector<1x16xf32>,
        %get3A_266 = vector.shape_cast %get3A_265 : vector<1x16xf32> to vector<16xf32>
        %mul3A_267 = vector.broadcast %squeeze3A : f32 to vector<16xf32>
        %mul3A_268 = arith.mulf %get3A_266, %mul3A_267 : vector<16xf32>
        %swap3A_269 = arith.index_cast %add3A_197 : i32 to index
        %swap3A_270 = arith.constant 96 : index
        %swap3A_271 = tpu.vector_load %arg11[%swap3A_269, %swap3A_270] {strides = array<i32>} : memref<128x128xf32, #tpu.memory_space<vmem>>, vector<1x16xf32>,
        %swap3A_272 = vector.shape_cast %swap3A_271 : vector<1x16xf32> to vector<16xf32>
        %swap3A_273 = vector.shape_cast %mul3A_268 : vector<16xf32> to vector<1x16xf32>
        tpu.vector_store %arg11[%swap3A_269, %swap3A_270], %swap3A_273 {strides = array<i32>} : memref<128x128xf32, #tpu.memory_space<vmem>>, vector<1x16xf32>,
        %get3A_274 = arith.index_cast %add3A_197 : i32 to index
        %get3A_275 = arith.constant 112 : index
        %get3A_276 = tpu.vector_load %arg11[%get3A_274, %get3A_275] {strides = array<i32>} : memref<128x128xf32, #tpu.memory_space<vmem>>, vector<1x16xf32>,
        %get3A_277 = vector.shape_cast %get3A_276 : vector<1x16xf32> to vector<16xf32>
        %mul3A_278 = vector.broadcast %squeeze3A : f32 to vector<16xf32>
        %mul3A_279 = arith.mulf %get3A_277, %mul3A_278 : vector<16xf32>
        %swap3A_280 = arith.index_cast %add3A_197 : i32 to index
        %swap3A_281 = arith.constant 112 : index
        %swap3A_282 = tpu.vector_load %arg11[%swap3A_280, %swap3A_281] {strides = array<i32>} : memref<128x128xf32, #tpu.memory_space<vmem>>, vector<1x16xf32>,
        %swap3A_283 = vector.shape_cast %swap3A_282 : vector<1x16xf32> to vector<16xf32>
        %swap3A_284 = vector.shape_cast %mul3A_279 : vector<16xf32> to vector<1x16xf32>
        tpu.vector_store %arg11[%swap3A_280, %swap3A_281], %swap3A_284 {strides = array<i32>} : memref<128x128xf32, #tpu.memory_space<vmem>>, vector<1x16xf32>,
        %slice3A_285 = vector.extract_strided_slice %get3A_193 {offsets = [1], sizes = [1], strides = [1]} : vector<16xf32> to vector<1xf32>
        %squeeze3A_286 = vector.extract %slice3A_285[0] : f32 from vector<1xf32>
        %mul3A_287 = arith.constant 16 : i32
        %mul3A_288 = arith.muli %scan3A_188, %mul3A_287 : i32
        %add3A_289 = arith.constant 1 : i32
        %add3A_290 = arith.addi %mul3A_288, %add3A_289 : i32
        %get3A_291 = arith.index_cast %add3A_290 : i32 to index
        %get3A_292 = arith.constant 0 : index
        %get3A_293 = tpu.vector_load %arg11[%get3A_291, %get3A_292] {strides = array<i32>} : memref<128x128xf32, #tpu.memory_space<vmem>>, vector<1x16xf32>,
        %get3A_294 = vector.shape_cast %get3A_293 : vector<1x16xf32> to vector<16xf32>
        %mul3A_295 = vector.broadcast %squeeze3A_286 : f32 to vector<16xf32>
        %mul3A_296 = arith.mulf %get3A_294, %mul3A_295 : vector<16xf32>
        %swap3A_297 = arith.index_cast %add3A_290 : i32 to index
        %swap3A_298 = arith.constant 0 : index
        %swap3A_299 = tpu.vector_load %arg11[%swap3A_297, %swap3A_298] {strides = array<i32>} : memref<128x128xf32, #tpu.memory_space<vmem>>, vector<1x16xf32>,
        %swap3A_300 = vector.shape_cast %swap3A_299 : vector<1x16xf32> to vector<16xf32>
        %swap3A_301 = vector.shape_cast %mul3A_296 : vector<16xf32> to vector<1x16xf32>
        tpu.vector_store %arg11[%swap3A_297, %swap3A_298], %swap3A_301 {strides = array<i32>} : memref<128x128xf32, #tpu.memory_space<vmem>>, vector<1x16xf32>,
        %get3A_302 = arith.index_cast %add3A_290 : i32 to index
        %get3A_303 = arith.constant 16 : index
        %get3A_304 = tpu.vector_load %arg11[%get3A_302, %get3A_303] {strides = array<i32>} : memref<128x128xf32, #tpu.memory_space<vmem>>, vector<1x16xf32>,
        %get3A_305 = vector.shape_cast %get3A_304 : vector<1x16xf32> to vector<16xf32>
        %mul3A_306 = vector.broadcast %squeeze3A_286 : f32 to vector<16xf32>
        %mul3A_307 = arith.mulf %get3A_305, %mul3A_306 : vector<16xf32>
        %swap3A_308 = arith.index_cast %add3A_290 : i32 to index
        %swap3A_309 = arith.constant 16 : index
        %swap3A_310 = tpu.vector_load %arg11[%swap3A_308, %swap3A_309] {strides = array<i32>} : memref<128x128xf32, #tpu.memory_space<vmem>>, vector<1x16xf32>,
        %swap3A_311 = vector.shape_cast %swap3A_310 : vector<1x16xf32> to vector<16xf32>
        %swap3A_312 = vector.shape_cast %mul3A_307 : vector<16xf32> to vector<1x16xf32>
        tpu.vector_store %arg11[%swap3A_308, %swap3A_309], %swap3A_312 {strides = array<i32>} : memref<128x128xf32, #tpu.memory_space<vmem>>, vector<1x16xf32>,
        %get3A_313 = arith.index_cast %add3A_290 : i32 to index
        %get3A_314 = arith.constant 32 : index
        %get3A_315 = tpu.vector_load %arg11[%get3A_313, %get3A_314] {strides = array<i32>} : memref<128x128xf32, #tpu.memory_space<vmem>>, vector<1x16xf32>,
        %get3A_316 = vector.shape_cast %get3A_315 : vector<1x16xf32> to vector<16xf32>
        %mul3A_317 = vector.broadcast %squeeze3A_286 : f32 to vector<16xf32>
        %mul3A_318 = arith.mulf %get3A_316, %mul3A_317 : vector<16xf32>
        %swap3A_319 = arith.index_cast %add3A_290 : i32 to index
        %swap3A_320 = arith.constant 32 : index
        %swap3A_321 = tpu.vector_load %arg11[%swap3A_319, %swap3A_320] {strides = array<i32>} : memref<128x128xf32, #tpu.memory_space<vmem>>, vector<1x16xf32>,
        %swap3A_322 = vector.shape_cast %swap3A_321 : vector<1x16xf32> to vector<16xf32>
        %swap3A_323 = vector.shape_cast %mul3A_318 : vector<16xf32> to vector<1x16xf32>
        tpu.vector_store %arg11[%swap3A_319, %swap3A_320], %swap3A_323 {strides = array<i32>} : memref<128x128xf32, #tpu.memory_space<vmem>>, vector<1x16xf32>,
        %get3A_324 = arith.index_cast %add3A_290 : i32 to index
        %get3A_325 = arith.constant 48 : index
        %get3A_326 = tpu.vector_load %arg11[%get3A_324, %get3A_325] {strides = array<i32>} : memref<128x128xf32, #tpu.memory_space<vmem>>, vector<1x16xf32>,
        %get3A_327 = vector.shape_cast %get3A_326 : vector<1x16xf32> to vector<16xf32>
        %mul3A_328 = vector.broadcast %squeeze3A_286 : f32 to vector<16xf32>
        %mul3A_329 = arith.mulf %get3A_327, %mul3A_328 : vector<16xf32>
        %swap3A_330 = arith.index_cast %add3A_290 : i32 to index
        %swap3A_331 = arith.constant 48 : index
        %swap3A_332 = tpu.vector_load %arg11[%swap3A_330, %swap3A_331] {strides = array<i32>} : memref<128x128xf32, #tpu.memory_space<vmem>>, vector<1x16xf32>,
        %swap3A_333 = vector.shape_cast %swap3A_332 : vector<1x16xf32> to vector<16xf32>
        %swap3A_334 = vector.shape_cast %mul3A_329 : vector<16xf32> to vector<1x16xf32>
        tpu.vector_store %arg11[%swap3A_330, %swap3A_331], %swap3A_334 {strides = array<i32>} : memref<128x128xf32, #tpu.memory_space<vmem>>, vector<1x16xf32>,
        %get3A_335 = arith.index_cast %add3A_290 : i32 to index
        %get3A_336 = arith.constant 64 : index
        %get3A_337 = tpu.vector_load %arg11[%get3A_335, %get3A_336] {strides = array<i32>} : memref<128x128xf32, #tpu.memory_space<vmem>>, vector<1x16xf32>,
        %get3A_338 = vector.shape_cast %get3A_337 : vector<1x16xf32> to vector<16xf32>
        %mul3A_339 = vector.broadcast %squeeze3A_286 : f32 to vector<16xf32>
        %mul3A_340 = arith.mulf %get3A_338, %mul3A_339 : vector<16xf32>
        %swap3A_341 = arith.index_cast %add3A_290 : i32 to index
        %swap3A_342 = arith.constant 64 : index
        %swap3A_343 = tpu.vector_load %arg11[%swap3A_341, %swap3A_342] {strides = array<i32>} : memref<128x128xf32, #tpu.memory_space<vmem>>, vector<1x16xf32>,
        %swap3A_344 = vector.shape_cast %swap3A_343 : vector<1x16xf32> to vector<16xf32>
        %swap3A_345 = vector.shape_cast %mul3A_340 : vector<16xf32> to vector<1x16xf32>
        tpu.vector_store %arg11[%swap3A_341, %swap3A_342], %swap3A_345 {strides = array<i32>} : memref<128x128xf32, #tpu.memory_space<vmem>>, vector<1x16xf32>,
        %get3A_346 = arith.index_cast %add3A_290 : i32 to index
        %get3A_347 = arith.constant 80 : index
        %get3A_348 = tpu.vector_load %arg11[%get3A_346, %get3A_347] {strides = array<i32>} : memref<128x128xf32, #tpu.memory_space<vmem>>, vector<1x16xf32>,
        %get3A_349 = vector.shape_cast %get3A_348 : vector<1x16xf32> to vector<16xf32>
        %mul3A_350 = vector.broadcast %squeeze3A_286 : f32 to vector<16xf32>
        %mul3A_351 = arith.mulf %get3A_349, %mul3A_350 : vector<16xf32>
        %swap3A_352 = arith.index_cast %add3A_290 : i32 to index
        %swap3A_353 = arith.constant 80 : index
        %swap3A_354 = tpu.vector_load %arg11[%swap3A_352, %swap3A_353] {strides = array<i32>} : memref<128x128xf32, #tpu.memory_space<vmem>>, vector<1x16xf32>,
        %swap3A_355 = vector.shape_cast %swap3A_354 : vector<1x16xf32> to vector<16xf32>
        %swap3A_356 = vector.shape_cast %mul3A_351 : vector<16xf32> to vector<1x16xf32>
        tpu.vector_store %arg11[%swap3A_352, %swap3A_353], %swap3A_356 {strides = array<i32>} : memref<128x128xf32, #tpu.memory_space<vmem>>, vector<1x16xf32>,
        %get3A_357 = arith.index_cast %add3A_290 : i32 to index
        %get3A_358 = arith.constant 96 : index
        %get3A_359 = tpu.vector_load %arg11[%get3A_357, %get3A_358] {strides = array<i32>} : memref<128x128xf32, #tpu.memory_space<vmem>>, vector<1x16xf32>,
        %get3A_360 = vector.shape_cast %get3A_359 : vector<1x16xf32> to vector<16xf32>
        %mul3A_361 = vector.broadcast %squeeze3A_286 : f32 to vector<16xf32>
        %mul3A_362 = arith.mulf %get3A_360, %mul3A_361 : vector<16xf32>
        %swap3A_363 = arith.index_cast %add3A_290 : i32 to index
        %swap3A_364 = arith.constant 96 : index
        %swap3A_365 = tpu.vector_load %arg11[%swap3A_363, %swap3A_364] {strides = array<i32>} : memref<128x128xf32, #tpu.memory_space<vmem>>, vector<1x16xf32>,
        %swap3A_366 = vector.shape_cast %swap3A_365 : vector<1x16xf32> to vector<16xf32>
        %swap3A_367 = vector.shape_cast %mul3A_362 : vector<16xf32> to vector<1x16xf32>
        tpu.vector_store %arg11[%swap3A_363, %swap3A_364], %swap3A_367 {strides = array<i32>} : memref<128x128xf32, #tpu.memory_space<vmem>>, vector<1x16xf32>,
        %get3A_368 = arith.index_cast %add3A_290 : i32 to index
        %get3A_369 = arith.constant 112 : index
        %get3A_370 = tpu.vector_load %arg11[%get3A_368, %get3A_369] {strides = array<i32>} : memref<128x128xf32, #tpu.memory_space<vmem>>, vector<1x16xf32>,
        %get3A_371 = vector.shape_cast %get3A_370 : vector<1x16xf32> to vector<16xf32>
        %mul3A_372 = vector.broadcast %squeeze3A_286 : f32 to vector<16xf32>
        %mul3A_373 = arith.mulf %get3A_371, %mul3A_372 : vector<16xf32>
        %swap3A_374 = arith.index_cast %add3A_290 : i32 to index
        %swap3A_375 = arith.constant 112 : index
        %swap3A_376 = tpu.vector_load %arg11[%swap3A_374, %swap3A_375] {strides = array<i32>} : memref<128x128xf32, #tpu.memory_space<vmem>>, vector<1x16xf32>,
        %swap3A_377 = vector.shape_cast %swap3A_376 : vector<1x16xf32> to vector<16xf32>
        %swap3A_378 = vector.shape_cast %mul3A_373 : vector<16xf32> to vector<1x16xf32>
        tpu.vector_store %arg11[%swap3A_374, %swap3A_375], %swap3A_378 {strides = array<i32>} : memref<128x128xf32, #tpu.memory_space<vmem>>, vector<1x16xf32>,
        %slice3A_379 = vector.extract_strided_slice %get3A_193 {offsets = [2], sizes = [1], strides = [1]} : vector<16xf32> to vector<1xf32>
        %squeeze3A_380 = vector.extract %slice3A_379[0] : f32 from vector<1xf32>
        %mul3A_381 = arith.constant 16 : i32
        %mul3A_382 = arith.muli %scan3A_188, %mul3A_381 : i32
        %add3A_383 = arith.constant 2 : i32
        %add3A_384 = arith.addi %mul3A_382, %add3A_383 : i32
        %get3A_385 = arith.index_cast %add3A_384 : i32 to index
        %get3A_386 = arith.constant 0 : index
        %get3A_387 = tpu.vector_load %arg11[%get3A_385, %get3A_386] {strides = array<i32>} : memref<128x128xf32, #tpu.memory_space<vmem>>, vector<1x16xf32>,
        %get3A_388 = vector.shape_cast %get3A_387 : vector<1x16xf32> to vector<16xf32>
        %mul3A_389 = vector.broadcast %squeeze3A_380 : f32 to vector<16xf32>
        %mul3A_390 = arith.mulf %get3A_388, %mul3A_389 : vector<16xf32>
        %swap3A_391 = arith.index_cast %add3A_384 : i32 to index
        %swap3A_392 = arith.constant 0 : index
        %swap3A_393 = tpu.vector_load %arg11[%swap3A_391, %swap3A_392] {strides = array<i32>} : memref<128x128xf32, #tpu.memory_space<vmem>>, vector<1x16xf32>,
        %swap3A_394 = vector.shape_cast %swap3A_393 : vector<1x16xf32> to vector<16xf32>
        %swap3A_395 = vector.shape_cast %mul3A_390 : vector<16xf32> to vector<1x16xf32>
        tpu.vector_store %arg11[%swap3A_391, %swap3A_392], %swap3A_395 {strides = array<i32>} : memref<128x128xf32, #tpu.memory_space<vmem>>, vector<1x16xf32>,
        %get3A_396 = arith.index_cast %add3A_384 : i32 to index
        %get3A_397 = arith.constant 16 : index
        %get3A_398 = tpu.vector_load %arg11[%get3A_396, %get3A_397] {strides = array<i32>} : memref<128x128xf32, #tpu.memory_space<vmem>>, vector<1x16xf32>,
        %get3A_399 = vector.shape_cast %get3A_398 : vector<1x16xf32> to vector<16xf32>
        %mul3A_400 = vector.broadcast %squeeze3A_380 : f32 to vector<16xf32>
        %mul3A_401 = arith.mulf %get3A_399, %mul3A_400 : vector<16xf32>
        %swap3A_402 = arith.index_cast %add3A_384 : i32 to index
        %swap3A_403 = arith.constant 16 : index
        %swap3A_404 = tpu.vector_load %arg11[%swap3A_402, %swap3A_403] {strides = array<i32>} : memref<128x128xf32, #tpu.memory_space<vmem>>, vector<1x16xf32>,
        %swap3A_405 = vector.shape_cast %swap3A_404 : vector<1x16xf32> to vector<16xf32>
        %swap3A_406 = vector.shape_cast %mul3A_401 : vector<16xf32> to vector<1x16xf32>
        tpu.vector_store %arg11[%swap3A_402, %swap3A_403], %swap3A_406 {strides = array<i32>} : memref<128x128xf32, #tpu.memory_space<vmem>>, vector<1x16xf32>,
        %get3A_407 = arith.index_cast %add3A_384 : i32 to index
        %get3A_408 = arith.constant 32 : index
        %get3A_409 = tpu.vector_load %arg11[%get3A_407, %get3A_408] {strides = array<i32>} : memref<128x128xf32, #tpu.memory_space<vmem>>, vector<1x16xf32>,
        %get3A_410 = vector.shape_cast %get3A_409 : vector<1x16xf32> to vector<16xf32>
        %mul3A_411 = vector.broadcast %squeeze3A_380 : f32 to vector<16xf32>
        %mul3A_412 = arith.mulf %get3A_410, %mul3A_411 : vector<16xf32>
        %swap3A_413 = arith.index_cast %add3A_384 : i32 to index
        %swap3A_414 = arith.constant 32 : index
        %swap3A_415 = tpu.vector_load %arg11[%swap3A_413, %swap3A_414] {strides = array<i32>} : memref<128x128xf32, #tpu.memory_space<vmem>>, vector<1x16xf32>,
        %swap3A_416 = vector.shape_cast %swap3A_415 : vector<1x16xf32> to vector<16xf32>
        %swap3A_417 = vector.shape_cast %mul3A_412 : vector<16xf32> to vector<1x16xf32>
        tpu.vector_store %arg11[%swap3A_413, %swap3A_414], %swap3A_417 {strides = array<i32>} : memref<128x128xf32, #tpu.memory_space<vmem>>, vector<1x16xf32>,
        %get3A_418 = arith.index_cast %add3A_384 : i32 to index
        %get3A_419 = arith.constant 48 : index
        %get3A_420 = tpu.vector_load %arg11[%get3A_418, %get3A_419] {strides = array<i32>} : memref<128x128xf32, #tpu.memory_space<vmem>>, vector<1x16xf32>,
        %get3A_421 = vector.shape_cast %get3A_420 : vector<1x16xf32> to vector<16xf32>
        %mul3A_422 = vector.broadcast %squeeze3A_380 : f32 to vector<16xf32>
        %mul3A_423 = arith.mulf %get3A_421, %mul3A_422 : vector<16xf32>
        %swap3A_424 = arith.index_cast %add3A_384 : i32 to index
        %swap3A_425 = arith.constant 48 : index
        %swap3A_426 = tpu.vector_load %arg11[%swap3A_424, %swap3A_425] {strides = array<i32>} : memref<128x128xf32, #tpu.memory_space<vmem>>, vector<1x16xf32>,
        %swap3A_427 = vector.shape_cast %swap3A_426 : vector<1x16xf32> to vector<16xf32>
        %swap3A_428 = vector.shape_cast %mul3A_423 : vector<16xf32> to vector<1x16xf32>
        tpu.vector_store %arg11[%swap3A_424, %swap3A_425], %swap3A_428 {strides = array<i32>} : memref<128x128xf32, #tpu.memory_space<vmem>>, vector<1x16xf32>,
        %get3A_429 = arith.index_cast %add3A_384 : i32 to index
        %get3A_430 = arith.constant 64 : index
        %get3A_431 = tpu.vector_load %arg11[%get3A_429, %get3A_430] {strides = array<i32>} : memref<128x128xf32, #tpu.memory_space<vmem>>, vector<1x16xf32>,
        %get3A_432 = vector.shape_cast %get3A_431 : vector<1x16xf32> to vector<16xf32>
        %mul3A_433 = vector.broadcast %squeeze3A_380 : f32 to vector<16xf32>
        %mul3A_434 = arith.mulf %get3A_432, %mul3A_433 : vector<16xf32>
        %swap3A_435 = arith.index_cast %add3A_384 : i32 to index
        %swap3A_436 = arith.constant 64 : index
        %swap3A_437 = tpu.vector_load %arg11[%swap3A_435, %swap3A_436] {strides = array<i32>} : memref<128x128xf32, #tpu.memory_space<vmem>>, vector<1x16xf32>,
        %swap3A_438 = vector.shape_cast %swap3A_437 : vector<1x16xf32> to vector<16xf32>
        %swap3A_439 = vector.shape_cast %mul3A_434 : vector<16xf32> to vector<1x16xf32>
        tpu.vector_store %arg11[%swap3A_435, %swap3A_436], %swap3A_439 {strides = array<i32>} : memref<128x128xf32, #tpu.memory_space<vmem>>, vector<1x16xf32>,
        %get3A_440 = arith.index_cast %add3A_384 : i32 to index
        %get3A_441 = arith.constant 80 : index
        %get3A_442 = tpu.vector_load %arg11[%get3A_440, %get3A_441] {strides = array<i32>} : memref<128x128xf32, #tpu.memory_space<vmem>>, vector<1x16xf32>,
        %get3A_443 = vector.shape_cast %get3A_442 : vector<1x16xf32> to vector<16xf32>
        %mul3A_444 = vector.broadcast %squeeze3A_380 : f32 to vector<16xf32>
        %mul3A_445 = arith.mulf %get3A_443, %mul3A_444 : vector<16xf32>
        %swap3A_446 = arith.index_cast %add3A_384 : i32 to index
        %swap3A_447 = arith.constant 80 : index
        %swap3A_448 = tpu.vector_load %arg11[%swap3A_446, %swap3A_447] {strides = array<i32>} : memref<128x128xf32, #tpu.memory_space<vmem>>, vector<1x16xf32>,
        %swap3A_449 = vector.shape_cast %swap3A_448 : vector<1x16xf32> to vector<16xf32>
        %swap3A_450 = vector.shape_cast %mul3A_445 : vector<16xf32> to vector<1x16xf32>
        tpu.vector_store %arg11[%swap3A_446, %swap3A_447], %swap3A_450 {strides = array<i32>} : memref<128x128xf32, #tpu.memory_space<vmem>>, vector<1x16xf32>,
        %get3A_451 = arith.index_cast %add3A_384 : i32 to index
        %get3A_452 = arith.constant 96 : index
        %get3A_453 = tpu.vector_load %arg11[%get3A_451, %get3A_452] {strides = array<i32>} : memref<128x128xf32, #tpu.memory_space<vmem>>, vector<1x16xf32>,
        %get3A_454 = vector.shape_cast %get3A_453 : vector<1x16xf32> to vector<16xf32>
        %mul3A_455 = vector.broadcast %squeeze3A_380 : f32 to vector<16xf32>
        %mul3A_456 = arith.mulf %get3A_454, %mul3A_455 : vector<16xf32>
        %swap3A_457 = arith.index_cast %add3A_384 : i32 to index
        %swap3A_458 = arith.constant 96 : index
        %swap3A_459 = tpu.vector_load %arg11[%swap3A_457, %swap3A_458] {strides = array<i32>} : memref<128x128xf32, #tpu.memory_space<vmem>>, vector<1x16xf32>,
        %swap3A_460 = vector.shape_cast %swap3A_459 : vector<1x16xf32> to vector<16xf32>
        %swap3A_461 = vector.shape_cast %mul3A_456 : vector<16xf32> to vector<1x16xf32>
        tpu.vector_store %arg11[%swap3A_457, %swap3A_458], %swap3A_461 {strides = array<i32>} : memref<128x128xf32, #tpu.memory_space<vmem>>, vector<1x16xf32>,
        %get3A_462 = arith.index_cast %add3A_384 : i32 to index
        %get3A_463 = arith.constant 112 : index
        %get3A_464 = tpu.vector_load %arg11[%get3A_462, %get3A_463] {strides = array<i32>} : memref<128x128xf32, #tpu.memory_space<vmem>>, vector<1x16xf32>,
        %get3A_465 = vector.shape_cast %get3A_464 : vector<1x16xf32> to vector<16xf32>
        %mul3A_466 = vector.broadcast %squeeze3A_380 : f32 to vector<16xf32>
        %mul3A_467 = arith.mulf %get3A_465, %mul3A_466 : vector<16xf32>
        %swap3A_468 = arith.index_cast %add3A_384 : i32 to index
        %swap3A_469 = arith.constant 112 : index
        %swap3A_470 = tpu.vector_load %arg11[%swap3A_468, %swap3A_469] {strides = array<i32>} : memref<128x128xf32, #tpu.memory_space<vmem>>, vector<1x16xf32>,
        %swap3A_471 = vector.shape_cast %swap3A_470 : vector<1x16xf32> to vector<16xf32>
        %swap3A_472 = vector.shape_cast %mul3A_467 : vector<16xf32> to vector<1x16xf32>
        tpu.vector_store %arg11[%swap3A_468, %swap3A_469], %swap3A_472 {strides = array<i32>} : memref<128x128xf32, #tpu.memory_space<vmem>>, vector<1x16xf32>,
        %slice3A_473 = vector.extract_strided_slice %get3A_193 {offsets = [3], sizes = [1], strides = [1]} : vector<16xf32> to vector<1xf32>
        %squeeze3A_474 = vector.extract %slice3A_473[0] : f32 from vector<1xf32>
        %mul3A_475 = arith.constant 16 : i32
        %mul3A_476 = arith.muli %scan3A_188, %mul3A_475 : i32
        %add3A_477 = arith.constant 3 : i32
        %add3A_478 = arith.addi %mul3A_476, %add3A_477 : i32
        %get3A_479 = arith.index_cast %add3A_478 : i32 to index
        %get3A_480 = arith.constant 0 : index
        %get3A_481 = tpu.vector_load %arg11[%get3A_479, %get3A_480] {strides = array<i32>} : memref<128x128xf32, #tpu.memory_space<vmem>>, vector<1x16xf32>,
        %get3A_482 = vector.shape_cast %get3A_481 : vector<1x16xf32> to vector<16xf32>
        %mul3A_483 = vector.broadcast %squeeze3A_474 : f32 to vector<16xf32>
        %mul3A_484 = arith.mulf %get3A_482, %mul3A_483 : vector<16xf32>
        %swap3A_485 = arith.index_cast %add3A_478 : i32 to index
        %swap3A_486 = arith.constant 0 : index
        %swap3A_487 = tpu.vector_load %arg11[%swap3A_485, %swap3A_486] {strides = array<i32>} : memref<128x128xf32, #tpu.memory_space<vmem>>, vector<1x16xf32>,
        %swap3A_488 = vector.shape_cast %swap3A_487 : vector<1x16xf32> to vector<16xf32>
        %swap3A_489 = vector.shape_cast %mul3A_484 : vector<16xf32> to vector<1x16xf32>
        tpu.vector_store %arg11[%swap3A_485, %swap3A_486], %swap3A_489 {strides = array<i32>} : memref<128x128xf32, #tpu.memory_space<vmem>>, vector<1x16xf32>,
        %get3A_490 = arith.index_cast %add3A_478 : i32 to index
        %get3A_491 = arith.constant 16 : index
        %get3A_492 = tpu.vector_load %arg11[%get3A_490, %get3A_491] {strides = array<i32>} : memref<128x128xf32, #tpu.memory_space<vmem>>, vector<1x16xf32>,
        %get3A_493 = vector.shape_cast %get3A_492 : vector<1x16xf32> to vector<16xf32>
        %mul3A_494 = vector.broadcast %squeeze3A_474 : f32 to vector<16xf32>
        %mul3A_495 = arith.mulf %get3A_493, %mul3A_494 : vector<16xf32>
        %swap3A_496 = arith.index_cast %add3A_478 : i32 to index
        %swap3A_497 = arith.constant 16 : index
        %swap3A_498 = tpu.vector_load %arg11[%swap3A_496, %swap3A_497] {strides = array<i32>} : memref<128x128xf32, #tpu.memory_space<vmem>>, vector<1x16xf32>,
        %swap3A_499 = vector.shape_cast %swap3A_498 : vector<1x16xf32> to vector<16xf32>
        %swap3A_500 = vector.shape_cast %mul3A_495 : vector<16xf32> to vector<1x16xf32>
        tpu.vector_store %arg11[%swap3A_496, %swap3A_497], %swap3A_500 {strides = array<i32>} : memref<128x128xf32, #tpu.memory_space<vmem>>, vector<1x16xf32>,
        %get3A_501 = arith.index_cast %add3A_478 : i32 to index
        %get3A_502 = arith.constant 32 : index
        %get3A_503 = tpu.vector_load %arg11[%get3A_501, %get3A_502] {strides = array<i32>} : memref<128x128xf32, #tpu.memory_space<vmem>>, vector<1x16xf32>,
        %get3A_504 = vector.shape_cast %get3A_503 : vector<1x16xf32> to vector<16xf32>
        %mul3A_505 = vector.broadcast %squeeze3A_474 : f32 to vector<16xf32>
        %mul3A_506 = arith.mulf %get3A_504, %mul3A_505 : vector<16xf32>
        %swap3A_507 = arith.index_cast %add3A_478 : i32 to index
        %swap3A_508 = arith.constant 32 : index
        %swap3A_509 = tpu.vector_load %arg11[%swap3A_507, %swap3A_508] {strides = array<i32>} : memref<128x128xf32, #tpu.memory_space<vmem>>, vector<1x16xf32>,
        %swap3A_510 = vector.shape_cast %swap3A_509 : vector<1x16xf32> to vector<16xf32>
        %swap3A_511 = vector.shape_cast %mul3A_506 : vector<16xf32> to vector<1x16xf32>
        tpu.vector_store %arg11[%swap3A_507, %swap3A_508], %swap3A_511 {strides = array<i32>} : memref<128x128xf32, #tpu.memory_space<vmem>>, vector<1x16xf32>,
        %get3A_512 = arith.index_cast %add3A_478 : i32 to index
        %get3A_513 = arith.constant 48 : index
        %get3A_514 = tpu.vector_load %arg11[%get3A_512, %get3A_513] {strides = array<i32>} : memref<128x128xf32, #tpu.memory_space<vmem>>, vector<1x16xf32>,
        %get3A_515 = vector.shape_cast %get3A_514 : vector<1x16xf32> to vector<16xf32>
        %mul3A_516 = vector.broadcast %squeeze3A_474 : f32 to vector<16xf32>
        %mul3A_517 = arith.mulf %get3A_515, %mul3A_516 : vector<16xf32>
        %swap3A_518 = arith.index_cast %add3A_478 : i32 to index
        %swap3A_519 = arith.constant 48 : index
        %swap3A_520 = tpu.vector_load %arg11[%swap3A_518, %swap3A_519] {strides = array<i32>} : memref<128x128xf32, #tpu.memory_space<vmem>>, vector<1x16xf32>,
        %swap3A_521 = vector.shape_cast %swap3A_520 : vector<1x16xf32> to vector<16xf32>
        %swap3A_522 = vector.shape_cast %mul3A_517 : vector<16xf32> to vector<1x16xf32>
        tpu.vector_store %arg11[%swap3A_518, %swap3A_519], %swap3A_522 {strides = array<i32>} : memref<128x128xf32, #tpu.memory_space<vmem>>, vector<1x16xf32>,
        %get3A_523 = arith.index_cast %add3A_478 : i32 to index
        %get3A_524 = arith.constant 64 : index
        %get3A_525 = tpu.vector_load %arg11[%get3A_523, %get3A_524] {strides = array<i32>} : memref<128x128xf32, #tpu.memory_space<vmem>>, vector<1x16xf32>,
        %get3A_526 = vector.shape_cast %get3A_525 : vector<1x16xf32> to vector<16xf32>
        %mul3A_527 = vector.broadcast %squeeze3A_474 : f32 to vector<16xf32>
        %mul3A_528 = arith.mulf %get3A_526, %mul3A_527 : vector<16xf32>
        %swap3A_529 = arith.index_cast %add3A_478 : i32 to index
        %swap3A_530 = arith.constant 64 : index
        %swap3A_531 = tpu.vector_load %arg11[%swap3A_529, %swap3A_530] {strides = array<i32>} : memref<128x128xf32, #tpu.memory_space<vmem>>, vector<1x16xf32>,
        %swap3A_532 = vector.shape_cast %swap3A_531 : vector<1x16xf32> to vector<16xf32>
        %swap3A_533 = vector.shape_cast %mul3A_528 : vector<16xf32> to vector<1x16xf32>
        tpu.vector_store %arg11[%swap3A_529, %swap3A_530], %swap3A_533 {strides = array<i32>} : memref<128x128xf32, #tpu.memory_space<vmem>>, vector<1x16xf32>,
        %get3A_534 = arith.index_cast %add3A_478 : i32 to index
        %get3A_535 = arith.constant 80 : index
        %get3A_536 = tpu.vector_load %arg11[%get3A_534, %get3A_535] {strides = array<i32>} : memref<128x128xf32, #tpu.memory_space<vmem>>, vector<1x16xf32>,
        %get3A_537 = vector.shape_cast %get3A_536 : vector<1x16xf32> to vector<16xf32>
        %mul3A_538 = vector.broadcast %squeeze3A_474 : f32 to vector<16xf32>
        %mul3A_539 = arith.mulf %get3A_537, %mul3A_538 : vector<16xf32>
        %swap3A_540 = arith.index_cast %add3A_478 : i32 to index
        %swap3A_541 = arith.constant 80 : index
        %swap3A_542 = tpu.vector_load %arg11[%swap3A_540, %swap3A_541] {strides = array<i32>} : memref<128x128xf32, #tpu.memory_space<vmem>>, vector<1x16xf32>,
        %swap3A_543 = vector.shape_cast %swap3A_542 : vector<1x16xf32> to vector<16xf32>
        %swap3A_544 = vector.shape_cast %mul3A_539 : vector<16xf32> to vector<1x16xf32>
        tpu.vector_store %arg11[%swap3A_540, %swap3A_541], %swap3A_544 {strides = array<i32>} : memref<128x128xf32, #tpu.memory_space<vmem>>, vector<1x16xf32>,
        %get3A_545 = arith.index_cast %add3A_478 : i32 to index
        %get3A_546 = arith.constant 96 : index
        %get3A_547 = tpu.vector_load %arg11[%get3A_545, %get3A_546] {strides = array<i32>} : memref<128x128xf32, #tpu.memory_space<vmem>>, vector<1x16xf32>,
        %get3A_548 = vector.shape_cast %get3A_547 : vector<1x16xf32> to vector<16xf32>
        %mul3A_549 = vector.broadcast %squeeze3A_474 : f32 to vector<16xf32>
        %mul3A_550 = arith.mulf %get3A_548, %mul3A_549 : vector<16xf32>
        %swap3A_551 = arith.index_cast %add3A_478 : i32 to index
        %swap3A_552 = arith.constant 96 : index
        %swap3A_553 = tpu.vector_load %arg11[%swap3A_551, %swap3A_552] {strides = array<i32>} : memref<128x128xf32, #tpu.memory_space<vmem>>, vector<1x16xf32>,
        %swap3A_554 = vector.shape_cast %swap3A_553 : vector<1x16xf32> to vector<16xf32>
        %swap3A_555 = vector.shape_cast %mul3A_550 : vector<16xf32> to vector<1x16xf32>
        tpu.vector_store %arg11[%swap3A_551, %swap3A_552], %swap3A_555 {strides = array<i32>} : memref<128x128xf32, #tpu.memory_space<vmem>>, vector<1x16xf32>,
        %get3A_556 = arith.index_cast %add3A_478 : i32 to index
        %get3A_557 = arith.constant 112 : index
        %get3A_558 = tpu.vector_load %arg11[%get3A_556, %get3A_557] {strides = array<i32>} : memref<128x128xf32, #tpu.memory_space<vmem>>, vector<1x16xf32>,
        %get3A_559 = vector.shape_cast %get3A_558 : vector<1x16xf32> to vector<16xf32>
        %mul3A_560 = vector.broadcast %squeeze3A_474 : f32 to vector<16xf32>
        %mul3A_561 = arith.mulf %get3A_559, %mul3A_560 : vector<16xf32>
        %swap3A_562 = arith.index_cast %add3A_478 : i32 to index
        %swap3A_563 = arith.constant 112 : index
        %swap3A_564 = tpu.vector_load %arg11[%swap3A_562, %swap3A_563] {strides = array<i32>} : memref<128x128xf32, #tpu.memory_space<vmem>>, vector<1x16xf32>,
        %swap3A_565 = vector.shape_cast %swap3A_564 : vector<1x16xf32> to vector<16xf32>
        %swap3A_566 = vector.shape_cast %mul3A_561 : vector<16xf32> to vector<1x16xf32>
        tpu.vector_store %arg11[%swap3A_562, %swap3A_563], %swap3A_566 {strides = array<i32>} : memref<128x128xf32, #tpu.memory_space<vmem>>, vector<1x16xf32>,
        %slice3A_567 = vector.extract_strided_slice %get3A_193 {offsets = [4], sizes = [1], strides = [1]} : vector<16xf32> to vector<1xf32>
        %squeeze3A_568 = vector.extract %slice3A_567[0] : f32 from vector<1xf32>
        %mul3A_569 = arith.constant 16 : i32
        %mul3A_570 = arith.muli %scan3A_188, %mul3A_569 : i32
        %add3A_571 = arith.constant 4 : i32
        %add3A_572 = arith.addi %mul3A_570, %add3A_571 : i32
        %get3A_573 = arith.index_cast %add3A_572 : i32 to index
        %get3A_574 = arith.constant 0 : index
        %get3A_575 = tpu.vector_load %arg11[%get3A_573, %get3A_574] {strides = array<i32>} : memref<128x128xf32, #tpu.memory_space<vmem>>, vector<1x16xf32>,
        %get3A_576 = vector.shape_cast %get3A_575 : vector<1x16xf32> to vector<16xf32>
        %mul3A_577 = vector.broadcast %squeeze3A_568 : f32 to vector<16xf32>
        %mul3A_578 = arith.mulf %get3A_576, %mul3A_577 : vector<16xf32>
        %swap3A_579 = arith.index_cast %add3A_572 : i32 to index
        %swap3A_580 = arith.constant 0 : index
        %swap3A_581 = tpu.vector_load %arg11[%swap3A_579, %swap3A_580] {strides = array<i32>} : memref<128x128xf32, #tpu.memory_space<vmem>>, vector<1x16xf32>,
        %swap3A_582 = vector.shape_cast %swap3A_581 : vector<1x16xf32> to vector<16xf32>
        %swap3A_583 = vector.shape_cast %mul3A_578 : vector<16xf32> to vector<1x16xf32>
        tpu.vector_store %arg11[%swap3A_579, %swap3A_580], %swap3A_583 {strides = array<i32>} : memref<128x128xf32, #tpu.memory_space<vmem>>, vector<1x16xf32>,
        %get3A_584 = arith.index_cast %add3A_572 : i32 to index
        %get3A_585 = arith.constant 16 : index
        %get3A_586 = tpu.vector_load %arg11[%get3A_584, %get3A_585] {strides = array<i32>} : memref<128x128xf32, #tpu.memory_space<vmem>>, vector<1x16xf32>,
        %get3A_587 = vector.shape_cast %get3A_586 : vector<1x16xf32> to vector<16xf32>
        %mul3A_588 = vector.broadcast %squeeze3A_568 : f32 to vector<16xf32>
        %mul3A_589 = arith.mulf %get3A_587, %mul3A_588 : vector<16xf32>
        %swap3A_590 = arith.index_cast %add3A_572 : i32 to index
        %swap3A_591 = arith.constant 16 : index
        %swap3A_592 = tpu.vector_load %arg11[%swap3A_590, %swap3A_591] {strides = array<i32>} : memref<128x128xf32, #tpu.memory_space<vmem>>, vector<1x16xf32>,
        %swap3A_593 = vector.shape_cast %swap3A_592 : vector<1x16xf32> to vector<16xf32>
        %swap3A_594 = vector.shape_cast %mul3A_589 : vector<16xf32> to vector<1x16xf32>
        tpu.vector_store %arg11[%swap3A_590, %swap3A_591], %swap3A_594 {strides = array<i32>} : memref<128x128xf32, #tpu.memory_space<vmem>>, vector<1x16xf32>,
        %get3A_595 = arith.index_cast %add3A_572 : i32 to index
        %get3A_596 = arith.constant 32 : index
        %get3A_597 = tpu.vector_load %arg11[%get3A_595, %get3A_596] {strides = array<i32>} : memref<128x128xf32, #tpu.memory_space<vmem>>, vector<1x16xf32>,
        %get3A_598 = vector.shape_cast %get3A_597 : vector<1x16xf32> to vector<16xf32>
        %mul3A_599 = vector.broadcast %squeeze3A_568 : f32 to vector<16xf32>
        %mul3A_600 = arith.mulf %get3A_598, %mul3A_599 : vector<16xf32>
        %swap3A_601 = arith.index_cast %add3A_572 : i32 to index
        %swap3A_602 = arith.constant 32 : index
        %swap3A_603 = tpu.vector_load %arg11[%swap3A_601, %swap3A_602] {strides = array<i32>} : memref<128x128xf32, #tpu.memory_space<vmem>>, vector<1x16xf32>,
        %swap3A_604 = vector.shape_cast %swap3A_603 : vector<1x16xf32> to vector<16xf32>
        %swap3A_605 = vector.shape_cast %mul3A_600 : vector<16xf32> to vector<1x16xf32>
        tpu.vector_store %arg11[%swap3A_601, %swap3A_602], %swap3A_605 {strides = array<i32>} : memref<128x128xf32, #tpu.memory_space<vmem>>, vector<1x16xf32>,
        %get3A_606 = arith.index_cast %add3A_572 : i32 to index
        %get3A_607 = arith.constant 48 : index
        %get3A_608 = tpu.vector_load %arg11[%get3A_606, %get3A_607] {strides = array<i32>} : memref<128x128xf32, #tpu.memory_space<vmem>>, vector<1x16xf32>,
        %get3A_609 = vector.shape_cast %get3A_608 : vector<1x16xf32> to vector<16xf32>
        %mul3A_610 = vector.broadcast %squeeze3A_568 : f32 to vector<16xf32>
        %mul3A_611 = arith.mulf %get3A_609, %mul3A_610 : vector<16xf32>
        %swap3A_612 = arith.index_cast %add3A_572 : i32 to index
        %swap3A_613 = arith.constant 48 : index
        %swap3A_614 = tpu.vector_load %arg11[%swap3A_612, %swap3A_613] {strides = array<i32>} : memref<128x128xf32, #tpu.memory_space<vmem>>, vector<1x16xf32>,
        %swap3A_615 = vector.shape_cast %swap3A_614 : vector<1x16xf32> to vector<16xf32>
        %swap3A_616 = vector.shape_cast %mul3A_611 : vector<16xf32> to vector<1x16xf32>
        tpu.vector_store %arg11[%swap3A_612, %swap3A_613], %swap3A_616 {strides = array<i32>} : memref<128x128xf32, #tpu.memory_space<vmem>>, vector<1x16xf32>,
        %get3A_617 = arith.index_cast %add3A_572 : i32 to index
        %get3A_618 = arith.constant 64 : index
        %get3A_619 = tpu.vector_load %arg11[%get3A_617, %get3A_618] {strides = array<i32>} : memref<128x128xf32, #tpu.memory_space<vmem>>, vector<1x16xf32>,
        %get3A_620 = vector.shape_cast %get3A_619 : vector<1x16xf32> to vector<16xf32>
        %mul3A_621 = vector.broadcast %squeeze3A_568 : f32 to vector<16xf32>
        %mul3A_622 = arith.mulf %get3A_620, %mul3A_621 : vector<16xf32>
        %swap3A_623 = arith.index_cast %add3A_572 : i32 to index
        %swap3A_624 = arith.constant 64 : index
        %swap3A_625 = tpu.vector_load %arg11[%swap3A_623, %swap3A_624] {strides = array<i32>} : memref<128x128xf32, #tpu.memory_space<vmem>>, vector<1x16xf32>,
        %swap3A_626 = vector.shape_cast %swap3A_625 : vector<1x16xf32> to vector<16xf32>
        %swap3A_627 = vector.shape_cast %mul3A_622 : vector<16xf32> to vector<1x16xf32>
        tpu.vector_store %arg11[%swap3A_623, %swap3A_624], %swap3A_627 {strides = array<i32>} : memref<128x128xf32, #tpu.memory_space<vmem>>, vector<1x16xf32>,
        %get3A_628 = arith.index_cast %add3A_572 : i32 to index
        %get3A_629 = arith.constant 80 : index
        %get3A_630 = tpu.vector_load %arg11[%get3A_628, %get3A_629] {strides = array<i32>} : memref<128x128xf32, #tpu.memory_space<vmem>>, vector<1x16xf32>,
        %get3A_631 = vector.shape_cast %get3A_630 : vector<1x16xf32> to vector<16xf32>
        %mul3A_632 = vector.broadcast %squeeze3A_568 : f32 to vector<16xf32>
        %mul3A_633 = arith.mulf %get3A_631, %mul3A_632 : vector<16xf32>
        %swap3A_634 = arith.index_cast %add3A_572 : i32 to index
        %swap3A_635 = arith.constant 80 : index
        %swap3A_636 = tpu.vector_load %arg11[%swap3A_634, %swap3A_635] {strides = array<i32>} : memref<128x128xf32, #tpu.memory_space<vmem>>, vector<1x16xf32>,
        %swap3A_637 = vector.shape_cast %swap3A_636 : vector<1x16xf32> to vector<16xf32>
        %swap3A_638 = vector.shape_cast %mul3A_633 : vector<16xf32> to vector<1x16xf32>
        tpu.vector_store %arg11[%swap3A_634, %swap3A_635], %swap3A_638 {strides = array<i32>} : memref<128x128xf32, #tpu.memory_space<vmem>>, vector<1x16xf32>,
        %get3A_639 = arith.index_cast %add3A_572 : i32 to index
        %get3A_640 = arith.constant 96 : index
        %get3A_641 = tpu.vector_load %arg11[%get3A_639, %get3A_640] {strides = array<i32>} : memref<128x128xf32, #tpu.memory_space<vmem>>, vector<1x16xf32>,
        %get3A_642 = vector.shape_cast %get3A_641 : vector<1x16xf32> to vector<16xf32>
        %mul3A_643 = vector.broadcast %squeeze3A_568 : f32 to vector<16xf32>
        %mul3A_644 = arith.mulf %get3A_642, %mul3A_643 : vector<16xf32>
        %swap3A_645 = arith.index_cast %add3A_572 : i32 to index
        %swap3A_646 = arith.constant 96 : index
        %swap3A_647 = tpu.vector_load %arg11[%swap3A_645, %swap3A_646] {strides = array<i32>} : memref<128x128xf32, #tpu.memory_space<vmem>>, vector<1x16xf32>,
        %swap3A_648 = vector.shape_cast %swap3A_647 : vector<1x16xf32> to vector<16xf32>
        %swap3A_649 = vector.shape_cast %mul3A_644 : vector<16xf32> to vector<1x16xf32>
        tpu.vector_store %arg11[%swap3A_645, %swap3A_646], %swap3A_649 {strides = array<i32>} : memref<128x128xf32, #tpu.memory_space<vmem>>, vector<1x16xf32>,
        %get3A_650 = arith.index_cast %add3A_572 : i32 to index
        %get3A_651 = arith.constant 112 : index
        %get3A_652 = tpu.vector_load %arg11[%get3A_650, %get3A_651] {strides = array<i32>} : memref<128x128xf32, #tpu.memory_space<vmem>>, vector<1x16xf32>,
        %get3A_653 = vector.shape_cast %get3A_652 : vector<1x16xf32> to vector<16xf32>
        %mul3A_654 = vector.broadcast %squeeze3A_568 : f32 to vector<16xf32>
        %mul3A_655 = arith.mulf %get3A_653, %mul3A_654 : vector<16xf32>
        %swap3A_656 = arith.index_cast %add3A_572 : i32 to index
        %swap3A_657 = arith.constant 112 : index
        %swap3A_658 = tpu.vector_load %arg11[%swap3A_656, %swap3A_657] {strides = array<i32>} : memref<128x128xf32, #tpu.memory_space<vmem>>, vector<1x16xf32>,
        %swap3A_659 = vector.shape_cast %swap3A_658 : vector<1x16xf32> to vector<16xf32>
        %swap3A_660 = vector.shape_cast %mul3A_655 : vector<16xf32> to vector<1x16xf32>
        tpu.vector_store %arg11[%swap3A_656, %swap3A_657], %swap3A_660 {strides = array<i32>} : memref<128x128xf32, #tpu.memory_space<vmem>>, vector<1x16xf32>,
        %slice3A_661 = vector.extract_strided_slice %get3A_193 {offsets = [5], sizes = [1], strides = [1]} : vector<16xf32> to vector<1xf32>
        %squeeze3A_662 = vector.extract %slice3A_661[0] : f32 from vector<1xf32>
        %mul3A_663 = arith.constant 16 : i32
        %mul3A_664 = arith.muli %scan3A_188, %mul3A_663 : i32
        %add3A_665 = arith.constant 5 : i32
        %add3A_666 = arith.addi %mul3A_664, %add3A_665 : i32
        %get3A_667 = arith.index_cast %add3A_666 : i32 to index
        %get3A_668 = arith.constant 0 : index
        %get3A_669 = tpu.vector_load %arg11[%get3A_667, %get3A_668] {strides = array<i32>} : memref<128x128xf32, #tpu.memory_space<vmem>>, vector<1x16xf32>,
        %get3A_670 = vector.shape_cast %get3A_669 : vector<1x16xf32> to vector<16xf32>
        %mul3A_671 = vector.broadcast %squeeze3A_662 : f32 to vector<16xf32>
        %mul3A_672 = arith.mulf %get3A_670, %mul3A_671 : vector<16xf32>
        %swap3A_673 = arith.index_cast %add3A_666 : i32 to index
        %swap3A_674 = arith.constant 0 : index
        %swap3A_675 = tpu.vector_load %arg11[%swap3A_673, %swap3A_674] {strides = array<i32>} : memref<128x128xf32, #tpu.memory_space<vmem>>, vector<1x16xf32>,
        %swap3A_676 = vector.shape_cast %swap3A_675 : vector<1x16xf32> to vector<16xf32>
        %swap3A_677 = vector.shape_cast %mul3A_672 : vector<16xf32> to vector<1x16xf32>
        tpu.vector_store %arg11[%swap3A_673, %swap3A_674], %swap3A_677 {strides = array<i32>} : memref<128x128xf32, #tpu.memory_space<vmem>>, vector<1x16xf32>,
        %get3A_678 = arith.index_cast %add3A_666 : i32 to index
        %get3A_679 = arith.constant 16 : index
        %get3A_680 = tpu.vector_load %arg11[%get3A_678, %get3A_679] {strides = array<i32>} : memref<128x128xf32, #tpu.memory_space<vmem>>, vector<1x16xf32>,
        %get3A_681 = vector.shape_cast %get3A_680 : vector<1x16xf32> to vector<16xf32>
        %mul3A_682 = vector.broadcast %squeeze3A_662 : f32 to vector<16xf32>
        %mul3A_683 = arith.mulf %get3A_681, %mul3A_682 : vector<16xf32>
        %swap3A_684 = arith.index_cast %add3A_666 : i32 to index
        %swap3A_685 = arith.constant 16 : index
        %swap3A_686 = tpu.vector_load %arg11[%swap3A_684, %swap3A_685] {strides = array<i32>} : memref<128x128xf32, #tpu.memory_space<vmem>>, vector<1x16xf32>,
        %swap3A_687 = vector.shape_cast %swap3A_686 : vector<1x16xf32> to vector<16xf32>
        %swap3A_688 = vector.shape_cast %mul3A_683 : vector<16xf32> to vector<1x16xf32>
        tpu.vector_store %arg11[%swap3A_684, %swap3A_685], %swap3A_688 {strides = array<i32>} : memref<128x128xf32, #tpu.memory_space<vmem>>, vector<1x16xf32>,
        %get3A_689 = arith.index_cast %add3A_666 : i32 to index
        %get3A_690 = arith.constant 32 : index
        %get3A_691 = tpu.vector_load %arg11[%get3A_689, %get3A_690] {strides = array<i32>} : memref<128x128xf32, #tpu.memory_space<vmem>>, vector<1x16xf32>,
        %get3A_692 = vector.shape_cast %get3A_691 : vector<1x16xf32> to vector<16xf32>
        %mul3A_693 = vector.broadcast %squeeze3A_662 : f32 to vector<16xf32>
        %mul3A_694 = arith.mulf %get3A_692, %mul3A_693 : vector<16xf32>
        %swap3A_695 = arith.index_cast %add3A_666 : i32 to index
        %swap3A_696 = arith.constant 32 : index
        %swap3A_697 = tpu.vector_load %arg11[%swap3A_695, %swap3A_696] {strides = array<i32>} : memref<128x128xf32, #tpu.memory_space<vmem>>, vector<1x16xf32>,
        %swap3A_698 = vector.shape_cast %swap3A_697 : vector<1x16xf32> to vector<16xf32>
        %swap3A_699 = vector.shape_cast %mul3A_694 : vector<16xf32> to vector<1x16xf32>
        tpu.vector_store %arg11[%swap3A_695, %swap3A_696], %swap3A_699 {strides = array<i32>} : memref<128x128xf32, #tpu.memory_space<vmem>>, vector<1x16xf32>,
        %get3A_700 = arith.index_cast %add3A_666 : i32 to index
        %get3A_701 = arith.constant 48 : index
        %get3A_702 = tpu.vector_load %arg11[%get3A_700, %get3A_701] {strides = array<i32>} : memref<128x128xf32, #tpu.memory_space<vmem>>, vector<1x16xf32>,
        %get3A_703 = vector.shape_cast %get3A_702 : vector<1x16xf32> to vector<16xf32>
        %mul3A_704 = vector.broadcast %squeeze3A_662 : f32 to vector<16xf32>
        %mul3A_705 = arith.mulf %get3A_703, %mul3A_704 : vector<16xf32>
        %swap3A_706 = arith.index_cast %add3A_666 : i32 to index
        %swap3A_707 = arith.constant 48 : index
        %swap3A_708 = tpu.vector_load %arg11[%swap3A_706, %swap3A_707] {strides = array<i32>} : memref<128x128xf32, #tpu.memory_space<vmem>>, vector<1x16xf32>,
        %swap3A_709 = vector.shape_cast %swap3A_708 : vector<1x16xf32> to vector<16xf32>
        %swap3A_710 = vector.shape_cast %mul3A_705 : vector<16xf32> to vector<1x16xf32>
        tpu.vector_store %arg11[%swap3A_706, %swap3A_707], %swap3A_710 {strides = array<i32>} : memref<128x128xf32, #tpu.memory_space<vmem>>, vector<1x16xf32>,
        %get3A_711 = arith.index_cast %add3A_666 : i32 to index
        %get3A_712 = arith.constant 64 : index
        %get3A_713 = tpu.vector_load %arg11[%get3A_711, %get3A_712] {strides = array<i32>} : memref<128x128xf32, #tpu.memory_space<vmem>>, vector<1x16xf32>,
        %get3A_714 = vector.shape_cast %get3A_713 : vector<1x16xf32> to vector<16xf32>
        %mul3A_715 = vector.broadcast %squeeze3A_662 : f32 to vector<16xf32>
        %mul3A_716 = arith.mulf %get3A_714, %mul3A_715 : vector<16xf32>
        %swap3A_717 = arith.index_cast %add3A_666 : i32 to index
        %swap3A_718 = arith.constant 64 : index
        %swap3A_719 = tpu.vector_load %arg11[%swap3A_717, %swap3A_718] {strides = array<i32>} : memref<128x128xf32, #tpu.memory_space<vmem>>, vector<1x16xf32>,
        %swap3A_720 = vector.shape_cast %swap3A_719 : vector<1x16xf32> to vector<16xf32>
        %swap3A_721 = vector.shape_cast %mul3A_716 : vector<16xf32> to vector<1x16xf32>
        tpu.vector_store %arg11[%swap3A_717, %swap3A_718], %swap3A_721 {strides = array<i32>} : memref<128x128xf32, #tpu.memory_space<vmem>>, vector<1x16xf32>,
        %get3A_722 = arith.index_cast %add3A_666 : i32 to index
        %get3A_723 = arith.constant 80 : index
        %get3A_724 = tpu.vector_load %arg11[%get3A_722, %get3A_723] {strides = array<i32>} : memref<128x128xf32, #tpu.memory_space<vmem>>, vector<1x16xf32>,
        %get3A_725 = vector.shape_cast %get3A_724 : vector<1x16xf32> to vector<16xf32>
        %mul3A_726 = vector.broadcast %squeeze3A_662 : f32 to vector<16xf32>
        %mul3A_727 = arith.mulf %get3A_725, %mul3A_726 : vector<16xf32>
        %swap3A_728 = arith.index_cast %add3A_666 : i32 to index
        %swap3A_729 = arith.constant 80 : index
        %swap3A_730 = tpu.vector_load %arg11[%swap3A_728, %swap3A_729] {strides = array<i32>} : memref<128x128xf32, #tpu.memory_space<vmem>>, vector<1x16xf32>,
        %swap3A_731 = vector.shape_cast %swap3A_730 : vector<1x16xf32> to vector<16xf32>
        %swap3A_732 = vector.shape_cast %mul3A_727 : vector<16xf32> to vector<1x16xf32>
        tpu.vector_store %arg11[%swap3A_728, %swap3A_729], %swap3A_732 {strides = array<i32>} : memref<128x128xf32, #tpu.memory_space<vmem>>, vector<1x16xf32>,
        %get3A_733 = arith.index_cast %add3A_666 : i32 to index
        %get3A_734 = arith.constant 96 : index
        %get3A_735 = tpu.vector_load %arg11[%get3A_733, %get3A_734] {strides = array<i32>} : memref<128x128xf32, #tpu.memory_space<vmem>>, vector<1x16xf32>,
        %get3A_736 = vector.shape_cast %get3A_735 : vector<1x16xf32> to vector<16xf32>
        %mul3A_737 = vector.broadcast %squeeze3A_662 : f32 to vector<16xf32>
        %mul3A_738 = arith.mulf %get3A_736, %mul3A_737 : vector<16xf32>
        %swap3A_739 = arith.index_cast %add3A_666 : i32 to index
        %swap3A_740 = arith.constant 96 : index
        %swap3A_741 = tpu.vector_load %arg11[%swap3A_739, %swap3A_740] {strides = array<i32>} : memref<128x128xf32, #tpu.memory_space<vmem>>, vector<1x16xf32>,
        %swap3A_742 = vector.shape_cast %swap3A_741 : vector<1x16xf32> to vector<16xf32>
        %swap3A_743 = vector.shape_cast %mul3A_738 : vector<16xf32> to vector<1x16xf32>
        tpu.vector_store %arg11[%swap3A_739, %swap3A_740], %swap3A_743 {strides = array<i32>} : memref<128x128xf32, #tpu.memory_space<vmem>>, vector<1x16xf32>,
        %get3A_744 = arith.index_cast %add3A_666 : i32 to index
        %get3A_745 = arith.constant 112 : index
        %get3A_746 = tpu.vector_load %arg11[%get3A_744, %get3A_745] {strides = array<i32>} : memref<128x128xf32, #tpu.memory_space<vmem>>, vector<1x16xf32>,
        %get3A_747 = vector.shape_cast %get3A_746 : vector<1x16xf32> to vector<16xf32>
        %mul3A_748 = vector.broadcast %squeeze3A_662 : f32 to vector<16xf32>
        %mul3A_749 = arith.mulf %get3A_747, %mul3A_748 : vector<16xf32>
        %swap3A_750 = arith.index_cast %add3A_666 : i32 to index
        %swap3A_751 = arith.constant 112 : index
        %swap3A_752 = tpu.vector_load %arg11[%swap3A_750, %swap3A_751] {strides = array<i32>} : memref<128x128xf32, #tpu.memory_space<vmem>>, vector<1x16xf32>,
        %swap3A_753 = vector.shape_cast %swap3A_752 : vector<1x16xf32> to vector<16xf32>
        %swap3A_754 = vector.shape_cast %mul3A_749 : vector<16xf32> to vector<1x16xf32>
        tpu.vector_store %arg11[%swap3A_750, %swap3A_751], %swap3A_754 {strides = array<i32>} : memref<128x128xf32, #tpu.memory_space<vmem>>, vector<1x16xf32>,
        %slice3A_755 = vector.extract_strided_slice %get3A_193 {offsets = [6], sizes = [1], strides = [1]} : vector<16xf32> to vector<1xf32>
        %squeeze3A_756 = vector.extract %slice3A_755[0] : f32 from vector<1xf32>
        %mul3A_757 = arith.constant 16 : i32
        %mul3A_758 = arith.muli %scan3A_188, %mul3A_757 : i32
        %add3A_759 = arith.constant 6 : i32
        %add3A_760 = arith.addi %mul3A_758, %add3A_759 : i32
        %get3A_761 = arith.index_cast %add3A_760 : i32 to index
        %get3A_762 = arith.constant 0 : index
        %get3A_763 = tpu.vector_load %arg11[%get3A_761, %get3A_762] {strides = array<i32>} : memref<128x128xf32, #tpu.memory_space<vmem>>, vector<1x16xf32>,
        %get3A_764 = vector.shape_cast %get3A_763 : vector<1x16xf32> to vector<16xf32>
        %mul3A_765 = vector.broadcast %squeeze3A_756 : f32 to vector<16xf32>
        %mul3A_766 = arith.mulf %get3A_764, %mul3A_765 : vector<16xf32>
        %swap3A_767 = arith.index_cast %add3A_760 : i32 to index
        %swap3A_768 = arith.constant 0 : index
        %swap3A_769 = tpu.vector_load %arg11[%swap3A_767, %swap3A_768] {strides = array<i32>} : memref<128x128xf32, #tpu.memory_space<vmem>>, vector<1x16xf32>,
        %swap3A_770 = vector.shape_cast %swap3A_769 : vector<1x16xf32> to vector<16xf32>
        %swap3A_771 = vector.shape_cast %mul3A_766 : vector<16xf32> to vector<1x16xf32>
        tpu.vector_store %arg11[%swap3A_767, %swap3A_768], %swap3A_771 {strides = array<i32>} : memref<128x128xf32, #tpu.memory_space<vmem>>, vector<1x16xf32>,
        %get3A_772 = arith.index_cast %add3A_760 : i32 to index
        %get3A_773 = arith.constant 16 : index
        %get3A_774 = tpu.vector_load %arg11[%get3A_772, %get3A_773] {strides = array<i32>} : memref<128x128xf32, #tpu.memory_space<vmem>>, vector<1x16xf32>,
        %get3A_775 = vector.shape_cast %get3A_774 : vector<1x16xf32> to vector<16xf32>
        %mul3A_776 = vector.broadcast %squeeze3A_756 : f32 to vector<16xf32>
        %mul3A_777 = arith.mulf %get3A_775, %mul3A_776 : vector<16xf32>
        %swap3A_778 = arith.index_cast %add3A_760 : i32 to index
        %swap3A_779 = arith.constant 16 : index
        %swap3A_780 = tpu.vector_load %arg11[%swap3A_778, %swap3A_779] {strides = array<i32>} : memref<128x128xf32, #tpu.memory_space<vmem>>, vector<1x16xf32>,
        %swap3A_781 = vector.shape_cast %swap3A_780 : vector<1x16xf32> to vector<16xf32>
        %swap3A_782 = vector.shape_cast %mul3A_777 : vector<16xf32> to vector<1x16xf32>
        tpu.vector_store %arg11[%swap3A_778, %swap3A_779], %swap3A_782 {strides = array<i32>} : memref<128x128xf32, #tpu.memory_space<vmem>>, vector<1x16xf32>,
        %get3A_783 = arith.index_cast %add3A_760 : i32 to index
        %get3A_784 = arith.constant 32 : index
        %get3A_785 = tpu.vector_load %arg11[%get3A_783, %get3A_784] {strides = array<i32>} : memref<128x128xf32, #tpu.memory_space<vmem>>, vector<1x16xf32>,
        %get3A_786 = vector.shape_cast %get3A_785 : vector<1x16xf32> to vector<16xf32>
        %mul3A_787 = vector.broadcast %squeeze3A_756 : f32 to vector<16xf32>
        %mul3A_788 = arith.mulf %get3A_786, %mul3A_787 : vector<16xf32>
        %swap3A_789 = arith.index_cast %add3A_760 : i32 to index
        %swap3A_790 = arith.constant 32 : index
        %swap3A_791 = tpu.vector_load %arg11[%swap3A_789, %swap3A_790] {strides = array<i32>} : memref<128x128xf32, #tpu.memory_space<vmem>>, vector<1x16xf32>,
        %swap3A_792 = vector.shape_cast %swap3A_791 : vector<1x16xf32> to vector<16xf32>
        %swap3A_793 = vector.shape_cast %mul3A_788 : vector<16xf32> to vector<1x16xf32>
        tpu.vector_store %arg11[%swap3A_789, %swap3A_790], %swap3A_793 {strides = array<i32>} : memref<128x128xf32, #tpu.memory_space<vmem>>, vector<1x16xf32>,
        %get3A_794 = arith.index_cast %add3A_760 : i32 to index
        %get3A_795 = arith.constant 48 : index
        %get3A_796 = tpu.vector_load %arg11[%get3A_794, %get3A_795] {strides = array<i32>} : memref<128x128xf32, #tpu.memory_space<vmem>>, vector<1x16xf32>,
        %get3A_797 = vector.shape_cast %get3A_796 : vector<1x16xf32> to vector<16xf32>
        %mul3A_798 = vector.broadcast %squeeze3A_756 : f32 to vector<16xf32>
        %mul3A_799 = arith.mulf %get3A_797, %mul3A_798 : vector<16xf32>
        %swap3A_800 = arith.index_cast %add3A_760 : i32 to index
        %swap3A_801 = arith.constant 48 : index
        %swap3A_802 = tpu.vector_load %arg11[%swap3A_800, %swap3A_801] {strides = array<i32>} : memref<128x128xf32, #tpu.memory_space<vmem>>, vector<1x16xf32>,
        %swap3A_803 = vector.shape_cast %swap3A_802 : vector<1x16xf32> to vector<16xf32>
        %swap3A_804 = vector.shape_cast %mul3A_799 : vector<16xf32> to vector<1x16xf32>
        tpu.vector_store %arg11[%swap3A_800, %swap3A_801], %swap3A_804 {strides = array<i32>} : memref<128x128xf32, #tpu.memory_space<vmem>>, vector<1x16xf32>,
        %get3A_805 = arith.index_cast %add3A_760 : i32 to index
        %get3A_806 = arith.constant 64 : index
        %get3A_807 = tpu.vector_load %arg11[%get3A_805, %get3A_806] {strides = array<i32>} : memref<128x128xf32, #tpu.memory_space<vmem>>, vector<1x16xf32>,
        %get3A_808 = vector.shape_cast %get3A_807 : vector<1x16xf32> to vector<16xf32>
        %mul3A_809 = vector.broadcast %squeeze3A_756 : f32 to vector<16xf32>
        %mul3A_810 = arith.mulf %get3A_808, %mul3A_809 : vector<16xf32>
        %swap3A_811 = arith.index_cast %add3A_760 : i32 to index
        %swap3A_812 = arith.constant 64 : index
        %swap3A_813 = tpu.vector_load %arg11[%swap3A_811, %swap3A_812] {strides = array<i32>} : memref<128x128xf32, #tpu.memory_space<vmem>>, vector<1x16xf32>,
        %swap3A_814 = vector.shape_cast %swap3A_813 : vector<1x16xf32> to vector<16xf32>
        %swap3A_815 = vector.shape_cast %mul3A_810 : vector<16xf32> to vector<1x16xf32>
        tpu.vector_store %arg11[%swap3A_811, %swap3A_812], %swap3A_815 {strides = array<i32>} : memref<128x128xf32, #tpu.memory_space<vmem>>, vector<1x16xf32>,
        %get3A_816 = arith.index_cast %add3A_760 : i32 to index
        %get3A_817 = arith.constant 80 : index
        %get3A_818 = tpu.vector_load %arg11[%get3A_816, %get3A_817] {strides = array<i32>} : memref<128x128xf32, #tpu.memory_space<vmem>>, vector<1x16xf32>,
        %get3A_819 = vector.shape_cast %get3A_818 : vector<1x16xf32> to vector<16xf32>
        %mul3A_820 = vector.broadcast %squeeze3A_756 : f32 to vector<16xf32>
        %mul3A_821 = arith.mulf %get3A_819, %mul3A_820 : vector<16xf32>
        %swap3A_822 = arith.index_cast %add3A_760 : i32 to index
        %swap3A_823 = arith.constant 80 : index
        %swap3A_824 = tpu.vector_load %arg11[%swap3A_822, %swap3A_823] {strides = array<i32>} : memref<128x128xf32, #tpu.memory_space<vmem>>, vector<1x16xf32>,
        %swap3A_825 = vector.shape_cast %swap3A_824 : vector<1x16xf32> to vector<16xf32>
        %swap3A_826 = vector.shape_cast %mul3A_821 : vector<16xf32> to vector<1x16xf32>
        tpu.vector_store %arg11[%swap3A_822, %swap3A_823], %swap3A_826 {strides = array<i32>} : memref<128x128xf32, #tpu.memory_space<vmem>>, vector<1x16xf32>,
        %get3A_827 = arith.index_cast %add3A_760 : i32 to index
        %get3A_828 = arith.constant 96 : index
        %get3A_829 = tpu.vector_load %arg11[%get3A_827, %get3A_828] {strides = array<i32>} : memref<128x128xf32, #tpu.memory_space<vmem>>, vector<1x16xf32>,
        %get3A_830 = vector.shape_cast %get3A_829 : vector<1x16xf32> to vector<16xf32>
        %mul3A_831 = vector.broadcast %squeeze3A_756 : f32 to vector<16xf32>
        %mul3A_832 = arith.mulf %get3A_830, %mul3A_831 : vector<16xf32>
        %swap3A_833 = arith.index_cast %add3A_760 : i32 to index
        %swap3A_834 = arith.constant 96 : index
        %swap3A_835 = tpu.vector_load %arg11[%swap3A_833, %swap3A_834] {strides = array<i32>} : memref<128x128xf32, #tpu.memory_space<vmem>>, vector<1x16xf32>,
        %swap3A_836 = vector.shape_cast %swap3A_835 : vector<1x16xf32> to vector<16xf32>
        %swap3A_837 = vector.shape_cast %mul3A_832 : vector<16xf32> to vector<1x16xf32>
        tpu.vector_store %arg11[%swap3A_833, %swap3A_834], %swap3A_837 {strides = array<i32>} : memref<128x128xf32, #tpu.memory_space<vmem>>, vector<1x16xf32>,
        %get3A_838 = arith.index_cast %add3A_760 : i32 to index
        %get3A_839 = arith.constant 112 : index
        %get3A_840 = tpu.vector_load %arg11[%get3A_838, %get3A_839] {strides = array<i32>} : memref<128x128xf32, #tpu.memory_space<vmem>>, vector<1x16xf32>,
        %get3A_841 = vector.shape_cast %get3A_840 : vector<1x16xf32> to vector<16xf32>
        %mul3A_842 = vector.broadcast %squeeze3A_756 : f32 to vector<16xf32>
        %mul3A_843 = arith.mulf %get3A_841, %mul3A_842 : vector<16xf32>
        %swap3A_844 = arith.index_cast %add3A_760 : i32 to index
        %swap3A_845 = arith.constant 112 : index
        %swap3A_846 = tpu.vector_load %arg11[%swap3A_844, %swap3A_845] {strides = array<i32>} : memref<128x128xf32, #tpu.memory_space<vmem>>, vector<1x16xf32>,
        %swap3A_847 = vector.shape_cast %swap3A_846 : vector<1x16xf32> to vector<16xf32>
        %swap3A_848 = vector.shape_cast %mul3A_843 : vector<16xf32> to vector<1x16xf32>
        tpu.vector_store %arg11[%swap3A_844, %swap3A_845], %swap3A_848 {strides = array<i32>} : memref<128x128xf32, #tpu.memory_space<vmem>>, vector<1x16xf32>,
        %slice3A_849 = vector.extract_strided_slice %get3A_193 {offsets = [7], sizes = [1], strides = [1]} : vector<16xf32> to vector<1xf32>
        %squeeze3A_850 = vector.extract %slice3A_849[0] : f32 from vector<1xf32>
        %mul3A_851 = arith.constant 16 : i32
        %mul3A_852 = arith.muli %scan3A_188, %mul3A_851 : i32
        %add3A_853 = arith.constant 7 : i32
        %add3A_854 = arith.addi %mul3A_852, %add3A_853 : i32
        %get3A_855 = arith.index_cast %add3A_854 : i32 to index
        %get3A_856 = arith.constant 0 : index
        %get3A_857 = tpu.vector_load %arg11[%get3A_855, %get3A_856] {strides = array<i32>} : memref<128x128xf32, #tpu.memory_space<vmem>>, vector<1x16xf32>,
        %get3A_858 = vector.shape_cast %get3A_857 : vector<1x16xf32> to vector<16xf32>
        %mul3A_859 = vector.broadcast %squeeze3A_850 : f32 to vector<16xf32>
        %mul3A_860 = arith.mulf %get3A_858, %mul3A_859 : vector<16xf32>
        %swap3A_861 = arith.index_cast %add3A_854 : i32 to index
        %swap3A_862 = arith.constant 0 : index
        %swap3A_863 = tpu.vector_load %arg11[%swap3A_861, %swap3A_862] {strides = array<i32>} : memref<128x128xf32, #tpu.memory_space<vmem>>, vector<1x16xf32>,
        %swap3A_864 = vector.shape_cast %swap3A_863 : vector<1x16xf32> to vector<16xf32>
        %swap3A_865 = vector.shape_cast %mul3A_860 : vector<16xf32> to vector<1x16xf32>
        tpu.vector_store %arg11[%swap3A_861, %swap3A_862], %swap3A_865 {strides = array<i32>} : memref<128x128xf32, #tpu.memory_space<vmem>>, vector<1x16xf32>,
        %get3A_866 = arith.index_cast %add3A_854 : i32 to index
        %get3A_867 = arith.constant 16 : index
        %get3A_868 = tpu.vector_load %arg11[%get3A_866, %get3A_867] {strides = array<i32>} : memref<128x128xf32, #tpu.memory_space<vmem>>, vector<1x16xf32>,
        %get3A_869 = vector.shape_cast %get3A_868 : vector<1x16xf32> to vector<16xf32>
        %mul3A_870 = vector.broadcast %squeeze3A_850 : f32 to vector<16xf32>
        %mul3A_871 = arith.mulf %get3A_869, %mul3A_870 : vector<16xf32>
        %swap3A_872 = arith.index_cast %add3A_854 : i32 to index
        %swap3A_873 = arith.constant 16 : index
        %swap3A_874 = tpu.vector_load %arg11[%swap3A_872, %swap3A_873] {strides = array<i32>} : memref<128x128xf32, #tpu.memory_space<vmem>>, vector<1x16xf32>,
        %swap3A_875 = vector.shape_cast %swap3A_874 : vector<1x16xf32> to vector<16xf32>
        %swap3A_876 = vector.shape_cast %mul3A_871 : vector<16xf32> to vector<1x16xf32>
        tpu.vector_store %arg11[%swap3A_872, %swap3A_873], %swap3A_876 {strides = array<i32>} : memref<128x128xf32, #tpu.memory_space<vmem>>, vector<1x16xf32>,
        %get3A_877 = arith.index_cast %add3A_854 : i32 to index
        %get3A_878 = arith.constant 32 : index
        %get3A_879 = tpu.vector_load %arg11[%get3A_877, %get3A_878] {strides = array<i32>} : memref<128x128xf32, #tpu.memory_space<vmem>>, vector<1x16xf32>,
        %get3A_880 = vector.shape_cast %get3A_879 : vector<1x16xf32> to vector<16xf32>
        %mul3A_881 = vector.broadcast %squeeze3A_850 : f32 to vector<16xf32>
        %mul3A_882 = arith.mulf %get3A_880, %mul3A_881 : vector<16xf32>
        %swap3A_883 = arith.index_cast %add3A_854 : i32 to index
        %swap3A_884 = arith.constant 32 : index
        %swap3A_885 = tpu.vector_load %arg11[%swap3A_883, %swap3A_884] {strides = array<i32>} : memref<128x128xf32, #tpu.memory_space<vmem>>, vector<1x16xf32>,
        %swap3A_886 = vector.shape_cast %swap3A_885 : vector<1x16xf32> to vector<16xf32>
        %swap3A_887 = vector.shape_cast %mul3A_882 : vector<16xf32> to vector<1x16xf32>
        tpu.vector_store %arg11[%swap3A_883, %swap3A_884], %swap3A_887 {strides = array<i32>} : memref<128x128xf32, #tpu.memory_space<vmem>>, vector<1x16xf32>,
        %get3A_888 = arith.index_cast %add3A_854 : i32 to index
        %get3A_889 = arith.constant 48 : index
        %get3A_890 = tpu.vector_load %arg11[%get3A_888, %get3A_889] {strides = array<i32>} : memref<128x128xf32, #tpu.memory_space<vmem>>, vector<1x16xf32>,
        %get3A_891 = vector.shape_cast %get3A_890 : vector<1x16xf32> to vector<16xf32>
        %mul3A_892 = vector.broadcast %squeeze3A_850 : f32 to vector<16xf32>
        %mul3A_893 = arith.mulf %get3A_891, %mul3A_892 : vector<16xf32>
        %swap3A_894 = arith.index_cast %add3A_854 : i32 to index
        %swap3A_895 = arith.constant 48 : index
        %swap3A_896 = tpu.vector_load %arg11[%swap3A_894, %swap3A_895] {strides = array<i32>} : memref<128x128xf32, #tpu.memory_space<vmem>>, vector<1x16xf32>,
        %swap3A_897 = vector.shape_cast %swap3A_896 : vector<1x16xf32> to vector<16xf32>
        %swap3A_898 = vector.shape_cast %mul3A_893 : vector<16xf32> to vector<1x16xf32>
        tpu.vector_store %arg11[%swap3A_894, %swap3A_895], %swap3A_898 {strides = array<i32>} : memref<128x128xf32, #tpu.memory_space<vmem>>, vector<1x16xf32>,
        %get3A_899 = arith.index_cast %add3A_854 : i32 to index
        %get3A_900 = arith.constant 64 : index
        %get3A_901 = tpu.vector_load %arg11[%get3A_899, %get3A_900] {strides = array<i32>} : memref<128x128xf32, #tpu.memory_space<vmem>>, vector<1x16xf32>,
        %get3A_902 = vector.shape_cast %get3A_901 : vector<1x16xf32> to vector<16xf32>
        %mul3A_903 = vector.broadcast %squeeze3A_850 : f32 to vector<16xf32>
        %mul3A_904 = arith.mulf %get3A_902, %mul3A_903 : vector<16xf32>
        %swap3A_905 = arith.index_cast %add3A_854 : i32 to index
        %swap3A_906 = arith.constant 64 : index
        %swap3A_907 = tpu.vector_load %arg11[%swap3A_905, %swap3A_906] {strides = array<i32>} : memref<128x128xf32, #tpu.memory_space<vmem>>, vector<1x16xf32>,
        %swap3A_908 = vector.shape_cast %swap3A_907 : vector<1x16xf32> to vector<16xf32>
        %swap3A_909 = vector.shape_cast %mul3A_904 : vector<16xf32> to vector<1x16xf32>
        tpu.vector_store %arg11[%swap3A_905, %swap3A_906], %swap3A_909 {strides = array<i32>} : memref<128x128xf32, #tpu.memory_space<vmem>>, vector<1x16xf32>,
        %get3A_910 = arith.index_cast %add3A_854 : i32 to index
        %get3A_911 = arith.constant 80 : index
        %get3A_912 = tpu.vector_load %arg11[%get3A_910, %get3A_911] {strides = array<i32>} : memref<128x128xf32, #tpu.memory_space<vmem>>, vector<1x16xf32>,
        %get3A_913 = vector.shape_cast %get3A_912 : vector<1x16xf32> to vector<16xf32>
        %mul3A_914 = vector.broadcast %squeeze3A_850 : f32 to vector<16xf32>
        %mul3A_915 = arith.mulf %get3A_913, %mul3A_914 : vector<16xf32>
        %swap3A_916 = arith.index_cast %add3A_854 : i32 to index
        %swap3A_917 = arith.constant 80 : index
        %swap3A_918 = tpu.vector_load %arg11[%swap3A_916, %swap3A_917] {strides = array<i32>} : memref<128x128xf32, #tpu.memory_space<vmem>>, vector<1x16xf32>,
        %swap3A_919 = vector.shape_cast %swap3A_918 : vector<1x16xf32> to vector<16xf32>
        %swap3A_920 = vector.shape_cast %mul3A_915 : vector<16xf32> to vector<1x16xf32>
        tpu.vector_store %arg11[%swap3A_916, %swap3A_917], %swap3A_920 {strides = array<i32>} : memref<128x128xf32, #tpu.memory_space<vmem>>, vector<1x16xf32>,
        %get3A_921 = arith.index_cast %add3A_854 : i32 to index
        %get3A_922 = arith.constant 96 : index
        %get3A_923 = tpu.vector_load %arg11[%get3A_921, %get3A_922] {strides = array<i32>} : memref<128x128xf32, #tpu.memory_space<vmem>>, vector<1x16xf32>,
        %get3A_924 = vector.shape_cast %get3A_923 : vector<1x16xf32> to vector<16xf32>
        %mul3A_925 = vector.broadcast %squeeze3A_850 : f32 to vector<16xf32>
        %mul3A_926 = arith.mulf %get3A_924, %mul3A_925 : vector<16xf32>
        %swap3A_927 = arith.index_cast %add3A_854 : i32 to index
        %swap3A_928 = arith.constant 96 : index
        %swap3A_929 = tpu.vector_load %arg11[%swap3A_927, %swap3A_928] {strides = array<i32>} : memref<128x128xf32, #tpu.memory_space<vmem>>, vector<1x16xf32>,
        %swap3A_930 = vector.shape_cast %swap3A_929 : vector<1x16xf32> to vector<16xf32>
        %swap3A_931 = vector.shape_cast %mul3A_926 : vector<16xf32> to vector<1x16xf32>
        tpu.vector_store %arg11[%swap3A_927, %swap3A_928], %swap3A_931 {strides = array<i32>} : memref<128x128xf32, #tpu.memory_space<vmem>>, vector<1x16xf32>,
        %get3A_932 = arith.index_cast %add3A_854 : i32 to index
        %get3A_933 = arith.constant 112 : index
        %get3A_934 = tpu.vector_load %arg11[%get3A_932, %get3A_933] {strides = array<i32>} : memref<128x128xf32, #tpu.memory_space<vmem>>, vector<1x16xf32>,
        %get3A_935 = vector.shape_cast %get3A_934 : vector<1x16xf32> to vector<16xf32>
        %mul3A_936 = vector.broadcast %squeeze3A_850 : f32 to vector<16xf32>
        %mul3A_937 = arith.mulf %get3A_935, %mul3A_936 : vector<16xf32>
        %swap3A_938 = arith.index_cast %add3A_854 : i32 to index
        %swap3A_939 = arith.constant 112 : index
        %swap3A_940 = tpu.vector_load %arg11[%swap3A_938, %swap3A_939] {strides = array<i32>} : memref<128x128xf32, #tpu.memory_space<vmem>>, vector<1x16xf32>,
        %swap3A_941 = vector.shape_cast %swap3A_940 : vector<1x16xf32> to vector<16xf32>
        %swap3A_942 = vector.shape_cast %mul3A_937 : vector<16xf32> to vector<1x16xf32>
        tpu.vector_store %arg11[%swap3A_938, %swap3A_939], %swap3A_942 {strides = array<i32>} : memref<128x128xf32, #tpu.memory_space<vmem>>, vector<1x16xf32>,
        %slice3A_943 = vector.extract_strided_slice %get3A_193 {offsets = [8], sizes = [1], strides = [1]} : vector<16xf32> to vector<1xf32>
        %squeeze3A_944 = vector.extract %slice3A_943[0] : f32 from vector<1xf32>
        %mul3A_945 = arith.constant 16 : i32
        %mul3A_946 = arith.muli %scan3A_188, %mul3A_945 : i32
        %add3A_947 = arith.constant 8 : i32
        %add3A_948 = arith.addi %mul3A_946, %add3A_947 : i32
        %get3A_949 = arith.index_cast %add3A_948 : i32 to index
        %get3A_950 = arith.constant 0 : index
        %get3A_951 = tpu.vector_load %arg11[%get3A_949, %get3A_950] {strides = array<i32>} : memref<128x128xf32, #tpu.memory_space<vmem>>, vector<1x16xf32>,
        %get3A_952 = vector.shape_cast %get3A_951 : vector<1x16xf32> to vector<16xf32>
        %mul3A_953 = vector.broadcast %squeeze3A_944 : f32 to vector<16xf32>
        %mul3A_954 = arith.mulf %get3A_952, %mul3A_953 : vector<16xf32>
        %swap3A_955 = arith.index_cast %add3A_948 : i32 to index
        %swap3A_956 = arith.constant 0 : index
        %swap3A_957 = tpu.vector_load %arg11[%swap3A_955, %swap3A_956] {strides = array<i32>} : memref<128x128xf32, #tpu.memory_space<vmem>>, vector<1x16xf32>,
        %swap3A_958 = vector.shape_cast %swap3A_957 : vector<1x16xf32> to vector<16xf32>
        %swap3A_959 = vector.shape_cast %mul3A_954 : vector<16xf32> to vector<1x16xf32>
        tpu.vector_store %arg11[%swap3A_955, %swap3A_956], %swap3A_959 {strides = array<i32>} : memref<128x128xf32, #tpu.memory_space<vmem>>, vector<1x16xf32>,
        %get3A_960 = arith.index_cast %add3A_948 : i32 to index
        %get3A_961 = arith.constant 16 : index
        %get3A_962 = tpu.vector_load %arg11[%get3A_960, %get3A_961] {strides = array<i32>} : memref<128x128xf32, #tpu.memory_space<vmem>>, vector<1x16xf32>,
        %get3A_963 = vector.shape_cast %get3A_962 : vector<1x16xf32> to vector<16xf32>
        %mul3A_964 = vector.broadcast %squeeze3A_944 : f32 to vector<16xf32>
        %mul3A_965 = arith.mulf %get3A_963, %mul3A_964 : vector<16xf32>
        %swap3A_966 = arith.index_cast %add3A_948 : i32 to index
        %swap3A_967 = arith.constant 16 : index
        %swap3A_968 = tpu.vector_load %arg11[%swap3A_966, %swap3A_967] {strides = array<i32>} : memref<128x128xf32, #tpu.memory_space<vmem>>, vector<1x16xf32>,
        %swap3A_969 = vector.shape_cast %swap3A_968 : vector<1x16xf32> to vector<16xf32>
        %swap3A_970 = vector.shape_cast %mul3A_965 : vector<16xf32> to vector<1x16xf32>
        tpu.vector_store %arg11[%swap3A_966, %swap3A_967], %swap3A_970 {strides = array<i32>} : memref<128x128xf32, #tpu.memory_space<vmem>>, vector<1x16xf32>,
        %get3A_971 = arith.index_cast %add3A_948 : i32 to index
        %get3A_972 = arith.constant 32 : index
        %get3A_973 = tpu.vector_load %arg11[%get3A_971, %get3A_972] {strides = array<i32>} : memref<128x128xf32, #tpu.memory_space<vmem>>, vector<1x16xf32>,
        %get3A_974 = vector.shape_cast %get3A_973 : vector<1x16xf32> to vector<16xf32>
        %mul3A_975 = vector.broadcast %squeeze3A_944 : f32 to vector<16xf32>
        %mul3A_976 = arith.mulf %get3A_974, %mul3A_975 : vector<16xf32>
        %swap3A_977 = arith.index_cast %add3A_948 : i32 to index
        %swap3A_978 = arith.constant 32 : index
        %swap3A_979 = tpu.vector_load %arg11[%swap3A_977, %swap3A_978] {strides = array<i32>} : memref<128x128xf32, #tpu.memory_space<vmem>>, vector<1x16xf32>,
        %swap3A_980 = vector.shape_cast %swap3A_979 : vector<1x16xf32> to vector<16xf32>
        %swap3A_981 = vector.shape_cast %mul3A_976 : vector<16xf32> to vector<1x16xf32>
        tpu.vector_store %arg11[%swap3A_977, %swap3A_978], %swap3A_981 {strides = array<i32>} : memref<128x128xf32, #tpu.memory_space<vmem>>, vector<1x16xf32>,
        %get3A_982 = arith.index_cast %add3A_948 : i32 to index
        %get3A_983 = arith.constant 48 : index
        %get3A_984 = tpu.vector_load %arg11[%get3A_982, %get3A_983] {strides = array<i32>} : memref<128x128xf32, #tpu.memory_space<vmem>>, vector<1x16xf32>,
        %get3A_985 = vector.shape_cast %get3A_984 : vector<1x16xf32> to vector<16xf32>
        %mul3A_986 = vector.broadcast %squeeze3A_944 : f32 to vector<16xf32>
        %mul3A_987 = arith.mulf %get3A_985, %mul3A_986 : vector<16xf32>
        %swap3A_988 = arith.index_cast %add3A_948 : i32 to index
        %swap3A_989 = arith.constant 48 : index
        %swap3A_990 = tpu.vector_load %arg11[%swap3A_988, %swap3A_989] {strides = array<i32>} : memref<128x128xf32, #tpu.memory_space<vmem>>, vector<1x16xf32>,
        %swap3A_991 = vector.shape_cast %swap3A_990 : vector<1x16xf32> to vector<16xf32>
        %swap3A_992 = vector.shape_cast %mul3A_987 : vector<16xf32> to vector<1x16xf32>
        tpu.vector_store %arg11[%swap3A_988, %swap3A_989], %swap3A_992 {strides = array<i32>} : memref<128x128xf32, #tpu.memory_space<vmem>>, vector<1x16xf32>,
        %get3A_993 = arith.index_cast %add3A_948 : i32 to index
        %get3A_994 = arith.constant 64 : index
        %get3A_995 = tpu.vector_load %arg11[%get3A_993, %get3A_994] {strides = array<i32>} : memref<128x128xf32, #tpu.memory_space<vmem>>, vector<1x16xf32>,
        %get3A_996 = vector.shape_cast %get3A_995 : vector<1x16xf32> to vector<16xf32>
        %mul3A_997 = vector.broadcast %squeeze3A_944 : f32 to vector<16xf32>
        %mul3A_998 = arith.mulf %get3A_996, %mul3A_997 : vector<16xf32>
        %swap3A_999 = arith.index_cast %add3A_948 : i32 to index
        %swap3A_1000 = arith.constant 64 : index
        %swap3A_1001 = tpu.vector_load %arg11[%swap3A_999, %swap3A_1000] {strides = array<i32>} : memref<128x128xf32, #tpu.memory_space<vmem>>, vector<1x16xf32>,
        %swap3A_1002 = vector.shape_cast %swap3A_1001 : vector<1x16xf32> to vector<16xf32>
        %swap3A_1003 = vector.shape_cast %mul3A_998 : vector<16xf32> to vector<1x16xf32>
        tpu.vector_store %arg11[%swap3A_999, %swap3A_1000], %swap3A_1003 {strides = array<i32>} : memref<128x128xf32, #tpu.memory_space<vmem>>, vector<1x16xf32>,
        %get3A_1004 = arith.index_cast %add3A_948 : i32 to index
        %get3A_1005 = arith.constant 80 : index
        %get3A_1006 = tpu.vector_load %arg11[%get3A_1004, %get3A_1005] {strides = array<i32>} : memref<128x128xf32, #tpu.memory_space<vmem>>, vector<1x16xf32>,
        %get3A_1007 = vector.shape_cast %get3A_1006 : vector<1x16xf32> to vector<16xf32>
        %mul3A_1008 = vector.broadcast %squeeze3A_944 : f32 to vector<16xf32>
        %mul3A_1009 = arith.mulf %get3A_1007, %mul3A_1008 : vector<16xf32>
        %swap3A_1010 = arith.index_cast %add3A_948 : i32 to index
        %swap3A_1011 = arith.constant 80 : index
        %swap3A_1012 = tpu.vector_load %arg11[%swap3A_1010, %swap3A_1011] {strides = array<i32>} : memref<128x128xf32, #tpu.memory_space<vmem>>, vector<1x16xf32>,
        %swap3A_1013 = vector.shape_cast %swap3A_1012 : vector<1x16xf32> to vector<16xf32>
        %swap3A_1014 = vector.shape_cast %mul3A_1009 : vector<16xf32> to vector<1x16xf32>
        tpu.vector_store %arg11[%swap3A_1010, %swap3A_1011], %swap3A_1014 {strides = array<i32>} : memref<128x128xf32, #tpu.memory_space<vmem>>, vector<1x16xf32>,
        %get3A_1015 = arith.index_cast %add3A_948 : i32 to index
        %get3A_1016 = arith.constant 96 : index
        %get3A_1017 = tpu.vector_load %arg11[%get3A_1015, %get3A_1016] {strides = array<i32>} : memref<128x128xf32, #tpu.memory_space<vmem>>, vector<1x16xf32>,
        %get3A_1018 = vector.shape_cast %get3A_1017 : vector<1x16xf32> to vector<16xf32>
        %mul3A_1019 = vector.broadcast %squeeze3A_944 : f32 to vector<16xf32>
        %mul3A_1020 = arith.mulf %get3A_1018, %mul3A_1019 : vector<16xf32>
        %swap3A_1021 = arith.index_cast %add3A_948 : i32 to index
        %swap3A_1022 = arith.constant 96 : index
        %swap3A_1023 = tpu.vector_load %arg11[%swap3A_1021, %swap3A_1022] {strides = array<i32>} : memref<128x128xf32, #tpu.memory_space<vmem>>, vector<1x16xf32>,
        %swap3A_1024 = vector.shape_cast %swap3A_1023 : vector<1x16xf32> to vector<16xf32>
        %swap3A_1025 = vector.shape_cast %mul3A_1020 : vector<16xf32> to vector<1x16xf32>
        tpu.vector_store %arg11[%swap3A_1021, %swap3A_1022], %swap3A_1025 {strides = array<i32>} : memref<128x128xf32, #tpu.memory_space<vmem>>, vector<1x16xf32>,
        %get3A_1026 = arith.index_cast %add3A_948 : i32 to index
        %get3A_1027 = arith.constant 112 : index
        %get3A_1028 = tpu.vector_load %arg11[%get3A_1026, %get3A_1027] {strides = array<i32>} : memref<128x128xf32, #tpu.memory_space<vmem>>, vector<1x16xf32>,
        %get3A_1029 = vector.shape_cast %get3A_1028 : vector<1x16xf32> to vector<16xf32>
        %mul3A_1030 = vector.broadcast %squeeze3A_944 : f32 to vector<16xf32>
        %mul3A_1031 = arith.mulf %get3A_1029, %mul3A_1030 : vector<16xf32>
        %swap3A_1032 = arith.index_cast %add3A_948 : i32 to index
        %swap3A_1033 = arith.constant 112 : index
        %swap3A_1034 = tpu.vector_load %arg11[%swap3A_1032, %swap3A_1033] {strides = array<i32>} : memref<128x128xf32, #tpu.memory_space<vmem>>, vector<1x16xf32>,
        %swap3A_1035 = vector.shape_cast %swap3A_1034 : vector<1x16xf32> to vector<16xf32>
        %swap3A_1036 = vector.shape_cast %mul3A_1031 : vector<16xf32> to vector<1x16xf32>
        tpu.vector_store %arg11[%swap3A_1032, %swap3A_1033], %swap3A_1036 {strides = array<i32>} : memref<128x128xf32, #tpu.memory_space<vmem>>, vector<1x16xf32>,
        %slice3A_1037 = vector.extract_strided_slice %get3A_193 {offsets = [9], sizes = [1], strides = [1]} : vector<16xf32> to vector<1xf32>
        %squeeze3A_1038 = vector.extract %slice3A_1037[0] : f32 from vector<1xf32>
        %mul3A_1039 = arith.constant 16 : i32
        %mul3A_1040 = arith.muli %scan3A_188, %mul3A_1039 : i32
        %add3A_1041 = arith.constant 9 : i32
        %add3A_1042 = arith.addi %mul3A_1040, %add3A_1041 : i32
        %get3A_1043 = arith.index_cast %add3A_1042 : i32 to index
        %get3A_1044 = arith.constant 0 : index
        %get3A_1045 = tpu.vector_load %arg11[%get3A_1043, %get3A_1044] {strides = array<i32>} : memref<128x128xf32, #tpu.memory_space<vmem>>, vector<1x16xf32>,
        %get3A_1046 = vector.shape_cast %get3A_1045 : vector<1x16xf32> to vector<16xf32>
        %mul3A_1047 = vector.broadcast %squeeze3A_1038 : f32 to vector<16xf32>
        %mul3A_1048 = arith.mulf %get3A_1046, %mul3A_1047 : vector<16xf32>
        %swap3A_1049 = arith.index_cast %add3A_1042 : i32 to index
        %swap3A_1050 = arith.constant 0 : index
        %swap3A_1051 = tpu.vector_load %arg11[%swap3A_1049, %swap3A_1050] {strides = array<i32>} : memref<128x128xf32, #tpu.memory_space<vmem>>, vector<1x16xf32>,
        %swap3A_1052 = vector.shape_cast %swap3A_1051 : vector<1x16xf32> to vector<16xf32>
        %swap3A_1053 = vector.shape_cast %mul3A_1048 : vector<16xf32> to vector<1x16xf32>
        tpu.vector_store %arg11[%swap3A_1049, %swap3A_1050], %swap3A_1053 {strides = array<i32>} : memref<128x128xf32, #tpu.memory_space<vmem>>, vector<1x16xf32>,
        %get3A_1054 = arith.index_cast %add3A_1042 : i32 to index
        %get3A_1055 = arith.constant 16 : index
        %get3A_1056 = tpu.vector_load %arg11[%get3A_1054, %get3A_1055] {strides = array<i32>} : memref<128x128xf32, #tpu.memory_space<vmem>>, vector<1x16xf32>,
        %get3A_1057 = vector.shape_cast %get3A_1056 : vector<1x16xf32> to vector<16xf32>
        %mul3A_1058 = vector.broadcast %squeeze3A_1038 : f32 to vector<16xf32>
        %mul3A_1059 = arith.mulf %get3A_1057, %mul3A_1058 : vector<16xf32>
        %swap3A_1060 = arith.index_cast %add3A_1042 : i32 to index
        %swap3A_1061 = arith.constant 16 : index
        %swap3A_1062 = tpu.vector_load %arg11[%swap3A_1060, %swap3A_1061] {strides = array<i32>} : memref<128x128xf32, #tpu.memory_space<vmem>>, vector<1x16xf32>,
        %swap3A_1063 = vector.shape_cast %swap3A_1062 : vector<1x16xf32> to vector<16xf32>
        %swap3A_1064 = vector.shape_cast %mul3A_1059 : vector<16xf32> to vector<1x16xf32>
        tpu.vector_store %arg11[%swap3A_1060, %swap3A_1061], %swap3A_1064 {strides = array<i32>} : memref<128x128xf32, #tpu.memory_space<vmem>>, vector<1x16xf32>,
        %get3A_1065 = arith.index_cast %add3A_1042 : i32 to index
        %get3A_1066 = arith.constant 32 : index
        %get3A_1067 = tpu.vector_load %arg11[%get3A_1065, %get3A_1066] {strides = array<i32>} : memref<128x128xf32, #tpu.memory_space<vmem>>, vector<1x16xf32>,
        %get3A_1068 = vector.shape_cast %get3A_1067 : vector<1x16xf32> to vector<16xf32>
        %mul3A_1069 = vector.broadcast %squeeze3A_1038 : f32 to vector<16xf32>
        %mul3A_1070 = arith.mulf %get3A_1068, %mul3A_1069 : vector<16xf32>
        %swap3A_1071 = arith.index_cast %add3A_1042 : i32 to index
        %swap3A_1072 = arith.constant 32 : index
        %swap3A_1073 = tpu.vector_load %arg11[%swap3A_1071, %swap3A_1072] {strides = array<i32>} : memref<128x128xf32, #tpu.memory_space<vmem>>, vector<1x16xf32>,
        %swap3A_1074 = vector.shape_cast %swap3A_1073 : vector<1x16xf32> to vector<16xf32>
        %swap3A_1075 = vector.shape_cast %mul3A_1070 : vector<16xf32> to vector<1x16xf32>
        tpu.vector_store %arg11[%swap3A_1071, %swap3A_1072], %swap3A_1075 {strides = array<i32>} : memref<128x128xf32, #tpu.memory_space<vmem>>, vector<1x16xf32>,
        %get3A_1076 = arith.index_cast %add3A_1042 : i32 to index
        %get3A_1077 = arith.constant 48 : index
        %get3A_1078 = tpu.vector_load %arg11[%get3A_1076, %get3A_1077] {strides = array<i32>} : memref<128x128xf32, #tpu.memory_space<vmem>>, vector<1x16xf32>,
        %get3A_1079 = vector.shape_cast %get3A_1078 : vector<1x16xf32> to vector<16xf32>
        %mul3A_1080 = vector.broadcast %squeeze3A_1038 : f32 to vector<16xf32>
        %mul3A_1081 = arith.mulf %get3A_1079, %mul3A_1080 : vector<16xf32>
        %swap3A_1082 = arith.index_cast %add3A_1042 : i32 to index
        %swap3A_1083 = arith.constant 48 : index
        %swap3A_1084 = tpu.vector_load %arg11[%swap3A_1082, %swap3A_1083] {strides = array<i32>} : memref<128x128xf32, #tpu.memory_space<vmem>>, vector<1x16xf32>,
        %swap3A_1085 = vector.shape_cast %swap3A_1084 : vector<1x16xf32> to vector<16xf32>
        %swap3A_1086 = vector.shape_cast %mul3A_1081 : vector<16xf32> to vector<1x16xf32>
        tpu.vector_store %arg11[%swap3A_1082, %swap3A_1083], %swap3A_1086 {strides = array<i32>} : memref<128x128xf32, #tpu.memory_space<vmem>>, vector<1x16xf32>,
        %get3A_1087 = arith.index_cast %add3A_1042 : i32 to index
        %get3A_1088 = arith.constant 64 : index
        %get3A_1089 = tpu.vector_load %arg11[%get3A_1087, %get3A_1088] {strides = array<i32>} : memref<128x128xf32, #tpu.memory_space<vmem>>, vector<1x16xf32>,
        %get3A_1090 = vector.shape_cast %get3A_1089 : vector<1x16xf32> to vector<16xf32>
        %mul3A_1091 = vector.broadcast %squeeze3A_1038 : f32 to vector<16xf32>
        %mul3A_1092 = arith.mulf %get3A_1090, %mul3A_1091 : vector<16xf32>
        %swap3A_1093 = arith.index_cast %add3A_1042 : i32 to index
        %swap3A_1094 = arith.constant 64 : index
        %swap3A_1095 = tpu.vector_load %arg11[%swap3A_1093, %swap3A_1094] {strides = array<i32>} : memref<128x128xf32, #tpu.memory_space<vmem>>, vector<1x16xf32>,
        %swap3A_1096 = vector.shape_cast %swap3A_1095 : vector<1x16xf32> to vector<16xf32>
        %swap3A_1097 = vector.shape_cast %mul3A_1092 : vector<16xf32> to vector<1x16xf32>
        tpu.vector_store %arg11[%swap3A_1093, %swap3A_1094], %swap3A_1097 {strides = array<i32>} : memref<128x128xf32, #tpu.memory_space<vmem>>, vector<1x16xf32>,
        %get3A_1098 = arith.index_cast %add3A_1042 : i32 to index
        %get3A_1099 = arith.constant 80 : index
        %get3A_1100 = tpu.vector_load %arg11[%get3A_1098, %get3A_1099] {strides = array<i32>} : memref<128x128xf32, #tpu.memory_space<vmem>>, vector<1x16xf32>,
        %get3A_1101 = vector.shape_cast %get3A_1100 : vector<1x16xf32> to vector<16xf32>
        %mul3A_1102 = vector.broadcast %squeeze3A_1038 : f32 to vector<16xf32>
        %mul3A_1103 = arith.mulf %get3A_1101, %mul3A_1102 : vector<16xf32>
        %swap3A_1104 = arith.index_cast %add3A_1042 : i32 to index
        %swap3A_1105 = arith.constant 80 : index
        %swap3A_1106 = tpu.vector_load %arg11[%swap3A_1104, %swap3A_1105] {strides = array<i32>} : memref<128x128xf32, #tpu.memory_space<vmem>>, vector<1x16xf32>,
        %swap3A_1107 = vector.shape_cast %swap3A_1106 : vector<1x16xf32> to vector<16xf32>
        %swap3A_1108 = vector.shape_cast %mul3A_1103 : vector<16xf32> to vector<1x16xf32>
        tpu.vector_store %arg11[%swap3A_1104, %swap3A_1105], %swap3A_1108 {strides = array<i32>} : memref<128x128xf32, #tpu.memory_space<vmem>>, vector<1x16xf32>,
        %get3A_1109 = arith.index_cast %add3A_1042 : i32 to index
        %get3A_1110 = arith.constant 96 : index
        %get3A_1111 = tpu.vector_load %arg11[%get3A_1109, %get3A_1110] {strides = array<i32>} : memref<128x128xf32, #tpu.memory_space<vmem>>, vector<1x16xf32>,
        %get3A_1112 = vector.shape_cast %get3A_1111 : vector<1x16xf32> to vector<16xf32>
        %mul3A_1113 = vector.broadcast %squeeze3A_1038 : f32 to vector<16xf32>
        %mul3A_1114 = arith.mulf %get3A_1112, %mul3A_1113 : vector<16xf32>
        %swap3A_1115 = arith.index_cast %add3A_1042 : i32 to index
        %swap3A_1116 = arith.constant 96 : index
        %swap3A_1117 = tpu.vector_load %arg11[%swap3A_1115, %swap3A_1116] {strides = array<i32>} : memref<128x128xf32, #tpu.memory_space<vmem>>, vector<1x16xf32>,
        %swap3A_1118 = vector.shape_cast %swap3A_1117 : vector<1x16xf32> to vector<16xf32>
        %swap3A_1119 = vector.shape_cast %mul3A_1114 : vector<16xf32> to vector<1x16xf32>
        tpu.vector_store %arg11[%swap3A_1115, %swap3A_1116], %swap3A_1119 {strides = array<i32>} : memref<128x128xf32, #tpu.memory_space<vmem>>, vector<1x16xf32>,
        %get3A_1120 = arith.index_cast %add3A_1042 : i32 to index
        %get3A_1121 = arith.constant 112 : index
        %get3A_1122 = tpu.vector_load %arg11[%get3A_1120, %get3A_1121] {strides = array<i32>} : memref<128x128xf32, #tpu.memory_space<vmem>>, vector<1x16xf32>,
        %get3A_1123 = vector.shape_cast %get3A_1122 : vector<1x16xf32> to vector<16xf32>
        %mul3A_1124 = vector.broadcast %squeeze3A_1038 : f32 to vector<16xf32>
        %mul3A_1125 = arith.mulf %get3A_1123, %mul3A_1124 : vector<16xf32>
        %swap3A_1126 = arith.index_cast %add3A_1042 : i32 to index
        %swap3A_1127 = arith.constant 112 : index
        %swap3A_1128 = tpu.vector_load %arg11[%swap3A_1126, %swap3A_1127] {strides = array<i32>} : memref<128x128xf32, #tpu.memory_space<vmem>>, vector<1x16xf32>,
        %swap3A_1129 = vector.shape_cast %swap3A_1128 : vector<1x16xf32> to vector<16xf32>
        %swap3A_1130 = vector.shape_cast %mul3A_1125 : vector<16xf32> to vector<1x16xf32>
        tpu.vector_store %arg11[%swap3A_1126, %swap3A_1127], %swap3A_1130 {strides = array<i32>} : memref<128x128xf32, #tpu.memory_space<vmem>>, vector<1x16xf32>,
        %slice3A_1131 = vector.extract_strided_slice %get3A_193 {offsets = [10], sizes = [1], strides = [1]} : vector<16xf32> to vector<1xf32>
        %squeeze3A_1132 = vector.extract %slice3A_1131[0] : f32 from vector<1xf32>
        %mul3A_1133 = arith.constant 16 : i32
        %mul3A_1134 = arith.muli %scan3A_188, %mul3A_1133 : i32
        %add3A_1135 = arith.constant 10 : i32
        %add3A_1136 = arith.addi %mul3A_1134, %add3A_1135 : i32
        %get3A_1137 = arith.index_cast %add3A_1136 : i32 to index
        %get3A_1138 = arith.constant 0 : index
        %get3A_1139 = tpu.vector_load %arg11[%get3A_1137, %get3A_1138] {strides = array<i32>} : memref<128x128xf32, #tpu.memory_space<vmem>>, vector<1x16xf32>,
        %get3A_1140 = vector.shape_cast %get3A_1139 : vector<1x16xf32> to vector<16xf32>
        %mul3A_1141 = vector.broadcast %squeeze3A_1132 : f32 to vector<16xf32>
        %mul3A_1142 = arith.mulf %get3A_1140, %mul3A_1141 : vector<16xf32>
        %swap3A_1143 = arith.index_cast %add3A_1136 : i32 to index
        %swap3A_1144 = arith.constant 0 : index
        %swap3A_1145 = tpu.vector_load %arg11[%swap3A_1143, %swap3A_1144] {strides = array<i32>} : memref<128x128xf32, #tpu.memory_space<vmem>>, vector<1x16xf32>,
        %swap3A_1146 = vector.shape_cast %swap3A_1145 : vector<1x16xf32> to vector<16xf32>
        %swap3A_1147 = vector.shape_cast %mul3A_1142 : vector<16xf32> to vector<1x16xf32>
        tpu.vector_store %arg11[%swap3A_1143, %swap3A_1144], %swap3A_1147 {strides = array<i32>} : memref<128x128xf32, #tpu.memory_space<vmem>>, vector<1x16xf32>,
        %get3A_1148 = arith.index_cast %add3A_1136 : i32 to index
        %get3A_1149 = arith.constant 16 : index
        %get3A_1150 = tpu.vector_load %arg11[%get3A_1148, %get3A_1149] {strides = array<i32>} : memref<128x128xf32, #tpu.memory_space<vmem>>, vector<1x16xf32>,
        %get3A_1151 = vector.shape_cast %get3A_1150 : vector<1x16xf32> to vector<16xf32>
        %mul3A_1152 = vector.broadcast %squeeze3A_1132 : f32 to vector<16xf32>
        %mul3A_1153 = arith.mulf %get3A_1151, %mul3A_1152 : vector<16xf32>
        %swap3A_1154 = arith.index_cast %add3A_1136 : i32 to index
        %swap3A_1155 = arith.constant 16 : index
        %swap3A_1156 = tpu.vector_load %arg11[%swap3A_1154, %swap3A_1155] {strides = array<i32>} : memref<128x128xf32, #tpu.memory_space<vmem>>, vector<1x16xf32>,
        %swap3A_1157 = vector.shape_cast %swap3A_1156 : vector<1x16xf32> to vector<16xf32>
        %swap3A_1158 = vector.shape_cast %mul3A_1153 : vector<16xf32> to vector<1x16xf32>
        tpu.vector_store %arg11[%swap3A_1154, %swap3A_1155], %swap3A_1158 {strides = array<i32>} : memref<128x128xf32, #tpu.memory_space<vmem>>, vector<1x16xf32>,
        %get3A_1159 = arith.index_cast %add3A_1136 : i32 to index
        %get3A_1160 = arith.constant 32 : index
        %get3A_1161 = tpu.vector_load %arg11[%get3A_1159, %get3A_1160] {strides = array<i32>} : memref<128x128xf32, #tpu.memory_space<vmem>>, vector<1x16xf32>,
        %get3A_1162 = vector.shape_cast %get3A_1161 : vector<1x16xf32> to vector<16xf32>
        %mul3A_1163 = vector.broadcast %squeeze3A_1132 : f32 to vector<16xf32>
        %mul3A_1164 = arith.mulf %get3A_1162, %mul3A_1163 : vector<16xf32>
        %swap3A_1165 = arith.index_cast %add3A_1136 : i32 to index
        %swap3A_1166 = arith.constant 32 : index
        %swap3A_1167 = tpu.vector_load %arg11[%swap3A_1165, %swap3A_1166] {strides = array<i32>} : memref<128x128xf32, #tpu.memory_space<vmem>>, vector<1x16xf32>,
        %swap3A_1168 = vector.shape_cast %swap3A_1167 : vector<1x16xf32> to vector<16xf32>
        %swap3A_1169 = vector.shape_cast %mul3A_1164 : vector<16xf32> to vector<1x16xf32>
        tpu.vector_store %arg11[%swap3A_1165, %swap3A_1166], %swap3A_1169 {strides = array<i32>} : memref<128x128xf32, #tpu.memory_space<vmem>>, vector<1x16xf32>,
        %get3A_1170 = arith.index_cast %add3A_1136 : i32 to index
        %get3A_1171 = arith.constant 48 : index
        %get3A_1172 = tpu.vector_load %arg11[%get3A_1170, %get3A_1171] {strides = array<i32>} : memref<128x128xf32, #tpu.memory_space<vmem>>, vector<1x16xf32>,
        %get3A_1173 = vector.shape_cast %get3A_1172 : vector<1x16xf32> to vector<16xf32>
        %mul3A_1174 = vector.broadcast %squeeze3A_1132 : f32 to vector<16xf32>
        %mul3A_1175 = arith.mulf %get3A_1173, %mul3A_1174 : vector<16xf32>
        %swap3A_1176 = arith.index_cast %add3A_1136 : i32 to index
        %swap3A_1177 = arith.constant 48 : index
        %swap3A_1178 = tpu.vector_load %arg11[%swap3A_1176, %swap3A_1177] {strides = array<i32>} : memref<128x128xf32, #tpu.memory_space<vmem>>, vector<1x16xf32>,
        %swap3A_1179 = vector.shape_cast %swap3A_1178 : vector<1x16xf32> to vector<16xf32>
        %swap3A_1180 = vector.shape_cast %mul3A_1175 : vector<16xf32> to vector<1x16xf32>
        tpu.vector_store %arg11[%swap3A_1176, %swap3A_1177], %swap3A_1180 {strides = array<i32>} : memref<128x128xf32, #tpu.memory_space<vmem>>, vector<1x16xf32>,
        %get3A_1181 = arith.index_cast %add3A_1136 : i32 to index
        %get3A_1182 = arith.constant 64 : index
        %get3A_1183 = tpu.vector_load %arg11[%get3A_1181, %get3A_1182] {strides = array<i32>} : memref<128x128xf32, #tpu.memory_space<vmem>>, vector<1x16xf32>,
        %get3A_1184 = vector.shape_cast %get3A_1183 : vector<1x16xf32> to vector<16xf32>
        %mul3A_1185 = vector.broadcast %squeeze3A_1132 : f32 to vector<16xf32>
        %mul3A_1186 = arith.mulf %get3A_1184, %mul3A_1185 : vector<16xf32>
        %swap3A_1187 = arith.index_cast %add3A_1136 : i32 to index
        %swap3A_1188 = arith.constant 64 : index
        %swap3A_1189 = tpu.vector_load %arg11[%swap3A_1187, %swap3A_1188] {strides = array<i32>} : memref<128x128xf32, #tpu.memory_space<vmem>>, vector<1x16xf32>,
        %swap3A_1190 = vector.shape_cast %swap3A_1189 : vector<1x16xf32> to vector<16xf32>
        %swap3A_1191 = vector.shape_cast %mul3A_1186 : vector<16xf32> to vector<1x16xf32>
        tpu.vector_store %arg11[%swap3A_1187, %swap3A_1188], %swap3A_1191 {strides = array<i32>} : memref<128x128xf32, #tpu.memory_space<vmem>>, vector<1x16xf32>,
        %get3A_1192 = arith.index_cast %add3A_1136 : i32 to index
        %get3A_1193 = arith.constant 80 : index
        %get3A_1194 = tpu.vector_load %arg11[%get3A_1192, %get3A_1193] {strides = array<i32>} : memref<128x128xf32, #tpu.memory_space<vmem>>, vector<1x16xf32>,
        %get3A_1195 = vector.shape_cast %get3A_1194 : vector<1x16xf32> to vector<16xf32>
        %mul3A_1196 = vector.broadcast %squeeze3A_1132 : f32 to vector<16xf32>
        %mul3A_1197 = arith.mulf %get3A_1195, %mul3A_1196 : vector<16xf32>
        %swap3A_1198 = arith.index_cast %add3A_1136 : i32 to index
        %swap3A_1199 = arith.constant 80 : index
        %swap3A_1200 = tpu.vector_load %arg11[%swap3A_1198, %swap3A_1199] {strides = array<i32>} : memref<128x128xf32, #tpu.memory_space<vmem>>, vector<1x16xf32>,
        %swap3A_1201 = vector.shape_cast %swap3A_1200 : vector<1x16xf32> to vector<16xf32>
        %swap3A_1202 = vector.shape_cast %mul3A_1197 : vector<16xf32> to vector<1x16xf32>
        tpu.vector_store %arg11[%swap3A_1198, %swap3A_1199], %swap3A_1202 {strides = array<i32>} : memref<128x128xf32, #tpu.memory_space<vmem>>, vector<1x16xf32>,
        %get3A_1203 = arith.index_cast %add3A_1136 : i32 to index
        %get3A_1204 = arith.constant 96 : index
        %get3A_1205 = tpu.vector_load %arg11[%get3A_1203, %get3A_1204] {strides = array<i32>} : memref<128x128xf32, #tpu.memory_space<vmem>>, vector<1x16xf32>,
        %get3A_1206 = vector.shape_cast %get3A_1205 : vector<1x16xf32> to vector<16xf32>
        %mul3A_1207 = vector.broadcast %squeeze3A_1132 : f32 to vector<16xf32>
        %mul3A_1208 = arith.mulf %get3A_1206, %mul3A_1207 : vector<16xf32>
        %swap3A_1209 = arith.index_cast %add3A_1136 : i32 to index
        %swap3A_1210 = arith.constant 96 : index
        %swap3A_1211 = tpu.vector_load %arg11[%swap3A_1209, %swap3A_1210] {strides = array<i32>} : memref<128x128xf32, #tpu.memory_space<vmem>>, vector<1x16xf32>,
        %swap3A_1212 = vector.shape_cast %swap3A_1211 : vector<1x16xf32> to vector<16xf32>
        %swap3A_1213 = vector.shape_cast %mul3A_1208 : vector<16xf32> to vector<1x16xf32>
        tpu.vector_store %arg11[%swap3A_1209, %swap3A_1210], %swap3A_1213 {strides = array<i32>} : memref<128x128xf32, #tpu.memory_space<vmem>>, vector<1x16xf32>,
        %get3A_1214 = arith.index_cast %add3A_1136 : i32 to index
        %get3A_1215 = arith.constant 112 : index
        %get3A_1216 = tpu.vector_load %arg11[%get3A_1214, %get3A_1215] {strides = array<i32>} : memref<128x128xf32, #tpu.memory_space<vmem>>, vector<1x16xf32>,
        %get3A_1217 = vector.shape_cast %get3A_1216 : vector<1x16xf32> to vector<16xf32>
        %mul3A_1218 = vector.broadcast %squeeze3A_1132 : f32 to vector<16xf32>
        %mul3A_1219 = arith.mulf %get3A_1217, %mul3A_1218 : vector<16xf32>
        %swap3A_1220 = arith.index_cast %add3A_1136 : i32 to index
        %swap3A_1221 = arith.constant 112 : index
        %swap3A_1222 = tpu.vector_load %arg11[%swap3A_1220, %swap3A_1221] {strides = array<i32>} : memref<128x128xf32, #tpu.memory_space<vmem>>, vector<1x16xf32>,
        %swap3A_1223 = vector.shape_cast %swap3A_1222 : vector<1x16xf32> to vector<16xf32>
        %swap3A_1224 = vector.shape_cast %mul3A_1219 : vector<16xf32> to vector<1x16xf32>
        tpu.vector_store %arg11[%swap3A_1220, %swap3A_1221], %swap3A_1224 {strides = array<i32>} : memref<128x128xf32, #tpu.memory_space<vmem>>, vector<1x16xf32>,
        %slice3A_1225 = vector.extract_strided_slice %get3A_193 {offsets = [11], sizes = [1], strides = [1]} : vector<16xf32> to vector<1xf32>
        %squeeze3A_1226 = vector.extract %slice3A_1225[0] : f32 from vector<1xf32>
        %mul3A_1227 = arith.constant 16 : i32
        %mul3A_1228 = arith.muli %scan3A_188, %mul3A_1227 : i32
        %add3A_1229 = arith.constant 11 : i32
        %add3A_1230 = arith.addi %mul3A_1228, %add3A_1229 : i32
        %get3A_1231 = arith.index_cast %add3A_1230 : i32 to index
        %get3A_1232 = arith.constant 0 : index
        %get3A_1233 = tpu.vector_load %arg11[%get3A_1231, %get3A_1232] {strides = array<i32>} : memref<128x128xf32, #tpu.memory_space<vmem>>, vector<1x16xf32>,
        %get3A_1234 = vector.shape_cast %get3A_1233 : vector<1x16xf32> to vector<16xf32>
        %mul3A_1235 = vector.broadcast %squeeze3A_1226 : f32 to vector<16xf32>
        %mul3A_1236 = arith.mulf %get3A_1234, %mul3A_1235 : vector<16xf32>
        %swap3A_1237 = arith.index_cast %add3A_1230 : i32 to index
        %swap3A_1238 = arith.constant 0 : index
        %swap3A_1239 = tpu.vector_load %arg11[%swap3A_1237, %swap3A_1238] {strides = array<i32>} : memref<128x128xf32, #tpu.memory_space<vmem>>, vector<1x16xf32>,
        %swap3A_1240 = vector.shape_cast %swap3A_1239 : vector<1x16xf32> to vector<16xf32>
        %swap3A_1241 = vector.shape_cast %mul3A_1236 : vector<16xf32> to vector<1x16xf32>
        tpu.vector_store %arg11[%swap3A_1237, %swap3A_1238], %swap3A_1241 {strides = array<i32>} : memref<128x128xf32, #tpu.memory_space<vmem>>, vector<1x16xf32>,
        %get3A_1242 = arith.index_cast %add3A_1230 : i32 to index
        %get3A_1243 = arith.constant 16 : index
        %get3A_1244 = tpu.vector_load %arg11[%get3A_1242, %get3A_1243] {strides = array<i32>} : memref<128x128xf32, #tpu.memory_space<vmem>>, vector<1x16xf32>,
        %get3A_1245 = vector.shape_cast %get3A_1244 : vector<1x16xf32> to vector<16xf32>
        %mul3A_1246 = vector.broadcast %squeeze3A_1226 : f32 to vector<16xf32>
        %mul3A_1247 = arith.mulf %get3A_1245, %mul3A_1246 : vector<16xf32>
        %swap3A_1248 = arith.index_cast %add3A_1230 : i32 to index
        %swap3A_1249 = arith.constant 16 : index
        %swap3A_1250 = tpu.vector_load %arg11[%swap3A_1248, %swap3A_1249] {strides = array<i32>} : memref<128x128xf32, #tpu.memory_space<vmem>>, vector<1x16xf32>,
        %swap3A_1251 = vector.shape_cast %swap3A_1250 : vector<1x16xf32> to vector<16xf32>
        %swap3A_1252 = vector.shape_cast %mul3A_1247 : vector<16xf32> to vector<1x16xf32>
        tpu.vector_store %arg11[%swap3A_1248, %swap3A_1249], %swap3A_1252 {strides = array<i32>} : memref<128x128xf32, #tpu.memory_space<vmem>>, vector<1x16xf32>,
        %get3A_1253 = arith.index_cast %add3A_1230 : i32 to index
        %get3A_1254 = arith.constant 32 : index
        %get3A_1255 = tpu.vector_load %arg11[%get3A_1253, %get3A_1254] {strides = array<i32>} : memref<128x128xf32, #tpu.memory_space<vmem>>, vector<1x16xf32>,
        %get3A_1256 = vector.shape_cast %get3A_1255 : vector<1x16xf32> to vector<16xf32>
        %mul3A_1257 = vector.broadcast %squeeze3A_1226 : f32 to vector<16xf32>
        %mul3A_1258 = arith.mulf %get3A_1256, %mul3A_1257 : vector<16xf32>
        %swap3A_1259 = arith.index_cast %add3A_1230 : i32 to index
        %swap3A_1260 = arith.constant 32 : index
        %swap3A_1261 = tpu.vector_load %arg11[%swap3A_1259, %swap3A_1260] {strides = array<i32>} : memref<128x128xf32, #tpu.memory_space<vmem>>, vector<1x16xf32>,
        %swap3A_1262 = vector.shape_cast %swap3A_1261 : vector<1x16xf32> to vector<16xf32>
        %swap3A_1263 = vector.shape_cast %mul3A_1258 : vector<16xf32> to vector<1x16xf32>
        tpu.vector_store %arg11[%swap3A_1259, %swap3A_1260], %swap3A_1263 {strides = array<i32>} : memref<128x128xf32, #tpu.memory_space<vmem>>, vector<1x16xf32>,
        %get3A_1264 = arith.index_cast %add3A_1230 : i32 to index
        %get3A_1265 = arith.constant 48 : index
        %get3A_1266 = tpu.vector_load %arg11[%get3A_1264, %get3A_1265] {strides = array<i32>} : memref<128x128xf32, #tpu.memory_space<vmem>>, vector<1x16xf32>,
        %get3A_1267 = vector.shape_cast %get3A_1266 : vector<1x16xf32> to vector<16xf32>
        %mul3A_1268 = vector.broadcast %squeeze3A_1226 : f32 to vector<16xf32>
        %mul3A_1269 = arith.mulf %get3A_1267, %mul3A_1268 : vector<16xf32>
        %swap3A_1270 = arith.index_cast %add3A_1230 : i32 to index
        %swap3A_1271 = arith.constant 48 : index
        %swap3A_1272 = tpu.vector_load %arg11[%swap3A_1270, %swap3A_1271] {strides = array<i32>} : memref<128x128xf32, #tpu.memory_space<vmem>>, vector<1x16xf32>,
        %swap3A_1273 = vector.shape_cast %swap3A_1272 : vector<1x16xf32> to vector<16xf32>
        %swap3A_1274 = vector.shape_cast %mul3A_1269 : vector<16xf32> to vector<1x16xf32>
        tpu.vector_store %arg11[%swap3A_1270, %swap3A_1271], %swap3A_1274 {strides = array<i32>} : memref<128x128xf32, #tpu.memory_space<vmem>>, vector<1x16xf32>,
        %get3A_1275 = arith.index_cast %add3A_1230 : i32 to index
        %get3A_1276 = arith.constant 64 : index
        %get3A_1277 = tpu.vector_load %arg11[%get3A_1275, %get3A_1276] {strides = array<i32>} : memref<128x128xf32, #tpu.memory_space<vmem>>, vector<1x16xf32>,
        %get3A_1278 = vector.shape_cast %get3A_1277 : vector<1x16xf32> to vector<16xf32>
        %mul3A_1279 = vector.broadcast %squeeze3A_1226 : f32 to vector<16xf32>
        %mul3A_1280 = arith.mulf %get3A_1278, %mul3A_1279 : vector<16xf32>
        %swap3A_1281 = arith.index_cast %add3A_1230 : i32 to index
        %swap3A_1282 = arith.constant 64 : index
        %swap3A_1283 = tpu.vector_load %arg11[%swap3A_1281, %swap3A_1282] {strides = array<i32>} : memref<128x128xf32, #tpu.memory_space<vmem>>, vector<1x16xf32>,
        %swap3A_1284 = vector.shape_cast %swap3A_1283 : vector<1x16xf32> to vector<16xf32>
        %swap3A_1285 = vector.shape_cast %mul3A_1280 : vector<16xf32> to vector<1x16xf32>
        tpu.vector_store %arg11[%swap3A_1281, %swap3A_1282], %swap3A_1285 {strides = array<i32>} : memref<128x128xf32, #tpu.memory_space<vmem>>, vector<1x16xf32>,
        %get3A_1286 = arith.index_cast %add3A_1230 : i32 to index
        %get3A_1287 = arith.constant 80 : index
        %get3A_1288 = tpu.vector_load %arg11[%get3A_1286, %get3A_1287] {strides = array<i32>} : memref<128x128xf32, #tpu.memory_space<vmem>>, vector<1x16xf32>,
        %get3A_1289 = vector.shape_cast %get3A_1288 : vector<1x16xf32> to vector<16xf32>
        %mul3A_1290 = vector.broadcast %squeeze3A_1226 : f32 to vector<16xf32>
        %mul3A_1291 = arith.mulf %get3A_1289, %mul3A_1290 : vector<16xf32>
        %swap3A_1292 = arith.index_cast %add3A_1230 : i32 to index
        %swap3A_1293 = arith.constant 80 : index
        %swap3A_1294 = tpu.vector_load %arg11[%swap3A_1292, %swap3A_1293] {strides = array<i32>} : memref<128x128xf32, #tpu.memory_space<vmem>>, vector<1x16xf32>,
        %swap3A_1295 = vector.shape_cast %swap3A_1294 : vector<1x16xf32> to vector<16xf32>
        %swap3A_1296 = vector.shape_cast %mul3A_1291 : vector<16xf32> to vector<1x16xf32>
        tpu.vector_store %arg11[%swap3A_1292, %swap3A_1293], %swap3A_1296 {strides = array<i32>} : memref<128x128xf32, #tpu.memory_space<vmem>>, vector<1x16xf32>,
        %get3A_1297 = arith.index_cast %add3A_1230 : i32 to index
        %get3A_1298 = arith.constant 96 : index
        %get3A_1299 = tpu.vector_load %arg11[%get3A_1297, %get3A_1298] {strides = array<i32>} : memref<128x128xf32, #tpu.memory_space<vmem>>, vector<1x16xf32>,
        %get3A_1300 = vector.shape_cast %get3A_1299 : vector<1x16xf32> to vector<16xf32>
        %mul3A_1301 = vector.broadcast %squeeze3A_1226 : f32 to vector<16xf32>
        %mul3A_1302 = arith.mulf %get3A_1300, %mul3A_1301 : vector<16xf32>
        %swap3A_1303 = arith.index_cast %add3A_1230 : i32 to index
        %swap3A_1304 = arith.constant 96 : index
        %swap3A_1305 = tpu.vector_load %arg11[%swap3A_1303, %swap3A_1304] {strides = array<i32>} : memref<128x128xf32, #tpu.memory_space<vmem>>, vector<1x16xf32>,
        %swap3A_1306 = vector.shape_cast %swap3A_1305 : vector<1x16xf32> to vector<16xf32>
        %swap3A_1307 = vector.shape_cast %mul3A_1302 : vector<16xf32> to vector<1x16xf32>
        tpu.vector_store %arg11[%swap3A_1303, %swap3A_1304], %swap3A_1307 {strides = array<i32>} : memref<128x128xf32, #tpu.memory_space<vmem>>, vector<1x16xf32>,
        %get3A_1308 = arith.index_cast %add3A_1230 : i32 to index
        %get3A_1309 = arith.constant 112 : index
        %get3A_1310 = tpu.vector_load %arg11[%get3A_1308, %get3A_1309] {strides = array<i32>} : memref<128x128xf32, #tpu.memory_space<vmem>>, vector<1x16xf32>,
        %get3A_1311 = vector.shape_cast %get3A_1310 : vector<1x16xf32> to vector<16xf32>
        %mul3A_1312 = vector.broadcast %squeeze3A_1226 : f32 to vector<16xf32>
        %mul3A_1313 = arith.mulf %get3A_1311, %mul3A_1312 : vector<16xf32>
        %swap3A_1314 = arith.index_cast %add3A_1230 : i32 to index
        %swap3A_1315 = arith.constant 112 : index
        %swap3A_1316 = tpu.vector_load %arg11[%swap3A_1314, %swap3A_1315] {strides = array<i32>} : memref<128x128xf32, #tpu.memory_space<vmem>>, vector<1x16xf32>,
        %swap3A_1317 = vector.shape_cast %swap3A_1316 : vector<1x16xf32> to vector<16xf32>
        %swap3A_1318 = vector.shape_cast %mul3A_1313 : vector<16xf32> to vector<1x16xf32>
        tpu.vector_store %arg11[%swap3A_1314, %swap3A_1315], %swap3A_1318 {strides = array<i32>} : memref<128x128xf32, #tpu.memory_space<vmem>>, vector<1x16xf32>,
        %slice3A_1319 = vector.extract_strided_slice %get3A_193 {offsets = [12], sizes = [1], strides = [1]} : vector<16xf32> to vector<1xf32>
        %squeeze3A_1320 = vector.extract %slice3A_1319[0] : f32 from vector<1xf32>
        %mul3A_1321 = arith.constant 16 : i32
        %mul3A_1322 = arith.muli %scan3A_188, %mul3A_1321 : i32
        %add3A_1323 = arith.constant 12 : i32
        %add3A_1324 = arith.addi %mul3A_1322, %add3A_1323 : i32
        %get3A_1325 = arith.index_cast %add3A_1324 : i32 to index
        %get3A_1326 = arith.constant 0 : index
        %get3A_1327 = tpu.vector_load %arg11[%get3A_1325, %get3A_1326] {strides = array<i32>} : memref<128x128xf32, #tpu.memory_space<vmem>>, vector<1x16xf32>,
        %get3A_1328 = vector.shape_cast %get3A_1327 : vector<1x16xf32> to vector<16xf32>
        %mul3A_1329 = vector.broadcast %squeeze3A_1320 : f32 to vector<16xf32>
        %mul3A_1330 = arith.mulf %get3A_1328, %mul3A_1329 : vector<16xf32>
        %swap3A_1331 = arith.index_cast %add3A_1324 : i32 to index
        %swap3A_1332 = arith.constant 0 : index
        %swap3A_1333 = tpu.vector_load %arg11[%swap3A_1331, %swap3A_1332] {strides = array<i32>} : memref<128x128xf32, #tpu.memory_space<vmem>>, vector<1x16xf32>,
        %swap3A_1334 = vector.shape_cast %swap3A_1333 : vector<1x16xf32> to vector<16xf32>
        %swap3A_1335 = vector.shape_cast %mul3A_1330 : vector<16xf32> to vector<1x16xf32>
        tpu.vector_store %arg11[%swap3A_1331, %swap3A_1332], %swap3A_1335 {strides = array<i32>} : memref<128x128xf32, #tpu.memory_space<vmem>>, vector<1x16xf32>,
        %get3A_1336 = arith.index_cast %add3A_1324 : i32 to index
        %get3A_1337 = arith.constant 16 : index
        %get3A_1338 = tpu.vector_load %arg11[%get3A_1336, %get3A_1337] {strides = array<i32>} : memref<128x128xf32, #tpu.memory_space<vmem>>, vector<1x16xf32>,
        %get3A_1339 = vector.shape_cast %get3A_1338 : vector<1x16xf32> to vector<16xf32>
        %mul3A_1340 = vector.broadcast %squeeze3A_1320 : f32 to vector<16xf32>
        %mul3A_1341 = arith.mulf %get3A_1339, %mul3A_1340 : vector<16xf32>
        %swap3A_1342 = arith.index_cast %add3A_1324 : i32 to index
        %swap3A_1343 = arith.constant 16 : index
        %swap3A_1344 = tpu.vector_load %arg11[%swap3A_1342, %swap3A_1343] {strides = array<i32>} : memref<128x128xf32, #tpu.memory_space<vmem>>, vector<1x16xf32>,
        %swap3A_1345 = vector.shape_cast %swap3A_1344 : vector<1x16xf32> to vector<16xf32>
        %swap3A_1346 = vector.shape_cast %mul3A_1341 : vector<16xf32> to vector<1x16xf32>
        tpu.vector_store %arg11[%swap3A_1342, %swap3A_1343], %swap3A_1346 {strides = array<i32>} : memref<128x128xf32, #tpu.memory_space<vmem>>, vector<1x16xf32>,
        %get3A_1347 = arith.index_cast %add3A_1324 : i32 to index
        %get3A_1348 = arith.constant 32 : index
        %get3A_1349 = tpu.vector_load %arg11[%get3A_1347, %get3A_1348] {strides = array<i32>} : memref<128x128xf32, #tpu.memory_space<vmem>>, vector<1x16xf32>,
        %get3A_1350 = vector.shape_cast %get3A_1349 : vector<1x16xf32> to vector<16xf32>
        %mul3A_1351 = vector.broadcast %squeeze3A_1320 : f32 to vector<16xf32>
        %mul3A_1352 = arith.mulf %get3A_1350, %mul3A_1351 : vector<16xf32>
        %swap3A_1353 = arith.index_cast %add3A_1324 : i32 to index
        %swap3A_1354 = arith.constant 32 : index
        %swap3A_1355 = tpu.vector_load %arg11[%swap3A_1353, %swap3A_1354] {strides = array<i32>} : memref<128x128xf32, #tpu.memory_space<vmem>>, vector<1x16xf32>,
        %swap3A_1356 = vector.shape_cast %swap3A_1355 : vector<1x16xf32> to vector<16xf32>
        %swap3A_1357 = vector.shape_cast %mul3A_1352 : vector<16xf32> to vector<1x16xf32>
        tpu.vector_store %arg11[%swap3A_1353, %swap3A_1354], %swap3A_1357 {strides = array<i32>} : memref<128x128xf32, #tpu.memory_space<vmem>>, vector<1x16xf32>,
        %get3A_1358 = arith.index_cast %add3A_1324 : i32 to index
        %get3A_1359 = arith.constant 48 : index
        %get3A_1360 = tpu.vector_load %arg11[%get3A_1358, %get3A_1359] {strides = array<i32>} : memref<128x128xf32, #tpu.memory_space<vmem>>, vector<1x16xf32>,
        %get3A_1361 = vector.shape_cast %get3A_1360 : vector<1x16xf32> to vector<16xf32>
        %mul3A_1362 = vector.broadcast %squeeze3A_1320 : f32 to vector<16xf32>
        %mul3A_1363 = arith.mulf %get3A_1361, %mul3A_1362 : vector<16xf32>
        %swap3A_1364 = arith.index_cast %add3A_1324 : i32 to index
        %swap3A_1365 = arith.constant 48 : index
        %swap3A_1366 = tpu.vector_load %arg11[%swap3A_1364, %swap3A_1365] {strides = array<i32>} : memref<128x128xf32, #tpu.memory_space<vmem>>, vector<1x16xf32>,
        %swap3A_1367 = vector.shape_cast %swap3A_1366 : vector<1x16xf32> to vector<16xf32>
        %swap3A_1368 = vector.shape_cast %mul3A_1363 : vector<16xf32> to vector<1x16xf32>
        tpu.vector_store %arg11[%swap3A_1364, %swap3A_1365], %swap3A_1368 {strides = array<i32>} : memref<128x128xf32, #tpu.memory_space<vmem>>, vector<1x16xf32>,
        %get3A_1369 = arith.index_cast %add3A_1324 : i32 to index
        %get3A_1370 = arith.constant 64 : index
        %get3A_1371 = tpu.vector_load %arg11[%get3A_1369, %get3A_1370] {strides = array<i32>} : memref<128x128xf32, #tpu.memory_space<vmem>>, vector<1x16xf32>,
        %get3A_1372 = vector.shape_cast %get3A_1371 : vector<1x16xf32> to vector<16xf32>
        %mul3A_1373 = vector.broadcast %squeeze3A_1320 : f32 to vector<16xf32>
        %mul3A_1374 = arith.mulf %get3A_1372, %mul3A_1373 : vector<16xf32>
        %swap3A_1375 = arith.index_cast %add3A_1324 : i32 to index
        %swap3A_1376 = arith.constant 64 : index
        %swap3A_1377 = tpu.vector_load %arg11[%swap3A_1375, %swap3A_1376] {strides = array<i32>} : memref<128x128xf32, #tpu.memory_space<vmem>>, vector<1x16xf32>,
        %swap3A_1378 = vector.shape_cast %swap3A_1377 : vector<1x16xf32> to vector<16xf32>
        %swap3A_1379 = vector.shape_cast %mul3A_1374 : vector<16xf32> to vector<1x16xf32>
        tpu.vector_store %arg11[%swap3A_1375, %swap3A_1376], %swap3A_1379 {strides = array<i32>} : memref<128x128xf32, #tpu.memory_space<vmem>>, vector<1x16xf32>,
        %get3A_1380 = arith.index_cast %add3A_1324 : i32 to index
        %get3A_1381 = arith.constant 80 : index
        %get3A_1382 = tpu.vector_load %arg11[%get3A_1380, %get3A_1381] {strides = array<i32>} : memref<128x128xf32, #tpu.memory_space<vmem>>, vector<1x16xf32>,
        %get3A_1383 = vector.shape_cast %get3A_1382 : vector<1x16xf32> to vector<16xf32>
        %mul3A_1384 = vector.broadcast %squeeze3A_1320 : f32 to vector<16xf32>
        %mul3A_1385 = arith.mulf %get3A_1383, %mul3A_1384 : vector<16xf32>
        %swap3A_1386 = arith.index_cast %add3A_1324 : i32 to index
        %swap3A_1387 = arith.constant 80 : index
        %swap3A_1388 = tpu.vector_load %arg11[%swap3A_1386, %swap3A_1387] {strides = array<i32>} : memref<128x128xf32, #tpu.memory_space<vmem>>, vector<1x16xf32>,
        %swap3A_1389 = vector.shape_cast %swap3A_1388 : vector<1x16xf32> to vector<16xf32>
        %swap3A_1390 = vector.shape_cast %mul3A_1385 : vector<16xf32> to vector<1x16xf32>
        tpu.vector_store %arg11[%swap3A_1386, %swap3A_1387], %swap3A_1390 {strides = array<i32>} : memref<128x128xf32, #tpu.memory_space<vmem>>, vector<1x16xf32>,
        %get3A_1391 = arith.index_cast %add3A_1324 : i32 to index
        %get3A_1392 = arith.constant 96 : index
        %get3A_1393 = tpu.vector_load %arg11[%get3A_1391, %get3A_1392] {strides = array<i32>} : memref<128x128xf32, #tpu.memory_space<vmem>>, vector<1x16xf32>,
        %get3A_1394 = vector.shape_cast %get3A_1393 : vector<1x16xf32> to vector<16xf32>
        %mul3A_1395 = vector.broadcast %squeeze3A_1320 : f32 to vector<16xf32>
        %mul3A_1396 = arith.mulf %get3A_1394, %mul3A_1395 : vector<16xf32>
        %swap3A_1397 = arith.index_cast %add3A_1324 : i32 to index
        %swap3A_1398 = arith.constant 96 : index
        %swap3A_1399 = tpu.vector_load %arg11[%swap3A_1397, %swap3A_1398] {strides = array<i32>} : memref<128x128xf32, #tpu.memory_space<vmem>>, vector<1x16xf32>,
        %swap3A_1400 = vector.shape_cast %swap3A_1399 : vector<1x16xf32> to vector<16xf32>
        %swap3A_1401 = vector.shape_cast %mul3A_1396 : vector<16xf32> to vector<1x16xf32>
        tpu.vector_store %arg11[%swap3A_1397, %swap3A_1398], %swap3A_1401 {strides = array<i32>} : memref<128x128xf32, #tpu.memory_space<vmem>>, vector<1x16xf32>,
        %get3A_1402 = arith.index_cast %add3A_1324 : i32 to index
        %get3A_1403 = arith.constant 112 : index
        %get3A_1404 = tpu.vector_load %arg11[%get3A_1402, %get3A_1403] {strides = array<i32>} : memref<128x128xf32, #tpu.memory_space<vmem>>, vector<1x16xf32>,
        %get3A_1405 = vector.shape_cast %get3A_1404 : vector<1x16xf32> to vector<16xf32>
        %mul3A_1406 = vector.broadcast %squeeze3A_1320 : f32 to vector<16xf32>
        %mul3A_1407 = arith.mulf %get3A_1405, %mul3A_1406 : vector<16xf32>
        %swap3A_1408 = arith.index_cast %add3A_1324 : i32 to index
        %swap3A_1409 = arith.constant 112 : index
        %swap3A_1410 = tpu.vector_load %arg11[%swap3A_1408, %swap3A_1409] {strides = array<i32>} : memref<128x128xf32, #tpu.memory_space<vmem>>, vector<1x16xf32>,
        %swap3A_1411 = vector.shape_cast %swap3A_1410 : vector<1x16xf32> to vector<16xf32>
        %swap3A_1412 = vector.shape_cast %mul3A_1407 : vector<16xf32> to vector<1x16xf32>
        tpu.vector_store %arg11[%swap3A_1408, %swap3A_1409], %swap3A_1412 {strides = array<i32>} : memref<128x128xf32, #tpu.memory_space<vmem>>, vector<1x16xf32>,
        %slice3A_1413 = vector.extract_strided_slice %get3A_193 {offsets = [13], sizes = [1], strides = [1]} : vector<16xf32> to vector<1xf32>
        %squeeze3A_1414 = vector.extract %slice3A_1413[0] : f32 from vector<1xf32>
        %mul3A_1415 = arith.constant 16 : i32
        %mul3A_1416 = arith.muli %scan3A_188, %mul3A_1415 : i32
        %add3A_1417 = arith.constant 13 : i32
        %add3A_1418 = arith.addi %mul3A_1416, %add3A_1417 : i32
        %get3A_1419 = arith.index_cast %add3A_1418 : i32 to index
        %get3A_1420 = arith.constant 0 : index
        %get3A_1421 = tpu.vector_load %arg11[%get3A_1419, %get3A_1420] {strides = array<i32>} : memref<128x128xf32, #tpu.memory_space<vmem>>, vector<1x16xf32>,
        %get3A_1422 = vector.shape_cast %get3A_1421 : vector<1x16xf32> to vector<16xf32>
        %mul3A_1423 = vector.broadcast %squeeze3A_1414 : f32 to vector<16xf32>
        %mul3A_1424 = arith.mulf %get3A_1422, %mul3A_1423 : vector<16xf32>
        %swap3A_1425 = arith.index_cast %add3A_1418 : i32 to index
        %swap3A_1426 = arith.constant 0 : index
        %swap3A_1427 = tpu.vector_load %arg11[%swap3A_1425, %swap3A_1426] {strides = array<i32>} : memref<128x128xf32, #tpu.memory_space<vmem>>, vector<1x16xf32>,
        %swap3A_1428 = vector.shape_cast %swap3A_1427 : vector<1x16xf32> to vector<16xf32>
        %swap3A_1429 = vector.shape_cast %mul3A_1424 : vector<16xf32> to vector<1x16xf32>
        tpu.vector_store %arg11[%swap3A_1425, %swap3A_1426], %swap3A_1429 {strides = array<i32>} : memref<128x128xf32, #tpu.memory_space<vmem>>, vector<1x16xf32>,
        %get3A_1430 = arith.index_cast %add3A_1418 : i32 to index
        %get3A_1431 = arith.constant 16 : index
        %get3A_1432 = tpu.vector_load %arg11[%get3A_1430, %get3A_1431] {strides = array<i32>} : memref<128x128xf32, #tpu.memory_space<vmem>>, vector<1x16xf32>,
        %get3A_1433 = vector.shape_cast %get3A_1432 : vector<1x16xf32> to vector<16xf32>
        %mul3A_1434 = vector.broadcast %squeeze3A_1414 : f32 to vector<16xf32>
        %mul3A_1435 = arith.mulf %get3A_1433, %mul3A_1434 : vector<16xf32>
        %swap3A_1436 = arith.index_cast %add3A_1418 : i32 to index
        %swap3A_1437 = arith.constant 16 : index
        %swap3A_1438 = tpu.vector_load %arg11[%swap3A_1436, %swap3A_1437] {strides = array<i32>} : memref<128x128xf32, #tpu.memory_space<vmem>>, vector<1x16xf32>,
        %swap3A_1439 = vector.shape_cast %swap3A_1438 : vector<1x16xf32> to vector<16xf32>
        %swap3A_1440 = vector.shape_cast %mul3A_1435 : vector<16xf32> to vector<1x16xf32>
        tpu.vector_store %arg11[%swap3A_1436, %swap3A_1437], %swap3A_1440 {strides = array<i32>} : memref<128x128xf32, #tpu.memory_space<vmem>>, vector<1x16xf32>,
        %get3A_1441 = arith.index_cast %add3A_1418 : i32 to index
        %get3A_1442 = arith.constant 32 : index
        %get3A_1443 = tpu.vector_load %arg11[%get3A_1441, %get3A_1442] {strides = array<i32>} : memref<128x128xf32, #tpu.memory_space<vmem>>, vector<1x16xf32>,
        %get3A_1444 = vector.shape_cast %get3A_1443 : vector<1x16xf32> to vector<16xf32>
        %mul3A_1445 = vector.broadcast %squeeze3A_1414 : f32 to vector<16xf32>
        %mul3A_1446 = arith.mulf %get3A_1444, %mul3A_1445 : vector<16xf32>
        %swap3A_1447 = arith.index_cast %add3A_1418 : i32 to index
        %swap3A_1448 = arith.constant 32 : index
        %swap3A_1449 = tpu.vector_load %arg11[%swap3A_1447, %swap3A_1448] {strides = array<i32>} : memref<128x128xf32, #tpu.memory_space<vmem>>, vector<1x16xf32>,
        %swap3A_1450 = vector.shape_cast %swap3A_1449 : vector<1x16xf32> to vector<16xf32>
        %swap3A_1451 = vector.shape_cast %mul3A_1446 : vector<16xf32> to vector<1x16xf32>
        tpu.vector_store %arg11[%swap3A_1447, %swap3A_1448], %swap3A_1451 {strides = array<i32>} : memref<128x128xf32, #tpu.memory_space<vmem>>, vector<1x16xf32>,
        %get3A_1452 = arith.index_cast %add3A_1418 : i32 to index
        %get3A_1453 = arith.constant 48 : index
        %get3A_1454 = tpu.vector_load %arg11[%get3A_1452, %get3A_1453] {strides = array<i32>} : memref<128x128xf32, #tpu.memory_space<vmem>>, vector<1x16xf32>,
        %get3A_1455 = vector.shape_cast %get3A_1454 : vector<1x16xf32> to vector<16xf32>
        %mul3A_1456 = vector.broadcast %squeeze3A_1414 : f32 to vector<16xf32>
        %mul3A_1457 = arith.mulf %get3A_1455, %mul3A_1456 : vector<16xf32>
        %swap3A_1458 = arith.index_cast %add3A_1418 : i32 to index
        %swap3A_1459 = arith.constant 48 : index
        %swap3A_1460 = tpu.vector_load %arg11[%swap3A_1458, %swap3A_1459] {strides = array<i32>} : memref<128x128xf32, #tpu.memory_space<vmem>>, vector<1x16xf32>,
        %swap3A_1461 = vector.shape_cast %swap3A_1460 : vector<1x16xf32> to vector<16xf32>
        %swap3A_1462 = vector.shape_cast %mul3A_1457 : vector<16xf32> to vector<1x16xf32>
        tpu.vector_store %arg11[%swap3A_1458, %swap3A_1459], %swap3A_1462 {strides = array<i32>} : memref<128x128xf32, #tpu.memory_space<vmem>>, vector<1x16xf32>,
        %get3A_1463 = arith.index_cast %add3A_1418 : i32 to index
        %get3A_1464 = arith.constant 64 : index
        %get3A_1465 = tpu.vector_load %arg11[%get3A_1463, %get3A_1464] {strides = array<i32>} : memref<128x128xf32, #tpu.memory_space<vmem>>, vector<1x16xf32>,
        %get3A_1466 = vector.shape_cast %get3A_1465 : vector<1x16xf32> to vector<16xf32>
        %mul3A_1467 = vector.broadcast %squeeze3A_1414 : f32 to vector<16xf32>
        %mul3A_1468 = arith.mulf %get3A_1466, %mul3A_1467 : vector<16xf32>
        %swap3A_1469 = arith.index_cast %add3A_1418 : i32 to index
        %swap3A_1470 = arith.constant 64 : index
        %swap3A_1471 = tpu.vector_load %arg11[%swap3A_1469, %swap3A_1470] {strides = array<i32>} : memref<128x128xf32, #tpu.memory_space<vmem>>, vector<1x16xf32>,
        %swap3A_1472 = vector.shape_cast %swap3A_1471 : vector<1x16xf32> to vector<16xf32>
        %swap3A_1473 = vector.shape_cast %mul3A_1468 : vector<16xf32> to vector<1x16xf32>
        tpu.vector_store %arg11[%swap3A_1469, %swap3A_1470], %swap3A_1473 {strides = array<i32>} : memref<128x128xf32, #tpu.memory_space<vmem>>, vector<1x16xf32>,
        %get3A_1474 = arith.index_cast %add3A_1418 : i32 to index
        %get3A_1475 = arith.constant 80 : index
        %get3A_1476 = tpu.vector_load %arg11[%get3A_1474, %get3A_1475] {strides = array<i32>} : memref<128x128xf32, #tpu.memory_space<vmem>>, vector<1x16xf32>,
        %get3A_1477 = vector.shape_cast %get3A_1476 : vector<1x16xf32> to vector<16xf32>
        %mul3A_1478 = vector.broadcast %squeeze3A_1414 : f32 to vector<16xf32>
        %mul3A_1479 = arith.mulf %get3A_1477, %mul3A_1478 : vector<16xf32>
        %swap3A_1480 = arith.index_cast %add3A_1418 : i32 to index
        %swap3A_1481 = arith.constant 80 : index
        %swap3A_1482 = tpu.vector_load %arg11[%swap3A_1480, %swap3A_1481] {strides = array<i32>} : memref<128x128xf32, #tpu.memory_space<vmem>>, vector<1x16xf32>,
        %swap3A_1483 = vector.shape_cast %swap3A_1482 : vector<1x16xf32> to vector<16xf32>
        %swap3A_1484 = vector.shape_cast %mul3A_1479 : vector<16xf32> to vector<1x16xf32>
        tpu.vector_store %arg11[%swap3A_1480, %swap3A_1481], %swap3A_1484 {strides = array<i32>} : memref<128x128xf32, #tpu.memory_space<vmem>>, vector<1x16xf32>,
        %get3A_1485 = arith.index_cast %add3A_1418 : i32 to index
        %get3A_1486 = arith.constant 96 : index
        %get3A_1487 = tpu.vector_load %arg11[%get3A_1485, %get3A_1486] {strides = array<i32>} : memref<128x128xf32, #tpu.memory_space<vmem>>, vector<1x16xf32>,
        %get3A_1488 = vector.shape_cast %get3A_1487 : vector<1x16xf32> to vector<16xf32>
        %mul3A_1489 = vector.broadcast %squeeze3A_1414 : f32 to vector<16xf32>
        %mul3A_1490 = arith.mulf %get3A_1488, %mul3A_1489 : vector<16xf32>
        %swap3A_1491 = arith.index_cast %add3A_1418 : i32 to index
        %swap3A_1492 = arith.constant 96 : index
        %swap3A_1493 = tpu.vector_load %arg11[%swap3A_1491, %swap3A_1492] {strides = array<i32>} : memref<128x128xf32, #tpu.memory_space<vmem>>, vector<1x16xf32>,
        %swap3A_1494 = vector.shape_cast %swap3A_1493 : vector<1x16xf32> to vector<16xf32>
        %swap3A_1495 = vector.shape_cast %mul3A_1490 : vector<16xf32> to vector<1x16xf32>
        tpu.vector_store %arg11[%swap3A_1491, %swap3A_1492], %swap3A_1495 {strides = array<i32>} : memref<128x128xf32, #tpu.memory_space<vmem>>, vector<1x16xf32>,
        %get3A_1496 = arith.index_cast %add3A_1418 : i32 to index
        %get3A_1497 = arith.constant 112 : index
        %get3A_1498 = tpu.vector_load %arg11[%get3A_1496, %get3A_1497] {strides = array<i32>} : memref<128x128xf32, #tpu.memory_space<vmem>>, vector<1x16xf32>,
        %get3A_1499 = vector.shape_cast %get3A_1498 : vector<1x16xf32> to vector<16xf32>
        %mul3A_1500 = vector.broadcast %squeeze3A_1414 : f32 to vector<16xf32>
        %mul3A_1501 = arith.mulf %get3A_1499, %mul3A_1500 : vector<16xf32>
        %swap3A_1502 = arith.index_cast %add3A_1418 : i32 to index
        %swap3A_1503 = arith.constant 112 : index
        %swap3A_1504 = tpu.vector_load %arg11[%swap3A_1502, %swap3A_1503] {strides = array<i32>} : memref<128x128xf32, #tpu.memory_space<vmem>>, vector<1x16xf32>,
        %swap3A_1505 = vector.shape_cast %swap3A_1504 : vector<1x16xf32> to vector<16xf32>
        %swap3A_1506 = vector.shape_cast %mul3A_1501 : vector<16xf32> to vector<1x16xf32>
        tpu.vector_store %arg11[%swap3A_1502, %swap3A_1503], %swap3A_1506 {strides = array<i32>} : memref<128x128xf32, #tpu.memory_space<vmem>>, vector<1x16xf32>,
        %slice3A_1507 = vector.extract_strided_slice %get3A_193 {offsets = [14], sizes = [1], strides = [1]} : vector<16xf32> to vector<1xf32>
        %squeeze3A_1508 = vector.extract %slice3A_1507[0] : f32 from vector<1xf32>
        %mul3A_1509 = arith.constant 16 : i32
        %mul3A_1510 = arith.muli %scan3A_188, %mul3A_1509 : i32
        %add3A_1511 = arith.constant 14 : i32
        %add3A_1512 = arith.addi %mul3A_1510, %add3A_1511 : i32
        %get3A_1513 = arith.index_cast %add3A_1512 : i32 to index
        %get3A_1514 = arith.constant 0 : index
        %get3A_1515 = tpu.vector_load %arg11[%get3A_1513, %get3A_1514] {strides = array<i32>} : memref<128x128xf32, #tpu.memory_space<vmem>>, vector<1x16xf32>,
        %get3A_1516 = vector.shape_cast %get3A_1515 : vector<1x16xf32> to vector<16xf32>
        %mul3A_1517 = vector.broadcast %squeeze3A_1508 : f32 to vector<16xf32>
        %mul3A_1518 = arith.mulf %get3A_1516, %mul3A_1517 : vector<16xf32>
        %swap3A_1519 = arith.index_cast %add3A_1512 : i32 to index
        %swap3A_1520 = arith.constant 0 : index
        %swap3A_1521 = tpu.vector_load %arg11[%swap3A_1519, %swap3A_1520] {strides = array<i32>} : memref<128x128xf32, #tpu.memory_space<vmem>>, vector<1x16xf32>,
        %swap3A_1522 = vector.shape_cast %swap3A_1521 : vector<1x16xf32> to vector<16xf32>
        %swap3A_1523 = vector.shape_cast %mul3A_1518 : vector<16xf32> to vector<1x16xf32>
        tpu.vector_store %arg11[%swap3A_1519, %swap3A_1520], %swap3A_1523 {strides = array<i32>} : memref<128x128xf32, #tpu.memory_space<vmem>>, vector<1x16xf32>,
        %get3A_1524 = arith.index_cast %add3A_1512 : i32 to index
        %get3A_1525 = arith.constant 16 : index
        %get3A_1526 = tpu.vector_load %arg11[%get3A_1524, %get3A_1525] {strides = array<i32>} : memref<128x128xf32, #tpu.memory_space<vmem>>, vector<1x16xf32>,
        %get3A_1527 = vector.shape_cast %get3A_1526 : vector<1x16xf32> to vector<16xf32>
        %mul3A_1528 = vector.broadcast %squeeze3A_1508 : f32 to vector<16xf32>
        %mul3A_1529 = arith.mulf %get3A_1527, %mul3A_1528 : vector<16xf32>
        %swap3A_1530 = arith.index_cast %add3A_1512 : i32 to index
        %swap3A_1531 = arith.constant 16 : index
        %swap3A_1532 = tpu.vector_load %arg11[%swap3A_1530, %swap3A_1531] {strides = array<i32>} : memref<128x128xf32, #tpu.memory_space<vmem>>, vector<1x16xf32>,
        %swap3A_1533 = vector.shape_cast %swap3A_1532 : vector<1x16xf32> to vector<16xf32>
        %swap3A_1534 = vector.shape_cast %mul3A_1529 : vector<16xf32> to vector<1x16xf32>
        tpu.vector_store %arg11[%swap3A_1530, %swap3A_1531], %swap3A_1534 {strides = array<i32>} : memref<128x128xf32, #tpu.memory_space<vmem>>, vector<1x16xf32>,
        %get3A_1535 = arith.index_cast %add3A_1512 : i32 to index
        %get3A_1536 = arith.constant 32 : index
        %get3A_1537 = tpu.vector_load %arg11[%get3A_1535, %get3A_1536] {strides = array<i32>} : memref<128x128xf32, #tpu.memory_space<vmem>>, vector<1x16xf32>,
        %get3A_1538 = vector.shape_cast %get3A_1537 : vector<1x16xf32> to vector<16xf32>
        %mul3A_1539 = vector.broadcast %squeeze3A_1508 : f32 to vector<16xf32>
        %mul3A_1540 = arith.mulf %get3A_1538, %mul3A_1539 : vector<16xf32>
        %swap3A_1541 = arith.index_cast %add3A_1512 : i32 to index
        %swap3A_1542 = arith.constant 32 : index
        %swap3A_1543 = tpu.vector_load %arg11[%swap3A_1541, %swap3A_1542] {strides = array<i32>} : memref<128x128xf32, #tpu.memory_space<vmem>>, vector<1x16xf32>,
        %swap3A_1544 = vector.shape_cast %swap3A_1543 : vector<1x16xf32> to vector<16xf32>
        %swap3A_1545 = vector.shape_cast %mul3A_1540 : vector<16xf32> to vector<1x16xf32>
        tpu.vector_store %arg11[%swap3A_1541, %swap3A_1542], %swap3A_1545 {strides = array<i32>} : memref<128x128xf32, #tpu.memory_space<vmem>>, vector<1x16xf32>,
        %get3A_1546 = arith.index_cast %add3A_1512 : i32 to index
        %get3A_1547 = arith.constant 48 : index
        %get3A_1548 = tpu.vector_load %arg11[%get3A_1546, %get3A_1547] {strides = array<i32>} : memref<128x128xf32, #tpu.memory_space<vmem>>, vector<1x16xf32>,
        %get3A_1549 = vector.shape_cast %get3A_1548 : vector<1x16xf32> to vector<16xf32>
        %mul3A_1550 = vector.broadcast %squeeze3A_1508 : f32 to vector<16xf32>
        %mul3A_1551 = arith.mulf %get3A_1549, %mul3A_1550 : vector<16xf32>
        %swap3A_1552 = arith.index_cast %add3A_1512 : i32 to index
        %swap3A_1553 = arith.constant 48 : index
        %swap3A_1554 = tpu.vector_load %arg11[%swap3A_1552, %swap3A_1553] {strides = array<i32>} : memref<128x128xf32, #tpu.memory_space<vmem>>, vector<1x16xf32>,
        %swap3A_1555 = vector.shape_cast %swap3A_1554 : vector<1x16xf32> to vector<16xf32>
        %swap3A_1556 = vector.shape_cast %mul3A_1551 : vector<16xf32> to vector<1x16xf32>
        tpu.vector_store %arg11[%swap3A_1552, %swap3A_1553], %swap3A_1556 {strides = array<i32>} : memref<128x128xf32, #tpu.memory_space<vmem>>, vector<1x16xf32>,
        %get3A_1557 = arith.index_cast %add3A_1512 : i32 to index
        %get3A_1558 = arith.constant 64 : index
        %get3A_1559 = tpu.vector_load %arg11[%get3A_1557, %get3A_1558] {strides = array<i32>} : memref<128x128xf32, #tpu.memory_space<vmem>>, vector<1x16xf32>,
        %get3A_1560 = vector.shape_cast %get3A_1559 : vector<1x16xf32> to vector<16xf32>
        %mul3A_1561 = vector.broadcast %squeeze3A_1508 : f32 to vector<16xf32>
        %mul3A_1562 = arith.mulf %get3A_1560, %mul3A_1561 : vector<16xf32>
        %swap3A_1563 = arith.index_cast %add3A_1512 : i32 to index
        %swap3A_1564 = arith.constant 64 : index
        %swap3A_1565 = tpu.vector_load %arg11[%swap3A_1563, %swap3A_1564] {strides = array<i32>} : memref<128x128xf32, #tpu.memory_space<vmem>>, vector<1x16xf32>,
        %swap3A_1566 = vector.shape_cast %swap3A_1565 : vector<1x16xf32> to vector<16xf32>
        %swap3A_1567 = vector.shape_cast %mul3A_1562 : vector<16xf32> to vector<1x16xf32>
        tpu.vector_store %arg11[%swap3A_1563, %swap3A_1564], %swap3A_1567 {strides = array<i32>} : memref<128x128xf32, #tpu.memory_space<vmem>>, vector<1x16xf32>,
        %get3A_1568 = arith.index_cast %add3A_1512 : i32 to index
        %get3A_1569 = arith.constant 80 : index
        %get3A_1570 = tpu.vector_load %arg11[%get3A_1568, %get3A_1569] {strides = array<i32>} : memref<128x128xf32, #tpu.memory_space<vmem>>, vector<1x16xf32>,
        %get3A_1571 = vector.shape_cast %get3A_1570 : vector<1x16xf32> to vector<16xf32>
        %mul3A_1572 = vector.broadcast %squeeze3A_1508 : f32 to vector<16xf32>
        %mul3A_1573 = arith.mulf %get3A_1571, %mul3A_1572 : vector<16xf32>
        %swap3A_1574 = arith.index_cast %add3A_1512 : i32 to index
        %swap3A_1575 = arith.constant 80 : index
        %swap3A_1576 = tpu.vector_load %arg11[%swap3A_1574, %swap3A_1575] {strides = array<i32>} : memref<128x128xf32, #tpu.memory_space<vmem>>, vector<1x16xf32>,
        %swap3A_1577 = vector.shape_cast %swap3A_1576 : vector<1x16xf32> to vector<16xf32>
        %swap3A_1578 = vector.shape_cast %mul3A_1573 : vector<16xf32> to vector<1x16xf32>
        tpu.vector_store %arg11[%swap3A_1574, %swap3A_1575], %swap3A_1578 {strides = array<i32>} : memref<128x128xf32, #tpu.memory_space<vmem>>, vector<1x16xf32>,
        %get3A_1579 = arith.index_cast %add3A_1512 : i32 to index
        %get3A_1580 = arith.constant 96 : index
        %get3A_1581 = tpu.vector_load %arg11[%get3A_1579, %get3A_1580] {strides = array<i32>} : memref<128x128xf32, #tpu.memory_space<vmem>>, vector<1x16xf32>,
        %get3A_1582 = vector.shape_cast %get3A_1581 : vector<1x16xf32> to vector<16xf32>
        %mul3A_1583 = vector.broadcast %squeeze3A_1508 : f32 to vector<16xf32>
        %mul3A_1584 = arith.mulf %get3A_1582, %mul3A_1583 : vector<16xf32>
        %swap3A_1585 = arith.index_cast %add3A_1512 : i32 to index
        %swap3A_1586 = arith.constant 96 : index
        %swap3A_1587 = tpu.vector_load %arg11[%swap3A_1585, %swap3A_1586] {strides = array<i32>} : memref<128x128xf32, #tpu.memory_space<vmem>>, vector<1x16xf32>,
        %swap3A_1588 = vector.shape_cast %swap3A_1587 : vector<1x16xf32> to vector<16xf32>
        %swap3A_1589 = vector.shape_cast %mul3A_1584 : vector<16xf32> to vector<1x16xf32>
        tpu.vector_store %arg11[%swap3A_1585, %swap3A_1586], %swap3A_1589 {strides = array<i32>} : memref<128x128xf32, #tpu.memory_space<vmem>>, vector<1x16xf32>,
        %get3A_1590 = arith.index_cast %add3A_1512 : i32 to index
        %get3A_1591 = arith.constant 112 : index
        %get3A_1592 = tpu.vector_load %arg11[%get3A_1590, %get3A_1591] {strides = array<i32>} : memref<128x128xf32, #tpu.memory_space<vmem>>, vector<1x16xf32>,
        %get3A_1593 = vector.shape_cast %get3A_1592 : vector<1x16xf32> to vector<16xf32>
        %mul3A_1594 = vector.broadcast %squeeze3A_1508 : f32 to vector<16xf32>
        %mul3A_1595 = arith.mulf %get3A_1593, %mul3A_1594 : vector<16xf32>
        %swap3A_1596 = arith.index_cast %add3A_1512 : i32 to index
        %swap3A_1597 = arith.constant 112 : index
        %swap3A_1598 = tpu.vector_load %arg11[%swap3A_1596, %swap3A_1597] {strides = array<i32>} : memref<128x128xf32, #tpu.memory_space<vmem>>, vector<1x16xf32>,
        %swap3A_1599 = vector.shape_cast %swap3A_1598 : vector<1x16xf32> to vector<16xf32>
        %swap3A_1600 = vector.shape_cast %mul3A_1595 : vector<16xf32> to vector<1x16xf32>
        tpu.vector_store %arg11[%swap3A_1596, %swap3A_1597], %swap3A_1600 {strides = array<i32>} : memref<128x128xf32, #tpu.memory_space<vmem>>, vector<1x16xf32>,
        %slice3A_1601 = vector.extract_strided_slice %get3A_193 {offsets = [15], sizes = [1], strides = [1]} : vector<16xf32> to vector<1xf32>
        %squeeze3A_1602 = vector.extract %slice3A_1601[0] : f32 from vector<1xf32>
        %mul3A_1603 = arith.constant 16 : i32
        %mul3A_1604 = arith.muli %scan3A_188, %mul3A_1603 : i32
        %add3A_1605 = arith.constant 15 : i32
        %add3A_1606 = arith.addi %mul3A_1604, %add3A_1605 : i32
        %get3A_1607 = arith.index_cast %add3A_1606 : i32 to index
        %get3A_1608 = arith.constant 0 : index
        %get3A_1609 = tpu.vector_load %arg11[%get3A_1607, %get3A_1608] {strides = array<i32>} : memref<128x128xf32, #tpu.memory_space<vmem>>, vector<1x16xf32>,
        %get3A_1610 = vector.shape_cast %get3A_1609 : vector<1x16xf32> to vector<16xf32>
        %mul3A_1611 = vector.broadcast %squeeze3A_1602 : f32 to vector<16xf32>
        %mul3A_1612 = arith.mulf %get3A_1610, %mul3A_1611 : vector<16xf32>
        %swap3A_1613 = arith.index_cast %add3A_1606 : i32 to index
        %swap3A_1614 = arith.constant 0 : index
        %swap3A_1615 = tpu.vector_load %arg11[%swap3A_1613, %swap3A_1614] {strides = array<i32>} : memref<128x128xf32, #tpu.memory_space<vmem>>, vector<1x16xf32>,
        %swap3A_1616 = vector.shape_cast %swap3A_1615 : vector<1x16xf32> to vector<16xf32>
        %swap3A_1617 = vector.shape_cast %mul3A_1612 : vector<16xf32> to vector<1x16xf32>
        tpu.vector_store %arg11[%swap3A_1613, %swap3A_1614], %swap3A_1617 {strides = array<i32>} : memref<128x128xf32, #tpu.memory_space<vmem>>, vector<1x16xf32>,
        %get3A_1618 = arith.index_cast %add3A_1606 : i32 to index
        %get3A_1619 = arith.constant 16 : index
        %get3A_1620 = tpu.vector_load %arg11[%get3A_1618, %get3A_1619] {strides = array<i32>} : memref<128x128xf32, #tpu.memory_space<vmem>>, vector<1x16xf32>,
        %get3A_1621 = vector.shape_cast %get3A_1620 : vector<1x16xf32> to vector<16xf32>
        %mul3A_1622 = vector.broadcast %squeeze3A_1602 : f32 to vector<16xf32>
        %mul3A_1623 = arith.mulf %get3A_1621, %mul3A_1622 : vector<16xf32>
        %swap3A_1624 = arith.index_cast %add3A_1606 : i32 to index
        %swap3A_1625 = arith.constant 16 : index
        %swap3A_1626 = tpu.vector_load %arg11[%swap3A_1624, %swap3A_1625] {strides = array<i32>} : memref<128x128xf32, #tpu.memory_space<vmem>>, vector<1x16xf32>,
        %swap3A_1627 = vector.shape_cast %swap3A_1626 : vector<1x16xf32> to vector<16xf32>
        %swap3A_1628 = vector.shape_cast %mul3A_1623 : vector<16xf32> to vector<1x16xf32>
        tpu.vector_store %arg11[%swap3A_1624, %swap3A_1625], %swap3A_1628 {strides = array<i32>} : memref<128x128xf32, #tpu.memory_space<vmem>>, vector<1x16xf32>,
        %get3A_1629 = arith.index_cast %add3A_1606 : i32 to index
        %get3A_1630 = arith.constant 32 : index
        %get3A_1631 = tpu.vector_load %arg11[%get3A_1629, %get3A_1630] {strides = array<i32>} : memref<128x128xf32, #tpu.memory_space<vmem>>, vector<1x16xf32>,
        %get3A_1632 = vector.shape_cast %get3A_1631 : vector<1x16xf32> to vector<16xf32>
        %mul3A_1633 = vector.broadcast %squeeze3A_1602 : f32 to vector<16xf32>
        %mul3A_1634 = arith.mulf %get3A_1632, %mul3A_1633 : vector<16xf32>
        %swap3A_1635 = arith.index_cast %add3A_1606 : i32 to index
        %swap3A_1636 = arith.constant 32 : index
        %swap3A_1637 = tpu.vector_load %arg11[%swap3A_1635, %swap3A_1636] {strides = array<i32>} : memref<128x128xf32, #tpu.memory_space<vmem>>, vector<1x16xf32>,
        %swap3A_1638 = vector.shape_cast %swap3A_1637 : vector<1x16xf32> to vector<16xf32>
        %swap3A_1639 = vector.shape_cast %mul3A_1634 : vector<16xf32> to vector<1x16xf32>
        tpu.vector_store %arg11[%swap3A_1635, %swap3A_1636], %swap3A_1639 {strides = array<i32>} : memref<128x128xf32, #tpu.memory_space<vmem>>, vector<1x16xf32>,
        %get3A_1640 = arith.index_cast %add3A_1606 : i32 to index
        %get3A_1641 = arith.constant 48 : index
        %get3A_1642 = tpu.vector_load %arg11[%get3A_1640, %get3A_1641] {strides = array<i32>} : memref<128x128xf32, #tpu.memory_space<vmem>>, vector<1x16xf32>,
        %get3A_1643 = vector.shape_cast %get3A_1642 : vector<1x16xf32> to vector<16xf32>
        %mul3A_1644 = vector.broadcast %squeeze3A_1602 : f32 to vector<16xf32>
        %mul3A_1645 = arith.mulf %get3A_1643, %mul3A_1644 : vector<16xf32>
        %swap3A_1646 = arith.index_cast %add3A_1606 : i32 to index
        %swap3A_1647 = arith.constant 48 : index
        %swap3A_1648 = tpu.vector_load %arg11[%swap3A_1646, %swap3A_1647] {strides = array<i32>} : memref<128x128xf32, #tpu.memory_space<vmem>>, vector<1x16xf32>,
        %swap3A_1649 = vector.shape_cast %swap3A_1648 : vector<1x16xf32> to vector<16xf32>
        %swap3A_1650 = vector.shape_cast %mul3A_1645 : vector<16xf32> to vector<1x16xf32>
        tpu.vector_store %arg11[%swap3A_1646, %swap3A_1647], %swap3A_1650 {strides = array<i32>} : memref<128x128xf32, #tpu.memory_space<vmem>>, vector<1x16xf32>,
        %get3A_1651 = arith.index_cast %add3A_1606 : i32 to index
        %get3A_1652 = arith.constant 64 : index
        %get3A_1653 = tpu.vector_load %arg11[%get3A_1651, %get3A_1652] {strides = array<i32>} : memref<128x128xf32, #tpu.memory_space<vmem>>, vector<1x16xf32>,
        %get3A_1654 = vector.shape_cast %get3A_1653 : vector<1x16xf32> to vector<16xf32>
        %mul3A_1655 = vector.broadcast %squeeze3A_1602 : f32 to vector<16xf32>
        %mul3A_1656 = arith.mulf %get3A_1654, %mul3A_1655 : vector<16xf32>
        %swap3A_1657 = arith.index_cast %add3A_1606 : i32 to index
        %swap3A_1658 = arith.constant 64 : index
        %swap3A_1659 = tpu.vector_load %arg11[%swap3A_1657, %swap3A_1658] {strides = array<i32>} : memref<128x128xf32, #tpu.memory_space<vmem>>, vector<1x16xf32>,
        %swap3A_1660 = vector.shape_cast %swap3A_1659 : vector<1x16xf32> to vector<16xf32>
        %swap3A_1661 = vector.shape_cast %mul3A_1656 : vector<16xf32> to vector<1x16xf32>
        tpu.vector_store %arg11[%swap3A_1657, %swap3A_1658], %swap3A_1661 {strides = array<i32>} : memref<128x128xf32, #tpu.memory_space<vmem>>, vector<1x16xf32>,
        %get3A_1662 = arith.index_cast %add3A_1606 : i32 to index
        %get3A_1663 = arith.constant 80 : index
        %get3A_1664 = tpu.vector_load %arg11[%get3A_1662, %get3A_1663] {strides = array<i32>} : memref<128x128xf32, #tpu.memory_space<vmem>>, vector<1x16xf32>,
        %get3A_1665 = vector.shape_cast %get3A_1664 : vector<1x16xf32> to vector<16xf32>
        %mul3A_1666 = vector.broadcast %squeeze3A_1602 : f32 to vector<16xf32>
        %mul3A_1667 = arith.mulf %get3A_1665, %mul3A_1666 : vector<16xf32>
        %swap3A_1668 = arith.index_cast %add3A_1606 : i32 to index
        %swap3A_1669 = arith.constant 80 : index
        %swap3A_1670 = tpu.vector_load %arg11[%swap3A_1668, %swap3A_1669] {strides = array<i32>} : memref<128x128xf32, #tpu.memory_space<vmem>>, vector<1x16xf32>,
        %swap3A_1671 = vector.shape_cast %swap3A_1670 : vector<1x16xf32> to vector<16xf32>
        %swap3A_1672 = vector.shape_cast %mul3A_1667 : vector<16xf32> to vector<1x16xf32>
        tpu.vector_store %arg11[%swap3A_1668, %swap3A_1669], %swap3A_1672 {strides = array<i32>} : memref<128x128xf32, #tpu.memory_space<vmem>>, vector<1x16xf32>,
        %get3A_1673 = arith.index_cast %add3A_1606 : i32 to index
        %get3A_1674 = arith.constant 96 : index
        %get3A_1675 = tpu.vector_load %arg11[%get3A_1673, %get3A_1674] {strides = array<i32>} : memref<128x128xf32, #tpu.memory_space<vmem>>, vector<1x16xf32>,
        %get3A_1676 = vector.shape_cast %get3A_1675 : vector<1x16xf32> to vector<16xf32>
        %mul3A_1677 = vector.broadcast %squeeze3A_1602 : f32 to vector<16xf32>
        %mul3A_1678 = arith.mulf %get3A_1676, %mul3A_1677 : vector<16xf32>
        %swap3A_1679 = arith.index_cast %add3A_1606 : i32 to index
        %swap3A_1680 = arith.constant 96 : index
        %swap3A_1681 = tpu.vector_load %arg11[%swap3A_1679, %swap3A_1680] {strides = array<i32>} : memref<128x128xf32, #tpu.memory_space<vmem>>, vector<1x16xf32>,
        %swap3A_1682 = vector.shape_cast %swap3A_1681 : vector<1x16xf32> to vector<16xf32>
        %swap3A_1683 = vector.shape_cast %mul3A_1678 : vector<16xf32> to vector<1x16xf32>
        tpu.vector_store %arg11[%swap3A_1679, %swap3A_1680], %swap3A_1683 {strides = array<i32>} : memref<128x128xf32, #tpu.memory_space<vmem>>, vector<1x16xf32>,
        %get3A_1684 = arith.index_cast %add3A_1606 : i32 to index
        %get3A_1685 = arith.constant 112 : index
        %get3A_1686 = tpu.vector_load %arg11[%get3A_1684, %get3A_1685] {strides = array<i32>} : memref<128x128xf32, #tpu.memory_space<vmem>>, vector<1x16xf32>,
        %get3A_1687 = vector.shape_cast %get3A_1686 : vector<1x16xf32> to vector<16xf32>
        %mul3A_1688 = vector.broadcast %squeeze3A_1602 : f32 to vector<16xf32>
        %mul3A_1689 = arith.mulf %get3A_1687, %mul3A_1688 : vector<16xf32>
        %swap3A_1690 = arith.index_cast %add3A_1606 : i32 to index
        %swap3A_1691 = arith.constant 112 : index
        %swap3A_1692 = tpu.vector_load %arg11[%swap3A_1690, %swap3A_1691] {strides = array<i32>} : memref<128x128xf32, #tpu.memory_space<vmem>>, vector<1x16xf32>,
        %swap3A_1693 = vector.shape_cast %swap3A_1692 : vector<1x16xf32> to vector<16xf32>
        %swap3A_1694 = vector.shape_cast %mul3A_1689 : vector<16xf32> to vector<1x16xf32>
        tpu.vector_store %arg11[%swap3A_1690, %swap3A_1691], %swap3A_1694 {strides = array<i32>} : memref<128x128xf32, #tpu.memory_space<vmem>>, vector<1x16xf32>,
      }
      %scan3A_187 = arith.constant 8 : i32
      "tpu.region"() ({
        %run_scoped3A = tpu.sem_alloc : memref<!tpu.dma_semaphore, #tpu.memory_space<semaphore_mem>>
        %dma_start3A_188 = arith.constant 0 : i32
        %dma_start3A_189 = tpu.memref_slice %arg9[%scan3A_161, %dma_start3A_188] : memref<79x128xi32, #tpu.memory_space<vmem>> -> memref<1x128xi32, #tpu.memory_space<vmem>>
        %dma_start3A_190 = tpu.memref_squeeze %dma_start3A_189 : memref<1x128xi32, #tpu.memory_space<vmem>> -> memref<128xi32, #tpu.memory_space<vmem>>
        %dma_start3A_191 = arith.constant 0 : i32
        %dma_start3A_192 = arith.constant 0 : i32
        %dma_start3A_193 = tpu.memref_slice %arg13[%dma_start3A_191, %dma_start3A_192] : memref<10240x128xf32, #tpu.memory_space<vmem_shared>> -> memref<10240x128xf32, #tpu.memory_space<vmem_shared>>
        tpu.enqueue_indirect_dma source(%arg11 : memref<128x128xf32, #tpu.memory_space<vmem>>) target(%dma_start3A_193 : memref<10240x128xf32, #tpu.memory_space<vmem_shared>>) offsets(%dma_start3A_190 : memref<128xi32, #tpu.memory_space<vmem>>) semaphore(%run_scoped3A : memref<!tpu.dma_semaphore, #tpu.memory_space<semaphore_mem>>) {add = true}
        %dma_wait3A_194 = arith.constant 0 : i32
        %dma_wait3A_195 = tpu.memref_slice %arg9[%scan3A_161, %dma_wait3A_194] : memref<79x128xi32, #tpu.memory_space<vmem>> -> memref<1x128xi32, #tpu.memory_space<vmem>>
        %dma_wait3A_196 = tpu.memref_squeeze %dma_wait3A_195 : memref<1x128xi32, #tpu.memory_space<vmem>> -> memref<128xi32, #tpu.memory_space<vmem>>
        %dma_wait3A_197 = arith.constant 0 : i32
        %dma_wait3A_198 = arith.constant 0 : i32
        %dma_wait3A_199 = tpu.memref_slice %arg13[%dma_wait3A_197, %dma_wait3A_198] : memref<10240x128xf32, #tpu.memory_space<vmem_shared>> -> memref<10240x128xf32, #tpu.memory_space<vmem_shared>>
        tpu.wait_indirect_dma semaphore(%run_scoped3A : memref<!tpu.dma_semaphore, #tpu.memory_space<semaphore_mem>>) src(%arg11 : memref<128x128xf32, #tpu.memory_space<vmem>>) dst(%dma_wait3A_199 : memref<10240x128xf32, #tpu.memory_space<vmem_shared>>)
        tpu.yield
      }) : () -> ()
    }
    %scan3A_142 = arith.constant 79 : i32
    %scan3A_143 = arith.constant 0 : i32
    %scan3A_144 = arith.constant 0 : i32
    %scan3A_145 = arith.constant 79 : i32
    %scan3A_146 = arith.addi %scan3A_144, %scan3A_145 : i32
    %scan3A_147 = arith.constant 1 : i32
    scf.for %scan3A_161 = %scan3A_144 to %scan3A_146 step %scan3A_147  : i32 {
      %dma_wait3A_162 = arith.constant 0 : i32
      %dma_wait3A_163 = tpu.memref_slice %arg10[%scan3A_161, %dma_wait3A_162] : memref<79x128xf32, #tpu.memory_space<vmem>> -> memref<1x128xf32, #tpu.memory_space<vmem>>
      %dma_wait3A_164 = tpu.memref_squeeze %dma_wait3A_163 : memref<1x128xf32, #tpu.memory_space<vmem>> -> memref<128xf32, #tpu.memory_space<vmem>>
      %dma_wait3A_165 = arith.constant 0 : i32
      %dma_wait3A_166 = tpu.memref_slice %arg9[%scan3A_161, %dma_wait3A_165] : memref<79x128xi32, #tpu.memory_space<vmem>> -> memref<1x128xi32, #tpu.memory_space<vmem>>
      %dma_wait3A_167 = tpu.memref_squeeze %dma_wait3A_166 : memref<1x128xi32, #tpu.memory_space<vmem>> -> memref<128xi32, #tpu.memory_space<vmem>>
      %dma_wait3A_168 = arith.constant 0 : i32
      %dma_wait3A_169 = tpu.memref_slice %arg14[%dma_wait3A_168] : memref<10240xf32, #tpu.memory_space<vmem_shared>> -> memref<10240xf32, #tpu.memory_space<vmem_shared>>
      tpu.wait_indirect_dma semaphore(%arg16 : memref<!tpu.dma_semaphore, #tpu.memory_space<semaphore_mem>>) src(%dma_wait3A_164 : memref<128xf32, #tpu.memory_space<vmem>>) dst(%dma_wait3A_169 : memref<10240xf32, #tpu.memory_space<vmem_shared>>)
    }
    %scan3A_148 = arith.constant 79 : i32
    %barrier3A_149 = arith.constant 0 : index
    tpu.barrier barrier_id(%barrier3A_149)
    %mul3A_150 = arith.constant 640 : i32
    %mul3A_151 = arith.muli %arg1, %mul3A_150 : i32
    %mul3A_152 = arith.constant 640 : i32
    %mul3A_153 = arith.muli %arg1, %mul3A_152 : i32
    "tpu.region"() ({
      %run_scoped3A = tpu.sem_alloc : memref<!tpu.dma_semaphore, #tpu.memory_space<semaphore_mem>>
      %dma_start3A_161 = arith.constant 0 : i32
      %dma_start3A_162 = tpu.memref_slice %arg6[%arg0, %mul3A_153, %dma_start3A_161] : memref<2x10240x128xf32, #tpu.memory_space<hbm>> -> memref<1x640x128xf32, #tpu.memory_space<hbm>>
      %dma_start3A_163 = tpu.memref_squeeze %dma_start3A_162 : memref<1x640x128xf32, #tpu.memory_space<hbm>> -> memref<640x128xf32, #tpu.memory_space<hbm>>
      %dma_start3A_164 = arith.constant 0 : i32
      %dma_start3A_165 = tpu.memref_slice %arg13[%mul3A_151, %dma_start3A_164] : memref<10240x128xf32, #tpu.memory_space<vmem_shared>> -> memref<640x128xf32, #tpu.memory_space<vmem_shared>>
      tpu.enqueue_dma source(%dma_start3A_165 : memref<640x128xf32, #tpu.memory_space<vmem_shared>>) target(%dma_start3A_163 : memref<640x128xf32, #tpu.memory_space<hbm>>) target_semaphore(%run_scoped3A : memref<!tpu.dma_semaphore, #tpu.memory_space<semaphore_mem>>)
      %dma_wait3A_166 = arith.constant 0 : i32
      %dma_wait3A_167 = tpu.memref_slice %arg6[%arg0, %mul3A_153, %dma_wait3A_166] : memref<2x10240x128xf32, #tpu.memory_space<hbm>> -> memref<1x640x128xf32, #tpu.memory_space<hbm>>
      %dma_wait3A_168 = tpu.memref_squeeze %dma_wait3A_167 : memref<1x640x128xf32, #tpu.memory_space<hbm>> -> memref<640x128xf32, #tpu.memory_space<hbm>>
      %dma_wait3A_169 = arith.constant 0 : i32
      %dma_wait3A_170 = tpu.memref_slice %arg13[%mul3A_151, %dma_wait3A_169] : memref<10240x128xf32, #tpu.memory_space<vmem_shared>> -> memref<640x128xf32, #tpu.memory_space<vmem_shared>>
      tpu.wait_dma2 semaphore(%run_scoped3A : memref<!tpu.dma_semaphore, #tpu.memory_space<semaphore_mem>>) src(%dma_wait3A_170 : memref<640x128xf32, #tpu.memory_space<vmem_shared>>) dst(%dma_wait3A_168 : memref<640x128xf32, #tpu.memory_space<hbm>>)
      tpu.yield
    }) : () -> ()
    %mul3A_154 = arith.constant 640 : i32
    %mul3A_155 = arith.muli %arg1, %mul3A_154 : i32
    %mul3A_156 = arith.constant 10240 : i32
    %mul3A_157 = arith.muli %arg0, %mul3A_156 : i32
    %mul3A_158 = arith.constant 640 : i32
    %mul3A_159 = arith.muli %arg1, %mul3A_158 : i32
    %add3A_160 = arith.addi %mul3A_157, %mul3A_159 : i32
    "tpu.region"() ({
      %run_scoped3A = tpu.sem_alloc : memref<!tpu.dma_semaphore, #tpu.memory_space<semaphore_mem>>
      %dma_start3A_161 = tpu.memref_slice %arg7[%add3A_160] : memref<20480xf32, #tpu.memory_space<hbm>> -> memref<640xf32, #tpu.memory_space<hbm>>
      %dma_start3A_162 = tpu.memref_slice %arg14[%mul3A_155] : memref<10240xf32, #tpu.memory_space<vmem_shared>> -> memref<640xf32, #tpu.memory_space<vmem_shared>>
      tpu.enqueue_dma source(%dma_start3A_162 : memref<640xf32, #tpu.memory_space<vmem_shared>>) target(%dma_start3A_161 : memref<640xf32, #tpu.memory_space<hbm>>) target_semaphore(%run_scoped3A : memref<!tpu.dma_semaphore, #tpu.memory_space<semaphore_mem>>)
      %dma_wait3A_163 = tpu.memref_slice %arg7[%add3A_160] : memref<20480xf32, #tpu.memory_space<hbm>> -> memref<640xf32, #tpu.memory_space<hbm>>
      %dma_wait3A_164 = tpu.memref_slice %arg14[%mul3A_155] : memref<10240xf32, #tpu.memory_space<vmem_shared>> -> memref<640xf32, #tpu.memory_space<vmem_shared>>
      tpu.wait_dma2 semaphore(%run_scoped3A : memref<!tpu.dma_semaphore, #tpu.memory_space<semaphore_mem>>) src(%dma_wait3A_164 : memref<640xf32, #tpu.memory_space<vmem_shared>>) dst(%dma_wait3A_163 : memref<640xf32, #tpu.memory_space<hbm>>)
      tpu.yield
    }) : () -> ()
    return
  }
}

module attributes {stable_mosaic.version = 14 : i64} {
  func.func @kern(%arg0: i32, %arg1: memref<10000x16xf32, #tpu.memory_space<vmem>>, %arg2: memref<16x1xf32, #tpu.memory_space<vmem>>, %arg3: memref<1x1xf32, #tpu.memory_space<vmem>>, %arg4: memref<16x1xf32, #tpu.memory_space<vmem>>, %arg5: memref<1x1xf32, #tpu.memory_space<vmem>>, %arg6: memref<10000x2xf32, #tpu.memory_space<vmem>>) attributes {dimension_semantics = [#tpu.dimension_semantics<arbitrary>], iteration_bounds = array<i64: 32>, scalar_prefetch = 0 : i64, scratch_operands = 0 : i64, tpu.core_type = #tpu.core_type<tc>, window_params = [{transform_indices = @transform_0, window_bounds = array<i64: 10000, 16>}, {pipeline_mode = #tpu.pipeline_mode<synchronous>, transform_indices = @transform_1, window_bounds = array<i64: 16, 1>}, {pipeline_mode = #tpu.pipeline_mode<synchronous>, transform_indices = @transform_2, window_bounds = array<i64: 1, 1>}, {pipeline_mode = #tpu.pipeline_mode<synchronous>, transform_indices = @transform_3, window_bounds = array<i64: 16, 1>}, {pipeline_mode = #tpu.pipeline_mode<synchronous>, transform_indices = @transform_4, window_bounds = array<i64: 1, 1>}, {transform_indices = @transform_5, window_bounds = array<i64: 10000, 2>}]} {
    %get3A = arith.constant 0 : index
    %get3A_0 = arith.constant 0 : index
    %get3A_1 = vector.load %arg1[%get3A, %get3A_0] : memref<10000x16xf32, #tpu.memory_space<vmem>>, vector<10000x16xf32>
    %get3A_2 = arith.constant 0 : index
    %get3A_3 = arith.constant 0 : index
    %get3A_4 = vector.load %arg2[%get3A_2, %get3A_3] : memref<16x1xf32, #tpu.memory_space<vmem>>, vector<16x1xf32>
    %dot_general3A = arith.constant dense<0.000000e+00> : vector<10000x1xf32>
    %dot_general3A_5 = tpu.matmul %get3A_1, %get3A_4, %dot_general3A {dimension_numbers = #tpu.dot_dimension_numbers<[1], [0], [0], [1], [0, 0, 1, 1], [], []>, transpose_lhs_hint = false} : vector<10000x16xf32>, vector<16x1xf32>, vector<10000x1xf32> -> vector<10000x1xf32>
    %get3A_6 = arith.constant 0 : index
    %get3A_7 = arith.constant 0 : index
    %get3A_8 = vector.load %arg3[%get3A_6, %get3A_7] : memref<1x1xf32, #tpu.memory_space<vmem>>, vector<1x1xf32>
    %add3A = vector.broadcast %get3A_8 : vector<1x1xf32> to vector<10000x1xf32>
    %add3A_9 = arith.addf %dot_general3A_5, %add3A : vector<10000x1xf32>
    %get3A_10 = arith.constant 0 : index
    %get3A_11 = arith.constant 0 : index
    %get3A_12 = vector.load %arg4[%get3A_10, %get3A_11] : memref<16x1xf32, #tpu.memory_space<vmem>>, vector<16x1xf32>
    %dot_general3A_13 = arith.constant dense<0.000000e+00> : vector<10000x1xf32>
    %dot_general3A_14 = tpu.matmul %get3A_1, %get3A_12, %dot_general3A_13 {dimension_numbers = #tpu.dot_dimension_numbers<[1], [0], [0], [1], [0, 0, 1, 1], [], []>, transpose_lhs_hint = false} : vector<10000x16xf32>, vector<16x1xf32>, vector<10000x1xf32> -> vector<10000x1xf32>
    %get3A_15 = arith.constant 0 : index
    %get3A_16 = arith.constant 0 : index
    %get3A_17 = vector.load %arg5[%get3A_15, %get3A_16] : memref<1x1xf32, #tpu.memory_space<vmem>>, vector<1x1xf32>
    %add3A_18 = vector.broadcast %get3A_17 : vector<1x1xf32> to vector<10000x1xf32>
    %add3A_19 = arith.addf %dot_general3A_14, %add3A_18 : vector<10000x1xf32>
    %concatenate3A = tpu.concatenate %add3A_9, %add3A_19 in 1 : vector<10000x1xf32>, vector<10000x1xf32> -> vector<10000x2xf32>
    %max3A = arith.constant 0.000000e+00 : f32
    %max3A_20 = vector.broadcast %max3A : f32 to vector<10000x2xf32>
    %max3A_21 = arith.maximumf %concatenate3A, %max3A_20 : vector<10000x2xf32>
    %abs3A = math.absf %concatenate3A : vector<10000x2xf32>
    %neg3A = arith.constant 0.000000e+00 : f32
    %neg3A_22 = vector.broadcast %neg3A : f32 to vector<10000x2xf32>
    %neg3A_23 = arith.subf %neg3A_22, %abs3A : vector<10000x2xf32>
    %exp3A = math.exp %neg3A_23 : vector<10000x2xf32>
    %log1p3A = math.log1p %exp3A : vector<10000x2xf32>
    %add3A_24 = arith.addf %max3A_21, %log1p3A : vector<10000x2xf32>
    %swap3A = arith.constant 0 : index
    %swap3A_25 = arith.constant 0 : index
    %swap3A_26 = vector.load %arg6[%swap3A, %swap3A_25] : memref<10000x2xf32, #tpu.memory_space<vmem>>, vector<10000x2xf32>
    tpu.vector_store %arg6[%swap3A, %swap3A_25], %add3A_24 {strides = array<i32>} : memref<10000x2xf32, #tpu.memory_space<vmem>>, vector<10000x2xf32>,
    return
  }
  func.func @transform_0(%arg0: i32) -> (i32, i32) {
    %c0_i32 = arith.constant 0 : i32
    %c0_i32_0 = arith.constant 0 : i32
    return %arg0, %c0_i32 : i32, i32
  }
  func.func @transform_1(%arg0: i32) -> (i32, i32) {
    %c0_i32 = arith.constant 0 : i32
    %c0_i32_0 = arith.constant 0 : i32
    %c0_i32_1 = arith.constant 0 : i32
    return %c0_i32, %c0_i32_0 : i32, i32
  }
  func.func @transform_2(%arg0: i32) -> (i32, i32) {
    %c0_i32 = arith.constant 0 : i32
    %c0_i32_0 = arith.constant 0 : i32
    %c0_i32_1 = arith.constant 0 : i32
    return %c0_i32, %c0_i32_0 : i32, i32
  }
  func.func @transform_3(%arg0: i32) -> (i32, i32) {
    %c0_i32 = arith.constant 0 : i32
    %c0_i32_0 = arith.constant 0 : i32
    %c0_i32_1 = arith.constant 0 : i32
    return %c0_i32, %c0_i32_0 : i32, i32
  }
  func.func @transform_4(%arg0: i32) -> (i32, i32) {
    %c0_i32 = arith.constant 0 : i32
    %c0_i32_0 = arith.constant 0 : i32
    %c0_i32_1 = arith.constant 0 : i32
    return %c0_i32, %c0_i32_0 : i32, i32
  }
  func.func @transform_5(%arg0: i32) -> (i32, i32) {
    %c0_i32 = arith.constant 0 : i32
    %c0_i32_0 = arith.constant 0 : i32
    return %arg0, %c0_i32 : i32, i32
  }
}

module attributes {stable_mosaic.version = 14 : i64} {
  func.func @kern(%arg0: i32, %arg1: memref<1000x128xf32, #tpu.memory_space<vmem>>, %arg2: memref<1000x128xf32, #tpu.memory_space<vmem>>, %arg3: memref<1000x1xf32, #tpu.memory_space<vmem>>, %arg4: memref<1000x1xf32, #tpu.memory_space<vmem>>, %arg5: memref<1000x128xf32, #tpu.memory_space<vmem>>, %arg6: memref<128x128xf32, #tpu.memory_space<vmem>>, %arg7: memref<1x128xf32, #tpu.memory_space<vmem>>, %arg8: memref<1x128xf32, #tpu.memory_space<vmem>>, %arg9: memref<1x128xf32, #tpu.memory_space<vmem>>, %arg10: memref<1000x128xf32, #tpu.memory_space<vmem>>) attributes {dimension_semantics = [#tpu.dimension_semantics<arbitrary>], iteration_bounds = array<i64: 10>, scalar_prefetch = 0 : i64, scratch_operands = 0 : i64, tpu.core_type = #tpu.core_type<tc>, window_params = [{transform_indices = @transform_0, window_bounds = array<i64: 1000, 128>}, {transform_indices = @transform_1, window_bounds = array<i64: 1000, 128>}, {transform_indices = @transform_2, window_bounds = array<i64: 1000, 1>}, {transform_indices = @transform_3, window_bounds = array<i64: 1000, 1>}, {transform_indices = @transform_4, window_bounds = array<i64: 1000, 128>}, {pipeline_mode = #tpu.pipeline_mode<synchronous>, transform_indices = @transform_5, window_bounds = array<i64: 128, 128>}, {pipeline_mode = #tpu.pipeline_mode<synchronous>, transform_indices = @transform_6, window_bounds = array<i64: 1, 128>}, {pipeline_mode = #tpu.pipeline_mode<synchronous>, transform_indices = @transform_7, window_bounds = array<i64: 1, 128>}, {pipeline_mode = #tpu.pipeline_mode<synchronous>, transform_indices = @transform_8, window_bounds = array<i64: 1, 128>}, {transform_indices = @transform_9, window_bounds = array<i64: 1000, 128>}]} {
    %get3A = arith.constant 0 : index
    %get3A_0 = arith.constant 0 : index
    %get3A_1 = vector.load %arg3[%get3A, %get3A_0] : memref<1000x1xf32, #tpu.memory_space<vmem>>, vector<1000x1xf32>
    %get3A_2 = arith.constant 0 : index
    %get3A_3 = arith.constant 0 : index
    %get3A_4 = vector.load %arg4[%get3A_2, %get3A_3] : memref<1000x1xf32, #tpu.memory_space<vmem>>, vector<1000x1xf32>
    %add3A = arith.addf %get3A_1, %get3A_4 : vector<1000x1xf32>
    %get3A_5 = arith.constant 0 : index
    %get3A_6 = arith.constant 0 : index
    %get3A_7 = vector.load %arg1[%get3A_5, %get3A_6] : memref<1000x128xf32, #tpu.memory_space<vmem>>, vector<1000x128xf32>
    %get3A_8 = arith.constant 0 : index
    %get3A_9 = arith.constant 0 : index
    %get3A_10 = vector.load %arg2[%get3A_8, %get3A_9] : memref<1000x128xf32, #tpu.memory_space<vmem>>, vector<1000x128xf32>
    %add3A_11 = arith.addf %get3A_7, %get3A_10 : vector<1000x128xf32>
    %get3A_12 = arith.constant 0 : index
    %get3A_13 = arith.constant 0 : index
    %get3A_14 = vector.load %arg5[%get3A_12, %get3A_13] : memref<1000x128xf32, #tpu.memory_space<vmem>>, vector<1000x128xf32>
    %mul3A = vector.broadcast %add3A : vector<1000x1xf32> to vector<1000x128xf32>
    %mul3A_15 = arith.mulf %mul3A, %get3A_14 : vector<1000x128xf32>
    %sub3A = arith.subf %add3A_11, %mul3A_15 : vector<1000x128xf32>
    %get3A_16 = arith.constant 0 : index
    %get3A_17 = arith.constant 0 : index
    %get3A_18 = vector.load %arg6[%get3A_16, %get3A_17] : memref<128x128xf32, #tpu.memory_space<vmem>>, vector<128x128xf32>
    %dot_general3A = arith.constant dense<0.000000e+00> : vector<1000x128xf32>
    %dot_general3A_19 = tpu.matmul %sub3A, %get3A_18, %dot_general3A {dimension_numbers = #tpu.dot_dimension_numbers<[1], [1], [0], [0], [0, 0, 1, 0], [], []>, transpose_lhs_hint = false} : vector<1000x128xf32>, vector<128x128xf32>, vector<1000x128xf32> -> vector<1000x128xf32>
    %get3A_20 = arith.constant 0 : index
    %get3A_21 = arith.constant 0 : index
    %get3A_22 = vector.load %arg7[%get3A_20, %get3A_21] : memref<1x128xf32, #tpu.memory_space<vmem>>, vector<1x128xf32>
    %add3A_23 = vector.broadcast %get3A_22 : vector<1x128xf32> to vector<1000x128xf32>
    %add3A_24 = arith.addf %dot_general3A_19, %add3A_23 : vector<1000x128xf32>
    %max3A = arith.constant 0.000000e+00 : f32
    %max3A_25 = vector.broadcast %max3A : f32 to vector<1000x128xf32>
    %max3A_26 = arith.maximumf %add3A_24, %max3A_25 : vector<1000x128xf32>
    %reduce_sum3A = arith.constant dense<0.000000e+00> : vector<1000xf32>
    %reduce_sum3A_27 = vector.multi_reduction <add>, %max3A_26, %reduce_sum3A [1] : vector<1000x128xf32> to vector<1000xf32>
    %broadcast_in_dim3A = vector.shape_cast %reduce_sum3A_27 : vector<1000xf32> to vector<1000x1xf32>
    %div3A = arith.constant 1.280000e+02 : f32
    %div3A_28 = vector.broadcast %div3A : f32 to vector<1000x1xf32>
    %div3A_29 = arith.divf %broadcast_in_dim3A, %div3A_28 : vector<1000x1xf32>
    %sub3A_30 = vector.broadcast %div3A_29 : vector<1000x1xf32> to vector<1000x128xf32>
    %sub3A_31 = arith.subf %max3A_26, %sub3A_30 : vector<1000x128xf32>
    %mul3A_32 = arith.mulf %sub3A_31, %sub3A_31 : vector<1000x128xf32>
    %reduce_sum3A_33 = arith.constant dense<0.000000e+00> : vector<1000xf32>
    %reduce_sum3A_34 = vector.multi_reduction <add>, %mul3A_32, %reduce_sum3A_33 [1] : vector<1000x128xf32> to vector<1000xf32>
    %broadcast_in_dim3A_35 = vector.shape_cast %reduce_sum3A_34 : vector<1000xf32> to vector<1000x1xf32>
    %div3A_36 = arith.constant 1.280000e+02 : f32
    %div3A_37 = vector.broadcast %div3A_36 : f32 to vector<1000x1xf32>
    %div3A_38 = arith.divf %broadcast_in_dim3A_35, %div3A_37 : vector<1000x1xf32>
    %add3A_39 = arith.constant 9.99999974E-6 : f32
    %add3A_40 = vector.broadcast %add3A_39 : f32 to vector<1000x1xf32>
    %add3A_41 = arith.addf %div3A_38, %add3A_40 : vector<1000x1xf32>
    %rsqrt3A = math.rsqrt %add3A_41 : vector<1000x1xf32>
    %mul3A_42 = vector.broadcast %rsqrt3A : vector<1000x1xf32> to vector<1000x128xf32>
    %mul3A_43 = arith.mulf %sub3A_31, %mul3A_42 : vector<1000x128xf32>
    %get3A_44 = arith.constant 0 : index
    %get3A_45 = arith.constant 0 : index
    %get3A_46 = vector.load %arg8[%get3A_44, %get3A_45] : memref<1x128xf32, #tpu.memory_space<vmem>>, vector<1x128xf32>
    %mul3A_47 = vector.broadcast %get3A_46 : vector<1x128xf32> to vector<1000x128xf32>
    %mul3A_48 = arith.mulf %mul3A_43, %mul3A_47 : vector<1000x128xf32>
    %get3A_49 = arith.constant 0 : index
    %get3A_50 = arith.constant 0 : index
    %get3A_51 = vector.load %arg9[%get3A_49, %get3A_50] : memref<1x128xf32, #tpu.memory_space<vmem>>, vector<1x128xf32>
    %add3A_52 = vector.broadcast %get3A_51 : vector<1x128xf32> to vector<1000x128xf32>
    %add3A_53 = arith.addf %mul3A_48, %add3A_52 : vector<1000x128xf32>
    %swap3A = arith.constant 0 : index
    %swap3A_54 = arith.constant 0 : index
    %swap3A_55 = vector.load %arg10[%swap3A, %swap3A_54] : memref<1000x128xf32, #tpu.memory_space<vmem>>, vector<1000x128xf32>
    tpu.vector_store %arg10[%swap3A, %swap3A_54], %add3A_53 {strides = array<i32>} : memref<1000x128xf32, #tpu.memory_space<vmem>>, vector<1000x128xf32>,
    return
  }
  func.func @transform_0(%arg0: i32) -> (i32, i32) {
    %c0_i32 = arith.constant 0 : i32
    %c0_i32_0 = arith.constant 0 : i32
    return %arg0, %c0_i32 : i32, i32
  }
  func.func @transform_1(%arg0: i32) -> (i32, i32) {
    %c0_i32 = arith.constant 0 : i32
    %c0_i32_0 = arith.constant 0 : i32
    return %arg0, %c0_i32 : i32, i32
  }
  func.func @transform_2(%arg0: i32) -> (i32, i32) {
    %c0_i32 = arith.constant 0 : i32
    %c0_i32_0 = arith.constant 0 : i32
    return %arg0, %c0_i32 : i32, i32
  }
  func.func @transform_3(%arg0: i32) -> (i32, i32) {
    %c0_i32 = arith.constant 0 : i32
    %c0_i32_0 = arith.constant 0 : i32
    return %arg0, %c0_i32 : i32, i32
  }
  func.func @transform_4(%arg0: i32) -> (i32, i32) {
    %c0_i32 = arith.constant 0 : i32
    %c0_i32_0 = arith.constant 0 : i32
    return %arg0, %c0_i32 : i32, i32
  }
  func.func @transform_5(%arg0: i32) -> (i32, i32) {
    %c0_i32 = arith.constant 0 : i32
    %c0_i32_0 = arith.constant 0 : i32
    %c0_i32_1 = arith.constant 0 : i32
    return %c0_i32, %c0_i32_0 : i32, i32
  }
  func.func @transform_6(%arg0: i32) -> (i32, i32) {
    %c0_i32 = arith.constant 0 : i32
    %c0_i32_0 = arith.constant 0 : i32
    %c0_i32_1 = arith.constant 0 : i32
    return %c0_i32, %c0_i32_0 : i32, i32
  }
  func.func @transform_7(%arg0: i32) -> (i32, i32) {
    %c0_i32 = arith.constant 0 : i32
    %c0_i32_0 = arith.constant 0 : i32
    %c0_i32_1 = arith.constant 0 : i32
    return %c0_i32, %c0_i32_0 : i32, i32
  }
  func.func @transform_8(%arg0: i32) -> (i32, i32) {
    %c0_i32 = arith.constant 0 : i32
    %c0_i32_0 = arith.constant 0 : i32
    %c0_i32_1 = arith.constant 0 : i32
    return %c0_i32, %c0_i32_0 : i32, i32
  }
  func.func @transform_9(%arg0: i32) -> (i32, i32) {
    %c0_i32 = arith.constant 0 : i32
    %c0_i32_0 = arith.constant 0 : i32
    return %arg0, %c0_i32 : i32, i32
  }
}

module attributes {stable_mosaic.version = 14 : i64} {
  func.func @kern(%arg0: i32, %arg1: memref<1000x128xf32, #tpu.memory_space<vmem>>, %arg2: memref<1000x128xf32, #tpu.memory_space<vmem>>, %arg3: memref<1000x1xf32, #tpu.memory_space<vmem>>, %arg4: memref<1000x1xf32, #tpu.memory_space<vmem>>, %arg5: memref<1000x128xf32, #tpu.memory_space<vmem>>, %arg6: memref<128x128xf32, #tpu.memory_space<vmem>>, %arg7: memref<1x128xf32, #tpu.memory_space<vmem>>, %arg8: memref<1x128xf32, #tpu.memory_space<vmem>>, %arg9: memref<1x128xf32, #tpu.memory_space<vmem>>, %arg10: memref<128x128xf32, #tpu.memory_space<vmem>>, %arg11: memref<1x128xf32, #tpu.memory_space<vmem>>, %arg12: memref<1000x128xf32, #tpu.memory_space<vmem>>) attributes {dimension_semantics = [#tpu.dimension_semantics<arbitrary>], iteration_bounds = array<i64: 10>, scalar_prefetch = 0 : i64, scratch_operands = 0 : i64, tpu.core_type = #tpu.core_type<tc>, window_params = [{transform_indices = @transform_0, window_bounds = array<i64: 1000, 128>}, {transform_indices = @transform_1, window_bounds = array<i64: 1000, 128>}, {transform_indices = @transform_2, window_bounds = array<i64: 1000, 1>}, {transform_indices = @transform_3, window_bounds = array<i64: 1000, 1>}, {transform_indices = @transform_4, window_bounds = array<i64: 1000, 128>}, {pipeline_mode = #tpu.pipeline_mode<synchronous>, transform_indices = @transform_5, window_bounds = array<i64: 128, 128>}, {pipeline_mode = #tpu.pipeline_mode<synchronous>, transform_indices = @transform_6, window_bounds = array<i64: 1, 128>}, {pipeline_mode = #tpu.pipeline_mode<synchronous>, transform_indices = @transform_7, window_bounds = array<i64: 1, 128>}, {pipeline_mode = #tpu.pipeline_mode<synchronous>, transform_indices = @transform_8, window_bounds = array<i64: 1, 128>}, {pipeline_mode = #tpu.pipeline_mode<synchronous>, transform_indices = @transform_9, window_bounds = array<i64: 128, 128>}, {pipeline_mode = #tpu.pipeline_mode<synchronous>, transform_indices = @transform_10, window_bounds = array<i64: 1, 128>}, {transform_indices = @transform_11, window_bounds = array<i64: 1000, 128>}]} {
    %get3A = arith.constant 0 : index
    %get3A_0 = arith.constant 0 : index
    %get3A_1 = vector.load %arg3[%get3A, %get3A_0] : memref<1000x1xf32, #tpu.memory_space<vmem>>, vector<1000x1xf32>
    %get3A_2 = arith.constant 0 : index
    %get3A_3 = arith.constant 0 : index
    %get3A_4 = vector.load %arg4[%get3A_2, %get3A_3] : memref<1000x1xf32, #tpu.memory_space<vmem>>, vector<1000x1xf32>
    %add3A = arith.addf %get3A_1, %get3A_4 : vector<1000x1xf32>
    %get3A_5 = arith.constant 0 : index
    %get3A_6 = arith.constant 0 : index
    %get3A_7 = vector.load %arg1[%get3A_5, %get3A_6] : memref<1000x128xf32, #tpu.memory_space<vmem>>, vector<1000x128xf32>
    %get3A_8 = arith.constant 0 : index
    %get3A_9 = arith.constant 0 : index
    %get3A_10 = vector.load %arg2[%get3A_8, %get3A_9] : memref<1000x128xf32, #tpu.memory_space<vmem>>, vector<1000x128xf32>
    %add3A_11 = arith.addf %get3A_7, %get3A_10 : vector<1000x128xf32>
    %get3A_12 = arith.constant 0 : index
    %get3A_13 = arith.constant 0 : index
    %get3A_14 = vector.load %arg5[%get3A_12, %get3A_13] : memref<1000x128xf32, #tpu.memory_space<vmem>>, vector<1000x128xf32>
    %mul3A = vector.broadcast %add3A : vector<1000x1xf32> to vector<1000x128xf32>
    %mul3A_15 = arith.mulf %mul3A, %get3A_14 : vector<1000x128xf32>
    %sub3A = arith.subf %add3A_11, %mul3A_15 : vector<1000x128xf32>
    %get3A_16 = arith.constant 0 : index
    %get3A_17 = arith.constant 0 : index
    %get3A_18 = vector.load %arg6[%get3A_16, %get3A_17] : memref<128x128xf32, #tpu.memory_space<vmem>>, vector<128x128xf32>
    %dot_general3A = arith.constant dense<0.000000e+00> : vector<1000x128xf32>
    %dot_general3A_19 = tpu.matmul %sub3A, %get3A_18, %dot_general3A {dimension_numbers = #tpu.dot_dimension_numbers<[1], [1], [0], [0], [0, 0, 1, 0], [], []>, transpose_lhs_hint = false} : vector<1000x128xf32>, vector<128x128xf32>, vector<1000x128xf32> -> vector<1000x128xf32>
    %get3A_20 = arith.constant 0 : index
    %get3A_21 = arith.constant 0 : index
    %get3A_22 = vector.load %arg7[%get3A_20, %get3A_21] : memref<1x128xf32, #tpu.memory_space<vmem>>, vector<1x128xf32>
    %add3A_23 = vector.broadcast %get3A_22 : vector<1x128xf32> to vector<1000x128xf32>
    %add3A_24 = arith.addf %dot_general3A_19, %add3A_23 : vector<1000x128xf32>
    %max3A = arith.constant 0.000000e+00 : f32
    %max3A_25 = vector.broadcast %max3A : f32 to vector<1000x128xf32>
    %max3A_26 = arith.maximumf %add3A_24, %max3A_25 : vector<1000x128xf32>
    %reduce_sum3A = arith.constant dense<0.000000e+00> : vector<1000xf32>
    %reduce_sum3A_27 = vector.multi_reduction <add>, %max3A_26, %reduce_sum3A [1] : vector<1000x128xf32> to vector<1000xf32>
    %broadcast_in_dim3A = vector.shape_cast %reduce_sum3A_27 : vector<1000xf32> to vector<1000x1xf32>
    %div3A = arith.constant 1.280000e+02 : f32
    %div3A_28 = vector.broadcast %div3A : f32 to vector<1000x1xf32>
    %div3A_29 = arith.divf %broadcast_in_dim3A, %div3A_28 : vector<1000x1xf32>
    %sub3A_30 = vector.broadcast %div3A_29 : vector<1000x1xf32> to vector<1000x128xf32>
    %sub3A_31 = arith.subf %max3A_26, %sub3A_30 : vector<1000x128xf32>
    %mul3A_32 = arith.mulf %sub3A_31, %sub3A_31 : vector<1000x128xf32>
    %reduce_sum3A_33 = arith.constant dense<0.000000e+00> : vector<1000xf32>
    %reduce_sum3A_34 = vector.multi_reduction <add>, %mul3A_32, %reduce_sum3A_33 [1] : vector<1000x128xf32> to vector<1000xf32>
    %broadcast_in_dim3A_35 = vector.shape_cast %reduce_sum3A_34 : vector<1000xf32> to vector<1000x1xf32>
    %div3A_36 = arith.constant 1.280000e+02 : f32
    %div3A_37 = vector.broadcast %div3A_36 : f32 to vector<1000x1xf32>
    %div3A_38 = arith.divf %broadcast_in_dim3A_35, %div3A_37 : vector<1000x1xf32>
    %add3A_39 = arith.constant 9.99999974E-6 : f32
    %add3A_40 = vector.broadcast %add3A_39 : f32 to vector<1000x1xf32>
    %add3A_41 = arith.addf %div3A_38, %add3A_40 : vector<1000x1xf32>
    %rsqrt3A = math.rsqrt %add3A_41 : vector<1000x1xf32>
    %mul3A_42 = vector.broadcast %rsqrt3A : vector<1000x1xf32> to vector<1000x128xf32>
    %mul3A_43 = arith.mulf %sub3A_31, %mul3A_42 : vector<1000x128xf32>
    %get3A_44 = arith.constant 0 : index
    %get3A_45 = arith.constant 0 : index
    %get3A_46 = vector.load %arg8[%get3A_44, %get3A_45] : memref<1x128xf32, #tpu.memory_space<vmem>>, vector<1x128xf32>
    %mul3A_47 = vector.broadcast %get3A_46 : vector<1x128xf32> to vector<1000x128xf32>
    %mul3A_48 = arith.mulf %mul3A_43, %mul3A_47 : vector<1000x128xf32>
    %get3A_49 = arith.constant 0 : index
    %get3A_50 = arith.constant 0 : index
    %get3A_51 = vector.load %arg9[%get3A_49, %get3A_50] : memref<1x128xf32, #tpu.memory_space<vmem>>, vector<1x128xf32>
    %add3A_52 = vector.broadcast %get3A_51 : vector<1x128xf32> to vector<1000x128xf32>
    %add3A_53 = arith.addf %mul3A_48, %add3A_52 : vector<1000x128xf32>
    %get3A_54 = arith.constant 0 : index
    %get3A_55 = arith.constant 0 : index
    %get3A_56 = vector.load %arg10[%get3A_54, %get3A_55] : memref<128x128xf32, #tpu.memory_space<vmem>>, vector<128x128xf32>
    %dot_general3A_57 = arith.constant dense<0.000000e+00> : vector<1000x128xf32>
    %dot_general3A_58 = tpu.matmul %add3A_53, %get3A_56, %dot_general3A_57 {dimension_numbers = #tpu.dot_dimension_numbers<[1], [1], [0], [0], [0, 0, 1, 0], [], []>, transpose_lhs_hint = false} : vector<1000x128xf32>, vector<128x128xf32>, vector<1000x128xf32> -> vector<1000x128xf32>
    %get3A_59 = arith.constant 0 : index
    %get3A_60 = arith.constant 0 : index
    %get3A_61 = vector.load %arg11[%get3A_59, %get3A_60] : memref<1x128xf32, #tpu.memory_space<vmem>>, vector<1x128xf32>
    %add3A_62 = vector.broadcast %get3A_61 : vector<1x128xf32> to vector<1000x128xf32>
    %add3A_63 = arith.addf %dot_general3A_58, %add3A_62 : vector<1000x128xf32>
    %swap3A = arith.constant 0 : index
    %swap3A_64 = arith.constant 0 : index
    %swap3A_65 = vector.load %arg12[%swap3A, %swap3A_64] : memref<1000x128xf32, #tpu.memory_space<vmem>>, vector<1000x128xf32>
    tpu.vector_store %arg12[%swap3A, %swap3A_64], %add3A_63 {strides = array<i32>} : memref<1000x128xf32, #tpu.memory_space<vmem>>, vector<1000x128xf32>,
    return
  }
  func.func @transform_0(%arg0: i32) -> (i32, i32) {
    %c0_i32 = arith.constant 0 : i32
    %c0_i32_0 = arith.constant 0 : i32
    return %arg0, %c0_i32 : i32, i32
  }
  func.func @transform_1(%arg0: i32) -> (i32, i32) {
    %c0_i32 = arith.constant 0 : i32
    %c0_i32_0 = arith.constant 0 : i32
    return %arg0, %c0_i32 : i32, i32
  }
  func.func @transform_2(%arg0: i32) -> (i32, i32) {
    %c0_i32 = arith.constant 0 : i32
    %c0_i32_0 = arith.constant 0 : i32
    return %arg0, %c0_i32 : i32, i32
  }
  func.func @transform_3(%arg0: i32) -> (i32, i32) {
    %c0_i32 = arith.constant 0 : i32
    %c0_i32_0 = arith.constant 0 : i32
    return %arg0, %c0_i32 : i32, i32
  }
  func.func @transform_4(%arg0: i32) -> (i32, i32) {
    %c0_i32 = arith.constant 0 : i32
    %c0_i32_0 = arith.constant 0 : i32
    return %arg0, %c0_i32 : i32, i32
  }
  func.func @transform_5(%arg0: i32) -> (i32, i32) {
    %c0_i32 = arith.constant 0 : i32
    %c0_i32_0 = arith.constant 0 : i32
    %c0_i32_1 = arith.constant 0 : i32
    return %c0_i32, %c0_i32_0 : i32, i32
  }
  func.func @transform_6(%arg0: i32) -> (i32, i32) {
    %c0_i32 = arith.constant 0 : i32
    %c0_i32_0 = arith.constant 0 : i32
    %c0_i32_1 = arith.constant 0 : i32
    return %c0_i32, %c0_i32_0 : i32, i32
  }
  func.func @transform_7(%arg0: i32) -> (i32, i32) {
    %c0_i32 = arith.constant 0 : i32
    %c0_i32_0 = arith.constant 0 : i32
    %c0_i32_1 = arith.constant 0 : i32
    return %c0_i32, %c0_i32_0 : i32, i32
  }
  func.func @transform_8(%arg0: i32) -> (i32, i32) {
    %c0_i32 = arith.constant 0 : i32
    %c0_i32_0 = arith.constant 0 : i32
    %c0_i32_1 = arith.constant 0 : i32
    return %c0_i32, %c0_i32_0 : i32, i32
  }
  func.func @transform_9(%arg0: i32) -> (i32, i32) {
    %c0_i32 = arith.constant 0 : i32
    %c0_i32_0 = arith.constant 0 : i32
    %c0_i32_1 = arith.constant 0 : i32
    return %c0_i32, %c0_i32_0 : i32, i32
  }
  func.func @transform_10(%arg0: i32) -> (i32, i32) {
    %c0_i32 = arith.constant 0 : i32
    %c0_i32_0 = arith.constant 0 : i32
    %c0_i32_1 = arith.constant 0 : i32
    return %c0_i32, %c0_i32_0 : i32, i32
  }
  func.func @transform_11(%arg0: i32) -> (i32, i32) {
    %c0_i32 = arith.constant 0 : i32
    %c0_i32_0 = arith.constant 0 : i32
    return %arg0, %c0_i32 : i32, i32
  }
}

</mosaic_0001>

<sc_bundles>
// kernel: kernel.10.cloned.1.call-start
scs
__scs_entry_jumppad:
0x0: {  	(pc) =	sbr.rel $0x88, $3  }
0x1: {  	(tag) =	ssettag $0x0;
	lr =	simm.s32 $0x1  }
0x2: {  	[smem:$0x3F90] =	sst lr;
	_ =	strace $0xD0000000  }
0x3: {  	_ = 	snop  }
0x4: {  	_ = 	snop  }
0x5: {  	_ = 	snop  }
0x6: {  	_ = 	snop  }
0x7: {  	_ = 	snop  }
__scs_overlays_trampoline_lowered:
0x8: {  	[smem:$0x3F9F] =	sst s0  }
0x9: {  	[smem:$0x3FA0] =	sst s1  }
0xa: {  	[smem:$0x3FA1] =	sst s2  }
0xb: {  	[smem:$0x3FA2] =	sst s3  }
0xc: {  	[smem:$0x3FA3] =	sst s4  }
0xd: {  	[smem:$0x3FA4] =	sst s5  }
0xe: {  	[smem:$0x3FA5] =	sst s6  }
0xf: {  	[smem:$0x3FA6] =	sst s7  }
0x10: {  	[smem:$0x3FA7] =	sst s8  }
0x11: {  	[smem:$0x3FA8] =	sst s9;
	s0 =	simm.s32 @!p0 $0x0  }
0x12: {  	s1 =	sld [smem:$0x3F8E];
	s0 =	simm.s32 @p0 $0x1  }
0x13: {  	[smem:$0x3FA9] =	sst s0;
	s0 =	simm.s32 @!p1 $0x0  }
0x14: {  	s2 =	sld [smem:$0x3F8D];
	s0 =	simm.s32 @p1 $0x1  }
0x15: {  	[smem:$0x3FAA] =	sst s0;
	s0 =	simm.s32 @!p2 $0x0  }
0x16: {  	s3 =	sld [smem:$0x3FDB];
	s0 =	simm.s32 @p2 $0x1  }
0x17: {  	s4 =	simm.s32 $0x1BF5;
	[smem:$0x3FAC] =	sst s0  }
0x18: {  	s0 =	sld [smem:$0x3F8F];
	_ =	swait.ge [sflag:s4], $0x0  }
0x19: {  	s7 =	sld [smem:$0x3F90]  }
0x1a: {  	s8 =	sadd.s32 $0xFFFFE003, lr  }
0x1b: {  	s9 =	sadd.s32 $0xFFFFFEF7, lr;
	s5 =	simm.s32 $0xFFFFFFFF;
	p2 =	slt.u32 s8, $0xFFFFF086  }
0x1c: {  	p1 =	slt.u32 s9, $0xF7A;
	s5 =	simm.s32 @!p2 $0x0  }
0x1d: {  	s5 =	simm.s32 @p1 $0x1;
	p0 =	seq.s32 s7, s2  }
0x1e: {  	s7 =	smul.u32 @!p0 $0xF7A, s2;
	p2 =	seq.s32 @!p0 s5, $0x0  }
0x1f: {  	s9 =	smul.u32 $0xF7A, s1;
	s8 =	simm.s32 @!p0 $0x1BF5;
	p2 =	por !p2, p0  }
0x20: {  	[sflag:s8] =	ssyncset.s32 @!p0 $0xFFFFF086;
	s6 =	sadd.s32 @!p0 s3, s7;
	s7 =	simm.s32 @!p0 $0x108  }
0x21: {  	s3 =	sadd.s32 s3, s9;
	s6 =	sadd.s32 @!p0 $0x88, s6;
	s7 =	simm.s32 @p2 $0x1082  }
0x22: {  	[simem:s7], [sflag:s8] =	dma.local @!p0 [hbm:s6], $0xF7A  }
0x23: {  	s9 =	sor.u32 $0xD0000000, s2;
	s6 =	simm.s32 $0x108;
	_ =	swait.ge @!p0 [sflag:s8], $0x0  }
0x24: {  	s3 =	sadd.s32 $0x88, s3;
	s6 =	simm.s32 @!p1 $0x1082;
	[sflag:s4] =	ssyncset.s32 $0xFFFFF086  }
0x25: {  	[simem:s6], [sflag:s4] =	dma.local [hbm:s3], $0xF7A  }
0x26: {  	[smem:$0x3F90] =	sst s1;
	(tag) =	ssettag s2;
	_ =	strace s9  }
0x27: {  	s1 =	sld [smem:$0x3FA0]  }
0x28: {  	s2 =	sld [smem:$0x3FA1]  }
0x29: {  	s4 =	sld [smem:$0x3FA3]  }
0x2a: {  	p0 =	seq.s32 s5, $0x0;
	s5 =	sld [smem:$0x3FA4]  }
0x2b: {  	s6 =	sld [smem:$0x3FA5]  }
0x2c: {  	s7 =	sld [smem:$0x3FA6]  }
0x2d: {  	s3 =	simm.s32 $0x108;
	s8 =	sld [smem:$0x3FA7]  }
0x2e: {  	s3 =	simm.s32 @!p0 $0x1082;
	s9 =	sld [smem:$0x3FA8]  }
0x2f: {  	lr =	sadd.s32 s0, s3;
	s0 =	sld [smem:$0x3F9F]  }
0x30: {  	s3 =	sld [smem:$0x3FA2]  }
0x31: {  	[smem:$0x3FAB] =	sst s10  }
0x32: {  	s10 =	sld [smem:$0x3FA9];
	_ =	sdelay $0x3  }
0x33: {  	p0 =	seq.s32 s10, $0x1;
	s10 =	sld [smem:$0x3FAB];
	_ =	sdelay $0x3  }
0x34: {  	[smem:$0x3FAB] =	sst s10  }
0x35: {  	s10 =	sld [smem:$0x3FAA];
	_ =	sdelay $0x3  }
0x36: {  	p1 =	seq.s32 s10, $0x1;
	s10 =	sld [smem:$0x3FAB];
	_ =	sdelay $0x3  }
0x37: {  	[smem:$0x3FAB] =	sst s10  }
0x38: {  	s10 =	sld [smem:$0x3FAC]  }
0x39: {  	_ = 	snop;
	(pc) =	sbr.ind lr, $3  }
0x3a: {  	_ = 	snop  }
0x3b: {  	_ = 	snop  }
0x3c: {  	p2 =	seq.s32 s10, $0x1;
	s10 =	sld [smem:$0x3FAB]  }
0x3d: {  	_ =	shalt  }
0x3e: {  	_ =	shalt  }
0x3f: {  	_ =	shalt  }
0x40: {  	_ =	shalt  }
0x41: {  	_ =	shalt  }
0x42: {  	_ =	shalt  }
0x43: {  	_ =	shalt  }
0x44: {  	_ =	shalt  }
0x45: {  	_ =	shalt  }
0x46: {  	_ =	shalt  }
0x47: {  	_ =	shalt  }
0x48: {  	_ =	shalt  }
0x49: {  	_ =	shalt  }
0x4a: {  	_ =	shalt  }
0x4b: {  	_ =	shalt  }
0x4c: {  	_ =	shalt  }
0x4d: {  	_ =	shalt  }
0x4e: {  	_ =	shalt  }
0x4f: {  	_ =	shalt  }
0x50: {  	_ =	shalt  }
0x51: {  	_ =	shalt  }
0x52: {  	_ =	shalt  }
0x53: {  	_ =	shalt  }
0x54: {  	_ =	shalt  }
0x55: {  	_ =	shalt  }
0x56: {  	_ =	shalt  }
0x57: {  	_ =	shalt  }
0x58: {  	_ =	shalt  }
0x59: {  	_ =	shalt  }
0x5a: {  	_ =	shalt  }
0x5b: {  	_ =	shalt  }
0x5c: {  	_ =	shalt  }
0x5d: {  	_ =	shalt  }
0x5e: {  	_ =	shalt  }
0x5f: {  	_ =	shalt  }
0x60: {  	_ =	shalt  }
0x61: {  	_ =	shalt  }
0x62: {  	_ =	shalt  }
0x63: {  	_ =	shalt  }
0x64: {  	_ =	shalt  }
0x65: {  	_ =	shalt  }
0x66: {  	_ =	shalt  }
0x67: {  	_ =	shalt  }
0x68: {  	_ =	shalt  }
0x69: {  	_ =	shalt  }
0x6a: {  	_ =	shalt  }
0x6b: {  	_ =	shalt  }
0x6c: {  	_ =	shalt  }
0x6d: {  	_ =	shalt  }
0x6e: {  	_ =	shalt  }
0x6f: {  	_ =	shalt  }
0x70: {  	_ =	shalt  }
0x71: {  	_ =	shalt  }
0x72: {  	_ =	shalt  }
0x73: {  	_ =	shalt  }
0x74: {  	_ =	shalt  }
0x75: {  	_ =	shalt  }
0x76: {  	_ =	shalt  }
0x77: {  	_ =	shalt  }
0x78: {  	_ =	shalt  }
0x79: {  	_ =	shalt  }
0x7a: {  	_ =	shalt  }
0x7b: {  	_ =	shalt  }
0x7c: {  	_ =	shalt  }
0x7d: {  	_ =	shalt  }
0x7e: {  	_ =	shalt  }
0x7f: {  	_ =	shalt  }
0x80: {  	_ =	shalt  }
0x81: {  	_ =	shalt  }
0x82: {  	_ =	shalt  }
0x83: {  	_ =	shalt  }
0x84: {  	_ =	shalt  }
0x85: {  	_ =	shalt  }
0x86: {  	_ =	shalt  }
0x87: {  	_ =	shalt  }
.Lfunc_end0:
.L_simem_size_0:
called_computation.1_lowered:
.L_overlay_start_0:
0x88: {  	s2 =	sld [smem:$0x3FD9]  }
0x89: {  	s3 =	sld [smem:$0x3FFE];
	_ =	sdelay $0x1  }
0x8a: {  	s1 =	srdreg.scid  }
0x8b: {  	s0 =	sand.u32 $0x1, s1  }
0x8c: {  	s17 =	sshll.u32 s0, $0xA;
	s2 =	sadd.s32 s3, s2  }
0x8d: {  	s2 =	sadd.s32 s2, s17  }
0x8e: {  	[smem:$0x3FB7] =	sst s2  }
0x8f: {  	_ = 	snop  }
0x90: {  	s2 =	sld [smem:$0x3FD0];
	(tm) =	ssettm $0x1  }
0x91: {  	s18 =	sld [smem:$0x3FFB];
	_ =	sdelay $0x3  }
0x92: {  	_ =	strace s18  }
0x93: {  	s3 =	sld [smem:$0x3FFC];
	_ =	sdelay $0x3  }
0x94: {  	_ =	strace s3  }
0x95: {  	s3 =	sld [smem:$0x3FFD];
	_ =	sdelay $0x3  }
0x96: {  	_ =	strace s3  }
0x97: {  	_ =	strace $0x8FFFFFFF  }
0x98: {  	s19 =	sld [smem:$0x3FDB];
	_ =	sdelay $0x1  }
0x99: {  	s4 =	simm.s32 $_scs_section_size  }
0x9a: {  	s5 =	simm.s32 $_size__tile_overlayer_lowered;
	s6 =	simm.s32 $_tile_overlayer_lowered  }
0x9b: {  	s22 =	simm.s32 $0x1BFF;
	s21 =	sshll.u32 s6, $0x1;
	s3 =	sadd.s32 s4, s19  }
0x9c: {  	s7 =	simm.s32 $0x0;
	s20 =	sshll.u32 s5, $0x1;
	s5 =	sadd.s32 s21, s3  }
0x9d: {  	[timem:s7], [sflag:s22] =	dma.local [hbm:s5], s20  }
0x9e: {  	_ =	swait.ge [sflag:s22], s20  }
0x9f: {  	s4 =	ssub.s32 $0x0, s20;
	[sflag:s22] =	ssyncset.done $0x0  }
0xa0: {  	[sflag:s22] =	ssyncadd.s32 s4;
	_ =	sdelay $0x1  }
0xa1: {  	s23 =	simm.s32 $0x1B8B  }
0xa2: {  	_ =	swait.ge [sflag:s23], $0x1  }
0xa3: {  	[sflag:s23] =	ssyncset.done $0x0  }
0xa4: {  	s25 =	simm.s32 $0x1B8E;
	s24 =	sld [smem:$0x3FFE];
	[sflag:s23] =	ssyncadd.s32 $0xFFFFFFFF  }
0xa5: {  	s26 =	simm.s32 $execute0_lowered;
	[smem:$0x3FD2] =	sst s25  }
0xa6: {  	s5 =	sshll.u32 s26, $0x1;
	_ =	strace $0x80000049;
	[dreg:$0x1] =	wrdreg $0xFFFFFFFF  }
0xa7: {  	s28 =	simm.s32 $_size_execute0_lowered;
	s3 =	sadd.s32 s3, s5;
	[dreg:$0x0] =	wrdreg $0x0  }
0xa8: {  	s5 =	sshll.u32 s28, $0x1;
	[dreg:$0x2] =	wrdreg s3  }
0xa9: {  	[dreg:$0x3] =	wrdreg s5  }
0xaa: {  	[dreg:$0x4] =	wrdreg $0xC0  }
0xab: {  	_ =	task [dreg:s7], $0x5FFFF  }
0xac: {  	[dreg:$0x1] =	wrdreg $0xFFFFFFFF  }
0xad: {  	[dreg:$0x0] =	wrdreg $0x60  }
0xae: {  	[dreg:$0x2] =	wrdreg s24  }
0xaf: {  	[dreg:$0x3] =	wrdreg s2  }
0xb0: {  	[dreg:$0x4] =	wrdreg $0xBA800  }
0xb1: {  	[dreg:$0x5] =	wrdreg $0x1FA800  }
0xb2: {  	[dreg:$0x6] =	wrdreg $0x9  }
0xb3: {  	_ =	task.clear_ibuf [dreg:s7], $0x7FFFF;
	_ =	strace $0x90000049  }
0xb4: {  	s29 =	simm.s32 $0x9;
	_ =	strace $0x8000004B  }
0xb5: {  	_ =	swait.ge [sflag:s29], $0x1  }
0xb6: {  	[sflag:s29] =	ssyncadd.s32 $0xFFFFFFFF  }
0xb7: {  	_ =	strace $0x9000004B  }
0xb8: {  	_ =	sfence  }
0xb9: {  	s30 =	sld [smem:$0x0];
	_ =	sdelay $0x2  }
0xba: {  	s31 =	sshll.u32 s1, $0xD;
	s1 =	sshrl.u32 s1, $0x2  }
0xbb: {  	s3 =	sand.u32 $0x4000, s31;
	s1 =	sadd.s32 s1, s30  }
0xbc: {  	s0 =	sor.u32 s3, s0;
	s1 =	sshll.u32 s1, $0x11  }
0xbd: {  	s0 =	sor.u32 s1, s0  }
0xbe: {  	s0 =	sadd.s32 $0x8F2B, s0  }
0xbf: {  	[sflag:s0] =	ssyncadd.remote.s32 $0x1  }
0xc0: {  	_ =	sfence.sel $0xFFFF  }
0xc1: {  	[dreg:$0x0] =	wrdreg $0xFFFFFFFF;
	(pc) =	sbr.abs _section_cstart, $3  }
0xc2: {  	[dreg:$0x1] =	wrdreg $0xFFFFFFFF  }
0xc3: {  	_ =	task.clear_ibuf [dreg:s7], $0x2FFFF;
	_ =	strace $0x9FFFFFFF  }
0xc4: {  	(tm) =	ssettm $0x7FFFFFFF  }
0xc5: {  	_ =	shalt  }
tec
execute0_lowered:
.L_overlay_start_1:
0x0: {  	(tag) =	ssettag $0x1  }
0x1: {  	s6 =	rddreg [dreg:$0x0]  }
0x2: {  	s16 =	rddreg [dreg:$0x1]  }
0x3: {  	s1 =	rddreg [dreg:$0x2]  }
0x4: {  	s3 =	rddreg [dreg:$0x3];
	s2 =	srdreg.scid  }
0x5: {  	s0 =	rddreg [dreg:$0x4];
	s4 =	simm.s32 $0x0;
	s19 =	simm.s32 $0xB800  }
0x6: {  	s20 =	simm.s32 $0x2800;
	s21 =	simm.s32 $0x5000;
	s7 =	sand.u32 $0x1, s2  }
0x7: {  	s22 =	simm.s32 $0x1;
	s2 =	stileid.u32;
	s5 =	smul.u32 $0x140000, s7  }
0x8: {  	s23 =	simm.s32 $0x2;
	s24 =	simm.s32 $0x80;
	s9 =	smul.u32 $0x14000, s2  }
0x9: {  	s25 =	simm.s32 $0x3;
	[smem:$0x7FF] =	sst s4;
	s10 =	smul.u32 $0x50000, s2  }
0xa: {  	s8 =	sshll.u32 s7, $0x4;
	_ =	strace $0x8000004A;
	s12 =	smul.u32 $0x280, s2  }
0xb: {  	s29 =	ssub.s32 $0x2, s7;
	s13 =	smul.u32 $0x2800, s7;
	s8 =	sor.u32 s2, s8  }
0xc: {  	s30 =	sshrl.u32 s29, $0x1;
	s8 =	smul.u32 $0x500, s8;
	s9 =	sadd.s32 s9, s5  }
0xd: {  	s5 =	sadd.s32 $0x16200, s6;
	s31 =	sshrl.u32 s10, $0x2;
	s17 =	ssub.s32 s29, s30  }
0xe: {  	s11 =	sadd.s32 s12, s3;
	s18 =	sadd.s32 s12, s13;
	s9 =	sshrl.u32 s9, $0x3  }
0xf: {  	s18 =	sshrl.u32 s18, $0x3;
	s17 =	smax.u32 s17, $0x1;
	s14 =	sadd.s32 s8, s6  }
0x10: {  	s15 =	sadd.s32 s9, s6;
	s6 =	sadd.s32 s31, s1;
	s16 =	sadd.s32 s16, s18  }
0x11: {  	s18 =	simm.s32 $0x7800;
	s7 =	sadd.s32 $0x4000, s6;
	s8 =	sadd.s32 $0x8000, s6  }
0x12: {  	s9 =	sadd.s32 $0xC000, s6;
	s10 =	sadd.s32 $0x10000, s6;
	s12 =	sadd.s32 $0x2200, s14  }
0x13: {  	v0 =	vimm.f32 $0.0e+00;
	s13 =	sadd.s32 $0xC200, s14;
	s14 =	sadd.s32 $0x66C00, s14;
	s15 =	sadd.s32 $0x70C00, s15  }
.LBB2_1:
0x14: {  	s26 =	simm.s32 $0x0;
	s28 =	simm.s32 $0x200  }
.LBB2_2:
0x15: {  	p0 =	sne.s32 s28, $0xFE00;
	[tilespmem:s26+$0x7870] =	vst v0  }
0x16: {  	[tilespmem:s26+$0x7800] =	vst v0  }
0x17: {  	[tilespmem:s26+$0x7810] =	vst v0  }
.Ltmp0:
0x18: {  	[tilespmem:s26+$0x7820] =	vst v0;
	(pc) =	sbr.rel @p0 .LBB2_2-.Ltmp0, $4  }
0x19: {  	[tilespmem:s26+$0x7830] =	vst v0  }
0x1a: {  	[tilespmem:s26+$0x7840] =	vst v0  }
0x1b: {  	[tilespmem:s26+$0x7850] =	vst v0  }
0x1c: {  	[tilespmem:s26+$0x7860] =	vst v0;
	s26 =	sshra.s32 s28, $0x2;
	s28 =	sadd.s32 $0x200, s28  }
0x1d: {  	[tilespmem:s26+$0x7870] =	vst v0  }
0x1e: {  	[tilespmem:s26+$0x7800] =	vst v0  }
0x1f: {  	[tilespmem:s26+$0x7810] =	vst v0  }
0x20: {  	[tilespmem:s26+$0x7820] =	vst v0  }
0x21: {  	[tilespmem:s26+$0x7830] =	vst v0  }
0x22: {  	[tilespmem:s26+$0x7840] =	vst v0  }
0x23: {  	[tilespmem:s26+$0x7850] =	vst v0  }
0x24: {  	[tilespmem:s26+$0x7860] =	vst v0  }
0x25: {  	[tilespmem:$0xB800] =	vst v0  }
0x26: {  	[tilespmem:$0xB810] =	vst v0  }
0x27: {  	[tilespmem:$0xB820] =	vst v0  }
0x28: {  	[tilespmem:$0xB830] =	vst v0  }
0x29: {  	[tilespmem:$0xB840] =	vst v0  }
0x2a: {  	[tilespmem:$0xB850] =	vst v0  }
0x2b: {  	[tilespmem:$0xB860] =	vst v0  }
0x2c: {  	[tilespmem:$0xB870] =	vst v0  }
0x2d: {  	[tilespmem:$0xB880] =	vst v0  }
0x2e: {  	[tilespmem:$0xB890] =	vst v0  }
0x2f: {  	[tilespmem:$0xB8A0] =	vst v0  }
0x30: {  	[tilespmem:$0xB8B0] =	vst v0  }
0x31: {  	[tilespmem:$0xB8C0] =	vst v0  }
0x32: {  	[tilespmem:$0xB8D0] =	vst v0  }
0x33: {  	[tilespmem:$0xB8E0] =	vst v0  }
0x34: {  	[tilespmem:$0xB8F0] =	vst v0  }
0x35: {  	[tilespmem:$0xB900] =	vst v0  }
0x36: {  	[tilespmem:$0xB910] =	vst v0  }
0x37: {  	[tilespmem:$0xB920] =	vst v0  }
0x38: {  	[tilespmem:$0xB930] =	vst v0  }
0x39: {  	[tilespmem:$0xB940] =	vst v0  }
0x3a: {  	[tilespmem:$0xB950] =	vst v0  }
0x3b: {  	[tilespmem:$0xB960] =	vst v0  }
0x3c: {  	[tilespmem:$0xB970] =	vst v0  }
0x3d: {  	[tilespmem:$0xB980] =	vst v0  }
0x3e: {  	[tilespmem:$0xB990] =	vst v0  }
0x3f: {  	[tilespmem:$0xB9A0] =	vst v0  }
0x40: {  	[tilespmem:$0xB9B0] =	vst v0  }
0x41: {  	[tilespmem:$0xB9C0] =	vst v0  }
0x42: {  	[tilespmem:$0xB9D0] =	vst v0  }
0x43: {  	[tilespmem:$0xB9E0] =	vst v0  }
0x44: {  	[tilespmem:$0xB9F0] =	vst v0  }
0x45: {  	[tilespmem:$0xBA00] =	vst v0  }
0x46: {  	[tilespmem:$0xBA10] =	vst v0  }
0x47: {  	[tilespmem:$0xBA20] =	vst v0  }
0x48: {  	[tilespmem:$0xBA30] =	vst v0  }
0x49: {  	[tilespmem:$0xBA40] =	vst v0  }
0x4a: {  	[tilespmem:$0xBA50] =	vst v0  }
0x4b: {  	[tilespmem:$0xBA60] =	vst v0  }
0x4c: {  	[tilespmem:$0xBA70] =	vst v0  }
0x4d: {  	[spmem:s6] =	stream.linear.scatter [tilespmem:s18], [sflag:$0x1], $0x4000, $0x38;
	[tilespmem:$0x1FD00] =	vst v63  }
0x4e: {  	_ = 	snop  }
0x4f: {  	[spmem:s7] =	stream.linear.scatter [tilespmem:s18], [sflag:$0x1], $0x4000, $0x38;
	[tilespmem:$0x1FD00] =	vst v63  }
0x50: {  	_ = 	snop  }
0x51: {  	[spmem:s8] =	stream.linear.scatter [tilespmem:s18], [sflag:$0x1], $0x4000, $0x38;
	[tilespmem:$0x1FD00] =	vst v63  }
0x52: {  	_ = 	snop  }
0x53: {  	[spmem:s9] =	stream.linear.scatter [tilespmem:s18], [sflag:$0x1], $0x4000, $0x38;
	[tilespmem:$0x1FD00] =	vst v63  }
0x54: {  	_ = 	snop  }
0x55: {  	[spmem:s10] =	stream.linear.scatter [tilespmem:s18], [sflag:$0x1], $0x4000, $0x38;
	[tilespmem:$0x1FD00] =	vst v63  }
0x56: {  	_ = 	snop  }
0x57: {  	[spmem:s11] =	stream.linear.scatter [tilespmem:s19], [sflag:$0x1], $0x280, $0x38;
	[tilespmem:$0x1FD00] =	vst v63  }
0x58: {  	s26 =	simm.s32 $0x0  }
0x59: {  	[tilespmem:s26], [sflag:$0x2] =	stream.linear.gather [hbm4b:s12+s26], $0x2780, $0x38;
	[tilespmem:$0x1FD00] =	vst v63  }
0x5a: {  	_ = 	snop  }
0x5b: {  	[tilespmem:s20], [sflag:$0x2] =	stream.linear.gather [hbm4b:s13+s26], $0x2780, $0x38;
	[tilespmem:$0x1FD00] =	vst v63  }
0x5c: {  	_ = 	snop  }
0x5d: {  	[tilespmem:s21], [sflag:$0x2] =	stream.linear.gather [hbm4b:s14+s26], $0x2780, $0x38;
	[tilespmem:$0x1FD00] =	vst v63  }
0x5e: {  	_ =	swait.ge [sflag:s22], $0x4000  }
0x5f: {  	[sflag:s22] =	ssyncset.done $0x0  }
0x60: {  	[sflag:s22] =	ssyncadd.s32 $0xFFFFC000  }
0x61: {  	_ =	swait.ge [sflag:s22], $0x4000  }
0x62: {  	[sflag:s22] =	ssyncset.done $0x0  }
0x63: {  	[sflag:s22] =	ssyncadd.s32 $0xFFFFC000  }
0x64: {  	_ =	swait.ge [sflag:s22], $0x4000  }
0x65: {  	[sflag:s22] =	ssyncset.done $0x0  }
0x66: {  	[sflag:s22] =	ssyncadd.s32 $0xFFFFC000  }
0x67: {  	_ =	swait.ge [sflag:s22], $0x4000  }
0x68: {  	[sflag:s22] =	ssyncset.done $0x0  }
0x69: {  	[sflag:s22] =	ssyncadd.s32 $0xFFFFC000  }
0x6a: {  	_ =	swait.ge [sflag:s22], $0x4000  }
0x6b: {  	[sflag:s22] =	ssyncset.done $0x0  }
0x6c: {  	[sflag:s22] =	ssyncadd.s32 $0xFFFFC000  }
0x6d: {  	_ =	swait.ge [sflag:s22], $0x280  }
0x6e: {  	[sflag:s22] =	ssyncset.done $0x0  }
0x6f: {  	[sflag:s22] =	ssyncadd.s32 $0xFFFFFD80  }
0x70: {  	_ =	swait.ge [sflag:s23], $0x2780  }
0x71: {  	[sflag:s23] =	ssyncset.done $0x0  }
0x72: {  	[sflag:s23] =	ssyncadd.s32 $0xFFFFD880  }
0x73: {  	_ =	swait.ge [sflag:s23], $0x2780  }
0x74: {  	[sflag:s23] =	ssyncset.done $0x0  }
0x75: {  	[sflag:s23] =	ssyncadd.s32 $0xFFFFD880  }
0x76: {  	_ =	swait.ge [sflag:s23], $0x2780  }
0x77: {  	[sflag:s23] =	ssyncset.done $0x0  }
0x78: {  	[sflag:s23] =	ssyncadd.s32 $0xFFFFD880  }
0x79: {  	[bflag:$0x0] =	sbarrier.arrive $0xFFFF  }
.LBB2_4:
0x7a: {  	s28 =	sshll.u32 s26, $0x7  }
0x7b: {  	[tilespmem:s18], [sflag:$0x1] =	stream.indirect.gather [hbm4b:s5+s24], $0x80, s28, s24, $0xb8;
	[tilespmem:$0x1FD00] =	vst v63  }
0x7c: {  	s29 =	sadd.s32 $0x5000, s28;
	_ =	swait.ge [sflag:s22], $0x4000  }
0x7d: {  	v1 =	vmov s29;
	[sflag:s22] =	ssyncset.done $0x0  }
0x7e: {  	s28 =	sadd.s32 $0x2800, s28;
	[sflag:s22] =	ssyncadd.s32 $0xFFFFC000  }
0x7f: {  	[spmem:s3] =	stream.indirect.scatter.add.f32 [tilespmem:s29], [sflag:$0x2], $0x1, s28, s24, $0xb8;
	[tilespmem:$0x1FD00] =	vst v63  }
0x80: {  	s29 =	simm.s32 $0x0  }
0x81: {  	s30 =	simm.s32 $0x0;
	s29 =	sand.u32 $0x3FFFFFF0, s29  }
0x82: {  	v2 =	vld.idx.msk [tilespmem:v1+s29+$0x0 ss:$0x1], $0xffff;
	s29 =	sand.u32 $0x3FFFF800, s30  }
0x83: {  	v8 =	vld [tilespmem:s29+$0x78C0]  }
0x84: {  	v4 =	vld [tilespmem:s29+$0x7820]  }
0x85: {  	v5 =	vld [tilespmem:s29+$0x7830]  }
0x86: {  	v11 =	vld [tilespmem:s29+$0x7860]  }
0x87: {  	v12 =	vld [tilespmem:s29+$0x7870];
	v3 =	vbroadcast v2, $0x0  }
0x88: {  	v13 =	vld [tilespmem:s29+$0x7880]  }
0x89: {  	v14 =	vld [tilespmem:s29+$0x7890];
	v4 =	vmul.f32 v4, v3  }
0x8a: {  	v15 =	vld [tilespmem:s29+$0x78A0];
	v5 =	vmul.f32 v5, v3  }
0x8b: {  	v10 =	vld [tilespmem:s29+$0x78B0];
	v21 =	vbroadcast v2, $0x1;
	v20 =	vmul.f32 v11, v3;
	[tilespmem:s29+$0x7820] =	vst v4  }
0x8c: {  	v9 =	vld [tilespmem:s29+$0x78D0];
	v12 =	vmul.f32 v12, v3;
	[tilespmem:s29+$0x7830] =	vst v5  }
0x8d: {  	v7 =	vld [tilespmem:s29+$0x7D70];
	v13 =	vmul.f32 v13, v21;
	[tilespmem:s29+$0x7860] =	vst v20  }
0x8e: {  	v23 =	vld [tilespmem:s29+$0x78F0];
	v14 =	vmul.f32 v14, v21;
	[tilespmem:s29+$0x7870] =	vst v12  }
0x8f: {  	v24 =	vld [tilespmem:s29+$0x7900];
	v15 =	vmul.f32 v15, v21;
	[tilespmem:s29+$0x7880] =	vst v13  }
0x90: {  	v25 =	vld [tilespmem:s29+$0x7910];
	v10 =	vmul.f32 v10, v21;
	[tilespmem:s29+$0x7890] =	vst v14  }
0x91: {  	v22 =	vld [tilespmem:s29+$0x78E0];
	v8 =	vmul.f32 v8, v21;
	[tilespmem:s29+$0x78A0] =	vst v15  }
0x92: {  	v26 =	vld [tilespmem:s29+$0x7920];
	v16 =	vbroadcast v2, $0x2;
	v9 =	vmul.f32 v9, v21;
	[tilespmem:s29+$0x78B0] =	vst v10  }
0x93: {  	v27 =	vld [tilespmem:s29+$0x7930];
	v11 =	vmul.f32 v23, v21;
	[tilespmem:s29+$0x78C0] =	vst v8  }
0x94: {  	v28 =	vld [tilespmem:s29+$0x7940];
	v6 =	vbroadcast v2, $0xA;
	v30 =	vmul.f32 v24, v16;
	[tilespmem:s29+$0x78D0] =	vst v9  }
0x95: {  	v29 =	vld [tilespmem:s29+$0x7950];
	v32 =	vmul.f32 v25, v16;
	[tilespmem:s29+$0x78F0] =	vst v11  }
0x96: {  	v31 =	vld [tilespmem:s29+$0x7960];
	v4 =	vmul.f32 v7, v6;
	[tilespmem:s29+$0x7900] =	vst v30  }
0x97: {  	v33 =	vld [tilespmem:s29+$0x7970];
	v12 =	vmul.f32 v22, v21;
	[tilespmem:s29+$0x7910] =	vst v32  }
0x98: {  	v34 =	vld [tilespmem:s29+$0x7980];
	v10 =	vmul.f32 v26, v16;
	[tilespmem:s29+$0x7D70] =	vst v4  }
0x99: {  	v35 =	vld [tilespmem:s29+$0x7990];
	v8 =	vmul.f32 v27, v16;
	[tilespmem:s29+$0x78E0] =	vst v12  }
0x9a: {  	v36 =	vld [tilespmem:s29+$0x79A0];
	v9 =	vmul.f32 v28, v16;
	[tilespmem:s29+$0x7920] =	vst v10  }
0x9b: {  	v37 =	vld [tilespmem:s29+$0x79B0];
	v39 =	vbroadcast v2, $0x3;
	v11 =	vmul.f32 v31, v16;
	[tilespmem:s29+$0x7930] =	vst v8  }
0x9c: {  	v38 =	vld [tilespmem:s29+$0x79C0];
	v13 =	vmul.f32 v33, v16;
	[tilespmem:s29+$0x7940] =	vst v9  }
0x9d: {  	v40 =	vld [tilespmem:s29+$0x79D0];
	v14 =	vmul.f32 v34, v39;
	[tilespmem:s29+$0x7960] =	vst v11  }
0x9e: {  	v41 =	vld [tilespmem:s29+$0x79E0];
	v12 =	vmul.f32 v29, v16;
	[tilespmem:s29+$0x7970] =	vst v13  }
0x9f: {  	v42 =	vld [tilespmem:s29+$0x79F0];
	v10 =	vmul.f32 v35, v39;
	[tilespmem:s29+$0x7980] =	vst v14  }
0xa0: {  	v43 =	vld [tilespmem:s29+$0x7A00];
	v8 =	vmul.f32 v36, v39;
	[tilespmem:s29+$0x7950] =	vst v12  }
0xa1: {  	v44 =	vld [tilespmem:s29+$0x7A10];
	v9 =	vmul.f32 v37, v39;
	[tilespmem:s29+$0x7990] =	vst v10  }
0xa2: {  	v45 =	vld [tilespmem:s29+$0x7A20];
	v11 =	vmul.f32 v40, v39;
	[tilespmem:s29+$0x79A0] =	vst v8  }
0xa3: {  	v46 =	vld [tilespmem:s29+$0x7A30];
	v13 =	vmul.f32 v41, v39;
	[tilespmem:s29+$0x79B0] =	vst v9  }
0xa4: {  	v47 =	vld [tilespmem:s29+$0x7A40];
	v48 =	vbroadcast v2, $0x4;
	v14 =	vmul.f32 v42, v39;
	[tilespmem:s29+$0x79D0] =	vst v11  }
0xa5: {  	v49 =	vld [tilespmem:s29+$0x7A50];
	v12 =	vmul.f32 v38, v39;
	[tilespmem:s29+$0x79E0] =	vst v13  }
0xa6: {  	v50 =	vld [tilespmem:s29+$0x7A60];
	v10 =	vmul.f32 v43, v48;
	[tilespmem:s29+$0x79F0] =	vst v14  }
0xa7: {  	v51 =	vld [tilespmem:s29+$0x7A70];
	v8 =	vmul.f32 v44, v48;
	[tilespmem:s29+$0x79C0] =	vst v12  }
0xa8: {  	v52 =	vld [tilespmem:s29+$0x7A80];
	v9 =	vmul.f32 v45, v48;
	[tilespmem:s29+$0x7A00] =	vst v10  }
0xa9: {  	v53 =	vld [tilespmem:s29+$0x7A90];
	v11 =	vmul.f32 v47, v48;
	[tilespmem:s29+$0x7A10] =	vst v8  }
0xaa: {  	v54 =	vld [tilespmem:s29+$0x7AA0];
	v13 =	vmul.f32 v49, v48;
	[tilespmem:s29+$0x7A20] =	vst v9  }
0xab: {  	v55 =	vld [tilespmem:s29+$0x7AB0];
	v14 =	vmul.f32 v50, v48;
	[tilespmem:s29+$0x7A40] =	vst v11  }
0xac: {  	v56 =	vld [tilespmem:s29+$0x7AC0];
	v57 =	vbroadcast v2, $0x5;
	v12 =	vmul.f32 v46, v48;
	[tilespmem:s29+$0x7A50] =	vst v13  }
0xad: {  	v58 =	vld [tilespmem:s29+$0x7AD0];
	v10 =	vmul.f32 v51, v48;
	[tilespmem:s29+$0x7A60] =	vst v14  }
0xae: {  	v59 =	vld [tilespmem:s29+$0x7AE0];
	v8 =	vmul.f32 v52, v57;
	[tilespmem:s29+$0x7A30] =	vst v12  }
0xaf: {  	v60 =	vld [tilespmem:s29+$0x7AF0];
	v9 =	vmul.f32 v53, v57;
	[tilespmem:s29+$0x7A70] =	vst v10  }
0xb0: {  	v61 =	vld [tilespmem:s29+$0x7B00];
	v11 =	vmul.f32 v55, v57;
	[tilespmem:s29+$0x7A80] =	vst v8  }
0xb1: {  	v62 =	vld [tilespmem:s29+$0x7B10];
	v13 =	vmul.f32 v56, v57;
	[tilespmem:s29+$0x7A90] =	vst v9  }
0xb2: {  	v63 =	vld [tilespmem:s29+$0x7B20];
	v14 =	vmul.f32 v58, v57;
	[tilespmem:s29+$0x7AB0] =	vst v11  }
0xb3: {  	v20 =	vld [tilespmem:s29+$0x7B30];
	v12 =	vmul.f32 v54, v57;
	[tilespmem:s29+$0x7AC0] =	vst v13  }
0xb4: {  	v21 =	vld [tilespmem:s29+$0x7B40];
	v22 =	vbroadcast v2, $0x6;
	v10 =	vmul.f32 v59, v57;
	[tilespmem:s29+$0x7AD0] =	vst v14  }
0xb5: {  	v23 =	vld [tilespmem:s29+$0x7B50];
	v8 =	vmul.f32 v60, v57;
	[tilespmem:s29+$0x7AA0] =	vst v12  }
0xb6: {  	v24 =	vld [tilespmem:s29+$0x7B60];
	v9 =	vmul.f32 v61, v22;
	[tilespmem:s29+$0x7AE0] =	vst v10  }
0xb7: {  	v25 =	vld [tilespmem:s29+$0x7B70];
	v11 =	vmul.f32 v63, v22;
	[tilespmem:s29+$0x7AF0] =	vst v8  }
0xb8: {  	v5 =	vld [tilespmem:s29+$0x7D80];
	v13 =	vmul.f32 v20, v22;
	[tilespmem:s29+$0x7B00] =	vst v9  }
0xb9: {  	v27 =	vld [tilespmem:s29+$0x7B90];
	v14 =	vmul.f32 v21, v22;
	[tilespmem:s29+$0x7B20] =	vst v11  }
0xba: {  	v28 =	vld [tilespmem:s29+$0x7BA0];
	v12 =	vmul.f32 v62, v22;
	[tilespmem:s29+$0x7B30] =	vst v13  }
0xbb: {  	v29 =	vld [tilespmem:s29+$0x7BB0];
	v10 =	vmul.f32 v23, v22;
	[tilespmem:s29+$0x7B40] =	vst v14  }
0xbc: {  	v31 =	vbroadcast v2, $0x7;
	v53 =	vld [tilespmem:s29+$0x7D00];
	v8 =	vmul.f32 v24, v22;
	[tilespmem:s29+$0x7B10] =	vst v12  }
0xbd: {  	v58 =	vld [tilespmem:s29+$0x7D50];
	v9 =	vmul.f32 v25, v22;
	[tilespmem:s29+$0x7B50] =	vst v10  }
0xbe: {  	v26 =	vld [tilespmem:s29+$0x7B80];
	v11 =	vmul.f32 v27, v31;
	[tilespmem:s29+$0x7B60] =	vst v8  }
0xbf: {  	v30 =	vld [tilespmem:s29+$0x7BC0];
	v13 =	vmul.f32 v28, v31;
	[tilespmem:s29+$0x7B70] =	vst v9  }
0xc0: {  	v32 =	vld [tilespmem:s29+$0x7BD0];
	v14 =	vmul.f32 v29, v31;
	[tilespmem:s29+$0x7B90] =	vst v11  }
0xc1: {  	v33 =	vld [tilespmem:s29+$0x7BE0];
	v59 =	vmul.f32 v53, v6;
	[tilespmem:s29+$0x7BA0] =	vst v13  }
0xc2: {  	v35 =	vld [tilespmem:s29+$0x7C00];
	v21 =	vmul.f32 v58, v6;
	[tilespmem:s29+$0x7BB0] =	vst v14  }
0xc3: {  	v36 =	vld [tilespmem:s29+$0x7C10];
	v12 =	vmul.f32 v26, v31;
	[tilespmem:s29+$0x7D00] =	vst v59  }
0xc4: {  	v37 =	vld [tilespmem:s29+$0x7C20];
	v10 =	vmul.f32 v30, v31;
	[tilespmem:s29+$0x7D50] =	vst v21  }
0xc5: {  	v7 =	vld [tilespmem:s29+$0x7D90];
	v40 =	vbroadcast v2, $0x8;
	v8 =	vmul.f32 v32, v31;
	[tilespmem:s29+$0x7B80] =	vst v12  }
0xc6: {  	v34 =	vld [tilespmem:s29+$0x7BF0];
	v9 =	vmul.f32 v33, v31;
	[tilespmem:s29+$0x7BC0] =	vst v10  }
0xc7: {  	v57 =	vld [tilespmem:s29+$0x7D40];
	v11 =	vmul.f32 v35, v40;
	[tilespmem:s29+$0x7BD0] =	vst v8  }
0xc8: {  	v61 =	vld [tilespmem:s29+$0x7800];
	v24 =	vbroadcast v2, $0xB;
	v13 =	vmul.f32 v36, v40;
	[tilespmem:s29+$0x7BE0] =	vst v9  }
0xc9: {  	v4 =	vld [tilespmem:s29+$0x7FD0];
	v14 =	vmul.f32 v37, v40;
	[tilespmem:s29+$0x7C00] =	vst v11  }
0xca: {  	v38 =	vld [tilespmem:s29+$0x7C30];
	v5 =	vmul.f32 v5, v24;
	[tilespmem:s29+$0x7C10] =	vst v13  }
0xcb: {  	v39 =	vld [tilespmem:s29+$0x7C40];
	v7 =	vmul.f32 v7, v24;
	[tilespmem:s29+$0x7C20] =	vst v14  }
0xcc: {  	v41 =	vld [tilespmem:s29+$0x7C50];
	v19 =	vmul.f32 v57, v6;
	[tilespmem:s29+$0x7D80] =	vst v5  }
0xcd: {  	v43 =	vld [tilespmem:s29+$0x7C70];
	v25 =	vmul.f32 v3, v61;
	[tilespmem:s29+$0x7D90] =	vst v7  }
0xce: {  	v44 =	vld [tilespmem:s29+$0x7C80];
	v12 =	vmul.f32 v34, v31;
	[tilespmem:s29+$0x7D40] =	vst v19  }
0xcf: {  	v45 =	vld [tilespmem:s29+$0x7C90];
	v10 =	vmul.f32 v38, v40;
	[tilespmem:s29+$0x7800] =	vst v25  }
0xd0: {  	v27 =	vld [tilespmem:s29+$0x7DD0];
	v8 =	vmul.f32 v39, v40;
	[tilespmem:s29+$0x7BF0] =	vst v12  }
0xd1: {  	v49 =	vbroadcast v2, $0x9;
	v29 =	vld [tilespmem:s29+$0x7DF0];
	v9 =	vmul.f32 v41, v40;
	[tilespmem:s29+$0x7C30] =	vst v10  }
0xd2: {  	v42 =	vld [tilespmem:s29+$0x7C60];
	v11 =	vmul.f32 v43, v40;
	[tilespmem:s29+$0x7C40] =	vst v8  }
0xd3: {  	v46 =	vld [tilespmem:s29+$0x7CA0];
	v13 =	vmul.f32 v44, v49;
	[tilespmem:s29+$0x7C50] =	vst v9  }
0xd4: {  	v47 =	vld [tilespmem:s29+$0x7CB0];
	v14 =	vmul.f32 v45, v49;
	[tilespmem:s29+$0x7C70] =	vst v11  }
0xd5: {  	v48 =	vld [tilespmem:s29+$0x7CC0];
	v32 =	vmul.f32 v27, v24;
	[tilespmem:s29+$0x7C80] =	vst v13  }
0xd6: {  	v51 =	vld [tilespmem:s29+$0x7CE0];
	v7 =	vmul.f32 v29, v24;
	[tilespmem:s29+$0x7C90] =	vst v14  }
0xd7: {  	v52 =	vld [tilespmem:s29+$0x7CF0];
	v12 =	vmul.f32 v42, v40;
	[tilespmem:s29+$0x7DD0] =	vst v32  }
0xd8: {  	v10 =	vmul.f32 v46, v49;
	[tilespmem:s29+$0x7DF0] =	vst v7  }
0xd9: {  	v28 =	vld [tilespmem:s29+$0x7DE0];
	v8 =	vmul.f32 v47, v49;
	[tilespmem:s29+$0x7C60] =	vst v12  }
0xda: {  	v30 =	vld [tilespmem:s29+$0x7E00];
	v9 =	vmul.f32 v48, v49;
	[tilespmem:s29+$0x7CA0] =	vst v10  }
0xdb: {  	v50 =	vld [tilespmem:s29+$0x7CD0];
	v5 =	vbroadcast v2, $0xF;
	v11 =	vmul.f32 v51, v49;
	[tilespmem:s29+$0x7CB0] =	vst v8  }
0xdc: {  	v54 =	vld [tilespmem:s29+$0x7D10];
	v13 =	vmul.f32 v52, v49;
	[tilespmem:s29+$0x7CC0] =	vst v9  }
0xdd: {  	v55 =	vld [tilespmem:s29+$0x7D20];
	v35 =	vbroadcast v2, $0xC;
	v4 =	vmul.f32 v4, v5;
	[tilespmem:s29+$0x7CE0] =	vst v11  }
0xde: {  	v56 =	vld [tilespmem:s29+$0x7D30];
	v40 =	vmul.f32 v28, v24;
	[tilespmem:s29+$0x7CF0] =	vst v13  }
0xdf: {  	v60 =	vld [tilespmem:s29+$0x7D60];
	v16 =	vmul.f32 v30, v35;
	[tilespmem:s29+$0x7FD0] =	vst v4  }
0xe0: {  	v62 =	vld [tilespmem:s29+$0x7810];
	v12 =	vmul.f32 v50, v49;
	[tilespmem:s29+$0x7DE0] =	vst v40  }
0xe1: {  	v63 =	vld [tilespmem:s29+$0x7840];
	v10 =	vmul.f32 v54, v6;
	[tilespmem:s29+$0x7E00] =	vst v16  }
0xe2: {  	v20 =	vld [tilespmem:s29+$0x7850];
	v8 =	vmul.f32 v55, v6;
	[tilespmem:s29+$0x7CD0] =	vst v12  }
0xe3: {  	v33 =	vld [tilespmem:s29+$0x7E30];
	v9 =	vmul.f32 v56, v6;
	[tilespmem:s29+$0x7D10] =	vst v10  }
0xe4: {  	v61 =	vld [tilespmem:s29+$0x7FF0];
	v6 =	vmul.f32 v60, v6;
	[tilespmem:s29+$0x7D20] =	vst v8  }
0xe5: {  	v38 =	vld [tilespmem:s29+$0x7E70];
	v13 =	vmul.f32 v62, v3;
	[tilespmem:s29+$0x7D30] =	vst v9  }
0xe6: {  	v22 =	vld [tilespmem:s29+$0x7DA0];
	v4 =	vmul.f32 v63, v3;
	[tilespmem:s29+$0x7D60] =	vst v6  }
0xe7: {  	v23 =	vld [tilespmem:s29+$0x7DB0];
	v3 =	vmul.f32 v20, v3;
	[tilespmem:s29+$0x7810] =	vst v13  }
0xe8: {  	v26 =	vld [tilespmem:s29+$0x7DC0];
	v62 =	vmul.f32 v33, v35;
	[tilespmem:s29+$0x7840] =	vst v4  }
0xe9: {  	v31 =	vld [tilespmem:s29+$0x7E10];
	v63 =	vmul.f32 v61, v5;
	[tilespmem:s29+$0x7850] =	vst v3  }
0xea: {  	v34 =	vld [tilespmem:s29+$0x7E40];
	v16 =	vmul.f32 v38, v35;
	[tilespmem:s29+$0x7E30] =	vst v62  }
0xeb: {  	v41 =	vld [tilespmem:s29+$0x7EA0];
	v8 =	vmul.f32 v22, v24;
	[tilespmem:s29+$0x7FF0] =	vst v63  }
0xec: {  	v46 =	vld [tilespmem:s29+$0x7EE0];
	v9 =	vmul.f32 v23, v24;
	[tilespmem:s29+$0x7E70] =	vst v16  }
0xed: {  	v6 =	vmul.f32 v26, v24;
	v3 =	vld [tilespmem:s29+$0x7E90];
	[tilespmem:s29+$0x7DA0] =	vst v8  }
0xee: {  	v36 =	vld [tilespmem:s29+$0x7E50];
	v44 =	vbroadcast v2, $0xD;
	v10 =	vmul.f32 v31, v35;
	[tilespmem:s29+$0x7DB0] =	vst v9  }
0xef: {  	v37 =	vld [tilespmem:s29+$0x7E60];
	v13 =	vmul.f32 v34, v35;
	[tilespmem:s29+$0x7DC0] =	vst v6  }
0xf0: {  	v39 =	vld [tilespmem:s29+$0x7E80];
	v12 =	vmul.f32 v41, v44;
	[tilespmem:s29+$0x7E10] =	vst v10  }
0xf1: {  	v42 =	vld [tilespmem:s29+$0x7EB0];
	v51 =	vmul.f32 v46, v44;
	[tilespmem:s29+$0x7E40] =	vst v13  }
0xf2: {  	v48 =	vld [tilespmem:s29+$0x7F10];
	[tilespmem:s29+$0x7EA0] =	vst v12;
	v3 =	vmul.f32 v3, v44  }
0xf3: {  	v49 =	vld [tilespmem:s29+$0x7F20];
	v9 =	vmul.f32 v36, v35;
	[tilespmem:s29+$0x7EE0] =	vst v51  }
0xf4: {  	v6 =	vmul.f32 v37, v35;
	[tilespmem:s29+$0x7E90] =	vst v3;
	v3 =	vld [tilespmem:s29+$0x7F00]  }
0xf5: {  	v2 =	vbroadcast v2, $0xE;
	v50 =	vld [tilespmem:s29+$0x7F30];
	v10 =	vmul.f32 v39, v44;
	[tilespmem:s29+$0x7E50] =	vst v9  }
0xf6: {  	v45 =	vld [tilespmem:s29+$0x7ED0];
	v13 =	vmul.f32 v42, v44;
	[tilespmem:s29+$0x7E60] =	vst v6  }
0xf7: {  	v47 =	vld [tilespmem:s29+$0x7EF0];
	v12 =	vmul.f32 v48, v2;
	[tilespmem:s29+$0x7E80] =	vst v10  }
0xf8: {  	v43 =	vld [tilespmem:s29+$0x7EC0];
	v11 =	vmul.f32 v49, v2;
	[tilespmem:s29+$0x7EB0] =	vst v13  }
0xf9: {  	v55 =	vld [tilespmem:s29+$0x7F80];
	[tilespmem:s29+$0x7F10] =	vst v12;
	v3 =	vmul.f32 v3, v2  }
0xfa: {  	v57 =	vld [tilespmem:s29+$0x7FA0];
	v7 =	vmul.f32 v50, v2;
	[tilespmem:s29+$0x7F20] =	vst v11  }
0xfb: {  	v6 =	vmul.f32 v45, v44;
	[tilespmem:s29+$0x7F00] =	vst v3;
	v3 =	vld [tilespmem:s29+$0x7F70]  }
0xfc: {  	v52 =	vld [tilespmem:s29+$0x7F40];
	v10 =	vmul.f32 v47, v44;
	[tilespmem:s29+$0x7F30] =	vst v7  }
0xfd: {  	v56 =	vld [tilespmem:s29+$0x7F90];
	v9 =	vmul.f32 v43, v44;
	[tilespmem:s29+$0x7ED0] =	vst v6  }
0xfe: {  	v54 =	vld [tilespmem:s29+$0x7F60];
	v12 =	vmul.f32 v55, v5;
	[tilespmem:s29+$0x7EF0] =	vst v10  }
0xff: {  	v58 =	vld [tilespmem:s29+$0x7FB0];
	v7 =	vmul.f32 v57, v5;
	[tilespmem:s29+$0x7EC0] =	vst v9  }
0x100: {  	v53 =	vld [tilespmem:s29+$0x7F50];
	[tilespmem:s29+$0x7F80] =	vst v12;
	v3 =	vmul.f32 v3, v2  }
0x101: {  	v59 =	vld [tilespmem:s29+$0x7FC0];
	v6 =	vmul.f32 v52, v2;
	[tilespmem:s29+$0x7FA0] =	vst v7  }
0x102: {  	v60 =	vld [tilespmem:s29+$0x7FE0];
	[tilespmem:s29+$0x7F70] =	vst v3;
	v3 =	vmul.f32 v56, v5  }
0x103: {  	v10 =	vmul.f32 v54, v2;
	[tilespmem:s29+$0x7F40] =	vst v6  }
0x104: {  	v4 =	vld [tilespmem:s29+$0x7E20];
	[tilespmem:s29+$0x7F90] =	vst v3;
	v3 =	vmul.f32 v58, v5  }
0x105: {  	[tilespmem:s29+$0x7F60] =	vst v10;
	v2 =	vmul.f32 v53, v2  }
0x106: {  	[tilespmem:s29+$0x7FB0] =	vst v3;
	v3 =	vmul.f32 v59, v5  }
0x107: {  	[tilespmem:s29+$0x7F50] =	vst v2;
	v5 =	vmul.f32 v60, v5  }
0x108: {  	[tilespmem:s29+$0x7FC0] =	vst v3  }
0x109: {  	s30 =	simm.s32 $0x1;
	v3 =	vmul.f32 v4, v35;
	[tilespmem:s29+$0x7FE0] =	vst v5  }
.LBB2_5:
0x10a: {  	s31 =	sshll.u32 s30, $0x4  }
0x10b: {  	p0 =	sne.s32 s30, $0x7;
	[tilespmem:s29+$0x7E20] =	vst v3;
	s29 =	smov.u32 s30;
	s30 =	sadd.s32 $0x1, s30  }
0x10c: {  	s31 =	sand.u32 $0x3FFFFFF0, s31  }
0x10d: {  	v2 =	vld.idx.msk [tilespmem:v1+s31+$0x0 ss:$0x1], $0xffff  }
0x10e: {  	s29 =	sshll.u32 s29, $0xB  }
0x10f: {  	s29 =	sand.u32 $0x3FFFF800, s29  }
0x110: {  	v9 =	vld [tilespmem:s29+$0x78C0]  }
0x111: {  	v10 =	vld [tilespmem:s29+$0x78D0]  }
0x112: {  	v11 =	vld [tilespmem:s29+$0x78B0]  }
0x113: {  	v3 =	vbroadcast v2, $0x0;
	v8 =	vbroadcast v2, $0x4;
	v4 =	vld [tilespmem:s29+$0x7820]  }
0x114: {  	v6 =	vld [tilespmem:s29+$0x7830]  }
0x115: {  	v7 =	vld [tilespmem:s29+$0x7D70]  }
0x116: {  	v12 =	vld [tilespmem:s29+$0x7860]  }
0x117: {  	v13 =	vld [tilespmem:s29+$0x7870]  }
0x118: {  	v5 =	vbroadcast v2, $0xA;
	v4 =	vmul.f32 v4, v3;
	v14 =	vld [tilespmem:s29+$0x7880]  }
0x119: {  	v6 =	vmul.f32 v6, v3;
	v15 =	vld [tilespmem:s29+$0x7890]  }
0x11a: {  	[tilespmem:s29+$0x7820] =	vst v4;
	v16 =	vld [tilespmem:s29+$0x78A0];
	v4 =	vmul.f32 v7, v5  }
0x11b: {  	[tilespmem:s29+$0x7830] =	vst v6;
	v7 =	vmul.f32 v12, v3;
	v12 =	vbroadcast v2, $0x1;
	v6 =	vld [tilespmem:s29+$0x7D80]  }
0x11c: {  	v13 =	vmul.f32 v13, v3;
	[tilespmem:s29+$0x7D70] =	vst v4;
	v4 =	vld [tilespmem:s29+$0x7FD0]  }
0x11d: {  	[tilespmem:s29+$0x7860] =	vst v7;
	v14 =	vmul.f32 v14, v12;
	v7 =	vld [tilespmem:s29+$0x7D90]  }
0x11e: {  	[tilespmem:s29+$0x7870] =	vst v13;
	v13 =	vmul.f32 v15, v12;
	v15 =	vld [tilespmem:s29+$0x78E0]  }
0x11f: {  	[tilespmem:s29+$0x7880] =	vst v14;
	v14 =	vmul.f32 v16, v12;
	v16 =	vld [tilespmem:s29+$0x78F0]  }
0x120: {  	v11 =	vmul.f32 v11, v12;
	[tilespmem:s29+$0x7890] =	vst v13;
	v13 =	vld [tilespmem:s29+$0x7900]  }
0x121: {  	v9 =	vmul.f32 v9, v12;
	[tilespmem:s29+$0x78A0] =	vst v14;
	v14 =	vld [tilespmem:s29+$0x7910]  }
0x122: {  	v10 =	vmul.f32 v10, v12;
	[tilespmem:s29+$0x78B0] =	vst v11;
	v11 =	vld [tilespmem:s29+$0x7920]  }
0x123: {  	[tilespmem:s29+$0x78C0] =	vst v9;
	v9 =	vmul.f32 v15, v12;
	v15 =	vbroadcast v2, $0x2;
	v17 =	vld [tilespmem:s29+$0x7930]  }
0x124: {  	[tilespmem:s29+$0x78D0] =	vst v10;
	v10 =	vmul.f32 v16, v12;
	v12 =	vld [tilespmem:s29+$0x7940]  }
0x125: {  	[tilespmem:s29+$0x78E0] =	vst v9;
	v9 =	vmul.f32 v13, v15;
	v13 =	vld [tilespmem:s29+$0x7950]  }
0x126: {  	[tilespmem:s29+$0x78F0] =	vst v10;
	v10 =	vmul.f32 v14, v15;
	v14 =	vld [tilespmem:s29+$0x7960]  }
0x127: {  	[tilespmem:s29+$0x7900] =	vst v9;
	v9 =	vmul.f32 v11, v15;
	v11 =	vld [tilespmem:s29+$0x7970]  }
0x128: {  	[tilespmem:s29+$0x7910] =	vst v10;
	v10 =	vmul.f32 v17, v15;
	v16 =	vld [tilespmem:s29+$0x7980]  }
0x129: {  	[tilespmem:s29+$0x7920] =	vst v9;
	v9 =	vmul.f32 v12, v15;
	v12 =	vld [tilespmem:s29+$0x7990]  }
0x12a: {  	[tilespmem:s29+$0x7930] =	vst v10;
	v10 =	vmul.f32 v13, v15;
	v13 =	vld [tilespmem:s29+$0x79A0]  }
0x12b: {  	[tilespmem:s29+$0x7940] =	vst v9;
	v9 =	vmul.f32 v14, v15;
	v14 =	vbroadcast v2, $0x3;
	v17 =	vld [tilespmem:s29+$0x79B0]  }
0x12c: {  	[tilespmem:s29+$0x7950] =	vst v10;
	v10 =	vmul.f32 v11, v15;
	v11 =	vld [tilespmem:s29+$0x79C0]  }
0x12d: {  	[tilespmem:s29+$0x7960] =	vst v9;
	v9 =	vmul.f32 v16, v14;
	v15 =	vld [tilespmem:s29+$0x79D0]  }
0x12e: {  	[tilespmem:s29+$0x7970] =	vst v10;
	v10 =	vmul.f32 v12, v14;
	v12 =	vld [tilespmem:s29+$0x79E0]  }
0x12f: {  	[tilespmem:s29+$0x7980] =	vst v9;
	v9 =	vmul.f32 v13, v14;
	v13 =	vld [tilespmem:s29+$0x79F0]  }
0x130: {  	[tilespmem:s29+$0x7990] =	vst v10;
	v10 =	vmul.f32 v17, v14;
	v16 =	vld [tilespmem:s29+$0x7A00]  }
0x131: {  	[tilespmem:s29+$0x79A0] =	vst v9;
	v9 =	vmul.f32 v11, v14;
	v11 =	vld [tilespmem:s29+$0x7A10]  }
0x132: {  	[tilespmem:s29+$0x79B0] =	vst v10;
	v10 =	vmul.f32 v15, v14;
	v15 =	vld [tilespmem:s29+$0x7A20]  }
0x133: {  	[tilespmem:s29+$0x79C0] =	vst v9;
	v9 =	vmul.f32 v12, v14;
	v12 =	vld [tilespmem:s29+$0x7A30]  }
0x134: {  	[tilespmem:s29+$0x79D0] =	vst v10;
	v10 =	vmul.f32 v13, v14;
	v13 =	vld [tilespmem:s29+$0x7A40]  }
0x135: {  	[tilespmem:s29+$0x79E0] =	vst v9;
	v9 =	vmul.f32 v16, v8;
	v14 =	vld [tilespmem:s29+$0x7A50]  }
0x136: {  	[tilespmem:s29+$0x79F0] =	vst v10;
	v10 =	vmul.f32 v11, v8;
	v11 =	vld [tilespmem:s29+$0x7A60]  }
0x137: {  	[tilespmem:s29+$0x7A00] =	vst v9;
	v9 =	vmul.f32 v15, v8;
	v15 =	vld [tilespmem:s29+$0x7A70]  }
0x138: {  	[tilespmem:s29+$0x7A10] =	vst v10;
	v10 =	vmul.f32 v12, v8;
	v12 =	vld [tilespmem:s29+$0x7A80]  }
0x139: {  	[tilespmem:s29+$0x7A20] =	vst v9;
	v9 =	vmul.f32 v13, v8;
	v13 =	vld [tilespmem:s29+$0x7A90]  }
0x13a: {  	[tilespmem:s29+$0x7A30] =	vst v10;
	v10 =	vmul.f32 v14, v8;
	v14 =	vld [tilespmem:s29+$0x7AA0]  }
0x13b: {  	[tilespmem:s29+$0x7A40] =	vst v9;
	v9 =	vmul.f32 v11, v8;
	v11 =	vbroadcast v2, $0x5;
	v16 =	vld [tilespmem:s29+$0x7AB0]  }
0x13c: {  	[tilespmem:s29+$0x7A50] =	vst v10;
	v8 =	vmul.f32 v15, v8;
	v10 =	vld [tilespmem:s29+$0x7AC0]  }
0x13d: {  	[tilespmem:s29+$0x7A60] =	vst v9;
	v9 =	vmul.f32 v12, v11;
	v12 =	vld [tilespmem:s29+$0x7AD0]  }
0x13e: {  	[tilespmem:s29+$0x7A70] =	vst v8;
	v8 =	vmul.f32 v13, v11;
	v13 =	vld [tilespmem:s29+$0x7AE0]  }
0x13f: {  	[tilespmem:s29+$0x7A80] =	vst v9;
	v9 =	vmul.f32 v14, v11;
	v14 =	vld [tilespmem:s29+$0x7AF0]  }
0x140: {  	[tilespmem:s29+$0x7A90] =	vst v8;
	v8 =	vmul.f32 v16, v11;
	v15 =	vld [tilespmem:s29+$0x7B00]  }
0x141: {  	[tilespmem:s29+$0x7AA0] =	vst v9;
	v9 =	vmul.f32 v10, v11;
	v10 =	vld [tilespmem:s29+$0x7B10]  }
0x142: {  	[tilespmem:s29+$0x7AB0] =	vst v8;
	v8 =	vmul.f32 v12, v11;
	v12 =	vld [tilespmem:s29+$0x7B20]  }
0x143: {  	[tilespmem:s29+$0x7AC0] =	vst v9;
	v9 =	vmul.f32 v13, v11;
	v13 =	vbroadcast v2, $0x6;
	v16 =	vld [tilespmem:s29+$0x7B30]  }
0x144: {  	[tilespmem:s29+$0x7AD0] =	vst v8;
	v8 =	vmul.f32 v14, v11;
	v11 =	vld [tilespmem:s29+$0x7B40]  }
0x145: {  	[tilespmem:s29+$0x7AE0] =	vst v9;
	v9 =	vmul.f32 v15, v13;
	v14 =	vld [tilespmem:s29+$0x7B50]  }
0x146: {  	[tilespmem:s29+$0x7AF0] =	vst v8;
	v8 =	vmul.f32 v10, v13;
	v10 =	vld [tilespmem:s29+$0x7B60]  }
0x147: {  	[tilespmem:s29+$0x7B00] =	vst v9;
	v9 =	vmul.f32 v12, v13;
	v12 =	vld [tilespmem:s29+$0x7B70]  }
0x148: {  	[tilespmem:s29+$0x7B10] =	vst v8;
	v8 =	vmul.f32 v16, v13;
	v15 =	vld [tilespmem:s29+$0x7B80]  }
0x149: {  	[tilespmem:s29+$0x7B20] =	vst v9;
	v9 =	vmul.f32 v11, v13;
	v11 =	vld [tilespmem:s29+$0x7B90]  }
0x14a: {  	[tilespmem:s29+$0x7B30] =	vst v8;
	v8 =	vmul.f32 v14, v13;
	v14 =	vld [tilespmem:s29+$0x7BA0]  }
0x14b: {  	[tilespmem:s29+$0x7B40] =	vst v9;
	v9 =	vmul.f32 v10, v13;
	v10 =	vbroadcast v2, $0x7;
	v16 =	vld [tilespmem:s29+$0x7BB0]  }
0x14c: {  	[tilespmem:s29+$0x7B50] =	vst v8;
	v8 =	vmul.f32 v12, v13;
	v12 =	vld [tilespmem:s29+$0x7BC0]  }
0x14d: {  	[tilespmem:s29+$0x7B60] =	vst v9;
	v9 =	vmul.f32 v15, v10;
	v13 =	vld [tilespmem:s29+$0x7BD0]  }
0x14e: {  	[tilespmem:s29+$0x7B70] =	vst v8;
	v8 =	vmul.f32 v11, v10;
	v11 =	vld [tilespmem:s29+$0x7BE0]  }
0x14f: {  	[tilespmem:s29+$0x7B80] =	vst v9;
	v9 =	vmul.f32 v14, v10;
	v14 =	vld [tilespmem:s29+$0x7BF0]  }
0x150: {  	[tilespmem:s29+$0x7B90] =	vst v8;
	v8 =	vmul.f32 v16, v10;
	v15 =	vld [tilespmem:s29+$0x7C00]  }
0x151: {  	[tilespmem:s29+$0x7BA0] =	vst v9;
	v9 =	vmul.f32 v12, v10;
	v12 =	vld [tilespmem:s29+$0x7C10]  }
0x152: {  	[tilespmem:s29+$0x7BB0] =	vst v8;
	v8 =	vmul.f32 v13, v10;
	v13 =	vld [tilespmem:s29+$0x7C20]  }
0x153: {  	[tilespmem:s29+$0x7BC0] =	vst v9;
	v9 =	vmul.f32 v11, v10;
	v11 =	vbroadcast v2, $0x8;
	v16 =	vld [tilespmem:s29+$0x7C30]  }
0x154: {  	[tilespmem:s29+$0x7BD0] =	vst v8;
	v8 =	vmul.f32 v14, v10;
	v10 =	vld [tilespmem:s29+$0x7C40]  }
0x155: {  	[tilespmem:s29+$0x7BE0] =	vst v9;
	v9 =	vmul.f32 v15, v11;
	v14 =	vld [tilespmem:s29+$0x7C50]  }
0x156: {  	[tilespmem:s29+$0x7BF0] =	vst v8;
	v8 =	vmul.f32 v12, v11;
	v12 =	vld [tilespmem:s29+$0x7C60]  }
0x157: {  	[tilespmem:s29+$0x7C00] =	vst v9;
	v9 =	vmul.f32 v13, v11;
	v13 =	vld [tilespmem:s29+$0x7C70]  }
0x158: {  	[tilespmem:s29+$0x7C10] =	vst v8;
	v8 =	vmul.f32 v16, v11;
	v15 =	vld [tilespmem:s29+$0x7C80]  }
0x159: {  	[tilespmem:s29+$0x7C20] =	vst v9;
	v9 =	vmul.f32 v10, v11;
	v10 =	vld [tilespmem:s29+$0x7C90]  }
0x15a: {  	[tilespmem:s29+$0x7C30] =	vst v8;
	v8 =	vmul.f32 v14, v11;
	v14 =	vld [tilespmem:s29+$0x7CA0]  }
0x15b: {  	[tilespmem:s29+$0x7C40] =	vst v9;
	v9 =	vmul.f32 v12, v11;
	v12 =	vbroadcast v2, $0x9;
	v16 =	vld [tilespmem:s29+$0x7CB0]  }
0x15c: {  	[tilespmem:s29+$0x7C50] =	vst v8;
	v8 =	vmul.f32 v13, v11;
	v11 =	vld [tilespmem:s29+$0x7CC0]  }
0x15d: {  	[tilespmem:s29+$0x7C60] =	vst v9;
	v9 =	vmul.f32 v15, v12;
	v13 =	vld [tilespmem:s29+$0x7CD0]  }
0x15e: {  	[tilespmem:s29+$0x7C70] =	vst v8;
	v8 =	vmul.f32 v10, v12;
	v10 =	vld [tilespmem:s29+$0x7CE0]  }
0x15f: {  	[tilespmem:s29+$0x7C80] =	vst v9;
	v9 =	vmul.f32 v14, v12;
	v14 =	vld [tilespmem:s29+$0x7CF0]  }
0x160: {  	[tilespmem:s29+$0x7C90] =	vst v8;
	v8 =	vmul.f32 v16, v12;
	v15 =	vld [tilespmem:s29+$0x7D00]  }
0x161: {  	[tilespmem:s29+$0x7CA0] =	vst v9;
	v9 =	vmul.f32 v11, v12;
	v11 =	vld [tilespmem:s29+$0x7D10]  }
0x162: {  	[tilespmem:s29+$0x7CB0] =	vst v8;
	v8 =	vmul.f32 v13, v12;
	v13 =	vld [tilespmem:s29+$0x7D20]  }
0x163: {  	[tilespmem:s29+$0x7CC0] =	vst v9;
	v9 =	vmul.f32 v10, v12;
	v10 =	vld [tilespmem:s29+$0x7D30]  }
0x164: {  	[tilespmem:s29+$0x7CD0] =	vst v8;
	v8 =	vmul.f32 v14, v12;
	v12 =	vld [tilespmem:s29+$0x7D40]  }
0x165: {  	[tilespmem:s29+$0x7CE0] =	vst v9;
	v9 =	vmul.f32 v15, v5;
	v14 =	vld [tilespmem:s29+$0x7D50]  }
0x166: {  	[tilespmem:s29+$0x7CF0] =	vst v8;
	v8 =	vmul.f32 v11, v5;
	v11 =	vld [tilespmem:s29+$0x7D60]  }
0x167: {  	v15 =	vld [tilespmem:s29+$0x7800];
	[tilespmem:s29+$0x7D00] =	vst v9;
	v9 =	vmul.f32 v13, v5  }
0x168: {  	v13 =	vld [tilespmem:s29+$0x7810];
	[tilespmem:s29+$0x7D10] =	vst v8;
	v8 =	vmul.f32 v10, v5  }
0x169: {  	v10 =	vld [tilespmem:s29+$0x7840];
	[tilespmem:s29+$0x7D20] =	vst v9;
	v9 =	vmul.f32 v12, v5  }
0x16a: {  	v12 =	vld [tilespmem:s29+$0x7850];
	[tilespmem:s29+$0x7D30] =	vst v8;
	v8 =	vmul.f32 v14, v5  }
0x16b: {  	[tilespmem:s29+$0x7D40] =	vst v9;
	v9 =	vmul.f32 v11, v5;
	v11 =	vbroadcast v2, $0xB;
	v14 =	vld [tilespmem:s29+$0x7DA0]  }
0x16c: {  	v5 =	vbroadcast v2, $0xF;
	v15 =	vmul.f32 v3, v15;
	[tilespmem:s29+$0x7D50] =	vst v8;
	v8 =	vld [tilespmem:s29+$0x7DB0]  }
0x16d: {  	v13 =	vmul.f32 v13, v3;
	[tilespmem:s29+$0x7D60] =	vst v9;
	v6 =	vmul.f32 v6, v11;
	v9 =	vld [tilespmem:s29+$0x7DC0]  }
0x16e: {  	v7 =	vmul.f32 v7, v11;
	[tilespmem:s29+$0x7800] =	vst v15;
	v10 =	vmul.f32 v10, v3;
	v15 =	vld [tilespmem:s29+$0x7DD0]  }
0x16f: {  	v4 =	vmul.f32 v4, v5;
	v12 =	vmul.f32 v12, v3;
	[tilespmem:s29+$0x7D80] =	vst v6;
	v3 =	vld [tilespmem:s29+$0x7DE0]  }
0x170: {  	[tilespmem:s29+$0x7D90] =	vst v7;
	v6 =	vmul.f32 v14, v11;
	v7 =	vld [tilespmem:s29+$0x7DF0]  }
0x171: {  	v8 =	vmul.f32 v8, v11;
	v14 =	vld [tilespmem:s29+$0x7E00];
	[tilespmem:s29+$0x7FD0] =	vst v4  }
0x172: {  	[tilespmem:s29+$0x7810] =	vst v13;
	v4 =	vmul.f32 v9, v11;
	v9 =	vld [tilespmem:s29+$0x7E10]  }
0x173: {  	[tilespmem:s29+$0x7840] =	vst v10;
	v10 =	vmul.f32 v15, v11;
	v13 =	vld [tilespmem:s29+$0x7E20]  }
0x174: {  	v15 =	vbroadcast v2, $0xC;
	[tilespmem:s29+$0x7DA0] =	vst v6;
	v6 =	vmul.f32 v3, v11;
	v16 =	vld [tilespmem:s29+$0x7E30]  }
0x175: {  	[tilespmem:s29+$0x7DD0] =	vst v10;
	v7 =	vmul.f32 v7, v11;
	v10 =	vld [tilespmem:s29+$0x7E40]  }
0x176: {  	[tilespmem:s29+$0x7DB0] =	vst v8;
	v3 =	vmul.f32 v14, v15;
	v8 =	vld [tilespmem:s29+$0x7E50]  }
0x177: {  	[tilespmem:s29+$0x7DC0] =	vst v4;
	v4 =	vmul.f32 v9, v15;
	v9 =	vld [tilespmem:s29+$0x7E60]  }
0x178: {  	[tilespmem:s29+$0x7E00] =	vst v3;
	v3 =	vmul.f32 v13, v15;
	v11 =	vld [tilespmem:s29+$0x7E70]  }
0x179: {  	[tilespmem:s29+$0x7E10] =	vst v4;
	v4 =	vld [tilespmem:s29+$0x7E80]  }
0x17a: {  	[tilespmem:s29+$0x7850] =	vst v12;
	v10 =	vmul.f32 v10, v15;
	v12 =	vld [tilespmem:s29+$0x7E90]  }
0x17b: {  	[tilespmem:s29+$0x7DE0] =	vst v6;
	v6 =	vmul.f32 v8, v15;
	v8 =	vld [tilespmem:s29+$0x7EA0]  }
0x17c: {  	[tilespmem:s29+$0x7E40] =	vst v10;
	v9 =	vmul.f32 v9, v15;
	v10 =	vbroadcast v2, $0xD;
	v13 =	vld [tilespmem:s29+$0x7EB0]  }
0x17d: {  	[tilespmem:s29+$0x7E50] =	vst v6;
	v6 =	vmul.f32 v11, v15;
	v11 =	vld [tilespmem:s29+$0x7EC0]  }
0x17e: {  	[tilespmem:s29+$0x7E60] =	vst v9;
	v4 =	vmul.f32 v4, v10;
	v9 =	vld [tilespmem:s29+$0x7ED0]  }
0x17f: {  	[tilespmem:s29+$0x7E70] =	vst v6;
	v6 =	vmul.f32 v12, v10;
	v12 =	vld [tilespmem:s29+$0x7EE0]  }
0x180: {  	[tilespmem:s29+$0x7E80] =	vst v4;
	v4 =	vmul.f32 v8, v10;
	v8 =	vld [tilespmem:s29+$0x7EF0]  }
0x181: {  	[tilespmem:s29+$0x7E90] =	vst v6;
	v6 =	vmul.f32 v13, v10;
	v13 =	vld [tilespmem:s29+$0x7F00]  }
0x182: {  	[tilespmem:s29+$0x7EA0] =	vst v4;
	v4 =	vmul.f32 v11, v10;
	v11 =	vld [tilespmem:s29+$0x7F10]  }
0x183: {  	[tilespmem:s29+$0x7EB0] =	vst v6;
	v6 =	vmul.f32 v9, v10;
	v9 =	vld [tilespmem:s29+$0x7F20]  }
0x184: {  	v2 =	vbroadcast v2, $0xE;
	[tilespmem:s29+$0x7DF0] =	vst v7;
	v7 =	vmul.f32 v12, v10;
	v12 =	vld [tilespmem:s29+$0x7F30]  }
0x185: {  	[tilespmem:s29+$0x7ED0] =	vst v6;
	v6 =	vmul.f32 v8, v10;
	v8 =	vld [tilespmem:s29+$0x7F40]  }
0x186: {  	[tilespmem:s29+$0x7EE0] =	vst v7;
	v7 =	vmul.f32 v13, v2;
	v10 =	vld [tilespmem:s29+$0x7F50]  }
0x187: {  	[tilespmem:s29+$0x7EF0] =	vst v6;
	v6 =	vmul.f32 v11, v2;
	v11 =	vld [tilespmem:s29+$0x7F60]  }
0x188: {  	[tilespmem:s29+$0x7F00] =	vst v7;
	v7 =	vmul.f32 v9, v2;
	v9 =	vld [tilespmem:s29+$0x7F70]  }
0x189: {  	[tilespmem:s29+$0x7F10] =	vst v6;
	v6 =	vmul.f32 v12, v2;
	v12 =	vld [tilespmem:s29+$0x7F80]  }
0x18a: {  	[tilespmem:s29+$0x7F20] =	vst v7;
	v7 =	vmul.f32 v8, v2;
	v8 =	vld [tilespmem:s29+$0x7F90]  }
0x18b: {  	[tilespmem:s29+$0x7F30] =	vst v6;
	v6 =	vmul.f32 v10, v2;
	v10 =	vld [tilespmem:s29+$0x7FA0]  }
0x18c: {  	[tilespmem:s29+$0x7F40] =	vst v7;
	v7 =	vmul.f32 v11, v2;
	v11 =	vld [tilespmem:s29+$0x7FB0]  }
0x18d: {  	[tilespmem:s29+$0x7EC0] =	vst v4;
	v2 =	vmul.f32 v9, v2;
	v4 =	vld [tilespmem:s29+$0x7FC0]  }
0x18e: {  	[tilespmem:s29+$0x7F60] =	vst v7;
	v7 =	vmul.f32 v12, v5;
	v9 =	vld [tilespmem:s29+$0x7FE0]  }
0x18f: {  	[tilespmem:s29+$0x7F70] =	vst v2;
	v2 =	vmul.f32 v8, v5;
	v8 =	vld [tilespmem:s29+$0x7FF0]  }
0x190: {  	[tilespmem:s29+$0x7F80] =	vst v7;
	v7 =	vmul.f32 v10, v5  }
0x191: {  	[tilespmem:s29+$0x7F90] =	vst v2;
	v2 =	vmul.f32 v11, v5  }
0x192: {  	v10 =	vmul.f32 v16, v15;
	[tilespmem:s29+$0x7FA0] =	vst v7  }
0x193: {  	[tilespmem:s29+$0x7FB0] =	vst v2;
	v2 =	vmul.f32 v4, v5  }
.Ltmp1:
0x194: {  	[tilespmem:s29+$0x7E30] =	vst v10;
	v4 =	vmul.f32 v8, v5;
	(pc) =	sbr.rel @p0 .LBB2_5-.Ltmp1, $4  }
0x195: {  	[tilespmem:s29+$0x7FC0] =	vst v2  }
0x196: {  	v2 =	vmul.f32 v9, v5;
	[tilespmem:s29+$0x7FF0] =	vst v4  }
0x197: {  	[tilespmem:s29+$0x7F50] =	vst v6  }
0x198: {  	[tilespmem:s29+$0x7FE0] =	vst v2  }
0x199: {  	s26 =	sadd.s32 $0x1, s26  }
0x19a: {  	p0 =	sne.s32 s26, $0x4F  }
.Ltmp2:
0x19b: {  	[tilespmem:s29+$0x7E20] =	vst v3;
	(pc) =	sbr.rel @p0 .LBB2_4-.Ltmp2, $4  }
0x19c: {  	[spmem:s1] =	stream.indirect.scatter.add.f32 [tilespmem:s18], [sflag:$0x3], $0x80, s28, s24, $0xb8;
	[tilespmem:$0x1FD00] =	vst v63  }
0x19d: {  	_ =	swait.ge [sflag:s25], $0x4000  }
0x19e: {  	[sflag:s25] =	ssyncset.done $0x0  }
0x19f: {  	[sflag:s25] =	ssyncadd.s32 $0xFFFFC000  }
0x1a0: {  	_ =	swait.ge [sflag:s23], $0x80  }
0x1a1: {  	s26 =	simm.s32 $0x4E;
	[sflag:s23] =	ssyncset.done $0x0  }
.LBB2_8:
0x1a2: {  	p0 =	sne.s32 s26, $0x1;
	s26 =	sadd.s32 $0xFFFFFFFF, s26;
	[sflag:s23] =	ssyncadd.s32 $0xFFFFFF80  }
.Ltmp3:
0x1a3: {  	(pc) =	sbr.rel @p0 .LBB2_8-.Ltmp3, $3  }
0x1a4: {  	_ =	sdelay $0x1  }
0x1a5: {  	_ =	swait.ge [sflag:s23], $0x80  }
0x1a6: {  	[sflag:s23] =	ssyncset.done $0x0  }
0x1a7: {  	[sflag:s23] =	ssyncadd.s32 $0xFFFFFF80;
	s26 =	sshll.u32 s2, $0x6  }
0x1a8: {  	s28 =	sshrl.u32 s6, $0x3;
	[bflag:$0x0] =	sbarrier.arrive $0xFFFF;
	s26 =	sor.u32 $0x1C03, s26  }
0x1a9: {  	[hbm:s15], [sflag:s26] =	dma.local [spmem:s28], $0x2800  }
0x1aa: {  	s4 =	sadd.s32 $0x1, s4;
	_ =	swait.ge [sflag:s25], $0x2800  }
0x1ab: {  	p0 =	sne.s32 s4, s17;
	[sflag:s25] =	ssyncset.done $0x0  }
.Ltmp4:
0x1ac: {  	s31 =	sshrl.u32 s11, $0x3;
	[sflag:s25] =	ssyncadd.s32 $0xFFFFD800;
	(pc) =	sbr.rel @p0 .LBB2_1-.Ltmp4, $4  }
0x1ad: {  	[hbm:s16], [sflag:s26] =	dma.local [spmem:s31], $0x50  }
0x1ae: {  	_ =	swait.ge [sflag:s25], $0x50  }
0x1af: {  	[sflag:s25] =	ssyncset.done $0x0  }
0x1b0: {  	[sflag:s25] =	ssyncadd.s32 $0xFFFFFFB0  }
0x1b1: {  	_ =	sfence.sel $0x180000  }
0x1b2: {  	[bflag:$0x0] =	sbarrier.arrive $0xFFFF  }
0x1b3: {  	p0 =	sne.s32 s2, $0x0;
	_ =	strace $0x9000004A  }
0x1b4: {  	s0 =	sadd.s32 @!p0 $0x100000, s0;
	[bflag:$0x2] =	sbarrier.arrive $0xFFFF  }
0x1b5: {  	[sflag:s0] =	ssyncadd.tile.s32 @!p0 $0x1;
	_ =	shalt  }
.Lfunc_end2:
_tile_overlayer_lowered:
.L_overlay_start_2:
0x1b6: {  	(tag) =	ssettag $0x2  }
0x1b7: {  	s0 =	rddreg [dreg:$0x0];
	s2 =	stileid.u32  }
0x1b8: {  	s1 =	rddreg [dreg:$0x1];
	p0 =	sne.s32 s2, $0x0  }
0x1b9: {  	s3 =	rddreg [dreg:$0x2];
	[bflag:$0x3] =	sbarrier.arrive $0xFFFF;
	s2 =	simm.s32 @!p0 $0x1C03  }
0x1ba: {  	[timem:s3], [sflag:s2] =	dma.local @!p0 [hbm:s0], s1  }
0x1bb: {  	s0 =	simm.s32 @!p0 $0x3  }
0x1bc: {  	_ =	swait.ge @!p0 [sflag:s0], s1  }
0x1bd: {  	s1 =	ssub.s32 @!p0 $0x0, s1;
	[sflag:s0] =	ssyncset.done @!p0 $0x0  }
0x1be: {  	[sflag:s0] =	ssyncadd.s32 @!p0 s1  }
0x1bf: {  	[bflag:$0x3] =	sbarrier.arrive $0xFFFF  }
0x1c0: {  	_ =	shalt  }

// kernel: kernel.7.cloned.1.call-start
scs
__scs_entry_jumppad:
0x0: {  	(pc) =	sbr.rel $0x88, $3  }
0x1: {  	(tag) =	ssettag $0x0;
	lr =	simm.s32 $0x1  }
0x2: {  	[smem:$0x3F90] =	sst lr;
	_ =	strace $0xD0000000  }
0x3: {  	_ = 	snop  }
0x4: {  	_ = 	snop  }
0x5: {  	_ = 	snop  }
0x6: {  	_ = 	snop  }
0x7: {  	_ = 	snop  }
__scs_overlays_trampoline_lowered:
0x8: {  	[smem:$0x3F9F] =	sst s0  }
0x9: {  	[smem:$0x3FA0] =	sst s1  }
0xa: {  	[smem:$0x3FA1] =	sst s2  }
0xb: {  	[smem:$0x3FA2] =	sst s3  }
0xc: {  	[smem:$0x3FA3] =	sst s4  }
0xd: {  	[smem:$0x3FA4] =	sst s5  }
0xe: {  	[smem:$0x3FA5] =	sst s6  }
0xf: {  	[smem:$0x3FA6] =	sst s7  }
0x10: {  	[smem:$0x3FA7] =	sst s8  }
0x11: {  	[smem:$0x3FA8] =	sst s9;
	s0 =	simm.s32 @!p0 $0x0  }
0x12: {  	s1 =	sld [smem:$0x3F8E];
	s0 =	simm.s32 @p0 $0x1  }
0x13: {  	[smem:$0x3FA9] =	sst s0;
	s0 =	simm.s32 @!p1 $0x0  }
0x14: {  	s2 =	sld [smem:$0x3F8D];
	s0 =	simm.s32 @p1 $0x1  }
0x15: {  	[smem:$0x3FAA] =	sst s0;
	s0 =	simm.s32 @!p2 $0x0  }
0x16: {  	s3 =	sld [smem:$0x3FDB];
	s0 =	simm.s32 @p2 $0x1  }
0x17: {  	s4 =	simm.s32 $0x1BF5;
	[smem:$0x3FAC] =	sst s0  }
0x18: {  	s0 =	sld [smem:$0x3F8F];
	_ =	swait.ge [sflag:s4], $0x0  }
0x19: {  	s7 =	sld [smem:$0x3F90]  }
0x1a: {  	s8 =	sadd.s32 $0xFFFFE003, lr  }
0x1b: {  	s9 =	sadd.s32 $0xFFFFFEF7, lr;
	s5 =	simm.s32 $0xFFFFFFFF;
	p2 =	slt.u32 s8, $0xFFFFF086  }
0x1c: {  	p1 =	slt.u32 s9, $0xF7A;
	s5 =	simm.s32 @!p2 $0x0  }
0x1d: {  	s5 =	simm.s32 @p1 $0x1;
	p0 =	seq.s32 s7, s2  }
0x1e: {  	s7 =	smul.u32 @!p0 $0xF7A, s2;
	p2 =	seq.s32 @!p0 s5, $0x0  }
0x1f: {  	s9 =	smul.u32 $0xF7A, s1;
	s8 =	simm.s32 @!p0 $0x1BF5;
	p2 =	por !p2, p0  }
0x20: {  	[sflag:s8] =	ssyncset.s32 @!p0 $0xFFFFF086;
	s6 =	sadd.s32 @!p0 s3, s7;
	s7 =	simm.s32 @!p0 $0x108  }
0x21: {  	s3 =	sadd.s32 s3, s9;
	s6 =	sadd.s32 @!p0 $0x88, s6;
	s7 =	simm.s32 @p2 $0x1082  }
0x22: {  	[simem:s7], [sflag:s8] =	dma.local @!p0 [hbm:s6], $0xF7A  }
0x23: {  	s9 =	sor.u32 $0xD0000000, s2;
	s6 =	simm.s32 $0x108;
	_ =	swait.ge @!p0 [sflag:s8], $0x0  }
0x24: {  	s3 =	sadd.s32 $0x88, s3;
	s6 =	simm.s32 @!p1 $0x1082;
	[sflag:s4] =	ssyncset.s32 $0xFFFFF086  }
0x25: {  	[simem:s6], [sflag:s4] =	dma.local [hbm:s3], $0xF7A  }
0x26: {  	[smem:$0x3F90] =	sst s1;
	(tag) =	ssettag s2;
	_ =	strace s9  }
0x27: {  	s1 =	sld [smem:$0x3FA0]  }
0x28: {  	s2 =	sld [smem:$0x3FA1]  }
0x29: {  	s4 =	sld [smem:$0x3FA3]  }
0x2a: {  	p0 =	seq.s32 s5, $0x0;
	s5 =	sld [smem:$0x3FA4]  }
0x2b: {  	s6 =	sld [smem:$0x3FA5]  }
0x2c: {  	s7 =	sld [smem:$0x3FA6]  }
0x2d: {  	s3 =	simm.s32 $0x108;
	s8 =	sld [smem:$0x3FA7]  }
0x2e: {  	s3 =	simm.s32 @!p0 $0x1082;
	s9 =	sld [smem:$0x3FA8]  }
0x2f: {  	lr =	sadd.s32 s0, s3;
	s0 =	sld [smem:$0x3F9F]  }
0x30: {  	s3 =	sld [smem:$0x3FA2]  }
0x31: {  	[smem:$0x3FAB] =	sst s10  }
0x32: {  	s10 =	sld [smem:$0x3FA9];
	_ =	sdelay $0x3  }
0x33: {  	p0 =	seq.s32 s10, $0x1;
	s10 =	sld [smem:$0x3FAB];
	_ =	sdelay $0x3  }
0x34: {  	[smem:$0x3FAB] =	sst s10  }
0x35: {  	s10 =	sld [smem:$0x3FAA];
	_ =	sdelay $0x3  }
0x36: {  	p1 =	seq.s32 s10, $0x1;
	s10 =	sld [smem:$0x3FAB];
	_ =	sdelay $0x3  }
0x37: {  	[smem:$0x3FAB] =	sst s10  }
0x38: {  	s10 =	sld [smem:$0x3FAC]  }
0x39: {  	_ = 	snop;
	(pc) =	sbr.ind lr, $3  }
0x3a: {  	_ = 	snop  }
0x3b: {  	_ = 	snop  }
0x3c: {  	p2 =	seq.s32 s10, $0x1;
	s10 =	sld [smem:$0x3FAB]  }
0x3d: {  	_ =	shalt  }
0x3e: {  	_ =	shalt  }
0x3f: {  	_ =	shalt  }
0x40: {  	_ =	shalt  }
0x41: {  	_ =	shalt  }
0x42: {  	_ =	shalt  }
0x43: {  	_ =	shalt  }
0x44: {  	_ =	shalt  }
0x45: {  	_ =	shalt  }
0x46: {  	_ =	shalt  }
0x47: {  	_ =	shalt  }
0x48: {  	_ =	shalt  }
0x49: {  	_ =	shalt  }
0x4a: {  	_ =	shalt  }
0x4b: {  	_ =	shalt  }
0x4c: {  	_ =	shalt  }
0x4d: {  	_ =	shalt  }
0x4e: {  	_ =	shalt  }
0x4f: {  	_ =	shalt  }
0x50: {  	_ =	shalt  }
0x51: {  	_ =	shalt  }
0x52: {  	_ =	shalt  }
0x53: {  	_ =	shalt  }
0x54: {  	_ =	shalt  }
0x55: {  	_ =	shalt  }
0x56: {  	_ =	shalt  }
0x57: {  	_ =	shalt  }
0x58: {  	_ =	shalt  }
0x59: {  	_ =	shalt  }
0x5a: {  	_ =	shalt  }
0x5b: {  	_ =	shalt  }
0x5c: {  	_ =	shalt  }
0x5d: {  	_ =	shalt  }
0x5e: {  	_ =	shalt  }
0x5f: {  	_ =	shalt  }
0x60: {  	_ =	shalt  }
0x61: {  	_ =	shalt  }
0x62: {  	_ =	shalt  }
0x63: {  	_ =	shalt  }
0x64: {  	_ =	shalt  }
0x65: {  	_ =	shalt  }
0x66: {  	_ =	shalt  }
0x67: {  	_ =	shalt  }
0x68: {  	_ =	shalt  }
0x69: {  	_ =	shalt  }
0x6a: {  	_ =	shalt  }
0x6b: {  	_ =	shalt  }
0x6c: {  	_ =	shalt  }
0x6d: {  	_ =	shalt  }
0x6e: {  	_ =	shalt  }
0x6f: {  	_ =	shalt  }
0x70: {  	_ =	shalt  }
0x71: {  	_ =	shalt  }
0x72: {  	_ =	shalt  }
0x73: {  	_ =	shalt  }
0x74: {  	_ =	shalt  }
0x75: {  	_ =	shalt  }
0x76: {  	_ =	shalt  }
0x77: {  	_ =	shalt  }
0x78: {  	_ =	shalt  }
0x79: {  	_ =	shalt  }
0x7a: {  	_ =	shalt  }
0x7b: {  	_ =	shalt  }
0x7c: {  	_ =	shalt  }
0x7d: {  	_ =	shalt  }
0x7e: {  	_ =	shalt  }
0x7f: {  	_ =	shalt  }
0x80: {  	_ =	shalt  }
0x81: {  	_ =	shalt  }
0x82: {  	_ =	shalt  }
0x83: {  	_ =	shalt  }
0x84: {  	_ =	shalt  }
0x85: {  	_ =	shalt  }
0x86: {  	_ =	shalt  }
0x87: {  	_ =	shalt  }
.Lfunc_end0:
.L_simem_size_0:
called_computation_lowered:
.L_overlay_start_0:
0x88: {  	s2 =	sld [smem:$0x3FD9]  }
0x89: {  	s3 =	sld [smem:$0x3FFE];
	_ =	sdelay $0x1  }
0x8a: {  	s1 =	srdreg.scid  }
0x8b: {  	s0 =	sand.u32 $0x1, s1  }
0x8c: {  	s17 =	sshll.u32 s0, $0xA;
	s2 =	sadd.s32 s3, s2  }
0x8d: {  	s2 =	sadd.s32 s2, s17  }
0x8e: {  	[smem:$0x3FB7] =	sst s2  }
0x8f: {  	_ = 	snop  }
0x90: {  	s2 =	sld [smem:$0x3FC9]  }
0x91: {  	s18 =	sld [smem:$0x3FD0];
	(tm) =	ssettm $0x1  }
0x92: {  	s4 =	sld [smem:$0x3FFB];
	_ =	sdelay $0x3  }
0x93: {  	_ =	strace s4  }
0x94: {  	s4 =	sld [smem:$0x3FFC];
	_ =	sdelay $0x3  }
0x95: {  	_ =	strace s4  }
0x96: {  	s4 =	sld [smem:$0x3FFD];
	_ =	sdelay $0x3  }
0x97: {  	_ =	strace s4  }
0x98: {  	_ =	strace $0x8FFFFFFF  }
0x99: {  	s19 =	sld [smem:$0x3FDB];
	_ =	sdelay $0x1  }
0x9a: {  	s5 =	simm.s32 $_scs_section_size  }
0x9b: {  	s6 =	simm.s32 $_size__tile_overlayer_lowered;
	s7 =	simm.s32 $_tile_overlayer_lowered  }
0x9c: {  	s22 =	simm.s32 $0x1BFF;
	s21 =	sshll.u32 s7, $0x1;
	s4 =	sadd.s32 s5, s19  }
0x9d: {  	s8 =	simm.s32 $0x0;
	s20 =	sshll.u32 s6, $0x1;
	s6 =	sadd.s32 s21, s4  }
0x9e: {  	[timem:s8], [sflag:s22] =	dma.local [hbm:s6], s20  }
0x9f: {  	_ =	swait.ge [sflag:s22], s20  }
0xa0: {  	s5 =	ssub.s32 $0x0, s20;
	[sflag:s22] =	ssyncset.done $0x0  }
0xa1: {  	[sflag:s22] =	ssyncadd.s32 s5;
	_ =	sdelay $0x1  }
0xa2: {  	s23 =	simm.s32 $0x1B8B  }
0xa3: {  	_ =	swait.ge [sflag:s23], $0x1  }
0xa4: {  	[sflag:s23] =	ssyncset.done $0x0  }
0xa5: {  	s25 =	simm.s32 $0x1B8E;
	s24 =	sld [smem:$0x3FFE];
	[sflag:s23] =	ssyncadd.s32 $0xFFFFFFFF  }
0xa6: {  	s26 =	simm.s32 $execute0_lowered;
	[smem:$0x3FD2] =	sst s25  }
0xa7: {  	s6 =	sshll.u32 s26, $0x1;
	_ =	strace $0x80000046;
	[dreg:$0x1] =	wrdreg $0xFFFFFFFF  }
0xa8: {  	s28 =	simm.s32 $_size_execute0_lowered;
	s4 =	sadd.s32 s4, s6;
	[dreg:$0x0] =	wrdreg $0x0  }
0xa9: {  	s6 =	sshll.u32 s28, $0x1;
	[dreg:$0x2] =	wrdreg s4  }
0xaa: {  	[dreg:$0x3] =	wrdreg s6  }
0xab: {  	[dreg:$0x4] =	wrdreg $0xC0  }
0xac: {  	_ =	task [dreg:s8], $0x5FFFF  }
0xad: {  	[dreg:$0x1] =	wrdreg $0xFFFFFFFF  }
0xae: {  	[dreg:$0x0] =	wrdreg $0x60  }
0xaf: {  	[dreg:$0x2] =	wrdreg s2  }
0xb0: {  	[dreg:$0x3] =	wrdreg s24  }
0xb1: {  	[dreg:$0x4] =	wrdreg s18  }
0xb2: {  	[dreg:$0x5] =	wrdreg $0xBA800  }
0xb3: {  	[dreg:$0x6] =	wrdreg $0x1FA800  }
0xb4: {  	[dreg:$0x7] =	wrdreg $0x9  }
0xb5: {  	_ =	task.clear_ibuf [dreg:s8], $0x8FFFF;
	_ =	strace $0x90000046  }
0xb6: {  	s29 =	simm.s32 $0x9;
	_ =	strace $0x80000048  }
0xb7: {  	_ =	swait.ge [sflag:s29], $0x1  }
0xb8: {  	[sflag:s29] =	ssyncadd.s32 $0xFFFFFFFF  }
0xb9: {  	_ =	strace $0x90000048  }
0xba: {  	_ =	sfence  }
0xbb: {  	s30 =	sld [smem:$0x0];
	_ =	sdelay $0x2  }
0xbc: {  	s31 =	sshll.u32 s1, $0xD;
	s1 =	sshrl.u32 s1, $0x2  }
0xbd: {  	s3 =	sand.u32 $0x4000, s31;
	s1 =	sadd.s32 s1, s30  }
0xbe: {  	s0 =	sor.u32 s3, s0;
	s1 =	sshll.u32 s1, $0x11  }
0xbf: {  	s0 =	sor.u32 s1, s0  }
0xc0: {  	s0 =	sadd.s32 $0x8F2B, s0  }
0xc1: {  	[sflag:s0] =	ssyncadd.remote.s32 $0x1  }
0xc2: {  	_ =	sfence.sel $0xFFFF  }
0xc3: {  	[dreg:$0x0] =	wrdreg $0xFFFFFFFF;
	(pc) =	sbr.abs _section_cstart, $3  }
0xc4: {  	[dreg:$0x1] =	wrdreg $0xFFFFFFFF  }
0xc5: {  	_ =	task.clear_ibuf [dreg:s8], $0x2FFFF;
	_ =	strace $0x9FFFFFFF  }
0xc6: {  	(tm) =	ssettm $0x7FFFFFFF  }
0xc7: {  	_ =	shalt  }
tec
execute0_lowered:
.L_overlay_start_1:
0x0: {  	(tag) =	ssettag $0x1  }
0x1: {  	s1 =	rddreg [dreg:$0x0]  }
0x2: {  	s7 =	rddreg [dreg:$0x1]  }
0x3: {  	s14 =	rddreg [dreg:$0x2]  }
0x4: {  	s3 =	rddreg [dreg:$0x3]  }
0x5: {  	s0 =	srdreg.scid;
	s4 =	rddreg [dreg:$0x4]  }
0x6: {  	s5 =	simm.s32 $0x0;
	s19 =	simm.s32 $0xB800;
	s6 =	sand.u32 $0x1, s0  }
0x7: {  	s20 =	simm.s32 $0x2800;
	s0 =	stileid.u32;
	s8 =	smul.u32 $0x140000, s6  }
0x8: {  	s21 =	simm.s32 $0x5000;
	s22 =	simm.s32 $0x1;
	s9 =	smul.u32 $0x14000, s0  }
0x9: {  	s23 =	simm.s32 $0x2;
	s24 =	simm.s32 $0x80;
	s11 =	smul.u32 $0x280, s0  }
0xa: {  	s25 =	simm.s32 $0x3;
	s2 =	sshll.u32 s6, $0x4;
	s26 =	smul.u32 $0x2800, s6  }
0xb: {  	s10 =	smul.u32 $0x50000, s0;
	s29 =	ssub.s32 $0x2, s6;
	s2 =	sor.u32 s0, s2  }
0xc: {  	[smem:$0x7FF] =	sst s5;
	s31 =	sshrl.u32 s29, $0x1;
	s15 =	smul.u32 $0x500, s2  }
0xd: {  	s2 =	rddreg [dreg:$0x5];
	s8 =	sadd.s32 s9, s8;
	_ =	strace $0x80000047  }
0xe: {  	s28 =	sadd.s32 s11, s26;
	s30 =	sshrl.u32 s10, $0x2;
	s18 =	ssub.s32 s29, s31  }
0xf: {  	s11 =	sadd.s32 s11, s4;
	s8 =	sshrl.u32 s8, $0x3;
	s6 =	sadd.s32 s30, s3  }
0x10: {  	s13 =	sadd.s32 s15, s7;
	s16 =	sadd.s32 s8, s7;
	s8 =	sshrl.u32 s28, $0x3  }
0x11: {  	s9 =	sadd.s32 $0xC000, s6;
	s10 =	sadd.s32 $0x10000, s6;
	s14 =	sadd.s32 s14, s15  }
0x12: {  	s17 =	sadd.s32 s8, s7;
	s7 =	sadd.s32 $0x4000, s6;
	s8 =	sadd.s32 $0x8000, s6  }
0x13: {  	s12 =	sadd.s32 $0x2200, s13;
	s13 =	sadd.s32 $0xC200, s13;
	s15 =	sadd.s32 $0x16200, s16  }
0x14: {  	v0 =	vimm.f32 $0.0e+00;
	s16 =	sadd.s32 $0x66200, s17;
	s17 =	smax.u32 s18, $0x1;
	s18 =	simm.s32 $0x7800  }
.LBB2_1:
0x15: {  	s26 =	simm.s32 $0x0;
	s28 =	simm.s32 $0x200  }
.LBB2_2:
0x16: {  	p0 =	sne.s32 s28, $0xFE00;
	[tilespmem:s26+$0x7870] =	vst v0  }
0x17: {  	[tilespmem:s26+$0x7800] =	vst v0  }
0x18: {  	[tilespmem:s26+$0x7810] =	vst v0  }
.Ltmp0:
0x19: {  	[tilespmem:s26+$0x7820] =	vst v0;
	(pc) =	sbr.rel @p0 .LBB2_2-.Ltmp0, $4  }
0x1a: {  	[tilespmem:s26+$0x7830] =	vst v0  }
0x1b: {  	[tilespmem:s26+$0x7840] =	vst v0  }
0x1c: {  	[tilespmem:s26+$0x7850] =	vst v0  }
0x1d: {  	[tilespmem:s26+$0x7860] =	vst v0;
	s26 =	sshra.s32 s28, $0x2;
	s28 =	sadd.s32 $0x200, s28  }
0x1e: {  	[tilespmem:s26+$0x7870] =	vst v0  }
0x1f: {  	[tilespmem:s26+$0x7800] =	vst v0  }
0x20: {  	[tilespmem:s26+$0x7810] =	vst v0  }
0x21: {  	[tilespmem:s26+$0x7820] =	vst v0  }
0x22: {  	[tilespmem:s26+$0x7830] =	vst v0  }
0x23: {  	[tilespmem:s26+$0x7840] =	vst v0  }
0x24: {  	[tilespmem:s26+$0x7850] =	vst v0  }
0x25: {  	[tilespmem:s26+$0x7860] =	vst v0  }
0x26: {  	[tilespmem:$0xB800] =	vst v0  }
0x27: {  	[tilespmem:$0xB810] =	vst v0  }
0x28: {  	[tilespmem:$0xB820] =	vst v0  }
0x29: {  	[tilespmem:$0xB830] =	vst v0  }
0x2a: {  	[tilespmem:$0xB840] =	vst v0  }
0x2b: {  	[tilespmem:$0xB850] =	vst v0  }
0x2c: {  	[tilespmem:$0xB860] =	vst v0  }
0x2d: {  	[tilespmem:$0xB870] =	vst v0  }
0x2e: {  	[tilespmem:$0xB880] =	vst v0  }
0x2f: {  	[tilespmem:$0xB890] =	vst v0  }
0x30: {  	[tilespmem:$0xB8A0] =	vst v0  }
0x31: {  	[tilespmem:$0xB8B0] =	vst v0  }
0x32: {  	[tilespmem:$0xB8C0] =	vst v0  }
0x33: {  	[tilespmem:$0xB8D0] =	vst v0  }
0x34: {  	[tilespmem:$0xB8E0] =	vst v0  }
0x35: {  	[tilespmem:$0xB8F0] =	vst v0  }
0x36: {  	[tilespmem:$0xB900] =	vst v0  }
0x37: {  	[tilespmem:$0xB910] =	vst v0  }
0x38: {  	[tilespmem:$0xB920] =	vst v0  }
0x39: {  	[tilespmem:$0xB930] =	vst v0  }
0x3a: {  	[tilespmem:$0xB940] =	vst v0  }
0x3b: {  	[tilespmem:$0xB950] =	vst v0  }
0x3c: {  	[tilespmem:$0xB960] =	vst v0  }
0x3d: {  	[tilespmem:$0xB970] =	vst v0  }
0x3e: {  	[tilespmem:$0xB980] =	vst v0  }
0x3f: {  	[tilespmem:$0xB990] =	vst v0  }
0x40: {  	[tilespmem:$0xB9A0] =	vst v0  }
0x41: {  	[tilespmem:$0xB9B0] =	vst v0  }
0x42: {  	[tilespmem:$0xB9C0] =	vst v0  }
0x43: {  	[tilespmem:$0xB9D0] =	vst v0  }
0x44: {  	[tilespmem:$0xB9E0] =	vst v0  }
0x45: {  	[tilespmem:$0xB9F0] =	vst v0  }
0x46: {  	[tilespmem:$0xBA00] =	vst v0  }
0x47: {  	[tilespmem:$0xBA10] =	vst v0  }
0x48: {  	[tilespmem:$0xBA20] =	vst v0  }
0x49: {  	[tilespmem:$0xBA30] =	vst v0  }
0x4a: {  	[tilespmem:$0xBA40] =	vst v0  }
0x4b: {  	[tilespmem:$0xBA50] =	vst v0  }
0x4c: {  	[tilespmem:$0xBA60] =	vst v0  }
0x4d: {  	[tilespmem:$0xBA70] =	vst v0  }
0x4e: {  	[spmem:s6] =	stream.linear.scatter [tilespmem:s18], [sflag:$0x1], $0x4000, $0x38;
	[tilespmem:$0x1FD00] =	vst v63  }
0x4f: {  	_ = 	snop  }
0x50: {  	[spmem:s7] =	stream.linear.scatter [tilespmem:s18], [sflag:$0x1], $0x4000, $0x38;
	[tilespmem:$0x1FD00] =	vst v63  }
0x51: {  	_ = 	snop  }
0x52: {  	[spmem:s8] =	stream.linear.scatter [tilespmem:s18], [sflag:$0x1], $0x4000, $0x38;
	[tilespmem:$0x1FD00] =	vst v63  }
0x53: {  	_ = 	snop  }
0x54: {  	[spmem:s9] =	stream.linear.scatter [tilespmem:s18], [sflag:$0x1], $0x4000, $0x38;
	[tilespmem:$0x1FD00] =	vst v63  }
0x55: {  	_ = 	snop  }
0x56: {  	[spmem:s10] =	stream.linear.scatter [tilespmem:s18], [sflag:$0x1], $0x4000, $0x38;
	[tilespmem:$0x1FD00] =	vst v63  }
0x57: {  	_ = 	snop  }
0x58: {  	[spmem:s11] =	stream.linear.scatter [tilespmem:s19], [sflag:$0x1], $0x280, $0x38;
	[tilespmem:$0x1FD00] =	vst v63  }
0x59: {  	s26 =	simm.s32 $0x0  }
0x5a: {  	[tilespmem:s26], [sflag:$0x2] =	stream.linear.gather [hbm4b:s12+s26], $0x2780, $0x38;
	[tilespmem:$0x1FD00] =	vst v63  }
0x5b: {  	_ = 	snop  }
0x5c: {  	[tilespmem:s20], [sflag:$0x2] =	stream.linear.gather [hbm4b:s13+s26], $0x2780, $0x38;
	[tilespmem:$0x1FD00] =	vst v63  }
0x5d: {  	_ = 	snop  }
0x5e: {  	[tilespmem:s21], [sflag:$0x2] =	stream.linear.gather [hbm4b:s14+s26], $0x2780, $0x38;
	[tilespmem:$0x1FD00] =	vst v63  }
0x5f: {  	_ =	swait.ge [sflag:s22], $0x4000  }
0x60: {  	[sflag:s22] =	ssyncset.done $0x0  }
0x61: {  	[sflag:s22] =	ssyncadd.s32 $0xFFFFC000  }
0x62: {  	_ =	swait.ge [sflag:s22], $0x4000  }
0x63: {  	[sflag:s22] =	ssyncset.done $0x0  }
0x64: {  	[sflag:s22] =	ssyncadd.s32 $0xFFFFC000  }
0x65: {  	_ =	swait.ge [sflag:s22], $0x4000  }
0x66: {  	[sflag:s22] =	ssyncset.done $0x0  }
0x67: {  	[sflag:s22] =	ssyncadd.s32 $0xFFFFC000  }
0x68: {  	_ =	swait.ge [sflag:s22], $0x4000  }
0x69: {  	[sflag:s22] =	ssyncset.done $0x0  }
0x6a: {  	[sflag:s22] =	ssyncadd.s32 $0xFFFFC000  }
0x6b: {  	_ =	swait.ge [sflag:s22], $0x4000  }
0x6c: {  	[sflag:s22] =	ssyncset.done $0x0  }
0x6d: {  	[sflag:s22] =	ssyncadd.s32 $0xFFFFC000  }
0x6e: {  	_ =	swait.ge [sflag:s22], $0x280  }
0x6f: {  	[sflag:s22] =	ssyncset.done $0x0  }
0x70: {  	[sflag:s22] =	ssyncadd.s32 $0xFFFFFD80  }
0x71: {  	_ =	swait.ge [sflag:s23], $0x2780  }
0x72: {  	[sflag:s23] =	ssyncset.done $0x0  }
0x73: {  	[sflag:s23] =	ssyncadd.s32 $0xFFFFD880  }
0x74: {  	_ =	swait.ge [sflag:s23], $0x2780  }
0x75: {  	[sflag:s23] =	ssyncset.done $0x0  }
0x76: {  	[sflag:s23] =	ssyncadd.s32 $0xFFFFD880  }
0x77: {  	_ =	swait.ge [sflag:s23], $0x2780  }
0x78: {  	[sflag:s23] =	ssyncset.done $0x0  }
0x79: {  	[sflag:s23] =	ssyncadd.s32 $0xFFFFD880  }
0x7a: {  	[bflag:$0x0] =	sbarrier.arrive $0xFFFF  }
.LBB2_4:
0x7b: {  	s28 =	sshll.u32 s26, $0x7  }
0x7c: {  	[tilespmem:s18], [sflag:$0x1] =	stream.indirect.gather [hbm4b:s1+s24], $0x80, s28, s24, $0xb8;
	[tilespmem:$0x1FD00] =	vst v63  }
0x7d: {  	s29 =	sadd.s32 $0x5000, s28;
	_ =	swait.ge [sflag:s22], $0x4000  }
0x7e: {  	v1 =	vmov s29;
	[sflag:s22] =	ssyncset.done $0x0  }
0x7f: {  	s28 =	sadd.s32 $0x2800, s28;
	[sflag:s22] =	ssyncadd.s32 $0xFFFFC000  }
0x80: {  	[spmem:s4] =	stream.indirect.scatter.add.f32 [tilespmem:s29], [sflag:$0x2], $0x1, s28, s24, $0xb8;
	[tilespmem:$0x1FD00] =	vst v63  }
0x81: {  	s29 =	simm.s32 $0x0  }
0x82: {  	s30 =	simm.s32 $0x0;
	s29 =	sand.u32 $0x3FFFFFF0, s29  }
0x83: {  	v2 =	vld.idx.msk [tilespmem:v1+s29+$0x0 ss:$0x1], $0xffff;
	s29 =	sand.u32 $0x3FFFF800, s30  }
0x84: {  	v8 =	vld [tilespmem:s29+$0x78C0]  }
0x85: {  	v4 =	vld [tilespmem:s29+$0x7820]  }
0x86: {  	v5 =	vld [tilespmem:s29+$0x7830]  }
0x87: {  	v11 =	vld [tilespmem:s29+$0x7860]  }
0x88: {  	v12 =	vld [tilespmem:s29+$0x7870];
	v3 =	vbroadcast v2, $0x0  }
0x89: {  	v13 =	vld [tilespmem:s29+$0x7880]  }
0x8a: {  	v14 =	vld [tilespmem:s29+$0x7890];
	v4 =	vmul.f32 v4, v3  }
0x8b: {  	v15 =	vld [tilespmem:s29+$0x78A0];
	v5 =	vmul.f32 v5, v3  }
0x8c: {  	v10 =	vld [tilespmem:s29+$0x78B0];
	v21 =	vbroadcast v2, $0x1;
	v20 =	vmul.f32 v11, v3;
	[tilespmem:s29+$0x7820] =	vst v4  }
0x8d: {  	v9 =	vld [tilespmem:s29+$0x78D0];
	v12 =	vmul.f32 v12, v3;
	[tilespmem:s29+$0x7830] =	vst v5  }
0x8e: {  	v7 =	vld [tilespmem:s29+$0x7D70];
	v13 =	vmul.f32 v13, v21;
	[tilespmem:s29+$0x7860] =	vst v20  }
0x8f: {  	v23 =	vld [tilespmem:s29+$0x78F0];
	v14 =	vmul.f32 v14, v21;
	[tilespmem:s29+$0x7870] =	vst v12  }
0x90: {  	v24 =	vld [tilespmem:s29+$0x7900];
	v15 =	vmul.f32 v15, v21;
	[tilespmem:s29+$0x7880] =	vst v13  }
0x91: {  	v25 =	vld [tilespmem:s29+$0x7910];
	v10 =	vmul.f32 v10, v21;
	[tilespmem:s29+$0x7890] =	vst v14  }
0x92: {  	v22 =	vld [tilespmem:s29+$0x78E0];
	v8 =	vmul.f32 v8, v21;
	[tilespmem:s29+$0x78A0] =	vst v15  }
0x93: {  	v26 =	vld [tilespmem:s29+$0x7920];
	v16 =	vbroadcast v2, $0x2;
	v9 =	vmul.f32 v9, v21;
	[tilespmem:s29+$0x78B0] =	vst v10  }
0x94: {  	v27 =	vld [tilespmem:s29+$0x7930];
	v11 =	vmul.f32 v23, v21;
	[tilespmem:s29+$0x78C0] =	vst v8  }
0x95: {  	v28 =	vld [tilespmem:s29+$0x7940];
	v6 =	vbroadcast v2, $0xA;
	v30 =	vmul.f32 v24, v16;
	[tilespmem:s29+$0x78D0] =	vst v9  }
0x96: {  	v29 =	vld [tilespmem:s29+$0x7950];
	v32 =	vmul.f32 v25, v16;
	[tilespmem:s29+$0x78F0] =	vst v11  }
0x97: {  	v31 =	vld [tilespmem:s29+$0x7960];
	v4 =	vmul.f32 v7, v6;
	[tilespmem:s29+$0x7900] =	vst v30  }
0x98: {  	v33 =	vld [tilespmem:s29+$0x7970];
	v12 =	vmul.f32 v22, v21;
	[tilespmem:s29+$0x7910] =	vst v32  }
0x99: {  	v34 =	vld [tilespmem:s29+$0x7980];
	v10 =	vmul.f32 v26, v16;
	[tilespmem:s29+$0x7D70] =	vst v4  }
0x9a: {  	v35 =	vld [tilespmem:s29+$0x7990];
	v8 =	vmul.f32 v27, v16;
	[tilespmem:s29+$0x78E0] =	vst v12  }
0x9b: {  	v36 =	vld [tilespmem:s29+$0x79A0];
	v9 =	vmul.f32 v28, v16;
	[tilespmem:s29+$0x7920] =	vst v10  }
0x9c: {  	v37 =	vld [tilespmem:s29+$0x79B0];
	v39 =	vbroadcast v2, $0x3;
	v11 =	vmul.f32 v31, v16;
	[tilespmem:s29+$0x7930] =	vst v8  }
0x9d: {  	v38 =	vld [tilespmem:s29+$0x79C0];
	v13 =	vmul.f32 v33, v16;
	[tilespmem:s29+$0x7940] =	vst v9  }
0x9e: {  	v40 =	vld [tilespmem:s29+$0x79D0];
	v14 =	vmul.f32 v34, v39;
	[tilespmem:s29+$0x7960] =	vst v11  }
0x9f: {  	v41 =	vld [tilespmem:s29+$0x79E0];
	v12 =	vmul.f32 v29, v16;
	[tilespmem:s29+$0x7970] =	vst v13  }
0xa0: {  	v42 =	vld [tilespmem:s29+$0x79F0];
	v10 =	vmul.f32 v35, v39;
	[tilespmem:s29+$0x7980] =	vst v14  }
0xa1: {  	v43 =	vld [tilespmem:s29+$0x7A00];
	v8 =	vmul.f32 v36, v39;
	[tilespmem:s29+$0x7950] =	vst v12  }
0xa2: {  	v44 =	vld [tilespmem:s29+$0x7A10];
	v9 =	vmul.f32 v37, v39;
	[tilespmem:s29+$0x7990] =	vst v10  }
0xa3: {  	v45 =	vld [tilespmem:s29+$0x7A20];
	v11 =	vmul.f32 v40, v39;
	[tilespmem:s29+$0x79A0] =	vst v8  }
0xa4: {  	v46 =	vld [tilespmem:s29+$0x7A30];
	v13 =	vmul.f32 v41, v39;
	[tilespmem:s29+$0x79B0] =	vst v9  }
0xa5: {  	v47 =	vld [tilespmem:s29+$0x7A40];
	v48 =	vbroadcast v2, $0x4;
	v14 =	vmul.f32 v42, v39;
	[tilespmem:s29+$0x79D0] =	vst v11  }
0xa6: {  	v49 =	vld [tilespmem:s29+$0x7A50];
	v12 =	vmul.f32 v38, v39;
	[tilespmem:s29+$0x79E0] =	vst v13  }
0xa7: {  	v50 =	vld [tilespmem:s29+$0x7A60];
	v10 =	vmul.f32 v43, v48;
	[tilespmem:s29+$0x79F0] =	vst v14  }
0xa8: {  	v51 =	vld [tilespmem:s29+$0x7A70];
	v8 =	vmul.f32 v44, v48;
	[tilespmem:s29+$0x79C0] =	vst v12  }
0xa9: {  	v52 =	vld [tilespmem:s29+$0x7A80];
	v9 =	vmul.f32 v45, v48;
	[tilespmem:s29+$0x7A00] =	vst v10  }
0xaa: {  	v53 =	vld [tilespmem:s29+$0x7A90];
	v11 =	vmul.f32 v47, v48;
	[tilespmem:s29+$0x7A10] =	vst v8  }
0xab: {  	v54 =	vld [tilespmem:s29+$0x7AA0];
	v13 =	vmul.f32 v49, v48;
	[tilespmem:s29+$0x7A20] =	vst v9  }
0xac: {  	v55 =	vld [tilespmem:s29+$0x7AB0];
	v14 =	vmul.f32 v50, v48;
	[tilespmem:s29+$0x7A40] =	vst v11  }
0xad: {  	v56 =	vld [tilespmem:s29+$0x7AC0];
	v57 =	vbroadcast v2, $0x5;
	v12 =	vmul.f32 v46, v48;
	[tilespmem:s29+$0x7A50] =	vst v13  }
0xae: {  	v58 =	vld [tilespmem:s29+$0x7AD0];
	v10 =	vmul.f32 v51, v48;
	[tilespmem:s29+$0x7A60] =	vst v14  }
0xaf: {  	v59 =	vld [tilespmem:s29+$0x7AE0];
	v8 =	vmul.f32 v52, v57;
	[tilespmem:s29+$0x7A30] =	vst v12  }
0xb0: {  	v60 =	vld [tilespmem:s29+$0x7AF0];
	v9 =	vmul.f32 v53, v57;
	[tilespmem:s29+$0x7A70] =	vst v10  }
0xb1: {  	v61 =	vld [tilespmem:s29+$0x7B00];
	v11 =	vmul.f32 v55, v57;
	[tilespmem:s29+$0x7A80] =	vst v8  }
0xb2: {  	v62 =	vld [tilespmem:s29+$0x7B10];
	v13 =	vmul.f32 v56, v57;
	[tilespmem:s29+$0x7A90] =	vst v9  }
0xb3: {  	v63 =	vld [tilespmem:s29+$0x7B20];
	v14 =	vmul.f32 v58, v57;
	[tilespmem:s29+$0x7AB0] =	vst v11  }
0xb4: {  	v20 =	vld [tilespmem:s29+$0x7B30];
	v12 =	vmul.f32 v54, v57;
	[tilespmem:s29+$0x7AC0] =	vst v13  }
0xb5: {  	v21 =	vld [tilespmem:s29+$0x7B40];
	v22 =	vbroadcast v2, $0x6;
	v10 =	vmul.f32 v59, v57;
	[tilespmem:s29+$0x7AD0] =	vst v14  }
0xb6: {  	v23 =	vld [tilespmem:s29+$0x7B50];
	v8 =	vmul.f32 v60, v57;
	[tilespmem:s29+$0x7AA0] =	vst v12  }
0xb7: {  	v24 =	vld [tilespmem:s29+$0x7B60];
	v9 =	vmul.f32 v61, v22;
	[tilespmem:s29+$0x7AE0] =	vst v10  }
0xb8: {  	v25 =	vld [tilespmem:s29+$0x7B70];
	v11 =	vmul.f32 v63, v22;
	[tilespmem:s29+$0x7AF0] =	vst v8  }
0xb9: {  	v5 =	vld [tilespmem:s29+$0x7D80];
	v13 =	vmul.f32 v20, v22;
	[tilespmem:s29+$0x7B00] =	vst v9  }
0xba: {  	v27 =	vld [tilespmem:s29+$0x7B90];
	v14 =	vmul.f32 v21, v22;
	[tilespmem:s29+$0x7B20] =	vst v11  }
0xbb: {  	v28 =	vld [tilespmem:s29+$0x7BA0];
	v12 =	vmul.f32 v62, v22;
	[tilespmem:s29+$0x7B30] =	vst v13  }
0xbc: {  	v29 =	vld [tilespmem:s29+$0x7BB0];
	v10 =	vmul.f32 v23, v22;
	[tilespmem:s29+$0x7B40] =	vst v14  }
0xbd: {  	v31 =	vbroadcast v2, $0x7;
	v53 =	vld [tilespmem:s29+$0x7D00];
	v8 =	vmul.f32 v24, v22;
	[tilespmem:s29+$0x7B10] =	vst v12  }
0xbe: {  	v58 =	vld [tilespmem:s29+$0x7D50];
	v9 =	vmul.f32 v25, v22;
	[tilespmem:s29+$0x7B50] =	vst v10  }
0xbf: {  	v26 =	vld [tilespmem:s29+$0x7B80];
	v11 =	vmul.f32 v27, v31;
	[tilespmem:s29+$0x7B60] =	vst v8  }
0xc0: {  	v30 =	vld [tilespmem:s29+$0x7BC0];
	v13 =	vmul.f32 v28, v31;
	[tilespmem:s29+$0x7B70] =	vst v9  }
0xc1: {  	v32 =	vld [tilespmem:s29+$0x7BD0];
	v14 =	vmul.f32 v29, v31;
	[tilespmem:s29+$0x7B90] =	vst v11  }
0xc2: {  	v33 =	vld [tilespmem:s29+$0x7BE0];
	v59 =	vmul.f32 v53, v6;
	[tilespmem:s29+$0x7BA0] =	vst v13  }
0xc3: {  	v35 =	vld [tilespmem:s29+$0x7C00];
	v21 =	vmul.f32 v58, v6;
	[tilespmem:s29+$0x7BB0] =	vst v14  }
0xc4: {  	v36 =	vld [tilespmem:s29+$0x7C10];
	v12 =	vmul.f32 v26, v31;
	[tilespmem:s29+$0x7D00] =	vst v59  }
0xc5: {  	v37 =	vld [tilespmem:s29+$0x7C20];
	v10 =	vmul.f32 v30, v31;
	[tilespmem:s29+$0x7D50] =	vst v21  }
0xc6: {  	v7 =	vld [tilespmem:s29+$0x7D90];
	v40 =	vbroadcast v2, $0x8;
	v8 =	vmul.f32 v32, v31;
	[tilespmem:s29+$0x7B80] =	vst v12  }
0xc7: {  	v34 =	vld [tilespmem:s29+$0x7BF0];
	v9 =	vmul.f32 v33, v31;
	[tilespmem:s29+$0x7BC0] =	vst v10  }
0xc8: {  	v57 =	vld [tilespmem:s29+$0x7D40];
	v11 =	vmul.f32 v35, v40;
	[tilespmem:s29+$0x7BD0] =	vst v8  }
0xc9: {  	v61 =	vld [tilespmem:s29+$0x7800];
	v24 =	vbroadcast v2, $0xB;
	v13 =	vmul.f32 v36, v40;
	[tilespmem:s29+$0x7BE0] =	vst v9  }
0xca: {  	v4 =	vld [tilespmem:s29+$0x7FD0];
	v14 =	vmul.f32 v37, v40;
	[tilespmem:s29+$0x7C00] =	vst v11  }
0xcb: {  	v38 =	vld [tilespmem:s29+$0x7C30];
	v5 =	vmul.f32 v5, v24;
	[tilespmem:s29+$0x7C10] =	vst v13  }
0xcc: {  	v39 =	vld [tilespmem:s29+$0x7C40];
	v7 =	vmul.f32 v7, v24;
	[tilespmem:s29+$0x7C20] =	vst v14  }
0xcd: {  	v41 =	vld [tilespmem:s29+$0x7C50];
	v19 =	vmul.f32 v57, v6;
	[tilespmem:s29+$0x7D80] =	vst v5  }
0xce: {  	v43 =	vld [tilespmem:s29+$0x7C70];
	v25 =	vmul.f32 v3, v61;
	[tilespmem:s29+$0x7D90] =	vst v7  }
0xcf: {  	v44 =	vld [tilespmem:s29+$0x7C80];
	v12 =	vmul.f32 v34, v31;
	[tilespmem:s29+$0x7D40] =	vst v19  }
0xd0: {  	v45 =	vld [tilespmem:s29+$0x7C90];
	v10 =	vmul.f32 v38, v40;
	[tilespmem:s29+$0x7800] =	vst v25  }
0xd1: {  	v27 =	vld [tilespmem:s29+$0x7DD0];
	v8 =	vmul.f32 v39, v40;
	[tilespmem:s29+$0x7BF0] =	vst v12  }
0xd2: {  	v49 =	vbroadcast v2, $0x9;
	v29 =	vld [tilespmem:s29+$0x7DF0];
	v9 =	vmul.f32 v41, v40;
	[tilespmem:s29+$0x7C30] =	vst v10  }
0xd3: {  	v42 =	vld [tilespmem:s29+$0x7C60];
	v11 =	vmul.f32 v43, v40;
	[tilespmem:s29+$0x7C40] =	vst v8  }
0xd4: {  	v46 =	vld [tilespmem:s29+$0x7CA0];
	v13 =	vmul.f32 v44, v49;
	[tilespmem:s29+$0x7C50] =	vst v9  }
0xd5: {  	v47 =	vld [tilespmem:s29+$0x7CB0];
	v14 =	vmul.f32 v45, v49;
	[tilespmem:s29+$0x7C70] =	vst v11  }
0xd6: {  	v48 =	vld [tilespmem:s29+$0x7CC0];
	v32 =	vmul.f32 v27, v24;
	[tilespmem:s29+$0x7C80] =	vst v13  }
0xd7: {  	v51 =	vld [tilespmem:s29+$0x7CE0];
	v7 =	vmul.f32 v29, v24;
	[tilespmem:s29+$0x7C90] =	vst v14  }
0xd8: {  	v52 =	vld [tilespmem:s29+$0x7CF0];
	v12 =	vmul.f32 v42, v40;
	[tilespmem:s29+$0x7DD0] =	vst v32  }
0xd9: {  	v10 =	vmul.f32 v46, v49;
	[tilespmem:s29+$0x7DF0] =	vst v7  }
0xda: {  	v28 =	vld [tilespmem:s29+$0x7DE0];
	v8 =	vmul.f32 v47, v49;
	[tilespmem:s29+$0x7C60] =	vst v12  }
0xdb: {  	v30 =	vld [tilespmem:s29+$0x7E00];
	v9 =	vmul.f32 v48, v49;
	[tilespmem:s29+$0x7CA0] =	vst v10  }
0xdc: {  	v50 =	vld [tilespmem:s29+$0x7CD0];
	v5 =	vbroadcast v2, $0xF;
	v11 =	vmul.f32 v51, v49;
	[tilespmem:s29+$0x7CB0] =	vst v8  }
0xdd: {  	v54 =	vld [tilespmem:s29+$0x7D10];
	v13 =	vmul.f32 v52, v49;
	[tilespmem:s29+$0x7CC0] =	vst v9  }
0xde: {  	v55 =	vld [tilespmem:s29+$0x7D20];
	v35 =	vbroadcast v2, $0xC;
	v4 =	vmul.f32 v4, v5;
	[tilespmem:s29+$0x7CE0] =	vst v11  }
0xdf: {  	v56 =	vld [tilespmem:s29+$0x7D30];
	v40 =	vmul.f32 v28, v24;
	[tilespmem:s29+$0x7CF0] =	vst v13  }
0xe0: {  	v60 =	vld [tilespmem:s29+$0x7D60];
	v16 =	vmul.f32 v30, v35;
	[tilespmem:s29+$0x7FD0] =	vst v4  }
0xe1: {  	v62 =	vld [tilespmem:s29+$0x7810];
	v12 =	vmul.f32 v50, v49;
	[tilespmem:s29+$0x7DE0] =	vst v40  }
0xe2: {  	v63 =	vld [tilespmem:s29+$0x7840];
	v10 =	vmul.f32 v54, v6;
	[tilespmem:s29+$0x7E00] =	vst v16  }
0xe3: {  	v20 =	vld [tilespmem:s29+$0x7850];
	v8 =	vmul.f32 v55, v6;
	[tilespmem:s29+$0x7CD0] =	vst v12  }
0xe4: {  	v33 =	vld [tilespmem:s29+$0x7E30];
	v9 =	vmul.f32 v56, v6;
	[tilespmem:s29+$0x7D10] =	vst v10  }
0xe5: {  	v61 =	vld [tilespmem:s29+$0x7FF0];
	v6 =	vmul.f32 v60, v6;
	[tilespmem:s29+$0x7D20] =	vst v8  }
0xe6: {  	v38 =	vld [tilespmem:s29+$0x7E70];
	v13 =	vmul.f32 v62, v3;
	[tilespmem:s29+$0x7D30] =	vst v9  }
0xe7: {  	v22 =	vld [tilespmem:s29+$0x7DA0];
	v4 =	vmul.f32 v63, v3;
	[tilespmem:s29+$0x7D60] =	vst v6  }
0xe8: {  	v23 =	vld [tilespmem:s29+$0x7DB0];
	v3 =	vmul.f32 v20, v3;
	[tilespmem:s29+$0x7810] =	vst v13  }
0xe9: {  	v26 =	vld [tilespmem:s29+$0x7DC0];
	v62 =	vmul.f32 v33, v35;
	[tilespmem:s29+$0x7840] =	vst v4  }
0xea: {  	v31 =	vld [tilespmem:s29+$0x7E10];
	v63 =	vmul.f32 v61, v5;
	[tilespmem:s29+$0x7850] =	vst v3  }
0xeb: {  	v34 =	vld [tilespmem:s29+$0x7E40];
	v16 =	vmul.f32 v38, v35;
	[tilespmem:s29+$0x7E30] =	vst v62  }
0xec: {  	v41 =	vld [tilespmem:s29+$0x7EA0];
	v8 =	vmul.f32 v22, v24;
	[tilespmem:s29+$0x7FF0] =	vst v63  }
0xed: {  	v46 =	vld [tilespmem:s29+$0x7EE0];
	v9 =	vmul.f32 v23, v24;
	[tilespmem:s29+$0x7E70] =	vst v16  }
0xee: {  	v6 =	vmul.f32 v26, v24;
	v3 =	vld [tilespmem:s29+$0x7E90];
	[tilespmem:s29+$0x7DA0] =	vst v8  }
0xef: {  	v36 =	vld [tilespmem:s29+$0x7E50];
	v44 =	vbroadcast v2, $0xD;
	v10 =	vmul.f32 v31, v35;
	[tilespmem:s29+$0x7DB0] =	vst v9  }
0xf0: {  	v37 =	vld [tilespmem:s29+$0x7E60];
	v13 =	vmul.f32 v34, v35;
	[tilespmem:s29+$0x7DC0] =	vst v6  }
0xf1: {  	v39 =	vld [tilespmem:s29+$0x7E80];
	v12 =	vmul.f32 v41, v44;
	[tilespmem:s29+$0x7E10] =	vst v10  }
0xf2: {  	v42 =	vld [tilespmem:s29+$0x7EB0];
	v51 =	vmul.f32 v46, v44;
	[tilespmem:s29+$0x7E40] =	vst v13  }
0xf3: {  	v48 =	vld [tilespmem:s29+$0x7F10];
	[tilespmem:s29+$0x7EA0] =	vst v12;
	v3 =	vmul.f32 v3, v44  }
0xf4: {  	v49 =	vld [tilespmem:s29+$0x7F20];
	v9 =	vmul.f32 v36, v35;
	[tilespmem:s29+$0x7EE0] =	vst v51  }
0xf5: {  	v6 =	vmul.f32 v37, v35;
	[tilespmem:s29+$0x7E90] =	vst v3;
	v3 =	vld [tilespmem:s29+$0x7F00]  }
0xf6: {  	v2 =	vbroadcast v2, $0xE;
	v50 =	vld [tilespmem:s29+$0x7F30];
	v10 =	vmul.f32 v39, v44;
	[tilespmem:s29+$0x7E50] =	vst v9  }
0xf7: {  	v45 =	vld [tilespmem:s29+$0x7ED0];
	v13 =	vmul.f32 v42, v44;
	[tilespmem:s29+$0x7E60] =	vst v6  }
0xf8: {  	v47 =	vld [tilespmem:s29+$0x7EF0];
	v12 =	vmul.f32 v48, v2;
	[tilespmem:s29+$0x7E80] =	vst v10  }
0xf9: {  	v43 =	vld [tilespmem:s29+$0x7EC0];
	v11 =	vmul.f32 v49, v2;
	[tilespmem:s29+$0x7EB0] =	vst v13  }
0xfa: {  	v55 =	vld [tilespmem:s29+$0x7F80];
	[tilespmem:s29+$0x7F10] =	vst v12;
	v3 =	vmul.f32 v3, v2  }
0xfb: {  	v57 =	vld [tilespmem:s29+$0x7FA0];
	v7 =	vmul.f32 v50, v2;
	[tilespmem:s29+$0x7F20] =	vst v11  }
0xfc: {  	v6 =	vmul.f32 v45, v44;
	[tilespmem:s29+$0x7F00] =	vst v3;
	v3 =	vld [tilespmem:s29+$0x7F70]  }
0xfd: {  	v52 =	vld [tilespmem:s29+$0x7F40];
	v10 =	vmul.f32 v47, v44;
	[tilespmem:s29+$0x7F30] =	vst v7  }
0xfe: {  	v56 =	vld [tilespmem:s29+$0x7F90];
	v9 =	vmul.f32 v43, v44;
	[tilespmem:s29+$0x7ED0] =	vst v6  }
0xff: {  	v54 =	vld [tilespmem:s29+$0x7F60];
	v12 =	vmul.f32 v55, v5;
	[tilespmem:s29+$0x7EF0] =	vst v10  }
0x100: {  	v58 =	vld [tilespmem:s29+$0x7FB0];
	v7 =	vmul.f32 v57, v5;
	[tilespmem:s29+$0x7EC0] =	vst v9  }
0x101: {  	v53 =	vld [tilespmem:s29+$0x7F50];
	[tilespmem:s29+$0x7F80] =	vst v12;
	v3 =	vmul.f32 v3, v2  }
0x102: {  	v59 =	vld [tilespmem:s29+$0x7FC0];
	v6 =	vmul.f32 v52, v2;
	[tilespmem:s29+$0x7FA0] =	vst v7  }
0x103: {  	v60 =	vld [tilespmem:s29+$0x7FE0];
	[tilespmem:s29+$0x7F70] =	vst v3;
	v3 =	vmul.f32 v56, v5  }
0x104: {  	v10 =	vmul.f32 v54, v2;
	[tilespmem:s29+$0x7F40] =	vst v6  }
0x105: {  	v4 =	vld [tilespmem:s29+$0x7E20];
	[tilespmem:s29+$0x7F90] =	vst v3;
	v3 =	vmul.f32 v58, v5  }
0x106: {  	[tilespmem:s29+$0x7F60] =	vst v10;
	v2 =	vmul.f32 v53, v2  }
0x107: {  	[tilespmem:s29+$0x7FB0] =	vst v3;
	v3 =	vmul.f32 v59, v5  }
0x108: {  	[tilespmem:s29+$0x7F50] =	vst v2;
	v5 =	vmul.f32 v60, v5  }
0x109: {  	[tilespmem:s29+$0x7FC0] =	vst v3  }
0x10a: {  	s30 =	simm.s32 $0x1;
	v3 =	vmul.f32 v4, v35;
	[tilespmem:s29+$0x7FE0] =	vst v5  }
.LBB2_5:
0x10b: {  	s31 =	sshll.u32 s30, $0x4  }
0x10c: {  	p0 =	sne.s32 s30, $0x7;
	[tilespmem:s29+$0x7E20] =	vst v3;
	s29 =	smov.u32 s30;
	s30 =	sadd.s32 $0x1, s30  }
0x10d: {  	s31 =	sand.u32 $0x3FFFFFF0, s31  }
0x10e: {  	v2 =	vld.idx.msk [tilespmem:v1+s31+$0x0 ss:$0x1], $0xffff  }
0x10f: {  	s29 =	sshll.u32 s29, $0xB  }
0x110: {  	s29 =	sand.u32 $0x3FFFF800, s29  }
0x111: {  	v9 =	vld [tilespmem:s29+$0x78C0]  }
0x112: {  	v10 =	vld [tilespmem:s29+$0x78D0]  }
0x113: {  	v11 =	vld [tilespmem:s29+$0x78B0]  }
0x114: {  	v3 =	vbroadcast v2, $0x0;
	v8 =	vbroadcast v2, $0x4;
	v4 =	vld [tilespmem:s29+$0x7820]  }
0x115: {  	v6 =	vld [tilespmem:s29+$0x7830]  }
0x116: {  	v7 =	vld [tilespmem:s29+$0x7D70]  }
0x117: {  	v12 =	vld [tilespmem:s29+$0x7860]  }
0x118: {  	v13 =	vld [tilespmem:s29+$0x7870]  }
0x119: {  	v5 =	vbroadcast v2, $0xA;
	v4 =	vmul.f32 v4, v3;
	v14 =	vld [tilespmem:s29+$0x7880]  }
0x11a: {  	v6 =	vmul.f32 v6, v3;
	v15 =	vld [tilespmem:s29+$0x7890]  }
0x11b: {  	[tilespmem:s29+$0x7820] =	vst v4;
	v16 =	vld [tilespmem:s29+$0x78A0];
	v4 =	vmul.f32 v7, v5  }
0x11c: {  	[tilespmem:s29+$0x7830] =	vst v6;
	v7 =	vmul.f32 v12, v3;
	v12 =	vbroadcast v2, $0x1;
	v6 =	vld [tilespmem:s29+$0x7D80]  }
0x11d: {  	v13 =	vmul.f32 v13, v3;
	[tilespmem:s29+$0x7D70] =	vst v4;
	v4 =	vld [tilespmem:s29+$0x7FD0]  }
0x11e: {  	[tilespmem:s29+$0x7860] =	vst v7;
	v14 =	vmul.f32 v14, v12;
	v7 =	vld [tilespmem:s29+$0x7D90]  }
0x11f: {  	[tilespmem:s29+$0x7870] =	vst v13;
	v13 =	vmul.f32 v15, v12;
	v15 =	vld [tilespmem:s29+$0x78E0]  }
0x120: {  	[tilespmem:s29+$0x7880] =	vst v14;
	v14 =	vmul.f32 v16, v12;
	v16 =	vld [tilespmem:s29+$0x78F0]  }
0x121: {  	v11 =	vmul.f32 v11, v12;
	[tilespmem:s29+$0x7890] =	vst v13;
	v13 =	vld [tilespmem:s29+$0x7900]  }
0x122: {  	v9 =	vmul.f32 v9, v12;
	[tilespmem:s29+$0x78A0] =	vst v14;
	v14 =	vld [tilespmem:s29+$0x7910]  }
0x123: {  	v10 =	vmul.f32 v10, v12;
	[tilespmem:s29+$0x78B0] =	vst v11;
	v11 =	vld [tilespmem:s29+$0x7920]  }
0x124: {  	[tilespmem:s29+$0x78C0] =	vst v9;
	v9 =	vmul.f32 v15, v12;
	v15 =	vbroadcast v2, $0x2;
	v17 =	vld [tilespmem:s29+$0x7930]  }
0x125: {  	[tilespmem:s29+$0x78D0] =	vst v10;
	v10 =	vmul.f32 v16, v12;
	v12 =	vld [tilespmem:s29+$0x7940]  }
0x126: {  	[tilespmem:s29+$0x78E0] =	vst v9;
	v9 =	vmul.f32 v13, v15;
	v13 =	vld [tilespmem:s29+$0x7950]  }
0x127: {  	[tilespmem:s29+$0x78F0] =	vst v10;
	v10 =	vmul.f32 v14, v15;
	v14 =	vld [tilespmem:s29+$0x7960]  }
0x128: {  	[tilespmem:s29+$0x7900] =	vst v9;
	v9 =	vmul.f32 v11, v15;
	v11 =	vld [tilespmem:s29+$0x7970]  }
0x129: {  	[tilespmem:s29+$0x7910] =	vst v10;
	v10 =	vmul.f32 v17, v15;
	v16 =	vld [tilespmem:s29+$0x7980]  }
0x12a: {  	[tilespmem:s29+$0x7920] =	vst v9;
	v9 =	vmul.f32 v12, v15;
	v12 =	vld [tilespmem:s29+$0x7990]  }
0x12b: {  	[tilespmem:s29+$0x7930] =	vst v10;
	v10 =	vmul.f32 v13, v15;
	v13 =	vld [tilespmem:s29+$0x79A0]  }
0x12c: {  	[tilespmem:s29+$0x7940] =	vst v9;
	v9 =	vmul.f32 v14, v15;
	v14 =	vbroadcast v2, $0x3;
	v17 =	vld [tilespmem:s29+$0x79B0]  }
0x12d: {  	[tilespmem:s29+$0x7950] =	vst v10;
	v10 =	vmul.f32 v11, v15;
	v11 =	vld [tilespmem:s29+$0x79C0]  }
0x12e: {  	[tilespmem:s29+$0x7960] =	vst v9;
	v9 =	vmul.f32 v16, v14;
	v15 =	vld [tilespmem:s29+$0x79D0]  }
0x12f: {  	[tilespmem:s29+$0x7970] =	vst v10;
	v10 =	vmul.f32 v12, v14;
	v12 =	vld [tilespmem:s29+$0x79E0]  }
0x130: {  	[tilespmem:s29+$0x7980] =	vst v9;
	v9 =	vmul.f32 v13, v14;
	v13 =	vld [tilespmem:s29+$0x79F0]  }
0x131: {  	[tilespmem:s29+$0x7990] =	vst v10;
	v10 =	vmul.f32 v17, v14;
	v16 =	vld [tilespmem:s29+$0x7A00]  }
0x132: {  	[tilespmem:s29+$0x79A0] =	vst v9;
	v9 =	vmul.f32 v11, v14;
	v11 =	vld [tilespmem:s29+$0x7A10]  }
0x133: {  	[tilespmem:s29+$0x79B0] =	vst v10;
	v10 =	vmul.f32 v15, v14;
	v15 =	vld [tilespmem:s29+$0x7A20]  }
0x134: {  	[tilespmem:s29+$0x79C0] =	vst v9;
	v9 =	vmul.f32 v12, v14;
	v12 =	vld [tilespmem:s29+$0x7A30]  }
0x135: {  	[tilespmem:s29+$0x79D0] =	vst v10;
	v10 =	vmul.f32 v13, v14;
	v13 =	vld [tilespmem:s29+$0x7A40]  }
0x136: {  	[tilespmem:s29+$0x79E0] =	vst v9;
	v9 =	vmul.f32 v16, v8;
	v14 =	vld [tilespmem:s29+$0x7A50]  }
0x137: {  	[tilespmem:s29+$0x79F0] =	vst v10;
	v10 =	vmul.f32 v11, v8;
	v11 =	vld [tilespmem:s29+$0x7A60]  }
0x138: {  	[tilespmem:s29+$0x7A00] =	vst v9;
	v9 =	vmul.f32 v15, v8;
	v15 =	vld [tilespmem:s29+$0x7A70]  }
0x139: {  	[tilespmem:s29+$0x7A10] =	vst v10;
	v10 =	vmul.f32 v12, v8;
	v12 =	vld [tilespmem:s29+$0x7A80]  }
0x13a: {  	[tilespmem:s29+$0x7A20] =	vst v9;
	v9 =	vmul.f32 v13, v8;
	v13 =	vld [tilespmem:s29+$0x7A90]  }
0x13b: {  	[tilespmem:s29+$0x7A30] =	vst v10;
	v10 =	vmul.f32 v14, v8;
	v14 =	vld [tilespmem:s29+$0x7AA0]  }
0x13c: {  	[tilespmem:s29+$0x7A40] =	vst v9;
	v9 =	vmul.f32 v11, v8;
	v11 =	vbroadcast v2, $0x5;
	v16 =	vld [tilespmem:s29+$0x7AB0]  }
0x13d: {  	[tilespmem:s29+$0x7A50] =	vst v10;
	v8 =	vmul.f32 v15, v8;
	v10 =	vld [tilespmem:s29+$0x7AC0]  }
0x13e: {  	[tilespmem:s29+$0x7A60] =	vst v9;
	v9 =	vmul.f32 v12, v11;
	v12 =	vld [tilespmem:s29+$0x7AD0]  }
0x13f: {  	[tilespmem:s29+$0x7A70] =	vst v8;
	v8 =	vmul.f32 v13, v11;
	v13 =	vld [tilespmem:s29+$0x7AE0]  }
0x140: {  	[tilespmem:s29+$0x7A80] =	vst v9;
	v9 =	vmul.f32 v14, v11;
	v14 =	vld [tilespmem:s29+$0x7AF0]  }
0x141: {  	[tilespmem:s29+$0x7A90] =	vst v8;
	v8 =	vmul.f32 v16, v11;
	v15 =	vld [tilespmem:s29+$0x7B00]  }
0x142: {  	[tilespmem:s29+$0x7AA0] =	vst v9;
	v9 =	vmul.f32 v10, v11;
	v10 =	vld [tilespmem:s29+$0x7B10]  }
0x143: {  	[tilespmem:s29+$0x7AB0] =	vst v8;
	v8 =	vmul.f32 v12, v11;
	v12 =	vld [tilespmem:s29+$0x7B20]  }
0x144: {  	[tilespmem:s29+$0x7AC0] =	vst v9;
	v9 =	vmul.f32 v13, v11;
	v13 =	vbroadcast v2, $0x6;
	v16 =	vld [tilespmem:s29+$0x7B30]  }
0x145: {  	[tilespmem:s29+$0x7AD0] =	vst v8;
	v8 =	vmul.f32 v14, v11;
	v11 =	vld [tilespmem:s29+$0x7B40]  }
0x146: {  	[tilespmem:s29+$0x7AE0] =	vst v9;
	v9 =	vmul.f32 v15, v13;
	v14 =	vld [tilespmem:s29+$0x7B50]  }
0x147: {  	[tilespmem:s29+$0x7AF0] =	vst v8;
	v8 =	vmul.f32 v10, v13;
	v10 =	vld [tilespmem:s29+$0x7B60]  }
0x148: {  	[tilespmem:s29+$0x7B00] =	vst v9;
	v9 =	vmul.f32 v12, v13;
	v12 =	vld [tilespmem:s29+$0x7B70]  }
0x149: {  	[tilespmem:s29+$0x7B10] =	vst v8;
	v8 =	vmul.f32 v16, v13;
	v15 =	vld [tilespmem:s29+$0x7B80]  }
0x14a: {  	[tilespmem:s29+$0x7B20] =	vst v9;
	v9 =	vmul.f32 v11, v13;
	v11 =	vld [tilespmem:s29+$0x7B90]  }
0x14b: {  	[tilespmem:s29+$0x7B30] =	vst v8;
	v8 =	vmul.f32 v14, v13;
	v14 =	vld [tilespmem:s29+$0x7BA0]  }
0x14c: {  	[tilespmem:s29+$0x7B40] =	vst v9;
	v9 =	vmul.f32 v10, v13;
	v10 =	vbroadcast v2, $0x7;
	v16 =	vld [tilespmem:s29+$0x7BB0]  }
0x14d: {  	[tilespmem:s29+$0x7B50] =	vst v8;
	v8 =	vmul.f32 v12, v13;
	v12 =	vld [tilespmem:s29+$0x7BC0]  }
0x14e: {  	[tilespmem:s29+$0x7B60] =	vst v9;
	v9 =	vmul.f32 v15, v10;
	v13 =	vld [tilespmem:s29+$0x7BD0]  }
0x14f: {  	[tilespmem:s29+$0x7B70] =	vst v8;
	v8 =	vmul.f32 v11, v10;
	v11 =	vld [tilespmem:s29+$0x7BE0]  }
0x150: {  	[tilespmem:s29+$0x7B80] =	vst v9;
	v9 =	vmul.f32 v14, v10;
	v14 =	vld [tilespmem:s29+$0x7BF0]  }
0x151: {  	[tilespmem:s29+$0x7B90] =	vst v8;
	v8 =	vmul.f32 v16, v10;
	v15 =	vld [tilespmem:s29+$0x7C00]  }
0x152: {  	[tilespmem:s29+$0x7BA0] =	vst v9;
	v9 =	vmul.f32 v12, v10;
	v12 =	vld [tilespmem:s29+$0x7C10]  }
0x153: {  	[tilespmem:s29+$0x7BB0] =	vst v8;
	v8 =	vmul.f32 v13, v10;
	v13 =	vld [tilespmem:s29+$0x7C20]  }
0x154: {  	[tilespmem:s29+$0x7BC0] =	vst v9;
	v9 =	vmul.f32 v11, v10;
	v11 =	vbroadcast v2, $0x8;
	v16 =	vld [tilespmem:s29+$0x7C30]  }
0x155: {  	[tilespmem:s29+$0x7BD0] =	vst v8;
	v8 =	vmul.f32 v14, v10;
	v10 =	vld [tilespmem:s29+$0x7C40]  }
0x156: {  	[tilespmem:s29+$0x7BE0] =	vst v9;
	v9 =	vmul.f32 v15, v11;
	v14 =	vld [tilespmem:s29+$0x7C50]  }
0x157: {  	[tilespmem:s29+$0x7BF0] =	vst v8;
	v8 =	vmul.f32 v12, v11;
	v12 =	vld [tilespmem:s29+$0x7C60]  }
0x158: {  	[tilespmem:s29+$0x7C00] =	vst v9;
	v9 =	vmul.f32 v13, v11;
	v13 =	vld [tilespmem:s29+$0x7C70]  }
0x159: {  	[tilespmem:s29+$0x7C10] =	vst v8;
	v8 =	vmul.f32 v16, v11;
	v15 =	vld [tilespmem:s29+$0x7C80]  }
0x15a: {  	[tilespmem:s29+$0x7C20] =	vst v9;
	v9 =	vmul.f32 v10, v11;
	v10 =	vld [tilespmem:s29+$0x7C90]  }
0x15b: {  	[tilespmem:s29+$0x7C30] =	vst v8;
	v8 =	vmul.f32 v14, v11;
	v14 =	vld [tilespmem:s29+$0x7CA0]  }
0x15c: {  	[tilespmem:s29+$0x7C40] =	vst v9;
	v9 =	vmul.f32 v12, v11;
	v12 =	vbroadcast v2, $0x9;
	v16 =	vld [tilespmem:s29+$0x7CB0]  }
0x15d: {  	[tilespmem:s29+$0x7C50] =	vst v8;
	v8 =	vmul.f32 v13, v11;
	v11 =	vld [tilespmem:s29+$0x7CC0]  }
0x15e: {  	[tilespmem:s29+$0x7C60] =	vst v9;
	v9 =	vmul.f32 v15, v12;
	v13 =	vld [tilespmem:s29+$0x7CD0]  }
0x15f: {  	[tilespmem:s29+$0x7C70] =	vst v8;
	v8 =	vmul.f32 v10, v12;
	v10 =	vld [tilespmem:s29+$0x7CE0]  }
0x160: {  	[tilespmem:s29+$0x7C80] =	vst v9;
	v9 =	vmul.f32 v14, v12;
	v14 =	vld [tilespmem:s29+$0x7CF0]  }
0x161: {  	[tilespmem:s29+$0x7C90] =	vst v8;
	v8 =	vmul.f32 v16, v12;
	v15 =	vld [tilespmem:s29+$0x7D00]  }
0x162: {  	[tilespmem:s29+$0x7CA0] =	vst v9;
	v9 =	vmul.f32 v11, v12;
	v11 =	vld [tilespmem:s29+$0x7D10]  }
0x163: {  	[tilespmem:s29+$0x7CB0] =	vst v8;
	v8 =	vmul.f32 v13, v12;
	v13 =	vld [tilespmem:s29+$0x7D20]  }
0x164: {  	[tilespmem:s29+$0x7CC0] =	vst v9;
	v9 =	vmul.f32 v10, v12;
	v10 =	vld [tilespmem:s29+$0x7D30]  }
0x165: {  	[tilespmem:s29+$0x7CD0] =	vst v8;
	v8 =	vmul.f32 v14, v12;
	v12 =	vld [tilespmem:s29+$0x7D40]  }
0x166: {  	[tilespmem:s29+$0x7CE0] =	vst v9;
	v9 =	vmul.f32 v15, v5;
	v14 =	vld [tilespmem:s29+$0x7D50]  }
0x167: {  	[tilespmem:s29+$0x7CF0] =	vst v8;
	v8 =	vmul.f32 v11, v5;
	v11 =	vld [tilespmem:s29+$0x7D60]  }
0x168: {  	v15 =	vld [tilespmem:s29+$0x7800];
	[tilespmem:s29+$0x7D00] =	vst v9;
	v9 =	vmul.f32 v13, v5  }
0x169: {  	v13 =	vld [tilespmem:s29+$0x7810];
	[tilespmem:s29+$0x7D10] =	vst v8;
	v8 =	vmul.f32 v10, v5  }
0x16a: {  	v10 =	vld [tilespmem:s29+$0x7840];
	[tilespmem:s29+$0x7D20] =	vst v9;
	v9 =	vmul.f32 v12, v5  }
0x16b: {  	v12 =	vld [tilespmem:s29+$0x7850];
	[tilespmem:s29+$0x7D30] =	vst v8;
	v8 =	vmul.f32 v14, v5  }
0x16c: {  	[tilespmem:s29+$0x7D40] =	vst v9;
	v9 =	vmul.f32 v11, v5;
	v11 =	vbroadcast v2, $0xB;
	v14 =	vld [tilespmem:s29+$0x7DA0]  }
0x16d: {  	v5 =	vbroadcast v2, $0xF;
	v15 =	vmul.f32 v3, v15;
	[tilespmem:s29+$0x7D50] =	vst v8;
	v8 =	vld [tilespmem:s29+$0x7DB0]  }
0x16e: {  	v13 =	vmul.f32 v13, v3;
	[tilespmem:s29+$0x7D60] =	vst v9;
	v6 =	vmul.f32 v6, v11;
	v9 =	vld [tilespmem:s29+$0x7DC0]  }
0x16f: {  	v7 =	vmul.f32 v7, v11;
	[tilespmem:s29+$0x7800] =	vst v15;
	v10 =	vmul.f32 v10, v3;
	v15 =	vld [tilespmem:s29+$0x7DD0]  }
0x170: {  	v4 =	vmul.f32 v4, v5;
	v12 =	vmul.f32 v12, v3;
	[tilespmem:s29+$0x7D80] =	vst v6;
	v3 =	vld [tilespmem:s29+$0x7DE0]  }
0x171: {  	[tilespmem:s29+$0x7D90] =	vst v7;
	v6 =	vmul.f32 v14, v11;
	v7 =	vld [tilespmem:s29+$0x7DF0]  }
0x172: {  	v8 =	vmul.f32 v8, v11;
	v14 =	vld [tilespmem:s29+$0x7E00];
	[tilespmem:s29+$0x7FD0] =	vst v4  }
0x173: {  	[tilespmem:s29+$0x7810] =	vst v13;
	v4 =	vmul.f32 v9, v11;
	v9 =	vld [tilespmem:s29+$0x7E10]  }
0x174: {  	[tilespmem:s29+$0x7840] =	vst v10;
	v10 =	vmul.f32 v15, v11;
	v13 =	vld [tilespmem:s29+$0x7E20]  }
0x175: {  	v15 =	vbroadcast v2, $0xC;
	[tilespmem:s29+$0x7DA0] =	vst v6;
	v6 =	vmul.f32 v3, v11;
	v16 =	vld [tilespmem:s29+$0x7E30]  }
0x176: {  	[tilespmem:s29+$0x7DD0] =	vst v10;
	v7 =	vmul.f32 v7, v11;
	v10 =	vld [tilespmem:s29+$0x7E40]  }
0x177: {  	[tilespmem:s29+$0x7DB0] =	vst v8;
	v3 =	vmul.f32 v14, v15;
	v8 =	vld [tilespmem:s29+$0x7E50]  }
0x178: {  	[tilespmem:s29+$0x7DC0] =	vst v4;
	v4 =	vmul.f32 v9, v15;
	v9 =	vld [tilespmem:s29+$0x7E60]  }
0x179: {  	[tilespmem:s29+$0x7E00] =	vst v3;
	v3 =	vmul.f32 v13, v15;
	v11 =	vld [tilespmem:s29+$0x7E70]  }
0x17a: {  	[tilespmem:s29+$0x7E10] =	vst v4;
	v4 =	vld [tilespmem:s29+$0x7E80]  }
0x17b: {  	[tilespmem:s29+$0x7850] =	vst v12;
	v10 =	vmul.f32 v10, v15;
	v12 =	vld [tilespmem:s29+$0x7E90]  }
0x17c: {  	[tilespmem:s29+$0x7DE0] =	vst v6;
	v6 =	vmul.f32 v8, v15;
	v8 =	vld [tilespmem:s29+$0x7EA0]  }
0x17d: {  	[tilespmem:s29+$0x7E40] =	vst v10;
	v9 =	vmul.f32 v9, v15;
	v10 =	vbroadcast v2, $0xD;
	v13 =	vld [tilespmem:s29+$0x7EB0]  }
0x17e: {  	[tilespmem:s29+$0x7E50] =	vst v6;
	v6 =	vmul.f32 v11, v15;
	v11 =	vld [tilespmem:s29+$0x7EC0]  }
0x17f: {  	[tilespmem:s29+$0x7E60] =	vst v9;
	v4 =	vmul.f32 v4, v10;
	v9 =	vld [tilespmem:s29+$0x7ED0]  }
0x180: {  	[tilespmem:s29+$0x7E70] =	vst v6;
	v6 =	vmul.f32 v12, v10;
	v12 =	vld [tilespmem:s29+$0x7EE0]  }
0x181: {  	[tilespmem:s29+$0x7E80] =	vst v4;
	v4 =	vmul.f32 v8, v10;
	v8 =	vld [tilespmem:s29+$0x7EF0]  }
0x182: {  	[tilespmem:s29+$0x7E90] =	vst v6;
	v6 =	vmul.f32 v13, v10;
	v13 =	vld [tilespmem:s29+$0x7F00]  }
0x183: {  	[tilespmem:s29+$0x7EA0] =	vst v4;
	v4 =	vmul.f32 v11, v10;
	v11 =	vld [tilespmem:s29+$0x7F10]  }
0x184: {  	[tilespmem:s29+$0x7EB0] =	vst v6;
	v6 =	vmul.f32 v9, v10;
	v9 =	vld [tilespmem:s29+$0x7F20]  }
0x185: {  	v2 =	vbroadcast v2, $0xE;
	[tilespmem:s29+$0x7DF0] =	vst v7;
	v7 =	vmul.f32 v12, v10;
	v12 =	vld [tilespmem:s29+$0x7F30]  }
0x186: {  	[tilespmem:s29+$0x7ED0] =	vst v6;
	v6 =	vmul.f32 v8, v10;
	v8 =	vld [tilespmem:s29+$0x7F40]  }
0x187: {  	[tilespmem:s29+$0x7EE0] =	vst v7;
	v7 =	vmul.f32 v13, v2;
	v10 =	vld [tilespmem:s29+$0x7F50]  }
0x188: {  	[tilespmem:s29+$0x7EF0] =	vst v6;
	v6 =	vmul.f32 v11, v2;
	v11 =	vld [tilespmem:s29+$0x7F60]  }
0x189: {  	[tilespmem:s29+$0x7F00] =	vst v7;
	v7 =	vmul.f32 v9, v2;
	v9 =	vld [tilespmem:s29+$0x7F70]  }
0x18a: {  	[tilespmem:s29+$0x7F10] =	vst v6;
	v6 =	vmul.f32 v12, v2;
	v12 =	vld [tilespmem:s29+$0x7F80]  }
0x18b: {  	[tilespmem:s29+$0x7F20] =	vst v7;
	v7 =	vmul.f32 v8, v2;
	v8 =	vld [tilespmem:s29+$0x7F90]  }
0x18c: {  	[tilespmem:s29+$0x7F30] =	vst v6;
	v6 =	vmul.f32 v10, v2;
	v10 =	vld [tilespmem:s29+$0x7FA0]  }
0x18d: {  	[tilespmem:s29+$0x7F40] =	vst v7;
	v7 =	vmul.f32 v11, v2;
	v11 =	vld [tilespmem:s29+$0x7FB0]  }
0x18e: {  	[tilespmem:s29+$0x7EC0] =	vst v4;
	v2 =	vmul.f32 v9, v2;
	v4 =	vld [tilespmem:s29+$0x7FC0]  }
0x18f: {  	[tilespmem:s29+$0x7F60] =	vst v7;
	v7 =	vmul.f32 v12, v5;
	v9 =	vld [tilespmem:s29+$0x7FE0]  }
0x190: {  	[tilespmem:s29+$0x7F70] =	vst v2;
	v2 =	vmul.f32 v8, v5;
	v8 =	vld [tilespmem:s29+$0x7FF0]  }
0x191: {  	[tilespmem:s29+$0x7F80] =	vst v7;
	v7 =	vmul.f32 v10, v5  }
0x192: {  	[tilespmem:s29+$0x7F90] =	vst v2;
	v2 =	vmul.f32 v11, v5  }
0x193: {  	v10 =	vmul.f32 v16, v15;
	[tilespmem:s29+$0x7FA0] =	vst v7  }
0x194: {  	[tilespmem:s29+$0x7FB0] =	vst v2;
	v2 =	vmul.f32 v4, v5  }
.Ltmp1:
0x195: {  	[tilespmem:s29+$0x7E30] =	vst v10;
	v4 =	vmul.f32 v8, v5;
	(pc) =	sbr.rel @p0 .LBB2_5-.Ltmp1, $4  }
0x196: {  	[tilespmem:s29+$0x7FC0] =	vst v2  }
0x197: {  	v2 =	vmul.f32 v9, v5;
	[tilespmem:s29+$0x7FF0] =	vst v4  }
0x198: {  	[tilespmem:s29+$0x7F50] =	vst v6  }
0x199: {  	[tilespmem:s29+$0x7FE0] =	vst v2  }
0x19a: {  	s26 =	sadd.s32 $0x1, s26  }
0x19b: {  	p0 =	sne.s32 s26, $0x4F  }
.Ltmp2:
0x19c: {  	[tilespmem:s29+$0x7E20] =	vst v3;
	(pc) =	sbr.rel @p0 .LBB2_4-.Ltmp2, $4  }
0x19d: {  	[spmem:s3] =	stream.indirect.scatter.add.f32 [tilespmem:s18], [sflag:$0x3], $0x80, s28, s24, $0xb8;
	[tilespmem:$0x1FD00] =	vst v63  }
0x19e: {  	_ =	swait.ge [sflag:s25], $0x4000  }
0x19f: {  	[sflag:s25] =	ssyncset.done $0x0  }
0x1a0: {  	[sflag:s25] =	ssyncadd.s32 $0xFFFFC000  }
0x1a1: {  	_ =	swait.ge [sflag:s23], $0x80  }
0x1a2: {  	s26 =	simm.s32 $0x4E;
	[sflag:s23] =	ssyncset.done $0x0  }
.LBB2_8:
0x1a3: {  	p0 =	sne.s32 s26, $0x1;
	s26 =	sadd.s32 $0xFFFFFFFF, s26;
	[sflag:s23] =	ssyncadd.s32 $0xFFFFFF80  }
.Ltmp3:
0x1a4: {  	(pc) =	sbr.rel @p0 .LBB2_8-.Ltmp3, $3  }
0x1a5: {  	_ =	sdelay $0x1  }
0x1a6: {  	_ =	swait.ge [sflag:s23], $0x80  }
0x1a7: {  	[sflag:s23] =	ssyncset.done $0x0  }
0x1a8: {  	[sflag:s23] =	ssyncadd.s32 $0xFFFFFF80;
	s26 =	sshll.u32 s0, $0x6  }
0x1a9: {  	s28 =	sshrl.u32 s6, $0x3;
	[bflag:$0x0] =	sbarrier.arrive $0xFFFF;
	s26 =	sor.u32 $0x1C03, s26  }
0x1aa: {  	[hbm:s15], [sflag:s26] =	dma.local [spmem:s28], $0x2800  }
0x1ab: {  	s5 =	sadd.s32 $0x1, s5;
	_ =	swait.ge [sflag:s25], $0x2800  }
0x1ac: {  	p0 =	sne.s32 s5, s17;
	[sflag:s25] =	ssyncset.done $0x0  }
.Ltmp4:
0x1ad: {  	s31 =	sshrl.u32 s11, $0x3;
	[sflag:s25] =	ssyncadd.s32 $0xFFFFD800;
	(pc) =	sbr.rel @p0 .LBB2_1-.Ltmp4, $4  }
0x1ae: {  	[hbm:s16], [sflag:s26] =	dma.local [spmem:s31], $0x50  }
0x1af: {  	_ =	swait.ge [sflag:s25], $0x50  }
0x1b0: {  	[sflag:s25] =	ssyncset.done $0x0  }
0x1b1: {  	[sflag:s25] =	ssyncadd.s32 $0xFFFFFFB0  }
0x1b2: {  	_ =	sfence.sel $0x180000  }
0x1b3: {  	[bflag:$0x0] =	sbarrier.arrive $0xFFFF  }
0x1b4: {  	p0 =	sne.s32 s0, $0x0;
	_ =	strace $0x90000047  }
0x1b5: {  	s0 =	sadd.s32 @!p0 $0x100000, s2;
	[bflag:$0x2] =	sbarrier.arrive $0xFFFF  }
0x1b6: {  	[sflag:s0] =	ssyncadd.tile.s32 @!p0 $0x1;
	_ =	shalt  }
.Lfunc_end2:
_tile_overlayer_lowered:
.L_overlay_start_2:
0x1b7: {  	(tag) =	ssettag $0x2  }
0x1b8: {  	s0 =	rddreg [dreg:$0x0];
	s2 =	stileid.u32  }
0x1b9: {  	s1 =	rddreg [dreg:$0x1];
	p0 =	sne.s32 s2, $0x0  }
0x1ba: {  	s3 =	rddreg [dreg:$0x2];
	[bflag:$0x3] =	sbarrier.arrive $0xFFFF;
	s2 =	simm.s32 @!p0 $0x1C03  }
0x1bb: {  	[timem:s3], [sflag:s2] =	dma.local @!p0 [hbm:s0], s1  }
0x1bc: {  	s0 =	simm.s32 @!p0 $0x3  }
0x1bd: {  	_ =	swait.ge @!p0 [sflag:s0], s1  }
0x1be: {  	s1 =	ssub.s32 @!p0 $0x0, s1;
	[sflag:s0] =	ssyncset.done @!p0 $0x0  }
0x1bf: {  	[sflag:s0] =	ssyncadd.s32 @!p0 s1  }
0x1c0: {  	[bflag:$0x3] =	sbarrier.arrive $0xFFFF  }
0x1c1: {  	_ =	shalt  }

</sc_bundles>
